<compile_context>
chip_gen: v7x
topology: tpu7x:2x2x1
jax: 0.10.2.dev20260603
libtpu: 0.0.44.dev20260713+nightly
codegen_flags: <defaults>
</compile_context>

<pallas_src>
import dataclasses
import functools

import jax
import jax.numpy as jnp
from jax import lax
from jax.experimental import pallas as pl
from jax.experimental.pallas import tpu as pltpu
from jax.experimental.pallas import tpu_sc as plsc

N = 10000
E = 320000
NPAD = 10240
D = 128
F = D // 2
NC, NS = 2, 16
NW = NC * NS
CH = 125
NBUF = 4
EPT = E // NS
NCH = EPT // CH
DCH = 80
DEPT = E // NW
SLICE = NPAD // NS
ACC_R = 10112
SLICE_P = SLICE
MB = 64
RB = 1024
GRID = NPAD // RB

_mesh = plsc.VectorSubcoreMesh(core_axis_name="c", subcore_axis_name="s")

_sc_params = pltpu.CompilerParams()
if "needs_layout_passes" in pltpu.CompilerParams.__dataclass_fields__:
    _sc_params = dataclasses.replace(_sc_params, needs_layout_passes=False)
_sc_flat_params = dataclasses.replace(_sc_params, use_tc_tiling_on_sc=False)



@functools.partial(
    pl.kernel,
    out_type=jax.ShapeDtypeStruct((NC * NPAD,), jnp.float32),
    mesh=_mesh,
    compiler_params=_sc_flat_params,
    scratch_types=[
        pltpu.VMEM((NPAD,), jnp.float32),
        pltpu.VMEM((DCH,), jnp.int32),
        pltpu.VMEM((DCH,), jnp.int32),
        pltpu.VMEM((SLICE,), jnp.float32),
        pltpu.VMEM((SLICE,), jnp.float32),
        pltpu.VMEM_SHARED((NS, NPAD), jnp.float32),
        pltpu.SemaphoreType.DMA,
        pltpu.SemaphoreType.DMA,
    ],
)
def _deg_sc(dst_hbm, deg_hbm, hist_v, dstb_v, dstb2_v, acc_v, tmp_v,
            hists_sh, d0, d1):
    c = lax.axis_index("c")
    s = lax.axis_index("s")
    wid = c * NS + s
    zero16 = jnp.zeros((16,), jnp.float32)
    ones16 = jnp.ones((16,), jnp.float32)

    @pl.loop(0, NPAD, step=16)
    def _(i):
        hist_v[pl.ds(i, 16)] = zero16

    base = wid * DEPT
    bufs = (dstb_v, dstb2_v)
    sems = (d0, d1)

    def count(buf):
        @pl.loop(0, DCH, step=16)
        def _(k):
            plsc.addupdate_scatter(hist_v, [buf[pl.ds(k, 16)]], ones16)

    pltpu.async_copy(dst_hbm.at[pl.ds(base, DCH)], dstb_v, d0)

    @pl.loop(0, DEPT - DCH, step=2 * DCH)
    def _(j):
        for h in range(2):
            off = base + j + h * DCH
            nxt = off + DCH
            pltpu.make_async_copy(dst_hbm.at[pl.ds(off, DCH)], bufs[h],
                                  sems[h]).wait()
            pltpu.async_copy(dst_hbm.at[pl.ds(nxt, DCH)], bufs[1 - h],
                             sems[1 - h])
            count(bufs[h])

    pltpu.make_async_copy(dst_hbm.at[pl.ds(base + DEPT - DCH, DCH)], dstb_v,
                          d0).wait()
    count(dstb_v)

    hsl = NPAD
    tsl = hsl // NS
    for half in range(1):
        pltpu.sync_copy(hist_v.at[pl.ds(half * hsl, hsl)], hists_sh.at[s])
        plsc.subcore_barrier()

        @pl.loop(0, tsl, step=16)
        def _(k):
            acc_v[pl.ds(k, 16)] = zero16

        @pl.loop(0, NS)
        def _(r):
            pltpu.sync_copy(hists_sh.at[r, pl.ds(s * tsl, tsl)],
                            tmp_v.at[pl.ds(0, tsl)])

            @pl.loop(0, tsl, step=16)
            def _(k):
                acc_v[pl.ds(k, 16)] = (acc_v[pl.ds(k, 16)]
                                       + tmp_v[pl.ds(k, 16)])

        pltpu.sync_copy(
            acc_v.at[pl.ds(0, tsl)],
            deg_hbm.at[pl.ds(c * NPAD + half * hsl + s * tsl, tsl)])
        plsc.subcore_barrier()


def _rsqrt16(d):
    i = plsc.bitcast(d, jnp.int32)
    i = jnp.int32(0x5F3759DF) - lax.shift_right_logical(i, 1)
    y = plsc.bitcast(i, jnp.float32)
    half_d = 0.5 * d
    for _ in range(4):
        y = y * (1.5 - half_d * y * y)
    return y


@functools.partial(
    pl.kernel,
    out_type=jax.ShapeDtypeStruct((NC, NPAD, F), jnp.float32),
    mesh=_mesh,
    compiler_params=_sc_flat_params,
    scratch_types=[
        pltpu.VMEM((NCH, CH), jnp.int32),
        pltpu.VMEM((NCH, CH), jnp.int32),
        pltpu.VMEM((CH, F), jnp.float32),
        pltpu.VMEM((CH, F), jnp.float32),
        pltpu.VMEM((CH, F), jnp.float32),
        pltpu.VMEM((CH, F), jnp.float32),
        pltpu.VMEM((MB, F), jnp.float32),
        pltpu.VMEM((MB, F), jnp.float32),
        pltpu.VMEM((MB, F), jnp.float32),
        pltpu.VMEM((MB, F), jnp.float32),
        pltpu.VMEM((SLICE,), jnp.float32),
        pltpu.VMEM((SLICE,), jnp.float32),
        pltpu.VMEM_SHARED((ACC_R, F), jnp.float32),
    ] + [pltpu.SemaphoreType.DMA] * (2 * NBUF),
)
def _prop2_sc(src_hbm, dst_hbm, xa_hbm, xb_hbm, degp_hbm,
              w_hbm,
              src_v, dst_v, r0, r1, r2, r3, zbuf_v, accb_v, rowb_v, resb_v,
              dinv_v, rdeg_v, acc_sh, g0, g1, g2, g3, s0, s1, s2, s3):
    c = lax.axis_index("c")
    s = lax.axis_index("s")
    rows = (r0, r1, r2, r3)
    gsem = (g0, g1, g2, g3)
    ssem = (s0, s1, s2, s3)
    zero16 = jnp.zeros((16,), jnp.float32)
    sl = s * SLICE_P

    pltpu.async_copy(src_hbm.at[pl.ds(s * NCH, NCH)], src_v, g0)
    pltpu.async_copy(dst_hbm.at[pl.ds(s * NCH, NCH)], dst_v, g1)

    @pl.loop(0, MB)
    def _(r):
        @pl.loop(0, F, step=16)
        def _(k):
            zbuf_v[r, pl.ds(k, 16)] = zero16

    @pl.loop(0, SLICE_P, step=MB)
    def _(r):
        @pl.when(sl + r + MB <= ACC_R)
        def _():
            pltpu.async_copy(zbuf_v, acc_sh.at[pl.ds(sl + r, MB)], s0)

    @pl.loop(0, SLICE_P, step=MB)
    def _(r):
        @pl.when(sl + r + MB <= ACC_R)
        def _():
            pltpu.make_async_copy(zbuf_v, acc_sh.at[pl.ds(sl + r, MB)],
                                  s0).wait()

    pltpu.sync_copy(degp_hbm.at[pl.ds(sl, SLICE)], dinv_v)
    pltpu.sync_copy(degp_hbm.at[pl.ds(NPAD + sl, SLICE)], rdeg_v)

    @pl.loop(0, SLICE, step=16)
    def _(k):
        deg = dinv_v[pl.ds(k, 16)] + rdeg_v[pl.ds(k, 16)] + 1.0
        y = _rsqrt16(deg)
        dinv_v[pl.ds(k, 16)] = y
        rdeg_v[pl.ds(k, 16)] = y * y

    @pl.loop(0, SLICE_P, step=MB)
    def _(r):
        row0 = sl + r

        @pl.when(c == 0)
        def _():
            pltpu.sync_copy(xa_hbm.at[pl.ds(row0, MB)], rowb_v)

        @pl.when(c == 1)
        def _():
            pltpu.sync_copy(xb_hbm.at[pl.ds(row0, MB)], rowb_v)

        @pl.loop(0, MB)
        def _(i):
            sc16 = plsc.load_gather(dinv_v, [jnp.full((16,), r + i,
                                                      jnp.int32)])
            for k in range(0, F, 16):
                resb_v[i, pl.ds(k, 16)] = rowb_v[i, pl.ds(k, 16)] * sc16

        pltpu.sync_copy(resb_v, w_hbm.at[c, pl.ds(row0, MB)])

    pltpu.make_async_copy(src_hbm.at[pl.ds(s * NCH, NCH)], src_v, g0).wait()
    pltpu.make_async_copy(dst_hbm.at[pl.ds(s * NCH, NCH)], dst_v, g1).wait()
    plsc.subcore_barrier()

    def edge_pass(table):
        for b in range(NBUF):
            pltpu.async_copy(table.at[src_v.at[b]], rows[b], gsem[b])

        @pl.loop(0, NCH, step=NBUF)
        def _(j):
            for b in range(NBUF):
                jj = j + b
                pltpu.make_async_copy(table.at[src_v.at[jj]], rows[b],
                                      gsem[b]).wait()
                pltpu.async_copy(rows[b], acc_sh.at[dst_v.at[jj]], ssem[b],
                                 add=True)

            for b in range(NBUF):
                jj = j + b
                pltpu.make_async_copy(rows[b], acc_sh.at[dst_v.at[jj]],
                                      ssem[b]).wait()

                @pl.when(jj + NBUF < NCH)
                def _():
                    pltpu.async_copy(table.at[src_v.at[jj + NBUF]], rows[b],
                                     gsem[b])

    def scale_phase(row_table, scale_v, out):
        @pl.loop(0, SLICE_P, step=MB)
        def _(r):
          row0 = sl + r

          @pl.when(row0 + MB <= ACC_R)
          def _():
            pltpu.async_copy(acc_sh.at[pl.ds(row0, MB)], accb_v, g0)
            pltpu.async_copy(row_table.at[pl.ds(row0, MB)], rowb_v, g1)
            pltpu.make_async_copy(acc_sh.at[pl.ds(row0, MB)], accb_v,
                                  g0).wait()
            pltpu.make_async_copy(row_table.at[pl.ds(row0, MB)], rowb_v,
                                  g1).wait()

            @pl.loop(0, MB)
            def _(i):
                sc16 = plsc.load_gather(scale_v, [jnp.full((16,), r + i,
                                                           jnp.int32)])
                for k in range(0, F, 16):
                    resb_v[i, pl.ds(k, 16)] = (
                        accb_v[i, pl.ds(k, 16)]
                        + rowb_v[i, pl.ds(k, 16)]) * sc16

            pltpu.async_copy(resb_v, out.at[pl.ds(row0, MB)], s1)
            pltpu.async_copy(zbuf_v, acc_sh.at[pl.ds(row0, MB)], s2)
            pltpu.make_async_copy(resb_v, out.at[pl.ds(row0, MB)], s1).wait()
            pltpu.make_async_copy(zbuf_v, acc_sh.at[pl.ds(row0, MB)],
                                  s2).wait()

    edge_pass(w_hbm.at[c])
    plsc.subcore_barrier()
    scale_phase(w_hbm.at[c], rdeg_v, w_hbm.at[c])
    plsc.subcore_barrier()
    edge_pass(w_hbm.at[c])
    plsc.subcore_barrier()
    scale_phase(w_hbm.at[c], dinv_v, w_hbm.at[c])



def _cat(p):
    return jnp.concatenate([p[0], p[1]], axis=-1)


def _mlp_body(z_ref, w1_ref, b1_ref, w2_ref, oa_ref, ob_ref):
    hin = _cat(z_ref[...])
    h = jnp.dot(hin, w1_ref[...], preferred_element_type=jnp.float32)
    h = jnp.maximum(h + b1_ref[...], 0.0)
    y = jnp.dot(h, w2_ref[...], preferred_element_type=jnp.float32)
    oa_ref[...] = y[:, :F]
    ob_ref[...] = y[:, F:]


def _final_body(z_ref, b2_ref, o_ref):
    z = _cat(z_ref[...]) + b2_ref[...]
    m = jnp.max(z, axis=1, keepdims=True)
    e = jnp.exp(z - m)
    lse = jnp.log(jnp.sum(e, axis=1, keepdims=True))
    o_ref[...] = z - m - lse


_row_spec = pl.BlockSpec((RB, D), lambda i: (i, 0))
_half_spec = pl.BlockSpec((RB, F), lambda i: (i, 0))
_p_spec = pl.BlockSpec((NC, RB, F), lambda i: (0, i, 0))

_tc_mlp = pl.pallas_call(
    _mlp_body, grid=(GRID,),
    in_specs=[_p_spec,
              pl.BlockSpec((D, 256), lambda i: (0, 0)),
              pl.BlockSpec((1, 256), lambda i: (0, 0)),
              pl.BlockSpec((256, D), lambda i: (0, 0))],
    out_specs=[_half_spec, _half_spec],
    out_shape=[jax.ShapeDtypeStruct((NPAD, F), jnp.float32),
               jax.ShapeDtypeStruct((NPAD, F), jnp.float32)])

_tc_final = pl.pallas_call(
    _final_body, grid=(GRID,),
    in_specs=[_p_spec, pl.BlockSpec((1, D), lambda i: (0, 0))],
    out_specs=_row_spec,
    out_shape=jax.ShapeDtypeStruct((NPAD, D), jnp.float32))


def kernel(x, edge_index, W1, b1, W2, b2):
    src = edge_index[0]
    dst = edge_index[1]
    src2 = src.reshape(-1, CH)
    dst2 = dst.reshape(-1, CH)
    x_pad = jnp.pad(x, ((0, NPAD - N), (0, 0)))
    xa = x_pad[:, :F]
    xb = x_pad[:, F:]

    degp = _deg_sc(dst)
    w1t = W1.T
    b1r = b1.reshape(1, -1)
    w2t = W2.T

    z1 = _prop2_sc(src2, dst2, xa, xb, degp)
    ya, yb = _tc_mlp(z1, w1t, b1r, w2t)
    z2 = _prop2_sc(src2, dst2, ya, yb, degp)
    out = _tc_final(z2, b2.reshape(1, -1))
    return out[:N]

# --- scband reference (transcript-rebuilt; emitter-appended) ---
"""Pipeline reference for scband-sgc-49014166782119 (READ-ONLY COPY).

The authoritative reference and input builder live on the scoring server;
editing this copy changes nothing except your own understanding.
"""

import jax, jax.numpy as jnp
import numpy as np

N = 10000
E = 320000
D_IN = 128
D_HID = 256
D_OUT = 128
K = 2


def setup_inputs(seed: int = 0) -> dict:
    key = jax.random.key(seed)
    k1, k2, k3, k4 = jax.random.split(key, 4)
    x = jax.random.normal(k1, (N, D_IN), dtype=jnp.float32)
    edge_index = jax.random.randint(k2, (2, E), 0, N, dtype=jnp.int32)
    # Linear weights (PyG Linear stores W as [out, in]; glorot-ish init)
    W1 = jax.random.normal(k3, (D_HID, D_IN), dtype=jnp.float32) * (1.0 / np.sqrt(D_IN))
    b1 = jnp.zeros((D_HID,), dtype=jnp.float32)
    W2 = jax.random.normal(k4, (D_OUT, D_HID), dtype=jnp.float32) * (1.0 / np.sqrt(D_HID))
    b2 = jnp.zeros((D_OUT,), dtype=jnp.float32)
    return {"x": x, "edge_index": edge_index, "W1": W1, "b1": b1, "W2": W2, "b2": b2}


def _gcn_norm(edge_index):
    # add self loops + symmetric normalization (gcn_norm, add_self_loops=True)
    src = edge_index[0]
    dst = edge_index[1]
    loop = jnp.arange(N, dtype=src.dtype)
    src = jnp.concatenate([src, loop])
    dst = jnp.concatenate([dst, loop])
    deg = jnp.zeros((N,), dtype=jnp.float32).at[dst].add(1.0)
    dinv = jnp.where(deg > 0, jax.lax.rsqrt(deg), 0.0)
    norm = dinv[src] * dinv[dst]
    return src, dst, norm


def _propagate_k(x, src, dst, norm, k):
    for _ in range(k):
        msg = norm[:, None] * jnp.take(x, src, axis=0)
        x = jax.ops.segment_sum(msg, dst, num_segments=N)
    return x


def reference(x, edge_index, W1, b1, W2, b2):
    src, dst, norm = _gcn_norm(edge_index)
    # SGConv 1: K=2 propagations then linear
    h = _propagate_k(x, src, dst, norm, K)
    h = h @ W1.T + b1
    h = jax.nn.relu(h)
    # dropout is identity in eval mode
    # SGConv 2: K=2 propagations then linear
    h = _propagate_k(h, src, dst, norm, K)
    h = h @ W2.T + b2
    return jax.nn.log_softmax(h, axis=1)

if __name__ == "__main__":
    import jax
    _d = setup_inputs()
    print(jax.jit(kernel)(*tuple(_d.values())))

</pallas_src>

<mosaic_0001>
#map = affine_map<(d0, d1) -> (0)>
module attributes {stable_mosaic.version = 14 : i64} {
  func.func @_deg_sc(%arg0: i32, %arg1: i32, %arg2: memref<320000xi32, #tpu.memory_space<hbm>>, %arg3: memref<20480xf32, #tpu.memory_space<hbm>>, %arg4: memref<10240xf32, #tpu.memory_space<vmem>>, %arg5: memref<80xi32, #tpu.memory_space<vmem>>, %arg6: memref<80xi32, #tpu.memory_space<vmem>>, %arg7: memref<640xf32, #tpu.memory_space<vmem>>, %arg8: memref<640xf32, #tpu.memory_space<vmem>>, %arg9: memref<16x10240xf32, #tpu.memory_space<vmem_shared>>, %arg10: memref<!tpu.dma_semaphore, #tpu.memory_space<semaphore_mem>>, %arg11: memref<!tpu.dma_semaphore, #tpu.memory_space<semaphore_mem>>) attributes {dimension_semantics = [#tpu.dimension_semantics<core_parallel>, #tpu.dimension_semantics<subcore_parallel>], iteration_bounds = array<i64: 2, 16>, scalar_prefetch = 0 : i64, scratch_operands = 8 : i64, tpu.core_type = #tpu.core_type<sc_vector_subcore>, window_params = [{transform_indices = #map}, {transform_indices = #map}]} {
    %mul3A = arith.constant 16 : i32
    %mul3A_0 = arith.muli %arg0, %mul3A : i32
    %add3A = arith.addi %mul3A_0, %arg1 : i32
    %broadcast_in_dim3A = arith.constant 0.000000e+00 : f32
    %broadcast_in_dim3A_1 = vector.broadcast %broadcast_in_dim3A : f32 to vector<16xf32>
    %broadcast_in_dim3A_2 = arith.constant 1.000000e+00 : f32
    %broadcast_in_dim3A_3 = vector.broadcast %broadcast_in_dim3A_2 : f32 to vector<16xf32>
    %scan3A = arith.constant 0 : i32
    %scan3A_4 = arith.constant 640 : i32
    %scan3A_5 = arith.addi %scan3A, %scan3A_4 : i32
    %scan3A_6 = arith.constant 1 : i32
    scf.for %scan3A_43 = %scan3A to %scan3A_5 step %scan3A_6  : i32 {
      %mul3A_44 = arith.constant 16 : i32
      %mul3A_45 = arith.muli %scan3A_43, %mul3A_44 : i32
      %add3A_46 = arith.constant 0 : i32
      %add3A_47 = arith.addi %add3A_46, %mul3A_45 : i32
      %swap3A = arith.index_cast %add3A_47 : i32 to index
      %swap3A_48 = tpu.vector_load %arg4[%swap3A] {strides = array<i32>} : memref<10240xf32, #tpu.memory_space<vmem>>, vector<16xf32>,
      tpu.vector_store %arg4[%swap3A], %broadcast_in_dim3A_1 {strides = array<i32>} : memref<10240xf32, #tpu.memory_space<vmem>>, vector<16xf32>,
    }
    %scan3A_7 = arith.constant 640 : i32
    %mul3A_8 = arith.constant 10000 : i32
    %mul3A_9 = arith.muli %add3A, %mul3A_8 : i32
    %dma_start3A = tpu.memref_slice %arg2[%mul3A_9] : memref<320000xi32, #tpu.memory_space<hbm>> -> memref<80xi32, #tpu.memory_space<hbm>>
    %dma_start3A_10 = tpu.memref_slice %arg2[%mul3A_9] : memref<320000xi32, #tpu.memory_space<hbm>> -> memref<80xi32, #tpu.memory_space<hbm>>
    tpu.enqueue_dma source(%dma_start3A_10 : memref<80xi32, #tpu.memory_space<hbm>>) target(%arg5 : memref<80xi32, #tpu.memory_space<vmem>>) target_semaphore(%arg10 : memref<!tpu.dma_semaphore, #tpu.memory_space<semaphore_mem>>)
    %scan3A_11 = arith.constant 0 : i32
    %scan3A_12 = arith.constant 62 : i32
    %scan3A_13 = arith.addi %scan3A_11, %scan3A_12 : i32
    %scan3A_14 = arith.constant 1 : i32
    scf.for %scan3A_43 = %scan3A_11 to %scan3A_13 step %scan3A_14  : i32 {
      %mul3A_44 = arith.constant 160 : i32
      %mul3A_45 = arith.muli %scan3A_43, %mul3A_44 : i32
      %add3A_46 = arith.constant 0 : i32
      %add3A_47 = arith.addi %add3A_46, %mul3A_45 : i32
      %add3A_48 = arith.addi %mul3A_9, %add3A_47 : i32
      %add3A_49 = arith.constant 0 : i32
      %add3A_50 = arith.addi %add3A_48, %add3A_49 : i32
      %add3A_51 = arith.constant 80 : i32
      %add3A_52 = arith.addi %add3A_50, %add3A_51 : i32
      %dma_wait3A_53 = tpu.memref_slice %arg2[%add3A_50] : memref<320000xi32, #tpu.memory_space<hbm>> -> memref<80xi32, #tpu.memory_space<hbm>>
      %dma_wait3A_54 = tpu.memref_slice %arg2[%add3A_50] : memref<320000xi32, #tpu.memory_space<hbm>> -> memref<80xi32, #tpu.memory_space<hbm>>
      tpu.wait_dma2 semaphore(%arg10 : memref<!tpu.dma_semaphore, #tpu.memory_space<semaphore_mem>>) src(%dma_wait3A_54 : memref<80xi32, #tpu.memory_space<hbm>>) dst(%arg5 : memref<80xi32, #tpu.memory_space<vmem>>)
      %dma_start3A_55 = tpu.memref_slice %arg2[%add3A_52] : memref<320000xi32, #tpu.memory_space<hbm>> -> memref<80xi32, #tpu.memory_space<hbm>>
      %dma_start3A_56 = tpu.memref_slice %arg2[%add3A_52] : memref<320000xi32, #tpu.memory_space<hbm>> -> memref<80xi32, #tpu.memory_space<hbm>>
      tpu.enqueue_dma source(%dma_start3A_56 : memref<80xi32, #tpu.memory_space<hbm>>) target(%arg6 : memref<80xi32, #tpu.memory_space<vmem>>) target_semaphore(%arg11 : memref<!tpu.dma_semaphore, #tpu.memory_space<semaphore_mem>>)
      %scan3A_57 = arith.constant 0 : i32
      %scan3A_58 = arith.constant 5 : i32
      %scan3A_59 = arith.addi %scan3A_57, %scan3A_58 : i32
      %scan3A_60 = arith.constant 1 : i32
      scf.for %scan3A_76 = %scan3A_57 to %scan3A_59 step %scan3A_60  : i32 {
        %mul3A_77 = arith.constant 16 : i32
        %mul3A_78 = arith.muli %scan3A_76, %mul3A_77 : i32
        %add3A_79 = arith.constant 0 : i32
        %add3A_80 = arith.addi %add3A_79, %mul3A_78 : i32
        %get3A = arith.index_cast %add3A_80 : i32 to index
        %get3A_81 = tpu.vector_load %arg5[%get3A] {strides = array<i32>} : memref<80xi32, #tpu.memory_space<vmem>>, vector<16xi32>,
        tpu.vector_store_idx %arg4[%get3A_81], %broadcast_in_dim3A_3 {add = true} : memref<10240xf32, #tpu.memory_space<vmem>>[vector<16xi32>], vector<16xf32>,
      }
      %scan3A_61 = arith.constant 5 : i32
      %add3A_62 = arith.addi %mul3A_9, %add3A_47 : i32
      %add3A_63 = arith.constant 80 : i32
      %add3A_64 = arith.addi %add3A_62, %add3A_63 : i32
      %add3A_65 = arith.constant 80 : i32
      %add3A_66 = arith.addi %add3A_64, %add3A_65 : i32
      %dma_wait3A_67 = tpu.memref_slice %arg2[%add3A_64] : memref<320000xi32, #tpu.memory_space<hbm>> -> memref<80xi32, #tpu.memory_space<hbm>>
      %dma_wait3A_68 = tpu.memref_slice %arg2[%add3A_64] : memref<320000xi32, #tpu.memory_space<hbm>> -> memref<80xi32, #tpu.memory_space<hbm>>
      tpu.wait_dma2 semaphore(%arg11 : memref<!tpu.dma_semaphore, #tpu.memory_space<semaphore_mem>>) src(%dma_wait3A_68 : memref<80xi32, #tpu.memory_space<hbm>>) dst(%arg6 : memref<80xi32, #tpu.memory_space<vmem>>)
      %dma_start3A_69 = tpu.memref_slice %arg2[%add3A_66] : memref<320000xi32, #tpu.memory_space<hbm>> -> memref<80xi32, #tpu.memory_space<hbm>>
      %dma_start3A_70 = tpu.memref_slice %arg2[%add3A_66] : memref<320000xi32, #tpu.memory_space<hbm>> -> memref<80xi32, #tpu.memory_space<hbm>>
      tpu.enqueue_dma source(%dma_start3A_70 : memref<80xi32, #tpu.memory_space<hbm>>) target(%arg5 : memref<80xi32, #tpu.memory_space<vmem>>) target_semaphore(%arg10 : memref<!tpu.dma_semaphore, #tpu.memory_space<semaphore_mem>>)
      %scan3A_71 = arith.constant 0 : i32
      %scan3A_72 = arith.constant 5 : i32
      %scan3A_73 = arith.addi %scan3A_71, %scan3A_72 : i32
      %scan3A_74 = arith.constant 1 : i32
      scf.for %scan3A_76 = %scan3A_71 to %scan3A_73 step %scan3A_74  : i32 {
        %mul3A_77 = arith.constant 16 : i32
        %mul3A_78 = arith.muli %scan3A_76, %mul3A_77 : i32
        %add3A_79 = arith.constant 0 : i32
        %add3A_80 = arith.addi %add3A_79, %mul3A_78 : i32
        %get3A = arith.index_cast %add3A_80 : i32 to index
        %get3A_81 = tpu.vector_load %arg6[%get3A] {strides = array<i32>} : memref<80xi32, #tpu.memory_space<vmem>>, vector<16xi32>,
        tpu.vector_store_idx %arg4[%get3A_81], %broadcast_in_dim3A_3 {add = true} : memref<10240xf32, #tpu.memory_space<vmem>>[vector<16xi32>], vector<16xf32>,
      }
      %scan3A_75 = arith.constant 5 : i32
    }
    %scan3A_15 = arith.constant 62 : i32
    %add3A_16 = arith.constant 10000 : i32
    %add3A_17 = arith.addi %mul3A_9, %add3A_16 : i32
    %sub3A = arith.constant 80 : i32
    %sub3A_18 = arith.subi %add3A_17, %sub3A : i32
    %dma_wait3A = tpu.memref_slice %arg2[%sub3A_18] : memref<320000xi32, #tpu.memory_space<hbm>> -> memref<80xi32, #tpu.memory_space<hbm>>
    %dma_wait3A_19 = tpu.memref_slice %arg2[%sub3A_18] : memref<320000xi32, #tpu.memory_space<hbm>> -> memref<80xi32, #tpu.memory_space<hbm>>
    tpu.wait_dma2 semaphore(%arg10 : memref<!tpu.dma_semaphore, #tpu.memory_space<semaphore_mem>>) src(%dma_wait3A_19 : memref<80xi32, #tpu.memory_space<hbm>>) dst(%arg5 : memref<80xi32, #tpu.memory_space<vmem>>)
    %scan3A_20 = arith.constant 0 : i32
    %scan3A_21 = arith.constant 5 : i32
    %scan3A_22 = arith.addi %scan3A_20, %scan3A_21 : i32
    %scan3A_23 = arith.constant 1 : i32
    scf.for %scan3A_43 = %scan3A_20 to %scan3A_22 step %scan3A_23  : i32 {
      %mul3A_44 = arith.constant 16 : i32
      %mul3A_45 = arith.muli %scan3A_43, %mul3A_44 : i32
      %add3A_46 = arith.constant 0 : i32
      %add3A_47 = arith.addi %add3A_46, %mul3A_45 : i32
      %get3A = arith.index_cast %add3A_47 : i32 to index
      %get3A_48 = tpu.vector_load %arg5[%get3A] {strides = array<i32>} : memref<80xi32, #tpu.memory_space<vmem>>, vector<16xi32>,
      tpu.vector_store_idx %arg4[%get3A_48], %broadcast_in_dim3A_3 {add = true} : memref<10240xf32, #tpu.memory_space<vmem>>[vector<16xi32>], vector<16xf32>,
    }
    %scan3A_24 = arith.constant 5 : i32
    "tpu.region"() ({
      %run_scoped3A = tpu.sem_alloc : memref<!tpu.dma_semaphore, #tpu.memory_space<semaphore_mem>>
      %dma_start3A_43 = arith.constant 0 : i32
      %dma_start3A_44 = tpu.memref_slice %arg4[%dma_start3A_43] : memref<10240xf32, #tpu.memory_space<vmem>> -> memref<10240xf32, #tpu.memory_space<vmem>>
      %dma_start3A_45 = arith.constant 0 : i32
      %dma_start3A_46 = tpu.memref_slice %arg9[%arg1, %dma_start3A_45] : memref<16x10240xf32, #tpu.memory_space<vmem_shared>> -> memref<1x10240xf32, #tpu.memory_space<vmem_shared>>
      %dma_start3A_47 = tpu.memref_squeeze %dma_start3A_46 : memref<1x10240xf32, #tpu.memory_space<vmem_shared>> -> memref<10240xf32, #tpu.memory_space<vmem_shared>>
      %dma_start3A_48 = arith.constant 0 : i32
      %dma_start3A_49 = tpu.memref_slice %arg9[%arg1, %dma_start3A_48] : memref<16x10240xf32, #tpu.memory_space<vmem_shared>> -> memref<1x10240xf32, #tpu.memory_space<vmem_shared>>
      %dma_start3A_50 = tpu.memref_squeeze %dma_start3A_49 : memref<1x10240xf32, #tpu.memory_space<vmem_shared>> -> memref<10240xf32, #tpu.memory_space<vmem_shared>>
      %dma_start3A_51 = arith.constant 0 : i32
      %dma_start3A_52 = tpu.memref_slice %arg4[%dma_start3A_51] : memref<10240xf32, #tpu.memory_space<vmem>> -> memref<10240xf32, #tpu.memory_space<vmem>>
      tpu.enqueue_dma source(%dma_start3A_52 : memref<10240xf32, #tpu.memory_space<vmem>>) target(%dma_start3A_50 : memref<10240xf32, #tpu.memory_space<vmem_shared>>) target_semaphore(%run_scoped3A : memref<!tpu.dma_semaphore, #tpu.memory_space<semaphore_mem>>)
      %dma_wait3A_53 = arith.constant 0 : i32
      %dma_wait3A_54 = tpu.memref_slice %arg4[%dma_wait3A_53] : memref<10240xf32, #tpu.memory_space<vmem>> -> memref<10240xf32, #tpu.memory_space<vmem>>
      %dma_wait3A_55 = arith.constant 0 : i32
      %dma_wait3A_56 = tpu.memref_slice %arg9[%arg1, %dma_wait3A_55] : memref<16x10240xf32, #tpu.memory_space<vmem_shared>> -> memref<1x10240xf32, #tpu.memory_space<vmem_shared>>
      %dma_wait3A_57 = tpu.memref_squeeze %dma_wait3A_56 : memref<1x10240xf32, #tpu.memory_space<vmem_shared>> -> memref<10240xf32, #tpu.memory_space<vmem_shared>>
      %dma_wait3A_58 = arith.constant 0 : i32
      %dma_wait3A_59 = tpu.memref_slice %arg9[%arg1, %dma_wait3A_58] : memref<16x10240xf32, #tpu.memory_space<vmem_shared>> -> memref<1x10240xf32, #tpu.memory_space<vmem_shared>>
      %dma_wait3A_60 = tpu.memref_squeeze %dma_wait3A_59 : memref<1x10240xf32, #tpu.memory_space<vmem_shared>> -> memref<10240xf32, #tpu.memory_space<vmem_shared>>
      %dma_wait3A_61 = arith.constant 0 : i32
      %dma_wait3A_62 = tpu.memref_slice %arg4[%dma_wait3A_61] : memref<10240xf32, #tpu.memory_space<vmem>> -> memref<10240xf32, #tpu.memory_space<vmem>>
      tpu.wait_dma2 semaphore(%run_scoped3A : memref<!tpu.dma_semaphore, #tpu.memory_space<semaphore_mem>>) src(%dma_wait3A_62 : memref<10240xf32, #tpu.memory_space<vmem>>) dst(%dma_wait3A_60 : memref<10240xf32, #tpu.memory_space<vmem_shared>>)
      tpu.yield
    }) : () -> ()
    %barrier3A = arith.constant 0 : index
    tpu.barrier barrier_id(%barrier3A)
    %scan3A_25 = arith.constant 0 : i32
    %scan3A_26 = arith.constant 40 : i32
    %scan3A_27 = arith.addi %scan3A_25, %scan3A_26 : i32
    %scan3A_28 = arith.constant 1 : i32
    scf.for %scan3A_43 = %scan3A_25 to %scan3A_27 step %scan3A_28  : i32 {
      %mul3A_44 = arith.constant 16 : i32
      %mul3A_45 = arith.muli %scan3A_43, %mul3A_44 : i32
      %add3A_46 = arith.constant 0 : i32
      %add3A_47 = arith.addi %add3A_46, %mul3A_45 : i32
      %swap3A = arith.index_cast %add3A_47 : i32 to index
      %swap3A_48 = tpu.vector_load %arg7[%swap3A] {strides = array<i32>} : memref<640xf32, #tpu.memory_space<vmem>>, vector<16xf32>,
      tpu.vector_store %arg7[%swap3A], %broadcast_in_dim3A_1 {strides = array<i32>} : memref<640xf32, #tpu.memory_space<vmem>>, vector<16xf32>,
    }
    %scan3A_29 = arith.constant 40 : i32
    %scan3A_30 = arith.constant 0 : i32
    %scan3A_31 = arith.constant 16 : i32
    %scan3A_32 = arith.addi %scan3A_30, %scan3A_31 : i32
    %scan3A_33 = arith.constant 1 : i32
    scf.for %scan3A_43 = %scan3A_30 to %scan3A_32 step %scan3A_33  : i32 {
      %mul3A_44 = arith.constant 1 : i32
      %mul3A_45 = arith.muli %scan3A_43, %mul3A_44 : i32
      %add3A_46 = arith.constant 0 : i32
      %add3A_47 = arith.addi %add3A_46, %mul3A_45 : i32
      %mul3A_48 = arith.constant 640 : i32
      %mul3A_49 = arith.muli %arg1, %mul3A_48 : i32
      "tpu.region"() ({
        %run_scoped3A = tpu.sem_alloc : memref<!tpu.dma_semaphore, #tpu.memory_space<semaphore_mem>>
        %dma_start3A_55 = arith.constant 0 : i32
        %dma_start3A_56 = tpu.memref_slice %arg8[%dma_start3A_55] : memref<640xf32, #tpu.memory_space<vmem>> -> memref<640xf32, #tpu.memory_space<vmem>>
        %dma_start3A_57 = tpu.memref_slice %arg9[%add3A_47, %mul3A_49] : memref<16x10240xf32, #tpu.memory_space<vmem_shared>> -> memref<1x640xf32, #tpu.memory_space<vmem_shared>>
        %dma_start3A_58 = tpu.memref_squeeze %dma_start3A_57 : memref<1x640xf32, #tpu.memory_space<vmem_shared>> -> memref<640xf32, #tpu.memory_space<vmem_shared>>
        %dma_start3A_59 = arith.constant 0 : i32
        %dma_start3A_60 = tpu.memref_slice %arg8[%dma_start3A_59] : memref<640xf32, #tpu.memory_space<vmem>> -> memref<640xf32, #tpu.memory_space<vmem>>
        %dma_start3A_61 = tpu.memref_slice %arg9[%add3A_47, %mul3A_49] : memref<16x10240xf32, #tpu.memory_space<vmem_shared>> -> memref<1x640xf32, #tpu.memory_space<vmem_shared>>
        %dma_start3A_62 = tpu.memref_squeeze %dma_start3A_61 : memref<1x640xf32, #tpu.memory_space<vmem_shared>> -> memref<640xf32, #tpu.memory_space<vmem_shared>>
        tpu.enqueue_dma source(%dma_start3A_62 : memref<640xf32, #tpu.memory_space<vmem_shared>>) target(%dma_start3A_60 : memref<640xf32, #tpu.memory_space<vmem>>) target_semaphore(%run_scoped3A : memref<!tpu.dma_semaphore, #tpu.memory_space<semaphore_mem>>)
        %dma_wait3A_63 = arith.constant 0 : i32
        %dma_wait3A_64 = tpu.memref_slice %arg8[%dma_wait3A_63] : memref<640xf32, #tpu.memory_space<vmem>> -> memref<640xf32, #tpu.memory_space<vmem>>
        %dma_wait3A_65 = tpu.memref_slice %arg9[%add3A_47, %mul3A_49] : memref<16x10240xf32, #tpu.memory_space<vmem_shared>> -> memref<1x640xf32, #tpu.memory_space<vmem_shared>>
        %dma_wait3A_66 = tpu.memref_squeeze %dma_wait3A_65 : memref<1x640xf32, #tpu.memory_space<vmem_shared>> -> memref<640xf32, #tpu.memory_space<vmem_shared>>
        %dma_wait3A_67 = arith.constant 0 : i32
        %dma_wait3A_68 = tpu.memref_slice %arg8[%dma_wait3A_67] : memref<640xf32, #tpu.memory_space<vmem>> -> memref<640xf32, #tpu.memory_space<vmem>>
        %dma_wait3A_69 = tpu.memref_slice %arg9[%add3A_47, %mul3A_49] : memref<16x10240xf32, #tpu.memory_space<vmem_shared>> -> memref<1x640xf32, #tpu.memory_space<vmem_shared>>
        %dma_wait3A_70 = tpu.memref_squeeze %dma_wait3A_69 : memref<1x640xf32, #tpu.memory_space<vmem_shared>> -> memref<640xf32, #tpu.memory_space<vmem_shared>>
        tpu.wait_dma2 semaphore(%run_scoped3A : memref<!tpu.dma_semaphore, #tpu.memory_space<semaphore_mem>>) src(%dma_wait3A_70 : memref<640xf32, #tpu.memory_space<vmem_shared>>) dst(%dma_wait3A_68 : memref<640xf32, #tpu.memory_space<vmem>>)
        tpu.yield
      }) : () -> ()
      %scan3A_50 = arith.constant 0 : i32
      %scan3A_51 = arith.constant 40 : i32
      %scan3A_52 = arith.addi %scan3A_50, %scan3A_51 : i32
      %scan3A_53 = arith.constant 1 : i32
      scf.for %scan3A_55 = %scan3A_50 to %scan3A_52 step %scan3A_53  : i32 {
        %mul3A_56 = arith.constant 16 : i32
        %mul3A_57 = arith.muli %scan3A_55, %mul3A_56 : i32
        %add3A_58 = arith.constant 0 : i32
        %add3A_59 = arith.addi %add3A_58, %mul3A_57 : i32
        %get3A = arith.index_cast %add3A_59 : i32 to index
        %get3A_60 = tpu.vector_load %arg7[%get3A] {strides = array<i32>} : memref<640xf32, #tpu.memory_space<vmem>>, vector<16xf32>,
        %get3A_61 = arith.index_cast %add3A_59 : i32 to index
        %get3A_62 = tpu.vector_load %arg8[%get3A_61] {strides = array<i32>} : memref<640xf32, #tpu.memory_space<vmem>>, vector<16xf32>,
        %add3A_63 = arith.addf %get3A_60, %get3A_62 : vector<16xf32>
        %swap3A = arith.index_cast %add3A_59 : i32 to index
        %swap3A_64 = tpu.vector_load %arg7[%swap3A] {strides = array<i32>} : memref<640xf32, #tpu.memory_space<vmem>>, vector<16xf32>,
        tpu.vector_store %arg7[%swap3A], %add3A_63 {strides = array<i32>} : memref<640xf32, #tpu.memory_space<vmem>>, vector<16xf32>,
      }
      %scan3A_54 = arith.constant 40 : i32
    }
    %scan3A_34 = arith.constant 16 : i32
    %mul3A_35 = arith.constant 10240 : i32
    %mul3A_36 = arith.muli %arg0, %mul3A_35 : i32
    %add3A_37 = arith.constant 0 : i32
    %add3A_38 = arith.addi %mul3A_36, %add3A_37 : i32
    %mul3A_39 = arith.constant 640 : i32
    %mul3A_40 = arith.muli %arg1, %mul3A_39 : i32
    %add3A_41 = arith.addi %add3A_38, %mul3A_40 : i32
    "tpu.region"() ({
      %run_scoped3A = tpu.sem_alloc : memref<!tpu.dma_semaphore, #tpu.memory_space<semaphore_mem>>
      %dma_start3A_43 = arith.constant 0 : i32
      %dma_start3A_44 = tpu.memref_slice %arg7[%dma_start3A_43] : memref<640xf32, #tpu.memory_space<vmem>> -> memref<640xf32, #tpu.memory_space<vmem>>
      %dma_start3A_45 = tpu.memref_slice %arg3[%add3A_41] : memref<20480xf32, #tpu.memory_space<hbm>> -> memref<640xf32, #tpu.memory_space<hbm>>
      %dma_start3A_46 = tpu.memref_slice %arg3[%add3A_41] : memref<20480xf32, #tpu.memory_space<hbm>> -> memref<640xf32, #tpu.memory_space<hbm>>
      %dma_start3A_47 = arith.constant 0 : i32
      %dma_start3A_48 = tpu.memref_slice %arg7[%dma_start3A_47] : memref<640xf32, #tpu.memory_space<vmem>> -> memref<640xf32, #tpu.memory_space<vmem>>
      tpu.enqueue_dma source(%dma_start3A_48 : memref<640xf32, #tpu.memory_space<vmem>>) target(%dma_start3A_46 : memref<640xf32, #tpu.memory_space<hbm>>) target_semaphore(%run_scoped3A : memref<!tpu.dma_semaphore, #tpu.memory_space<semaphore_mem>>)
      %dma_wait3A_49 = arith.constant 0 : i32
      %dma_wait3A_50 = tpu.memref_slice %arg7[%dma_wait3A_49] : memref<640xf32, #tpu.memory_space<vmem>> -> memref<640xf32, #tpu.memory_space<vmem>>
      %dma_wait3A_51 = tpu.memref_slice %arg3[%add3A_41] : memref<20480xf32, #tpu.memory_space<hbm>> -> memref<640xf32, #tpu.memory_space<hbm>>
      %dma_wait3A_52 = tpu.memref_slice %arg3[%add3A_41] : memref<20480xf32, #tpu.memory_space<hbm>> -> memref<640xf32, #tpu.memory_space<hbm>>
      %dma_wait3A_53 = arith.constant 0 : i32
      %dma_wait3A_54 = tpu.memref_slice %arg7[%dma_wait3A_53] : memref<640xf32, #tpu.memory_space<vmem>> -> memref<640xf32, #tpu.memory_space<vmem>>
      tpu.wait_dma2 semaphore(%run_scoped3A : memref<!tpu.dma_semaphore, #tpu.memory_space<semaphore_mem>>) src(%dma_wait3A_54 : memref<640xf32, #tpu.memory_space<vmem>>) dst(%dma_wait3A_52 : memref<640xf32, #tpu.memory_space<hbm>>)
      tpu.yield
    }) : () -> ()
    %barrier3A_42 = arith.constant 0 : index
    tpu.barrier barrier_id(%barrier3A_42)
    return
  }
}

#map = affine_map<(d0, d1) -> (0, 0)>
#map1 = affine_map<(d0, d1) -> (0)>
#map2 = affine_map<(d0, d1) -> (0, 0, 0)>
module attributes {stable_mosaic.version = 14 : i64} {
  func.func @_prop2_sc(%arg0: i32, %arg1: i32, %arg2: memref<2560x125xi32, #tpu.memory_space<hbm>>, %arg3: memref<2560x125xi32, #tpu.memory_space<hbm>>, %arg4: memref<10240x64xf32, #tpu.memory_space<hbm>>, %arg5: memref<10240x64xf32, #tpu.memory_space<hbm>>, %arg6: memref<20480xf32, #tpu.memory_space<hbm>>, %arg7: memref<2x10240x64xf32, #tpu.memory_space<hbm>>, %arg8: memref<160x125xi32, #tpu.memory_space<vmem>>, %arg9: memref<160x125xi32, #tpu.memory_space<vmem>>, %arg10: memref<125x64xf32, #tpu.memory_space<vmem>>, %arg11: memref<125x64xf32, #tpu.memory_space<vmem>>, %arg12: memref<125x64xf32, #tpu.memory_space<vmem>>, %arg13: memref<125x64xf32, #tpu.memory_space<vmem>>, %arg14: memref<64x64xf32, #tpu.memory_space<vmem>>, %arg15: memref<64x64xf32, #tpu.memory_space<vmem>>, %arg16: memref<64x64xf32, #tpu.memory_space<vmem>>, %arg17: memref<64x64xf32, #tpu.memory_space<vmem>>, %arg18: memref<640xf32, #tpu.memory_space<vmem>>, %arg19: memref<640xf32, #tpu.memory_space<vmem>>, %arg20: memref<10112x64xf32, #tpu.memory_space<vmem_shared>>, %arg21: memref<!tpu.dma_semaphore, #tpu.memory_space<semaphore_mem>>, %arg22: memref<!tpu.dma_semaphore, #tpu.memory_space<semaphore_mem>>, %arg23: memref<!tpu.dma_semaphore, #tpu.memory_space<semaphore_mem>>, %arg24: memref<!tpu.dma_semaphore, #tpu.memory_space<semaphore_mem>>, %arg25: memref<!tpu.dma_semaphore, #tpu.memory_space<semaphore_mem>>, %arg26: memref<!tpu.dma_semaphore, #tpu.memory_space<semaphore_mem>>, %arg27: memref<!tpu.dma_semaphore, #tpu.memory_space<semaphore_mem>>, %arg28: memref<!tpu.dma_semaphore, #tpu.memory_space<semaphore_mem>>) attributes {dimension_semantics = [#tpu.dimension_semantics<core_parallel>, #tpu.dimension_semantics<subcore_parallel>], iteration_bounds = array<i64: 2, 16>, scalar_prefetch = 0 : i64, scratch_operands = 21 : i64, tpu.core_type = #tpu.core_type<sc_vector_subcore>, window_params = [{transform_indices = #map}, {transform_indices = #map}, {transform_indices = #map}, {transform_indices = #map}, {transform_indices = #map1}, {transform_indices = #map2}]} {
    %broadcast_in_dim3A = arith.constant 0.000000e+00 : f32
    %broadcast_in_dim3A_0 = vector.broadcast %broadcast_in_dim3A : f32 to vector<16xf32>
    %mul3A = arith.constant 640 : i32
    %mul3A_1 = arith.muli %arg1, %mul3A : i32
    %mul3A_2 = arith.constant 160 : i32
    %mul3A_3 = arith.muli %arg1, %mul3A_2 : i32
    %dma_start3A = arith.constant 0 : i32
    %dma_start3A_4 = tpu.memref_slice %arg2[%mul3A_3, %dma_start3A] : memref<2560x125xi32, #tpu.memory_space<hbm>> -> memref<160x125xi32, #tpu.memory_space<hbm>>
    %dma_start3A_5 = arith.constant 0 : i32
    %dma_start3A_6 = tpu.memref_slice %arg2[%mul3A_3, %dma_start3A_5] : memref<2560x125xi32, #tpu.memory_space<hbm>> -> memref<160x125xi32, #tpu.memory_space<hbm>>
    tpu.enqueue_dma source(%dma_start3A_6 : memref<160x125xi32, #tpu.memory_space<hbm>>) target(%arg8 : memref<160x125xi32, #tpu.memory_space<vmem>>) target_semaphore(%arg21 : memref<!tpu.dma_semaphore, #tpu.memory_space<semaphore_mem>>)
    %mul3A_7 = arith.constant 160 : i32
    %mul3A_8 = arith.muli %arg1, %mul3A_7 : i32
    %dma_start3A_9 = arith.constant 0 : i32
    %dma_start3A_10 = tpu.memref_slice %arg3[%mul3A_8, %dma_start3A_9] : memref<2560x125xi32, #tpu.memory_space<hbm>> -> memref<160x125xi32, #tpu.memory_space<hbm>>
    %dma_start3A_11 = arith.constant 0 : i32
    %dma_start3A_12 = tpu.memref_slice %arg3[%mul3A_8, %dma_start3A_11] : memref<2560x125xi32, #tpu.memory_space<hbm>> -> memref<160x125xi32, #tpu.memory_space<hbm>>
    tpu.enqueue_dma source(%dma_start3A_12 : memref<160x125xi32, #tpu.memory_space<hbm>>) target(%arg9 : memref<160x125xi32, #tpu.memory_space<vmem>>) target_semaphore(%arg22 : memref<!tpu.dma_semaphore, #tpu.memory_space<semaphore_mem>>)
    %scan3A = arith.constant 0 : i32
    %scan3A_13 = arith.constant 64 : i32
    %scan3A_14 = arith.addi %scan3A, %scan3A_13 : i32
    %scan3A_15 = arith.constant 1 : i32
    scf.for %scan3A_160 = %scan3A to %scan3A_14 step %scan3A_15  : i32 {
      %mul3A_161 = arith.constant 1 : i32
      %mul3A_162 = arith.muli %scan3A_160, %mul3A_161 : i32
      %add3A_163 = arith.constant 0 : i32
      %add3A_164 = arith.addi %add3A_163, %mul3A_162 : i32
      %scan3A_165 = arith.constant 0 : i32
      %scan3A_166 = arith.constant 4 : i32
      %scan3A_167 = arith.addi %scan3A_165, %scan3A_166 : i32
      %scan3A_168 = arith.constant 1 : i32
      scf.for %scan3A_170 = %scan3A_165 to %scan3A_167 step %scan3A_168  : i32 {
        %mul3A_171 = arith.constant 16 : i32
        %mul3A_172 = arith.muli %scan3A_170, %mul3A_171 : i32
        %add3A_173 = arith.constant 0 : i32
        %add3A_174 = arith.addi %add3A_173, %mul3A_172 : i32
        %swap3A = arith.index_cast %add3A_164 : i32 to index
        %swap3A_175 = arith.index_cast %add3A_174 : i32 to index
        %swap3A_176 = tpu.vector_load %arg14[%swap3A, %swap3A_175] {strides = array<i32>} : memref<64x64xf32, #tpu.memory_space<vmem>>, vector<16xf32>,
        tpu.vector_store %arg14[%swap3A, %swap3A_175], %broadcast_in_dim3A_0 {strides = array<i32>} : memref<64x64xf32, #tpu.memory_space<vmem>>, vector<16xf32>,
      }
      %scan3A_169 = arith.constant 4 : i32
    }
    %scan3A_16 = arith.constant 64 : i32
    %scan3A_17 = arith.constant 0 : i32
    %scan3A_18 = arith.constant 10 : i32
    %scan3A_19 = arith.addi %scan3A_17, %scan3A_18 : i32
    %scan3A_20 = arith.constant 1 : i32
    scf.for %scan3A_160 = %scan3A_17 to %scan3A_19 step %scan3A_20  : i32 {
      %mul3A_161 = arith.constant 64 : i32
      %mul3A_162 = arith.muli %scan3A_160, %mul3A_161 : i32
      %add3A_163 = arith.constant 0 : i32
      %add3A_164 = arith.addi %add3A_163, %mul3A_162 : i32
      %add3A_165 = arith.addi %mul3A_1, %add3A_164 : i32
      %add3A_166 = arith.constant 64 : i32
      %add3A_167 = arith.addi %add3A_165, %add3A_166 : i32
      %le3A = arith.constant 10112 : i32
      %le3A_168 = arith.cmpi sle, %add3A_167, %le3A : i32
      %convert_element_type3A = arith.extui %le3A_168 : i1 to i32
      %cond3A = arith.constant 0 : i32
      %cond3A_169 = arith.cmpi ne, %convert_element_type3A, %cond3A : i32
      scf.if %cond3A_169 {
        %add3A_170 = arith.addi %mul3A_1, %add3A_164 : i32
        %dma_start3A_171 = arith.constant 0 : i32
        %dma_start3A_172 = tpu.memref_slice %arg20[%add3A_170, %dma_start3A_171] : memref<10112x64xf32, #tpu.memory_space<vmem_shared>> -> memref<64x64xf32, #tpu.memory_space<vmem_shared>>
        %dma_start3A_173 = arith.constant 0 : i32
        %dma_start3A_174 = tpu.memref_slice %arg20[%add3A_170, %dma_start3A_173] : memref<10112x64xf32, #tpu.memory_space<vmem_shared>> -> memref<64x64xf32, #tpu.memory_space<vmem_shared>>
        tpu.enqueue_dma source(%arg14 : memref<64x64xf32, #tpu.memory_space<vmem>>) target(%dma_start3A_174 : memref<64x64xf32, #tpu.memory_space<vmem_shared>>) target_semaphore(%arg25 : memref<!tpu.dma_semaphore, #tpu.memory_space<semaphore_mem>>)
      } else {
      }
    }
    %scan3A_21 = arith.constant 10 : i32
    %scan3A_22 = arith.constant 0 : i32
    %scan3A_23 = arith.constant 10 : i32
    %scan3A_24 = arith.addi %scan3A_22, %scan3A_23 : i32
    %scan3A_25 = arith.constant 1 : i32
    scf.for %scan3A_160 = %scan3A_22 to %scan3A_24 step %scan3A_25  : i32 {
      %mul3A_161 = arith.constant 64 : i32
      %mul3A_162 = arith.muli %scan3A_160, %mul3A_161 : i32
      %add3A_163 = arith.constant 0 : i32
      %add3A_164 = arith.addi %add3A_163, %mul3A_162 : i32
      %add3A_165 = arith.addi %mul3A_1, %add3A_164 : i32
      %add3A_166 = arith.constant 64 : i32
      %add3A_167 = arith.addi %add3A_165, %add3A_166 : i32
      %le3A = arith.constant 10112 : i32
      %le3A_168 = arith.cmpi sle, %add3A_167, %le3A : i32
      %convert_element_type3A = arith.extui %le3A_168 : i1 to i32
      %cond3A = arith.constant 0 : i32
      %cond3A_169 = arith.cmpi ne, %convert_element_type3A, %cond3A : i32
      scf.if %cond3A_169 {
        %add3A_170 = arith.addi %mul3A_1, %add3A_164 : i32
        %dma_wait3A_171 = arith.constant 0 : i32
        %dma_wait3A_172 = tpu.memref_slice %arg20[%add3A_170, %dma_wait3A_171] : memref<10112x64xf32, #tpu.memory_space<vmem_shared>> -> memref<64x64xf32, #tpu.memory_space<vmem_shared>>
        %dma_wait3A_173 = arith.constant 0 : i32
        %dma_wait3A_174 = tpu.memref_slice %arg20[%add3A_170, %dma_wait3A_173] : memref<10112x64xf32, #tpu.memory_space<vmem_shared>> -> memref<64x64xf32, #tpu.memory_space<vmem_shared>>
        tpu.wait_dma2 semaphore(%arg25 : memref<!tpu.dma_semaphore, #tpu.memory_space<semaphore_mem>>) src(%arg14 : memref<64x64xf32, #tpu.memory_space<vmem>>) dst(%dma_wait3A_174 : memref<64x64xf32, #tpu.memory_space<vmem_shared>>)
      } else {
      }
    }
    %scan3A_26 = arith.constant 10 : i32
    "tpu.region"() ({
      %run_scoped3A = tpu.sem_alloc : memref<!tpu.dma_semaphore, #tpu.memory_space<semaphore_mem>>
      %dma_start3A_160 = tpu.memref_slice %arg6[%mul3A_1] : memref<20480xf32, #tpu.memory_space<hbm>> -> memref<640xf32, #tpu.memory_space<hbm>>
      %dma_start3A_161 = tpu.memref_slice %arg6[%mul3A_1] : memref<20480xf32, #tpu.memory_space<hbm>> -> memref<640xf32, #tpu.memory_space<hbm>>
      tpu.enqueue_dma source(%dma_start3A_161 : memref<640xf32, #tpu.memory_space<hbm>>) target(%arg18 : memref<640xf32, #tpu.memory_space<vmem>>) target_semaphore(%run_scoped3A : memref<!tpu.dma_semaphore, #tpu.memory_space<semaphore_mem>>)
      %dma_wait3A_162 = tpu.memref_slice %arg6[%mul3A_1] : memref<20480xf32, #tpu.memory_space<hbm>> -> memref<640xf32, #tpu.memory_space<hbm>>
      %dma_wait3A_163 = tpu.memref_slice %arg6[%mul3A_1] : memref<20480xf32, #tpu.memory_space<hbm>> -> memref<640xf32, #tpu.memory_space<hbm>>
      tpu.wait_dma2 semaphore(%run_scoped3A : memref<!tpu.dma_semaphore, #tpu.memory_space<semaphore_mem>>) src(%dma_wait3A_163 : memref<640xf32, #tpu.memory_space<hbm>>) dst(%arg18 : memref<640xf32, #tpu.memory_space<vmem>>)
      tpu.yield
    }) : () -> ()
    %add3A = arith.constant 10240 : i32
    %add3A_27 = arith.addi %add3A, %mul3A_1 : i32
    "tpu.region"() ({
      %run_scoped3A = tpu.sem_alloc : memref<!tpu.dma_semaphore, #tpu.memory_space<semaphore_mem>>
      %dma_start3A_160 = tpu.memref_slice %arg6[%add3A_27] : memref<20480xf32, #tpu.memory_space<hbm>> -> memref<640xf32, #tpu.memory_space<hbm>>
      %dma_start3A_161 = tpu.memref_slice %arg6[%add3A_27] : memref<20480xf32, #tpu.memory_space<hbm>> -> memref<640xf32, #tpu.memory_space<hbm>>
      tpu.enqueue_dma source(%dma_start3A_161 : memref<640xf32, #tpu.memory_space<hbm>>) target(%arg19 : memref<640xf32, #tpu.memory_space<vmem>>) target_semaphore(%run_scoped3A : memref<!tpu.dma_semaphore, #tpu.memory_space<semaphore_mem>>)
      %dma_wait3A_162 = tpu.memref_slice %arg6[%add3A_27] : memref<20480xf32, #tpu.memory_space<hbm>> -> memref<640xf32, #tpu.memory_space<hbm>>
      %dma_wait3A_163 = tpu.memref_slice %arg6[%add3A_27] : memref<20480xf32, #tpu.memory_space<hbm>> -> memref<640xf32, #tpu.memory_space<hbm>>
      tpu.wait_dma2 semaphore(%run_scoped3A : memref<!tpu.dma_semaphore, #tpu.memory_space<semaphore_mem>>) src(%dma_wait3A_163 : memref<640xf32, #tpu.memory_space<hbm>>) dst(%arg19 : memref<640xf32, #tpu.memory_space<vmem>>)
      tpu.yield
    }) : () -> ()
    %scan3A_28 = arith.constant 0 : i32
    %scan3A_29 = arith.constant 40 : i32
    %scan3A_30 = arith.addi %scan3A_28, %scan3A_29 : i32
    %scan3A_31 = arith.constant 1 : i32
    scf.for %scan3A_160 = %scan3A_28 to %scan3A_30 step %scan3A_31  : i32 {
      %mul3A_161 = arith.constant 16 : i32
      %mul3A_162 = arith.muli %scan3A_160, %mul3A_161 : i32
      %add3A_163 = arith.constant 0 : i32
      %add3A_164 = arith.addi %add3A_163, %mul3A_162 : i32
      %get3A = arith.index_cast %add3A_164 : i32 to index
      %get3A_165 = tpu.vector_load %arg18[%get3A] {strides = array<i32>} : memref<640xf32, #tpu.memory_space<vmem>>, vector<16xf32>,
      %get3A_166 = arith.index_cast %add3A_164 : i32 to index
      %get3A_167 = tpu.vector_load %arg19[%get3A_166] {strides = array<i32>} : memref<640xf32, #tpu.memory_space<vmem>>, vector<16xf32>,
      %add3A_168 = arith.addf %get3A_165, %get3A_167 : vector<16xf32>
      %add3A_169 = arith.constant 1.000000e+00 : f32
      %add3A_170 = vector.broadcast %add3A_169 : f32 to vector<16xf32>
      %add3A_171 = arith.addf %add3A_168, %add3A_170 : vector<16xf32>
      %bitcast3A = vector.bitcast %add3A_171 : vector<16xf32> to vector<16xi32>
      %shift_right_logical3A = arith.constant 1 : i32
      %shift_right_logical3A_172 = vector.broadcast %shift_right_logical3A : i32 to vector<16xi32>
      %shift_right_logical3A_173 = arith.shrui %bitcast3A, %shift_right_logical3A_172 : vector<16xi32>
      %sub3A = arith.constant 1597463007 : i32
      %sub3A_174 = vector.broadcast %sub3A : i32 to vector<16xi32>
      %sub3A_175 = arith.subi %sub3A_174, %shift_right_logical3A_173 : vector<16xi32>
      %bitcast3A_176 = vector.bitcast %sub3A_175 : vector<16xi32> to vector<16xf32>
      %mul3A_177 = arith.constant 5.000000e-01 : f32
      %mul3A_178 = vector.broadcast %mul3A_177 : f32 to vector<16xf32>
      %mul3A_179 = arith.mulf %mul3A_178, %add3A_171 : vector<16xf32>
      %mul3A_180 = arith.mulf %mul3A_179, %bitcast3A_176 : vector<16xf32>
      %mul3A_181 = arith.mulf %mul3A_180, %bitcast3A_176 : vector<16xf32>
      %sub3A_182 = arith.constant 1.500000e+00 : f32
      %sub3A_183 = vector.broadcast %sub3A_182 : f32 to vector<16xf32>
      %sub3A_184 = arith.subf %sub3A_183, %mul3A_181 : vector<16xf32>
      %mul3A_185 = arith.mulf %bitcast3A_176, %sub3A_184 : vector<16xf32>
      %mul3A_186 = arith.mulf %mul3A_179, %mul3A_185 : vector<16xf32>
      %mul3A_187 = arith.mulf %mul3A_186, %mul3A_185 : vector<16xf32>
      %sub3A_188 = arith.constant 1.500000e+00 : f32
      %sub3A_189 = vector.broadcast %sub3A_188 : f32 to vector<16xf32>
      %sub3A_190 = arith.subf %sub3A_189, %mul3A_187 : vector<16xf32>
      %mul3A_191 = arith.mulf %mul3A_185, %sub3A_190 : vector<16xf32>
      %mul3A_192 = arith.mulf %mul3A_179, %mul3A_191 : vector<16xf32>
      %mul3A_193 = arith.mulf %mul3A_192, %mul3A_191 : vector<16xf32>
      %sub3A_194 = arith.constant 1.500000e+00 : f32
      %sub3A_195 = vector.broadcast %sub3A_194 : f32 to vector<16xf32>
      %sub3A_196 = arith.subf %sub3A_195, %mul3A_193 : vector<16xf32>
      %mul3A_197 = arith.mulf %mul3A_191, %sub3A_196 : vector<16xf32>
      %mul3A_198 = arith.mulf %mul3A_179, %mul3A_197 : vector<16xf32>
      %mul3A_199 = arith.mulf %mul3A_198, %mul3A_197 : vector<16xf32>
      %sub3A_200 = arith.constant 1.500000e+00 : f32
      %sub3A_201 = vector.broadcast %sub3A_200 : f32 to vector<16xf32>
      %sub3A_202 = arith.subf %sub3A_201, %mul3A_199 : vector<16xf32>
      %mul3A_203 = arith.mulf %mul3A_197, %sub3A_202 : vector<16xf32>
      %swap3A = arith.index_cast %add3A_164 : i32 to index
      %swap3A_204 = tpu.vector_load %arg18[%swap3A] {strides = array<i32>} : memref<640xf32, #tpu.memory_space<vmem>>, vector<16xf32>,
      tpu.vector_store %arg18[%swap3A], %mul3A_203 {strides = array<i32>} : memref<640xf32, #tpu.memory_space<vmem>>, vector<16xf32>,
      %mul3A_205 = arith.mulf %mul3A_203, %mul3A_203 : vector<16xf32>
      %swap3A_206 = arith.index_cast %add3A_164 : i32 to index
      %swap3A_207 = tpu.vector_load %arg19[%swap3A_206] {strides = array<i32>} : memref<640xf32, #tpu.memory_space<vmem>>, vector<16xf32>,
      tpu.vector_store %arg19[%swap3A_206], %mul3A_205 {strides = array<i32>} : memref<640xf32, #tpu.memory_space<vmem>>, vector<16xf32>,
    }
    %scan3A_32 = arith.constant 40 : i32
    %scan3A_33 = arith.constant 0 : i32
    %scan3A_34 = arith.constant 10 : i32
    %scan3A_35 = arith.addi %scan3A_33, %scan3A_34 : i32
    %scan3A_36 = arith.constant 1 : i32
    scf.for %scan3A_160 = %scan3A_33 to %scan3A_35 step %scan3A_36  : i32 {
      %mul3A_161 = arith.constant 64 : i32
      %mul3A_162 = arith.muli %scan3A_160, %mul3A_161 : i32
      %add3A_163 = arith.constant 0 : i32
      %add3A_164 = arith.addi %add3A_163, %mul3A_162 : i32
      %add3A_165 = arith.addi %mul3A_1, %add3A_164 : i32
      %eq3A = arith.constant 0 : i32
      %eq3A_166 = arith.cmpi eq, %arg0, %eq3A : i32
      %convert_element_type3A = arith.extui %eq3A_166 : i1 to i32
      %cond3A = arith.constant 0 : i32
      %cond3A_167 = arith.cmpi ne, %convert_element_type3A, %cond3A : i32
      scf.if %cond3A_167 {
        "tpu.region"() ({
          %run_scoped3A = tpu.sem_alloc : memref<!tpu.dma_semaphore, #tpu.memory_space<semaphore_mem>>
          %dma_start3A_178 = arith.constant 0 : i32
          %dma_start3A_179 = tpu.memref_slice %arg4[%add3A_165, %dma_start3A_178] : memref<10240x64xf32, #tpu.memory_space<hbm>> -> memref<64x64xf32, #tpu.memory_space<hbm>>
          %dma_start3A_180 = arith.constant 0 : i32
          %dma_start3A_181 = tpu.memref_slice %arg4[%add3A_165, %dma_start3A_180] : memref<10240x64xf32, #tpu.memory_space<hbm>> -> memref<64x64xf32, #tpu.memory_space<hbm>>
          tpu.enqueue_dma source(%dma_start3A_181 : memref<64x64xf32, #tpu.memory_space<hbm>>) target(%arg16 : memref<64x64xf32, #tpu.memory_space<vmem>>) target_semaphore(%run_scoped3A : memref<!tpu.dma_semaphore, #tpu.memory_space<semaphore_mem>>)
          %dma_wait3A_182 = arith.constant 0 : i32
          %dma_wait3A_183 = tpu.memref_slice %arg4[%add3A_165, %dma_wait3A_182] : memref<10240x64xf32, #tpu.memory_space<hbm>> -> memref<64x64xf32, #tpu.memory_space<hbm>>
          %dma_wait3A_184 = arith.constant 0 : i32
          %dma_wait3A_185 = tpu.memref_slice %arg4[%add3A_165, %dma_wait3A_184] : memref<10240x64xf32, #tpu.memory_space<hbm>> -> memref<64x64xf32, #tpu.memory_space<hbm>>
          tpu.wait_dma2 semaphore(%run_scoped3A : memref<!tpu.dma_semaphore, #tpu.memory_space<semaphore_mem>>) src(%dma_wait3A_185 : memref<64x64xf32, #tpu.memory_space<hbm>>) dst(%arg16 : memref<64x64xf32, #tpu.memory_space<vmem>>)
          tpu.yield
        }) : () -> ()
      } else {
      }
      %eq3A_168 = arith.constant 1 : i32
      %eq3A_169 = arith.cmpi eq, %arg0, %eq3A_168 : i32
      %convert_element_type3A_170 = arith.extui %eq3A_169 : i1 to i32
      %cond3A_171 = arith.constant 0 : i32
      %cond3A_172 = arith.cmpi ne, %convert_element_type3A_170, %cond3A_171 : i32
      scf.if %cond3A_172 {
        "tpu.region"() ({
          %run_scoped3A = tpu.sem_alloc : memref<!tpu.dma_semaphore, #tpu.memory_space<semaphore_mem>>
          %dma_start3A_178 = arith.constant 0 : i32
          %dma_start3A_179 = tpu.memref_slice %arg5[%add3A_165, %dma_start3A_178] : memref<10240x64xf32, #tpu.memory_space<hbm>> -> memref<64x64xf32, #tpu.memory_space<hbm>>
          %dma_start3A_180 = arith.constant 0 : i32
          %dma_start3A_181 = tpu.memref_slice %arg5[%add3A_165, %dma_start3A_180] : memref<10240x64xf32, #tpu.memory_space<hbm>> -> memref<64x64xf32, #tpu.memory_space<hbm>>
          tpu.enqueue_dma source(%dma_start3A_181 : memref<64x64xf32, #tpu.memory_space<hbm>>) target(%arg16 : memref<64x64xf32, #tpu.memory_space<vmem>>) target_semaphore(%run_scoped3A : memref<!tpu.dma_semaphore, #tpu.memory_space<semaphore_mem>>)
          %dma_wait3A_182 = arith.constant 0 : i32
          %dma_wait3A_183 = tpu.memref_slice %arg5[%add3A_165, %dma_wait3A_182] : memref<10240x64xf32, #tpu.memory_space<hbm>> -> memref<64x64xf32, #tpu.memory_space<hbm>>
          %dma_wait3A_184 = arith.constant 0 : i32
          %dma_wait3A_185 = tpu.memref_slice %arg5[%add3A_165, %dma_wait3A_184] : memref<10240x64xf32, #tpu.memory_space<hbm>> -> memref<64x64xf32, #tpu.memory_space<hbm>>
          tpu.wait_dma2 semaphore(%run_scoped3A : memref<!tpu.dma_semaphore, #tpu.memory_space<semaphore_mem>>) src(%dma_wait3A_185 : memref<64x64xf32, #tpu.memory_space<hbm>>) dst(%arg16 : memref<64x64xf32, #tpu.memory_space<vmem>>)
          tpu.yield
        }) : () -> ()
      } else {
      }
      %scan3A_173 = arith.constant 0 : i32
      %scan3A_174 = arith.constant 64 : i32
      %scan3A_175 = arith.addi %scan3A_173, %scan3A_174 : i32
      %scan3A_176 = arith.constant 1 : i32
      scf.for %scan3A_178 = %scan3A_173 to %scan3A_175 step %scan3A_176  : i32 {
        %mul3A_179 = arith.constant 1 : i32
        %mul3A_180 = arith.muli %scan3A_178, %mul3A_179 : i32
        %add3A_181 = arith.constant 0 : i32
        %add3A_182 = arith.addi %add3A_181, %mul3A_180 : i32
        %add3A_183 = arith.addi %add3A_164, %add3A_182 : i32
        %broadcast_in_dim3A_184 = vector.broadcast %add3A_183 : i32 to vector<16xi32>
        %gather3A = tpu.vector_load_idx %arg18[%broadcast_in_dim3A_184] : memref<640xf32, #tpu.memory_space<vmem>>[vector<16xi32>], vector<16xf32>,
        %get3A = arith.index_cast %add3A_182 : i32 to index
        %get3A_185 = arith.constant 0 : index
        %get3A_186 = tpu.vector_load %arg16[%get3A, %get3A_185] {strides = array<i32>} : memref<64x64xf32, #tpu.memory_space<vmem>>, vector<16xf32>,
        %mul3A_187 = arith.mulf %get3A_186, %gather3A : vector<16xf32>
        %swap3A = arith.index_cast %add3A_182 : i32 to index
        %swap3A_188 = arith.constant 0 : index
        %swap3A_189 = tpu.vector_load %arg17[%swap3A, %swap3A_188] {strides = array<i32>} : memref<64x64xf32, #tpu.memory_space<vmem>>, vector<16xf32>,
        tpu.vector_store %arg17[%swap3A, %swap3A_188], %mul3A_187 {strides = array<i32>} : memref<64x64xf32, #tpu.memory_space<vmem>>, vector<16xf32>,
        %get3A_190 = arith.index_cast %add3A_182 : i32 to index
        %get3A_191 = arith.constant 16 : index
        %get3A_192 = tpu.vector_load %arg16[%get3A_190, %get3A_191] {strides = array<i32>} : memref<64x64xf32, #tpu.memory_space<vmem>>, vector<16xf32>,
        %mul3A_193 = arith.mulf %get3A_192, %gather3A : vector<16xf32>
        %swap3A_194 = arith.index_cast %add3A_182 : i32 to index
        %swap3A_195 = arith.constant 16 : index
        %swap3A_196 = tpu.vector_load %arg17[%swap3A_194, %swap3A_195] {strides = array<i32>} : memref<64x64xf32, #tpu.memory_space<vmem>>, vector<16xf32>,
        tpu.vector_store %arg17[%swap3A_194, %swap3A_195], %mul3A_193 {strides = array<i32>} : memref<64x64xf32, #tpu.memory_space<vmem>>, vector<16xf32>,
        %get3A_197 = arith.index_cast %add3A_182 : i32 to index
        %get3A_198 = arith.constant 32 : index
        %get3A_199 = tpu.vector_load %arg16[%get3A_197, %get3A_198] {strides = array<i32>} : memref<64x64xf32, #tpu.memory_space<vmem>>, vector<16xf32>,
        %mul3A_200 = arith.mulf %get3A_199, %gather3A : vector<16xf32>
        %swap3A_201 = arith.index_cast %add3A_182 : i32 to index
        %swap3A_202 = arith.constant 32 : index
        %swap3A_203 = tpu.vector_load %arg17[%swap3A_201, %swap3A_202] {strides = array<i32>} : memref<64x64xf32, #tpu.memory_space<vmem>>, vector<16xf32>,
        tpu.vector_store %arg17[%swap3A_201, %swap3A_202], %mul3A_200 {strides = array<i32>} : memref<64x64xf32, #tpu.memory_space<vmem>>, vector<16xf32>,
        %get3A_204 = arith.index_cast %add3A_182 : i32 to index
        %get3A_205 = arith.constant 48 : index
        %get3A_206 = tpu.vector_load %arg16[%get3A_204, %get3A_205] {strides = array<i32>} : memref<64x64xf32, #tpu.memory_space<vmem>>, vector<16xf32>,
        %mul3A_207 = arith.mulf %get3A_206, %gather3A : vector<16xf32>
        %swap3A_208 = arith.index_cast %add3A_182 : i32 to index
        %swap3A_209 = arith.constant 48 : index
        %swap3A_210 = tpu.vector_load %arg17[%swap3A_208, %swap3A_209] {strides = array<i32>} : memref<64x64xf32, #tpu.memory_space<vmem>>, vector<16xf32>,
        tpu.vector_store %arg17[%swap3A_208, %swap3A_209], %mul3A_207 {strides = array<i32>} : memref<64x64xf32, #tpu.memory_space<vmem>>, vector<16xf32>,
      }
      %scan3A_177 = arith.constant 64 : i32
      "tpu.region"() ({
        %run_scoped3A = tpu.sem_alloc : memref<!tpu.dma_semaphore, #tpu.memory_space<semaphore_mem>>
        %dma_start3A_178 = arith.constant 0 : i32
        %dma_start3A_179 = tpu.memref_slice %arg7[%arg0, %add3A_165, %dma_start3A_178] : memref<2x10240x64xf32, #tpu.memory_space<hbm>> -> memref<1x64x64xf32, #tpu.memory_space<hbm>>
        %dma_start3A_180 = tpu.memref_squeeze %dma_start3A_179 : memref<1x64x64xf32, #tpu.memory_space<hbm>> -> memref<64x64xf32, #tpu.memory_space<hbm>>
        %dma_start3A_181 = arith.constant 0 : i32
        %dma_start3A_182 = tpu.memref_slice %arg7[%arg0, %add3A_165, %dma_start3A_181] : memref<2x10240x64xf32, #tpu.memory_space<hbm>> -> memref<1x64x64xf32, #tpu.memory_space<hbm>>
        %dma_start3A_183 = tpu.memref_squeeze %dma_start3A_182 : memref<1x64x64xf32, #tpu.memory_space<hbm>> -> memref<64x64xf32, #tpu.memory_space<hbm>>
        tpu.enqueue_dma source(%arg17 : memref<64x64xf32, #tpu.memory_space<vmem>>) target(%dma_start3A_183 : memref<64x64xf32, #tpu.memory_space<hbm>>) target_semaphore(%run_scoped3A : memref<!tpu.dma_semaphore, #tpu.memory_space<semaphore_mem>>)
        %dma_wait3A_184 = arith.constant 0 : i32
        %dma_wait3A_185 = tpu.memref_slice %arg7[%arg0, %add3A_165, %dma_wait3A_184] : memref<2x10240x64xf32, #tpu.memory_space<hbm>> -> memref<1x64x64xf32, #tpu.memory_space<hbm>>
        %dma_wait3A_186 = tpu.memref_squeeze %dma_wait3A_185 : memref<1x64x64xf32, #tpu.memory_space<hbm>> -> memref<64x64xf32, #tpu.memory_space<hbm>>
        %dma_wait3A_187 = arith.constant 0 : i32
        %dma_wait3A_188 = tpu.memref_slice %arg7[%arg0, %add3A_165, %dma_wait3A_187] : memref<2x10240x64xf32, #tpu.memory_space<hbm>> -> memref<1x64x64xf32, #tpu.memory_space<hbm>>
        %dma_wait3A_189 = tpu.memref_squeeze %dma_wait3A_188 : memref<1x64x64xf32, #tpu.memory_space<hbm>> -> memref<64x64xf32, #tpu.memory_space<hbm>>
        tpu.wait_dma2 semaphore(%run_scoped3A : memref<!tpu.dma_semaphore, #tpu.memory_space<semaphore_mem>>) src(%arg17 : memref<64x64xf32, #tpu.memory_space<vmem>>) dst(%dma_wait3A_189 : memref<64x64xf32, #tpu.memory_space<hbm>>)
        tpu.yield
      }) : () -> ()
    }
    %scan3A_37 = arith.constant 10 : i32
    %mul3A_38 = arith.constant 160 : i32
    %mul3A_39 = arith.muli %arg1, %mul3A_38 : i32
    %dma_wait3A = arith.constant 0 : i32
    %dma_wait3A_40 = tpu.memref_slice %arg2[%mul3A_39, %dma_wait3A] : memref<2560x125xi32, #tpu.memory_space<hbm>> -> memref<160x125xi32, #tpu.memory_space<hbm>>
    %dma_wait3A_41 = arith.constant 0 : i32
    %dma_wait3A_42 = tpu.memref_slice %arg2[%mul3A_39, %dma_wait3A_41] : memref<2560x125xi32, #tpu.memory_space<hbm>> -> memref<160x125xi32, #tpu.memory_space<hbm>>
    tpu.wait_dma2 semaphore(%arg21 : memref<!tpu.dma_semaphore, #tpu.memory_space<semaphore_mem>>) src(%dma_wait3A_42 : memref<160x125xi32, #tpu.memory_space<hbm>>) dst(%arg8 : memref<160x125xi32, #tpu.memory_space<vmem>>)
    %mul3A_43 = arith.constant 160 : i32
    %mul3A_44 = arith.muli %arg1, %mul3A_43 : i32
    %dma_wait3A_45 = arith.constant 0 : i32
    %dma_wait3A_46 = tpu.memref_slice %arg3[%mul3A_44, %dma_wait3A_45] : memref<2560x125xi32, #tpu.memory_space<hbm>> -> memref<160x125xi32, #tpu.memory_space<hbm>>
    %dma_wait3A_47 = arith.constant 0 : i32
    %dma_wait3A_48 = tpu.memref_slice %arg3[%mul3A_44, %dma_wait3A_47] : memref<2560x125xi32, #tpu.memory_space<hbm>> -> memref<160x125xi32, #tpu.memory_space<hbm>>
    tpu.wait_dma2 semaphore(%arg22 : memref<!tpu.dma_semaphore, #tpu.memory_space<semaphore_mem>>) src(%dma_wait3A_48 : memref<160x125xi32, #tpu.memory_space<hbm>>) dst(%arg9 : memref<160x125xi32, #tpu.memory_space<vmem>>)
    %barrier3A = arith.constant 0 : index
    tpu.barrier barrier_id(%barrier3A)
    %dma_start3A_49 = arith.constant 0 : i32
    %dma_start3A_50 = arith.constant 0 : i32
    %dma_start3A_51 = tpu.memref_slice %arg8[%dma_start3A_49, %dma_start3A_50] : memref<160x125xi32, #tpu.memory_space<vmem>> -> memref<1x125xi32, #tpu.memory_space<vmem>>
    %dma_start3A_52 = tpu.memref_squeeze %dma_start3A_51 : memref<1x125xi32, #tpu.memory_space<vmem>> -> memref<125xi32, #tpu.memory_space<vmem>>
    %dma_start3A_53 = arith.constant 0 : i32
    %dma_start3A_54 = arith.constant 0 : i32
    %dma_start3A_55 = tpu.memref_slice %arg7[%arg0, %dma_start3A_53, %dma_start3A_54] : memref<2x10240x64xf32, #tpu.memory_space<hbm>> -> memref<1x10240x64xf32, #tpu.memory_space<hbm>>
    %dma_start3A_56 = tpu.memref_squeeze %dma_start3A_55 : memref<1x10240x64xf32, #tpu.memory_space<hbm>> -> memref<10240x64xf32, #tpu.memory_space<hbm>>
    %dma_start3A_57 = arith.constant 0 : i32
    %dma_start3A_58 = arith.constant 0 : i32
    %dma_start3A_59 = tpu.memref_slice %dma_start3A_56[%dma_start3A_57, %dma_start3A_58] : memref<10240x64xf32, #tpu.memory_space<hbm>> -> memref<10240x64xf32, #tpu.memory_space<hbm>>
    tpu.enqueue_indirect_dma source(%dma_start3A_59 : memref<10240x64xf32, #tpu.memory_space<hbm>>) target(%arg10 : memref<125x64xf32, #tpu.memory_space<vmem>>) offsets(%dma_start3A_52 : memref<125xi32, #tpu.memory_space<vmem>>) semaphore(%arg21 : memref<!tpu.dma_semaphore, #tpu.memory_space<semaphore_mem>>)
    %dma_start3A_60 = arith.constant 1 : i32
    %dma_start3A_61 = arith.constant 0 : i32
    %dma_start3A_62 = tpu.memref_slice %arg8[%dma_start3A_60, %dma_start3A_61] : memref<160x125xi32, #tpu.memory_space<vmem>> -> memref<1x125xi32, #tpu.memory_space<vmem>>
    %dma_start3A_63 = tpu.memref_squeeze %dma_start3A_62 : memref<1x125xi32, #tpu.memory_space<vmem>> -> memref<125xi32, #tpu.memory_space<vmem>>
    %dma_start3A_64 = arith.constant 0 : i32
    %dma_start3A_65 = arith.constant 0 : i32
    %dma_start3A_66 = tpu.memref_slice %arg7[%arg0, %dma_start3A_64, %dma_start3A_65] : memref<2x10240x64xf32, #tpu.memory_space<hbm>> -> memref<1x10240x64xf32, #tpu.memory_space<hbm>>
    %dma_start3A_67 = tpu.memref_squeeze %dma_start3A_66 : memref<1x10240x64xf32, #tpu.memory_space<hbm>> -> memref<10240x64xf32, #tpu.memory_space<hbm>>
    %dma_start3A_68 = arith.constant 0 : i32
    %dma_start3A_69 = arith.constant 0 : i32
    %dma_start3A_70 = tpu.memref_slice %dma_start3A_67[%dma_start3A_68, %dma_start3A_69] : memref<10240x64xf32, #tpu.memory_space<hbm>> -> memref<10240x64xf32, #tpu.memory_space<hbm>>
    tpu.enqueue_indirect_dma source(%dma_start3A_70 : memref<10240x64xf32, #tpu.memory_space<hbm>>) target(%arg11 : memref<125x64xf32, #tpu.memory_space<vmem>>) offsets(%dma_start3A_63 : memref<125xi32, #tpu.memory_space<vmem>>) semaphore(%arg22 : memref<!tpu.dma_semaphore, #tpu.memory_space<semaphore_mem>>)
    %dma_start3A_71 = arith.constant 2 : i32
    %dma_start3A_72 = arith.constant 0 : i32
    %dma_start3A_73 = tpu.memref_slice %arg8[%dma_start3A_71, %dma_start3A_72] : memref<160x125xi32, #tpu.memory_space<vmem>> -> memref<1x125xi32, #tpu.memory_space<vmem>>
    %dma_start3A_74 = tpu.memref_squeeze %dma_start3A_73 : memref<1x125xi32, #tpu.memory_space<vmem>> -> memref<125xi32, #tpu.memory_space<vmem>>
    %dma_start3A_75 = arith.constant 0 : i32
    %dma_start3A_76 = arith.constant 0 : i32
    %dma_start3A_77 = tpu.memref_slice %arg7[%arg0, %dma_start3A_75, %dma_start3A_76] : memref<2x10240x64xf32, #tpu.memory_space<hbm>> -> memref<1x10240x64xf32, #tpu.memory_space<hbm>>
    %dma_start3A_78 = tpu.memref_squeeze %dma_start3A_77 : memref<1x10240x64xf32, #tpu.memory_space<hbm>> -> memref<10240x64xf32, #tpu.memory_space<hbm>>
    %dma_start3A_79 = arith.constant 0 : i32
    %dma_start3A_80 = arith.constant 0 : i32
    %dma_start3A_81 = tpu.memref_slice %dma_start3A_78[%dma_start3A_79, %dma_start3A_80] : memref<10240x64xf32, #tpu.memory_space<hbm>> -> memref<10240x64xf32, #tpu.memory_space<hbm>>
    tpu.enqueue_indirect_dma source(%dma_start3A_81 : memref<10240x64xf32, #tpu.memory_space<hbm>>) target(%arg12 : memref<125x64xf32, #tpu.memory_space<vmem>>) offsets(%dma_start3A_74 : memref<125xi32, #tpu.memory_space<vmem>>) semaphore(%arg23 : memref<!tpu.dma_semaphore, #tpu.memory_space<semaphore_mem>>)
    %dma_start3A_82 = arith.constant 3 : i32
    %dma_start3A_83 = arith.constant 0 : i32
    %dma_start3A_84 = tpu.memref_slice %arg8[%dma_start3A_82, %dma_start3A_83] : memref<160x125xi32, #tpu.memory_space<vmem>> -> memref<1x125xi32, #tpu.memory_space<vmem>>
    %dma_start3A_85 = tpu.memref_squeeze %dma_start3A_84 : memref<1x125xi32, #tpu.memory_space<vmem>> -> memref<125xi32, #tpu.memory_space<vmem>>
    %dma_start3A_86 = arith.constant 0 : i32
    %dma_start3A_87 = arith.constant 0 : i32
    %dma_start3A_88 = tpu.memref_slice %arg7[%arg0, %dma_start3A_86, %dma_start3A_87] : memref<2x10240x64xf32, #tpu.memory_space<hbm>> -> memref<1x10240x64xf32, #tpu.memory_space<hbm>>
    %dma_start3A_89 = tpu.memref_squeeze %dma_start3A_88 : memref<1x10240x64xf32, #tpu.memory_space<hbm>> -> memref<10240x64xf32, #tpu.memory_space<hbm>>
    %dma_start3A_90 = arith.constant 0 : i32
    %dma_start3A_91 = arith.constant 0 : i32
    %dma_start3A_92 = tpu.memref_slice %dma_start3A_89[%dma_start3A_90, %dma_start3A_91] : memref<10240x64xf32, #tpu.memory_space<hbm>> -> memref<10240x64xf32, #tpu.memory_space<hbm>>
    tpu.enqueue_indirect_dma source(%dma_start3A_92 : memref<10240x64xf32, #tpu.memory_space<hbm>>) target(%arg13 : memref<125x64xf32, #tpu.memory_space<vmem>>) offsets(%dma_start3A_85 : memref<125xi32, #tpu.memory_space<vmem>>) semaphore(%arg24 : memref<!tpu.dma_semaphore, #tpu.memory_space<semaphore_mem>>)
    %scan3A_93 = arith.constant 0 : i32
    %scan3A_94 = arith.constant 40 : i32
    %scan3A_95 = arith.addi %scan3A_93, %scan3A_94 : i32
    %scan3A_96 = arith.constant 1 : i32
    scf.for %scan3A_160 = %scan3A_93 to %scan3A_95 step %scan3A_96  : i32 {
      %mul3A_161 = arith.constant 4 : i32
      %mul3A_162 = arith.muli %scan3A_160, %mul3A_161 : i32
      %add3A_163 = arith.constant 0 : i32
      %add3A_164 = arith.addi %add3A_163, %mul3A_162 : i32
      %add3A_165 = arith.constant 0 : i32
      %add3A_166 = arith.addi %add3A_164, %add3A_165 : i32
      %dma_wait3A_167 = arith.constant 0 : i32
      %dma_wait3A_168 = tpu.memref_slice %arg8[%add3A_166, %dma_wait3A_167] : memref<160x125xi32, #tpu.memory_space<vmem>> -> memref<1x125xi32, #tpu.memory_space<vmem>>
      %dma_wait3A_169 = tpu.memref_squeeze %dma_wait3A_168 : memref<1x125xi32, #tpu.memory_space<vmem>> -> memref<125xi32, #tpu.memory_space<vmem>>
      %dma_wait3A_170 = arith.constant 0 : i32
      %dma_wait3A_171 = arith.constant 0 : i32
      %dma_wait3A_172 = tpu.memref_slice %arg7[%arg0, %dma_wait3A_170, %dma_wait3A_171] : memref<2x10240x64xf32, #tpu.memory_space<hbm>> -> memref<1x10240x64xf32, #tpu.memory_space<hbm>>
      %dma_wait3A_173 = tpu.memref_squeeze %dma_wait3A_172 : memref<1x10240x64xf32, #tpu.memory_space<hbm>> -> memref<10240x64xf32, #tpu.memory_space<hbm>>
      %dma_wait3A_174 = arith.constant 0 : i32
      %dma_wait3A_175 = arith.constant 0 : i32
      %dma_wait3A_176 = tpu.memref_slice %dma_wait3A_173[%dma_wait3A_174, %dma_wait3A_175] : memref<10240x64xf32, #tpu.memory_space<hbm>> -> memref<10240x64xf32, #tpu.memory_space<hbm>>
      tpu.wait_indirect_dma semaphore(%arg21 : memref<!tpu.dma_semaphore, #tpu.memory_space<semaphore_mem>>) src(%dma_wait3A_176 : memref<10240x64xf32, #tpu.memory_space<hbm>>) dst(%arg10 : memref<125x64xf32, #tpu.memory_space<vmem>>)
      %dma_start3A_177 = arith.constant 0 : i32
      %dma_start3A_178 = tpu.memref_slice %arg9[%add3A_166, %dma_start3A_177] : memref<160x125xi32, #tpu.memory_space<vmem>> -> memref<1x125xi32, #tpu.memory_space<vmem>>
      %dma_start3A_179 = tpu.memref_squeeze %dma_start3A_178 : memref<1x125xi32, #tpu.memory_space<vmem>> -> memref<125xi32, #tpu.memory_space<vmem>>
      %dma_start3A_180 = arith.constant 0 : i32
      %dma_start3A_181 = arith.constant 0 : i32
      %dma_start3A_182 = tpu.memref_slice %arg20[%dma_start3A_180, %dma_start3A_181] : memref<10112x64xf32, #tpu.memory_space<vmem_shared>> -> memref<10112x64xf32, #tpu.memory_space<vmem_shared>>
      tpu.enqueue_indirect_dma source(%arg10 : memref<125x64xf32, #tpu.memory_space<vmem>>) target(%dma_start3A_182 : memref<10112x64xf32, #tpu.memory_space<vmem_shared>>) offsets(%dma_start3A_179 : memref<125xi32, #tpu.memory_space<vmem>>) semaphore(%arg25 : memref<!tpu.dma_semaphore, #tpu.memory_space<semaphore_mem>>) {add = true}
      %add3A_183 = arith.constant 1 : i32
      %add3A_184 = arith.addi %add3A_164, %add3A_183 : i32
      %dma_wait3A_185 = arith.constant 0 : i32
      %dma_wait3A_186 = tpu.memref_slice %arg8[%add3A_184, %dma_wait3A_185] : memref<160x125xi32, #tpu.memory_space<vmem>> -> memref<1x125xi32, #tpu.memory_space<vmem>>
      %dma_wait3A_187 = tpu.memref_squeeze %dma_wait3A_186 : memref<1x125xi32, #tpu.memory_space<vmem>> -> memref<125xi32, #tpu.memory_space<vmem>>
      %dma_wait3A_188 = arith.constant 0 : i32
      %dma_wait3A_189 = arith.constant 0 : i32
      %dma_wait3A_190 = tpu.memref_slice %arg7[%arg0, %dma_wait3A_188, %dma_wait3A_189] : memref<2x10240x64xf32, #tpu.memory_space<hbm>> -> memref<1x10240x64xf32, #tpu.memory_space<hbm>>
      %dma_wait3A_191 = tpu.memref_squeeze %dma_wait3A_190 : memref<1x10240x64xf32, #tpu.memory_space<hbm>> -> memref<10240x64xf32, #tpu.memory_space<hbm>>
      %dma_wait3A_192 = arith.constant 0 : i32
      %dma_wait3A_193 = arith.constant 0 : i32
      %dma_wait3A_194 = tpu.memref_slice %dma_wait3A_191[%dma_wait3A_192, %dma_wait3A_193] : memref<10240x64xf32, #tpu.memory_space<hbm>> -> memref<10240x64xf32, #tpu.memory_space<hbm>>
      tpu.wait_indirect_dma semaphore(%arg22 : memref<!tpu.dma_semaphore, #tpu.memory_space<semaphore_mem>>) src(%dma_wait3A_194 : memref<10240x64xf32, #tpu.memory_space<hbm>>) dst(%arg11 : memref<125x64xf32, #tpu.memory_space<vmem>>)
      %dma_start3A_195 = arith.constant 0 : i32
      %dma_start3A_196 = tpu.memref_slice %arg9[%add3A_184, %dma_start3A_195] : memref<160x125xi32, #tpu.memory_space<vmem>> -> memref<1x125xi32, #tpu.memory_space<vmem>>
      %dma_start3A_197 = tpu.memref_squeeze %dma_start3A_196 : memref<1x125xi32, #tpu.memory_space<vmem>> -> memref<125xi32, #tpu.memory_space<vmem>>
      %dma_start3A_198 = arith.constant 0 : i32
      %dma_start3A_199 = arith.constant 0 : i32
      %dma_start3A_200 = tpu.memref_slice %arg20[%dma_start3A_198, %dma_start3A_199] : memref<10112x64xf32, #tpu.memory_space<vmem_shared>> -> memref<10112x64xf32, #tpu.memory_space<vmem_shared>>
      tpu.enqueue_indirect_dma source(%arg11 : memref<125x64xf32, #tpu.memory_space<vmem>>) target(%dma_start3A_200 : memref<10112x64xf32, #tpu.memory_space<vmem_shared>>) offsets(%dma_start3A_197 : memref<125xi32, #tpu.memory_space<vmem>>) semaphore(%arg26 : memref<!tpu.dma_semaphore, #tpu.memory_space<semaphore_mem>>) {add = true}
      %add3A_201 = arith.constant 2 : i32
      %add3A_202 = arith.addi %add3A_164, %add3A_201 : i32
      %dma_wait3A_203 = arith.constant 0 : i32
      %dma_wait3A_204 = tpu.memref_slice %arg8[%add3A_202, %dma_wait3A_203] : memref<160x125xi32, #tpu.memory_space<vmem>> -> memref<1x125xi32, #tpu.memory_space<vmem>>
      %dma_wait3A_205 = tpu.memref_squeeze %dma_wait3A_204 : memref<1x125xi32, #tpu.memory_space<vmem>> -> memref<125xi32, #tpu.memory_space<vmem>>
      %dma_wait3A_206 = arith.constant 0 : i32
      %dma_wait3A_207 = arith.constant 0 : i32
      %dma_wait3A_208 = tpu.memref_slice %arg7[%arg0, %dma_wait3A_206, %dma_wait3A_207] : memref<2x10240x64xf32, #tpu.memory_space<hbm>> -> memref<1x10240x64xf32, #tpu.memory_space<hbm>>
      %dma_wait3A_209 = tpu.memref_squeeze %dma_wait3A_208 : memref<1x10240x64xf32, #tpu.memory_space<hbm>> -> memref<10240x64xf32, #tpu.memory_space<hbm>>
      %dma_wait3A_210 = arith.constant 0 : i32
      %dma_wait3A_211 = arith.constant 0 : i32
      %dma_wait3A_212 = tpu.memref_slice %dma_wait3A_209[%dma_wait3A_210, %dma_wait3A_211] : memref<10240x64xf32, #tpu.memory_space<hbm>> -> memref<10240x64xf32, #tpu.memory_space<hbm>>
      tpu.wait_indirect_dma semaphore(%arg23 : memref<!tpu.dma_semaphore, #tpu.memory_space<semaphore_mem>>) src(%dma_wait3A_212 : memref<10240x64xf32, #tpu.memory_space<hbm>>) dst(%arg12 : memref<125x64xf32, #tpu.memory_space<vmem>>)
      %dma_start3A_213 = arith.constant 0 : i32
      %dma_start3A_214 = tpu.memref_slice %arg9[%add3A_202, %dma_start3A_213] : memref<160x125xi32, #tpu.memory_space<vmem>> -> memref<1x125xi32, #tpu.memory_space<vmem>>
      %dma_start3A_215 = tpu.memref_squeeze %dma_start3A_214 : memref<1x125xi32, #tpu.memory_space<vmem>> -> memref<125xi32, #tpu.memory_space<vmem>>
      %dma_start3A_216 = arith.constant 0 : i32
      %dma_start3A_217 = arith.constant 0 : i32
      %dma_start3A_218 = tpu.memref_slice %arg20[%dma_start3A_216, %dma_start3A_217] : memref<10112x64xf32, #tpu.memory_space<vmem_shared>> -> memref<10112x64xf32, #tpu.memory_space<vmem_shared>>
      tpu.enqueue_indirect_dma source(%arg12 : memref<125x64xf32, #tpu.memory_space<vmem>>) target(%dma_start3A_218 : memref<10112x64xf32, #tpu.memory_space<vmem_shared>>) offsets(%dma_start3A_215 : memref<125xi32, #tpu.memory_space<vmem>>) semaphore(%arg27 : memref<!tpu.dma_semaphore, #tpu.memory_space<semaphore_mem>>) {add = true}
      %add3A_219 = arith.constant 3 : i32
      %add3A_220 = arith.addi %add3A_164, %add3A_219 : i32
      %dma_wait3A_221 = arith.constant 0 : i32
      %dma_wait3A_222 = tpu.memref_slice %arg8[%add3A_220, %dma_wait3A_221] : memref<160x125xi32, #tpu.memory_space<vmem>> -> memref<1x125xi32, #tpu.memory_space<vmem>>
      %dma_wait3A_223 = tpu.memref_squeeze %dma_wait3A_222 : memref<1x125xi32, #tpu.memory_space<vmem>> -> memref<125xi32, #tpu.memory_space<vmem>>
      %dma_wait3A_224 = arith.constant 0 : i32
      %dma_wait3A_225 = arith.constant 0 : i32
      %dma_wait3A_226 = tpu.memref_slice %arg7[%arg0, %dma_wait3A_224, %dma_wait3A_225] : memref<2x10240x64xf32, #tpu.memory_space<hbm>> -> memref<1x10240x64xf32, #tpu.memory_space<hbm>>
      %dma_wait3A_227 = tpu.memref_squeeze %dma_wait3A_226 : memref<1x10240x64xf32, #tpu.memory_space<hbm>> -> memref<10240x64xf32, #tpu.memory_space<hbm>>
      %dma_wait3A_228 = arith.constant 0 : i32
      %dma_wait3A_229 = arith.constant 0 : i32
      %dma_wait3A_230 = tpu.memref_slice %dma_wait3A_227[%dma_wait3A_228, %dma_wait3A_229] : memref<10240x64xf32, #tpu.memory_space<hbm>> -> memref<10240x64xf32, #tpu.memory_space<hbm>>
      tpu.wait_indirect_dma semaphore(%arg24 : memref<!tpu.dma_semaphore, #tpu.memory_space<semaphore_mem>>) src(%dma_wait3A_230 : memref<10240x64xf32, #tpu.memory_space<hbm>>) dst(%arg13 : memref<125x64xf32, #tpu.memory_space<vmem>>)
      %dma_start3A_231 = arith.constant 0 : i32
      %dma_start3A_232 = tpu.memref_slice %arg9[%add3A_220, %dma_start3A_231] : memref<160x125xi32, #tpu.memory_space<vmem>> -> memref<1x125xi32, #tpu.memory_space<vmem>>
      %dma_start3A_233 = tpu.memref_squeeze %dma_start3A_232 : memref<1x125xi32, #tpu.memory_space<vmem>> -> memref<125xi32, #tpu.memory_space<vmem>>
      %dma_start3A_234 = arith.constant 0 : i32
      %dma_start3A_235 = arith.constant 0 : i32
      %dma_start3A_236 = tpu.memref_slice %arg20[%dma_start3A_234, %dma_start3A_235] : memref<10112x64xf32, #tpu.memory_space<vmem_shared>> -> memref<10112x64xf32, #tpu.memory_space<vmem_shared>>
      tpu.enqueue_indirect_dma source(%arg13 : memref<125x64xf32, #tpu.memory_space<vmem>>) target(%dma_start3A_236 : memref<10112x64xf32, #tpu.memory_space<vmem_shared>>) offsets(%dma_start3A_233 : memref<125xi32, #tpu.memory_space<vmem>>) semaphore(%arg28 : memref<!tpu.dma_semaphore, #tpu.memory_space<semaphore_mem>>) {add = true}
      %add3A_237 = arith.constant 0 : i32
      %add3A_238 = arith.addi %add3A_164, %add3A_237 : i32
      %dma_wait3A_239 = arith.constant 0 : i32
      %dma_wait3A_240 = tpu.memref_slice %arg9[%add3A_238, %dma_wait3A_239] : memref<160x125xi32, #tpu.memory_space<vmem>> -> memref<1x125xi32, #tpu.memory_space<vmem>>
      %dma_wait3A_241 = tpu.memref_squeeze %dma_wait3A_240 : memref<1x125xi32, #tpu.memory_space<vmem>> -> memref<125xi32, #tpu.memory_space<vmem>>
      %dma_wait3A_242 = arith.constant 0 : i32
      %dma_wait3A_243 = arith.constant 0 : i32
      %dma_wait3A_244 = tpu.memref_slice %arg20[%dma_wait3A_242, %dma_wait3A_243] : memref<10112x64xf32, #tpu.memory_space<vmem_shared>> -> memref<10112x64xf32, #tpu.memory_space<vmem_shared>>
      tpu.wait_indirect_dma semaphore(%arg25 : memref<!tpu.dma_semaphore, #tpu.memory_space<semaphore_mem>>) src(%arg10 : memref<125x64xf32, #tpu.memory_space<vmem>>) dst(%dma_wait3A_244 : memref<10112x64xf32, #tpu.memory_space<vmem_shared>>)
      %add3A_245 = arith.constant 4 : i32
      %add3A_246 = arith.addi %add3A_238, %add3A_245 : i32
      %lt3A = arith.constant 160 : i32
      %lt3A_247 = arith.cmpi slt, %add3A_246, %lt3A : i32
      %convert_element_type3A = arith.extui %lt3A_247 : i1 to i32
      %cond3A = arith.constant 0 : i32
      %cond3A_248 = arith.cmpi ne, %convert_element_type3A, %cond3A : i32
      scf.if %cond3A_248 {
        %add3A_294 = arith.constant 4 : i32
        %add3A_295 = arith.addi %add3A_238, %add3A_294 : i32
        %dma_start3A_296 = arith.constant 0 : i32
        %dma_start3A_297 = tpu.memref_slice %arg8[%add3A_295, %dma_start3A_296] : memref<160x125xi32, #tpu.memory_space<vmem>> -> memref<1x125xi32, #tpu.memory_space<vmem>>
        %dma_start3A_298 = tpu.memref_squeeze %dma_start3A_297 : memref<1x125xi32, #tpu.memory_space<vmem>> -> memref<125xi32, #tpu.memory_space<vmem>>
        %dma_start3A_299 = arith.constant 0 : i32
        %dma_start3A_300 = arith.constant 0 : i32
        %dma_start3A_301 = tpu.memref_slice %arg7[%arg0, %dma_start3A_299, %dma_start3A_300] : memref<2x10240x64xf32, #tpu.memory_space<hbm>> -> memref<1x10240x64xf32, #tpu.memory_space<hbm>>
        %dma_start3A_302 = tpu.memref_squeeze %dma_start3A_301 : memref<1x10240x64xf32, #tpu.memory_space<hbm>> -> memref<10240x64xf32, #tpu.memory_space<hbm>>
        %dma_start3A_303 = arith.constant 0 : i32
        %dma_start3A_304 = arith.constant 0 : i32
        %dma_start3A_305 = tpu.memref_slice %dma_start3A_302[%dma_start3A_303, %dma_start3A_304] : memref<10240x64xf32, #tpu.memory_space<hbm>> -> memref<10240x64xf32, #tpu.memory_space<hbm>>
        tpu.enqueue_indirect_dma source(%dma_start3A_305 : memref<10240x64xf32, #tpu.memory_space<hbm>>) target(%arg10 : memref<125x64xf32, #tpu.memory_space<vmem>>) offsets(%dma_start3A_298 : memref<125xi32, #tpu.memory_space<vmem>>) semaphore(%arg21 : memref<!tpu.dma_semaphore, #tpu.memory_space<semaphore_mem>>)
      } else {
      }
      %add3A_249 = arith.constant 1 : i32
      %add3A_250 = arith.addi %add3A_164, %add3A_249 : i32
      %dma_wait3A_251 = arith.constant 0 : i32
      %dma_wait3A_252 = tpu.memref_slice %arg9[%add3A_250, %dma_wait3A_251] : memref<160x125xi32, #tpu.memory_space<vmem>> -> memref<1x125xi32, #tpu.memory_space<vmem>>
      %dma_wait3A_253 = tpu.memref_squeeze %dma_wait3A_252 : memref<1x125xi32, #tpu.memory_space<vmem>> -> memref<125xi32, #tpu.memory_space<vmem>>
      %dma_wait3A_254 = arith.constant 0 : i32
      %dma_wait3A_255 = arith.constant 0 : i32
      %dma_wait3A_256 = tpu.memref_slice %arg20[%dma_wait3A_254, %dma_wait3A_255] : memref<10112x64xf32, #tpu.memory_space<vmem_shared>> -> memref<10112x64xf32, #tpu.memory_space<vmem_shared>>
      tpu.wait_indirect_dma semaphore(%arg26 : memref<!tpu.dma_semaphore, #tpu.memory_space<semaphore_mem>>) src(%arg11 : memref<125x64xf32, #tpu.memory_space<vmem>>) dst(%dma_wait3A_256 : memref<10112x64xf32, #tpu.memory_space<vmem_shared>>)
      %add3A_257 = arith.constant 4 : i32
      %add3A_258 = arith.addi %add3A_250, %add3A_257 : i32
      %lt3A_259 = arith.constant 160 : i32
      %lt3A_260 = arith.cmpi slt, %add3A_258, %lt3A_259 : i32
      %convert_element_type3A_261 = arith.extui %lt3A_260 : i1 to i32
      %cond3A_262 = arith.constant 0 : i32
      %cond3A_263 = arith.cmpi ne, %convert_element_type3A_261, %cond3A_262 : i32
      scf.if %cond3A_263 {
        %add3A_294 = arith.constant 4 : i32
        %add3A_295 = arith.addi %add3A_250, %add3A_294 : i32
        %dma_start3A_296 = arith.constant 0 : i32
        %dma_start3A_297 = tpu.memref_slice %arg8[%add3A_295, %dma_start3A_296] : memref<160x125xi32, #tpu.memory_space<vmem>> -> memref<1x125xi32, #tpu.memory_space<vmem>>
        %dma_start3A_298 = tpu.memref_squeeze %dma_start3A_297 : memref<1x125xi32, #tpu.memory_space<vmem>> -> memref<125xi32, #tpu.memory_space<vmem>>
        %dma_start3A_299 = arith.constant 0 : i32
        %dma_start3A_300 = arith.constant 0 : i32
        %dma_start3A_301 = tpu.memref_slice %arg7[%arg0, %dma_start3A_299, %dma_start3A_300] : memref<2x10240x64xf32, #tpu.memory_space<hbm>> -> memref<1x10240x64xf32, #tpu.memory_space<hbm>>
        %dma_start3A_302 = tpu.memref_squeeze %dma_start3A_301 : memref<1x10240x64xf32, #tpu.memory_space<hbm>> -> memref<10240x64xf32, #tpu.memory_space<hbm>>
        %dma_start3A_303 = arith.constant 0 : i32
        %dma_start3A_304 = arith.constant 0 : i32
        %dma_start3A_305 = tpu.memref_slice %dma_start3A_302[%dma_start3A_303, %dma_start3A_304] : memref<10240x64xf32, #tpu.memory_space<hbm>> -> memref<10240x64xf32, #tpu.memory_space<hbm>>
        tpu.enqueue_indirect_dma source(%dma_start3A_305 : memref<10240x64xf32, #tpu.memory_space<hbm>>) target(%arg11 : memref<125x64xf32, #tpu.memory_space<vmem>>) offsets(%dma_start3A_298 : memref<125xi32, #tpu.memory_space<vmem>>) semaphore(%arg22 : memref<!tpu.dma_semaphore, #tpu.memory_space<semaphore_mem>>)
      } else {
      }
      %add3A_264 = arith.constant 2 : i32
      %add3A_265 = arith.addi %add3A_164, %add3A_264 : i32
      %dma_wait3A_266 = arith.constant 0 : i32
      %dma_wait3A_267 = tpu.memref_slice %arg9[%add3A_265, %dma_wait3A_266] : memref<160x125xi32, #tpu.memory_space<vmem>> -> memref<1x125xi32, #tpu.memory_space<vmem>>
      %dma_wait3A_268 = tpu.memref_squeeze %dma_wait3A_267 : memref<1x125xi32, #tpu.memory_space<vmem>> -> memref<125xi32, #tpu.memory_space<vmem>>
      %dma_wait3A_269 = arith.constant 0 : i32
      %dma_wait3A_270 = arith.constant 0 : i32
      %dma_wait3A_271 = tpu.memref_slice %arg20[%dma_wait3A_269, %dma_wait3A_270] : memref<10112x64xf32, #tpu.memory_space<vmem_shared>> -> memref<10112x64xf32, #tpu.memory_space<vmem_shared>>
      tpu.wait_indirect_dma semaphore(%arg27 : memref<!tpu.dma_semaphore, #tpu.memory_space<semaphore_mem>>) src(%arg12 : memref<125x64xf32, #tpu.memory_space<vmem>>) dst(%dma_wait3A_271 : memref<10112x64xf32, #tpu.memory_space<vmem_shared>>)
      %add3A_272 = arith.constant 4 : i32
      %add3A_273 = arith.addi %add3A_265, %add3A_272 : i32
      %lt3A_274 = arith.constant 160 : i32
      %lt3A_275 = arith.cmpi slt, %add3A_273, %lt3A_274 : i32
      %convert_element_type3A_276 = arith.extui %lt3A_275 : i1 to i32
      %cond3A_277 = arith.constant 0 : i32
      %cond3A_278 = arith.cmpi ne, %convert_element_type3A_276, %cond3A_277 : i32
      scf.if %cond3A_278 {
        %add3A_294 = arith.constant 4 : i32
        %add3A_295 = arith.addi %add3A_265, %add3A_294 : i32
        %dma_start3A_296 = arith.constant 0 : i32
        %dma_start3A_297 = tpu.memref_slice %arg8[%add3A_295, %dma_start3A_296] : memref<160x125xi32, #tpu.memory_space<vmem>> -> memref<1x125xi32, #tpu.memory_space<vmem>>
        %dma_start3A_298 = tpu.memref_squeeze %dma_start3A_297 : memref<1x125xi32, #tpu.memory_space<vmem>> -> memref<125xi32, #tpu.memory_space<vmem>>
        %dma_start3A_299 = arith.constant 0 : i32
        %dma_start3A_300 = arith.constant 0 : i32
        %dma_start3A_301 = tpu.memref_slice %arg7[%arg0, %dma_start3A_299, %dma_start3A_300] : memref<2x10240x64xf32, #tpu.memory_space<hbm>> -> memref<1x10240x64xf32, #tpu.memory_space<hbm>>
        %dma_start3A_302 = tpu.memref_squeeze %dma_start3A_301 : memref<1x10240x64xf32, #tpu.memory_space<hbm>> -> memref<10240x64xf32, #tpu.memory_space<hbm>>
        %dma_start3A_303 = arith.constant 0 : i32
        %dma_start3A_304 = arith.constant 0 : i32
        %dma_start3A_305 = tpu.memref_slice %dma_start3A_302[%dma_start3A_303, %dma_start3A_304] : memref<10240x64xf32, #tpu.memory_space<hbm>> -> memref<10240x64xf32, #tpu.memory_space<hbm>>
        tpu.enqueue_indirect_dma source(%dma_start3A_305 : memref<10240x64xf32, #tpu.memory_space<hbm>>) target(%arg12 : memref<125x64xf32, #tpu.memory_space<vmem>>) offsets(%dma_start3A_298 : memref<125xi32, #tpu.memory_space<vmem>>) semaphore(%arg23 : memref<!tpu.dma_semaphore, #tpu.memory_space<semaphore_mem>>)
      } else {
      }
      %add3A_279 = arith.constant 3 : i32
      %add3A_280 = arith.addi %add3A_164, %add3A_279 : i32
      %dma_wait3A_281 = arith.constant 0 : i32
      %dma_wait3A_282 = tpu.memref_slice %arg9[%add3A_280, %dma_wait3A_281] : memref<160x125xi32, #tpu.memory_space<vmem>> -> memref<1x125xi32, #tpu.memory_space<vmem>>
      %dma_wait3A_283 = tpu.memref_squeeze %dma_wait3A_282 : memref<1x125xi32, #tpu.memory_space<vmem>> -> memref<125xi32, #tpu.memory_space<vmem>>
      %dma_wait3A_284 = arith.constant 0 : i32
      %dma_wait3A_285 = arith.constant 0 : i32
      %dma_wait3A_286 = tpu.memref_slice %arg20[%dma_wait3A_284, %dma_wait3A_285] : memref<10112x64xf32, #tpu.memory_space<vmem_shared>> -> memref<10112x64xf32, #tpu.memory_space<vmem_shared>>
      tpu.wait_indirect_dma semaphore(%arg28 : memref<!tpu.dma_semaphore, #tpu.memory_space<semaphore_mem>>) src(%arg13 : memref<125x64xf32, #tpu.memory_space<vmem>>) dst(%dma_wait3A_286 : memref<10112x64xf32, #tpu.memory_space<vmem_shared>>)
      %add3A_287 = arith.constant 4 : i32
      %add3A_288 = arith.addi %add3A_280, %add3A_287 : i32
      %lt3A_289 = arith.constant 160 : i32
      %lt3A_290 = arith.cmpi slt, %add3A_288, %lt3A_289 : i32
      %convert_element_type3A_291 = arith.extui %lt3A_290 : i1 to i32
      %cond3A_292 = arith.constant 0 : i32
      %cond3A_293 = arith.cmpi ne, %convert_element_type3A_291, %cond3A_292 : i32
      scf.if %cond3A_293 {
        %add3A_294 = arith.constant 4 : i32
        %add3A_295 = arith.addi %add3A_280, %add3A_294 : i32
        %dma_start3A_296 = arith.constant 0 : i32
        %dma_start3A_297 = tpu.memref_slice %arg8[%add3A_295, %dma_start3A_296] : memref<160x125xi32, #tpu.memory_space<vmem>> -> memref<1x125xi32, #tpu.memory_space<vmem>>
        %dma_start3A_298 = tpu.memref_squeeze %dma_start3A_297 : memref<1x125xi32, #tpu.memory_space<vmem>> -> memref<125xi32, #tpu.memory_space<vmem>>
        %dma_start3A_299 = arith.constant 0 : i32
        %dma_start3A_300 = arith.constant 0 : i32
        %dma_start3A_301 = tpu.memref_slice %arg7[%arg0, %dma_start3A_299, %dma_start3A_300] : memref<2x10240x64xf32, #tpu.memory_space<hbm>> -> memref<1x10240x64xf32, #tpu.memory_space<hbm>>
        %dma_start3A_302 = tpu.memref_squeeze %dma_start3A_301 : memref<1x10240x64xf32, #tpu.memory_space<hbm>> -> memref<10240x64xf32, #tpu.memory_space<hbm>>
        %dma_start3A_303 = arith.constant 0 : i32
        %dma_start3A_304 = arith.constant 0 : i32
        %dma_start3A_305 = tpu.memref_slice %dma_start3A_302[%dma_start3A_303, %dma_start3A_304] : memref<10240x64xf32, #tpu.memory_space<hbm>> -> memref<10240x64xf32, #tpu.memory_space<hbm>>
        tpu.enqueue_indirect_dma source(%dma_start3A_305 : memref<10240x64xf32, #tpu.memory_space<hbm>>) target(%arg13 : memref<125x64xf32, #tpu.memory_space<vmem>>) offsets(%dma_start3A_298 : memref<125xi32, #tpu.memory_space<vmem>>) semaphore(%arg24 : memref<!tpu.dma_semaphore, #tpu.memory_space<semaphore_mem>>)
      } else {
      }
    }
    %scan3A_97 = arith.constant 40 : i32
    %barrier3A_98 = arith.constant 0 : index
    tpu.barrier barrier_id(%barrier3A_98)
    %scan3A_99 = arith.constant 0 : i32
    %scan3A_100 = arith.constant 10 : i32
    %scan3A_101 = arith.addi %scan3A_99, %scan3A_100 : i32
    %scan3A_102 = arith.constant 1 : i32
    scf.for %scan3A_160 = %scan3A_99 to %scan3A_101 step %scan3A_102  : i32 {
      %mul3A_161 = arith.constant 64 : i32
      %mul3A_162 = arith.muli %scan3A_160, %mul3A_161 : i32
      %add3A_163 = arith.constant 0 : i32
      %add3A_164 = arith.addi %add3A_163, %mul3A_162 : i32
      %add3A_165 = arith.addi %mul3A_1, %add3A_164 : i32
      %add3A_166 = arith.constant 64 : i32
      %add3A_167 = arith.addi %add3A_165, %add3A_166 : i32
      %le3A = arith.constant 10112 : i32
      %le3A_168 = arith.cmpi sle, %add3A_167, %le3A : i32
      %convert_element_type3A = arith.extui %le3A_168 : i1 to i32
      %cond3A = arith.constant 0 : i32
      %cond3A_169 = arith.cmpi ne, %convert_element_type3A, %cond3A : i32
      scf.if %cond3A_169 {
        %dma_start3A_170 = arith.constant 0 : i32
        %dma_start3A_171 = tpu.memref_slice %arg20[%add3A_165, %dma_start3A_170] : memref<10112x64xf32, #tpu.memory_space<vmem_shared>> -> memref<64x64xf32, #tpu.memory_space<vmem_shared>>
        %dma_start3A_172 = arith.constant 0 : i32
        %dma_start3A_173 = tpu.memref_slice %arg20[%add3A_165, %dma_start3A_172] : memref<10112x64xf32, #tpu.memory_space<vmem_shared>> -> memref<64x64xf32, #tpu.memory_space<vmem_shared>>
        tpu.enqueue_dma source(%dma_start3A_173 : memref<64x64xf32, #tpu.memory_space<vmem_shared>>) target(%arg15 : memref<64x64xf32, #tpu.memory_space<vmem>>) target_semaphore(%arg21 : memref<!tpu.dma_semaphore, #tpu.memory_space<semaphore_mem>>)
        %dma_start3A_174 = arith.constant 0 : i32
        %dma_start3A_175 = arith.constant 0 : i32
        %dma_start3A_176 = tpu.memref_slice %arg7[%arg0, %dma_start3A_174, %dma_start3A_175] : memref<2x10240x64xf32, #tpu.memory_space<hbm>> -> memref<1x10240x64xf32, #tpu.memory_space<hbm>>
        %dma_start3A_177 = tpu.memref_squeeze %dma_start3A_176 : memref<1x10240x64xf32, #tpu.memory_space<hbm>> -> memref<10240x64xf32, #tpu.memory_space<hbm>>
        %dma_start3A_178 = arith.constant 0 : i32
        %dma_start3A_179 = tpu.memref_slice %dma_start3A_177[%add3A_165, %dma_start3A_178] : memref<10240x64xf32, #tpu.memory_space<hbm>> -> memref<64x64xf32, #tpu.memory_space<hbm>>
        %dma_start3A_180 = arith.constant 0 : i32
        %dma_start3A_181 = arith.constant 0 : i32
        %dma_start3A_182 = tpu.memref_slice %arg7[%arg0, %dma_start3A_180, %dma_start3A_181] : memref<2x10240x64xf32, #tpu.memory_space<hbm>> -> memref<1x10240x64xf32, #tpu.memory_space<hbm>>
        %dma_start3A_183 = tpu.memref_squeeze %dma_start3A_182 : memref<1x10240x64xf32, #tpu.memory_space<hbm>> -> memref<10240x64xf32, #tpu.memory_space<hbm>>
        %dma_start3A_184 = arith.constant 0 : i32
        %dma_start3A_185 = tpu.memref_slice %dma_start3A_183[%add3A_165, %dma_start3A_184] : memref<10240x64xf32, #tpu.memory_space<hbm>> -> memref<64x64xf32, #tpu.memory_space<hbm>>
        tpu.enqueue_dma source(%dma_start3A_185 : memref<64x64xf32, #tpu.memory_space<hbm>>) target(%arg16 : memref<64x64xf32, #tpu.memory_space<vmem>>) target_semaphore(%arg22 : memref<!tpu.dma_semaphore, #tpu.memory_space<semaphore_mem>>)
        %dma_wait3A_186 = arith.constant 0 : i32
        %dma_wait3A_187 = tpu.memref_slice %arg20[%add3A_165, %dma_wait3A_186] : memref<10112x64xf32, #tpu.memory_space<vmem_shared>> -> memref<64x64xf32, #tpu.memory_space<vmem_shared>>
        %dma_wait3A_188 = arith.constant 0 : i32
        %dma_wait3A_189 = tpu.memref_slice %arg20[%add3A_165, %dma_wait3A_188] : memref<10112x64xf32, #tpu.memory_space<vmem_shared>> -> memref<64x64xf32, #tpu.memory_space<vmem_shared>>
        tpu.wait_dma2 semaphore(%arg21 : memref<!tpu.dma_semaphore, #tpu.memory_space<semaphore_mem>>) src(%dma_wait3A_189 : memref<64x64xf32, #tpu.memory_space<vmem_shared>>) dst(%arg15 : memref<64x64xf32, #tpu.memory_space<vmem>>)
        %dma_wait3A_190 = arith.constant 0 : i32
        %dma_wait3A_191 = arith.constant 0 : i32
        %dma_wait3A_192 = tpu.memref_slice %arg7[%arg0, %dma_wait3A_190, %dma_wait3A_191] : memref<2x10240x64xf32, #tpu.memory_space<hbm>> -> memref<1x10240x64xf32, #tpu.memory_space<hbm>>
        %dma_wait3A_193 = tpu.memref_squeeze %dma_wait3A_192 : memref<1x10240x64xf32, #tpu.memory_space<hbm>> -> memref<10240x64xf32, #tpu.memory_space<hbm>>
        %dma_wait3A_194 = arith.constant 0 : i32
        %dma_wait3A_195 = tpu.memref_slice %dma_wait3A_193[%add3A_165, %dma_wait3A_194] : memref<10240x64xf32, #tpu.memory_space<hbm>> -> memref<64x64xf32, #tpu.memory_space<hbm>>
        %dma_wait3A_196 = arith.constant 0 : i32
        %dma_wait3A_197 = arith.constant 0 : i32
        %dma_wait3A_198 = tpu.memref_slice %arg7[%arg0, %dma_wait3A_196, %dma_wait3A_197] : memref<2x10240x64xf32, #tpu.memory_space<hbm>> -> memref<1x10240x64xf32, #tpu.memory_space<hbm>>
        %dma_wait3A_199 = tpu.memref_squeeze %dma_wait3A_198 : memref<1x10240x64xf32, #tpu.memory_space<hbm>> -> memref<10240x64xf32, #tpu.memory_space<hbm>>
        %dma_wait3A_200 = arith.constant 0 : i32
        %dma_wait3A_201 = tpu.memref_slice %dma_wait3A_199[%add3A_165, %dma_wait3A_200] : memref<10240x64xf32, #tpu.memory_space<hbm>> -> memref<64x64xf32, #tpu.memory_space<hbm>>
        tpu.wait_dma2 semaphore(%arg22 : memref<!tpu.dma_semaphore, #tpu.memory_space<semaphore_mem>>) src(%dma_wait3A_201 : memref<64x64xf32, #tpu.memory_space<hbm>>) dst(%arg16 : memref<64x64xf32, #tpu.memory_space<vmem>>)
        %scan3A_202 = arith.constant 0 : i32
        %scan3A_203 = arith.constant 64 : i32
        %scan3A_204 = arith.addi %scan3A_202, %scan3A_203 : i32
        %scan3A_205 = arith.constant 1 : i32
        scf.for %scan3A_239 = %scan3A_202 to %scan3A_204 step %scan3A_205  : i32 {
          %mul3A_240 = arith.constant 1 : i32
          %mul3A_241 = arith.muli %scan3A_239, %mul3A_240 : i32
          %add3A_242 = arith.constant 0 : i32
          %add3A_243 = arith.addi %add3A_242, %mul3A_241 : i32
          %add3A_244 = arith.addi %add3A_164, %add3A_243 : i32
          %broadcast_in_dim3A_245 = vector.broadcast %add3A_244 : i32 to vector<16xi32>
          %gather3A = tpu.vector_load_idx %arg19[%broadcast_in_dim3A_245] : memref<640xf32, #tpu.memory_space<vmem>>[vector<16xi32>], vector<16xf32>,
          %get3A = arith.index_cast %add3A_243 : i32 to index
          %get3A_246 = arith.constant 0 : index
          %get3A_247 = tpu.vector_load %arg15[%get3A, %get3A_246] {strides = array<i32>} : memref<64x64xf32, #tpu.memory_space<vmem>>, vector<16xf32>,
          %get3A_248 = arith.index_cast %add3A_243 : i32 to index
          %get3A_249 = arith.constant 0 : index
          %get3A_250 = tpu.vector_load %arg16[%get3A_248, %get3A_249] {strides = array<i32>} : memref<64x64xf32, #tpu.memory_space<vmem>>, vector<16xf32>,
          %add3A_251 = arith.addf %get3A_247, %get3A_250 : vector<16xf32>
          %mul3A_252 = arith.mulf %add3A_251, %gather3A : vector<16xf32>
          %swap3A = arith.index_cast %add3A_243 : i32 to index
          %swap3A_253 = arith.constant 0 : index
          %swap3A_254 = tpu.vector_load %arg17[%swap3A, %swap3A_253] {strides = array<i32>} : memref<64x64xf32, #tpu.memory_space<vmem>>, vector<16xf32>,
          tpu.vector_store %arg17[%swap3A, %swap3A_253], %mul3A_252 {strides = array<i32>} : memref<64x64xf32, #tpu.memory_space<vmem>>, vector<16xf32>,
          %get3A_255 = arith.index_cast %add3A_243 : i32 to index
          %get3A_256 = arith.constant 16 : index
          %get3A_257 = tpu.vector_load %arg15[%get3A_255, %get3A_256] {strides = array<i32>} : memref<64x64xf32, #tpu.memory_space<vmem>>, vector<16xf32>,
          %get3A_258 = arith.index_cast %add3A_243 : i32 to index
          %get3A_259 = arith.constant 16 : index
          %get3A_260 = tpu.vector_load %arg16[%get3A_258, %get3A_259] {strides = array<i32>} : memref<64x64xf32, #tpu.memory_space<vmem>>, vector<16xf32>,
          %add3A_261 = arith.addf %get3A_257, %get3A_260 : vector<16xf32>
          %mul3A_262 = arith.mulf %add3A_261, %gather3A : vector<16xf32>
          %swap3A_263 = arith.index_cast %add3A_243 : i32 to index
          %swap3A_264 = arith.constant 16 : index
          %swap3A_265 = tpu.vector_load %arg17[%swap3A_263, %swap3A_264] {strides = array<i32>} : memref<64x64xf32, #tpu.memory_space<vmem>>, vector<16xf32>,
          tpu.vector_store %arg17[%swap3A_263, %swap3A_264], %mul3A_262 {strides = array<i32>} : memref<64x64xf32, #tpu.memory_space<vmem>>, vector<16xf32>,
          %get3A_266 = arith.index_cast %add3A_243 : i32 to index
          %get3A_267 = arith.constant 32 : index
          %get3A_268 = tpu.vector_load %arg15[%get3A_266, %get3A_267] {strides = array<i32>} : memref<64x64xf32, #tpu.memory_space<vmem>>, vector<16xf32>,
          %get3A_269 = arith.index_cast %add3A_243 : i32 to index
          %get3A_270 = arith.constant 32 : index
          %get3A_271 = tpu.vector_load %arg16[%get3A_269, %get3A_270] {strides = array<i32>} : memref<64x64xf32, #tpu.memory_space<vmem>>, vector<16xf32>,
          %add3A_272 = arith.addf %get3A_268, %get3A_271 : vector<16xf32>
          %mul3A_273 = arith.mulf %add3A_272, %gather3A : vector<16xf32>
          %swap3A_274 = arith.index_cast %add3A_243 : i32 to index
          %swap3A_275 = arith.constant 32 : index
          %swap3A_276 = tpu.vector_load %arg17[%swap3A_274, %swap3A_275] {strides = array<i32>} : memref<64x64xf32, #tpu.memory_space<vmem>>, vector<16xf32>,
          tpu.vector_store %arg17[%swap3A_274, %swap3A_275], %mul3A_273 {strides = array<i32>} : memref<64x64xf32, #tpu.memory_space<vmem>>, vector<16xf32>,
          %get3A_277 = arith.index_cast %add3A_243 : i32 to index
          %get3A_278 = arith.constant 48 : index
          %get3A_279 = tpu.vector_load %arg15[%get3A_277, %get3A_278] {strides = array<i32>} : memref<64x64xf32, #tpu.memory_space<vmem>>, vector<16xf32>,
          %get3A_280 = arith.index_cast %add3A_243 : i32 to index
          %get3A_281 = arith.constant 48 : index
          %get3A_282 = tpu.vector_load %arg16[%get3A_280, %get3A_281] {strides = array<i32>} : memref<64x64xf32, #tpu.memory_space<vmem>>, vector<16xf32>,
          %add3A_283 = arith.addf %get3A_279, %get3A_282 : vector<16xf32>
          %mul3A_284 = arith.mulf %add3A_283, %gather3A : vector<16xf32>
          %swap3A_285 = arith.index_cast %add3A_243 : i32 to index
          %swap3A_286 = arith.constant 48 : index
          %swap3A_287 = tpu.vector_load %arg17[%swap3A_285, %swap3A_286] {strides = array<i32>} : memref<64x64xf32, #tpu.memory_space<vmem>>, vector<16xf32>,
          tpu.vector_store %arg17[%swap3A_285, %swap3A_286], %mul3A_284 {strides = array<i32>} : memref<64x64xf32, #tpu.memory_space<vmem>>, vector<16xf32>,
        }
        %scan3A_206 = arith.constant 64 : i32
        %dma_start3A_207 = arith.constant 0 : i32
        %dma_start3A_208 = arith.constant 0 : i32
        %dma_start3A_209 = tpu.memref_slice %arg7[%arg0, %dma_start3A_207, %dma_start3A_208] : memref<2x10240x64xf32, #tpu.memory_space<hbm>> -> memref<1x10240x64xf32, #tpu.memory_space<hbm>>
        %dma_start3A_210 = tpu.memref_squeeze %dma_start3A_209 : memref<1x10240x64xf32, #tpu.memory_space<hbm>> -> memref<10240x64xf32, #tpu.memory_space<hbm>>
        %dma_start3A_211 = arith.constant 0 : i32
        %dma_start3A_212 = tpu.memref_slice %dma_start3A_210[%add3A_165, %dma_start3A_211] : memref<10240x64xf32, #tpu.memory_space<hbm>> -> memref<64x64xf32, #tpu.memory_space<hbm>>
        %dma_start3A_213 = arith.constant 0 : i32
        %dma_start3A_214 = arith.constant 0 : i32
        %dma_start3A_215 = tpu.memref_slice %arg7[%arg0, %dma_start3A_213, %dma_start3A_214] : memref<2x10240x64xf32, #tpu.memory_space<hbm>> -> memref<1x10240x64xf32, #tpu.memory_space<hbm>>
        %dma_start3A_216 = tpu.memref_squeeze %dma_start3A_215 : memref<1x10240x64xf32, #tpu.memory_space<hbm>> -> memref<10240x64xf32, #tpu.memory_space<hbm>>
        %dma_start3A_217 = arith.constant 0 : i32
        %dma_start3A_218 = tpu.memref_slice %dma_start3A_216[%add3A_165, %dma_start3A_217] : memref<10240x64xf32, #tpu.memory_space<hbm>> -> memref<64x64xf32, #tpu.memory_space<hbm>>
        tpu.enqueue_dma source(%arg17 : memref<64x64xf32, #tpu.memory_space<vmem>>) target(%dma_start3A_218 : memref<64x64xf32, #tpu.memory_space<hbm>>) target_semaphore(%arg26 : memref<!tpu.dma_semaphore, #tpu.memory_space<semaphore_mem>>)
        %dma_start3A_219 = arith.constant 0 : i32
        %dma_start3A_220 = tpu.memref_slice %arg20[%add3A_165, %dma_start3A_219] : memref<10112x64xf32, #tpu.memory_space<vmem_shared>> -> memref<64x64xf32, #tpu.memory_space<vmem_shared>>
        %dma_start3A_221 = arith.constant 0 : i32
        %dma_start3A_222 = tpu.memref_slice %arg20[%add3A_165, %dma_start3A_221] : memref<10112x64xf32, #tpu.memory_space<vmem_shared>> -> memref<64x64xf32, #tpu.memory_space<vmem_shared>>
        tpu.enqueue_dma source(%arg14 : memref<64x64xf32, #tpu.memory_space<vmem>>) target(%dma_start3A_222 : memref<64x64xf32, #tpu.memory_space<vmem_shared>>) target_semaphore(%arg27 : memref<!tpu.dma_semaphore, #tpu.memory_space<semaphore_mem>>)
        %dma_wait3A_223 = arith.constant 0 : i32
        %dma_wait3A_224 = arith.constant 0 : i32
        %dma_wait3A_225 = tpu.memref_slice %arg7[%arg0, %dma_wait3A_223, %dma_wait3A_224] : memref<2x10240x64xf32, #tpu.memory_space<hbm>> -> memref<1x10240x64xf32, #tpu.memory_space<hbm>>
        %dma_wait3A_226 = tpu.memref_squeeze %dma_wait3A_225 : memref<1x10240x64xf32, #tpu.memory_space<hbm>> -> memref<10240x64xf32, #tpu.memory_space<hbm>>
        %dma_wait3A_227 = arith.constant 0 : i32
        %dma_wait3A_228 = tpu.memref_slice %dma_wait3A_226[%add3A_165, %dma_wait3A_227] : memref<10240x64xf32, #tpu.memory_space<hbm>> -> memref<64x64xf32, #tpu.memory_space<hbm>>
        %dma_wait3A_229 = arith.constant 0 : i32
        %dma_wait3A_230 = arith.constant 0 : i32
        %dma_wait3A_231 = tpu.memref_slice %arg7[%arg0, %dma_wait3A_229, %dma_wait3A_230] : memref<2x10240x64xf32, #tpu.memory_space<hbm>> -> memref<1x10240x64xf32, #tpu.memory_space<hbm>>
        %dma_wait3A_232 = tpu.memref_squeeze %dma_wait3A_231 : memref<1x10240x64xf32, #tpu.memory_space<hbm>> -> memref<10240x64xf32, #tpu.memory_space<hbm>>
        %dma_wait3A_233 = arith.constant 0 : i32
        %dma_wait3A_234 = tpu.memref_slice %dma_wait3A_232[%add3A_165, %dma_wait3A_233] : memref<10240x64xf32, #tpu.memory_space<hbm>> -> memref<64x64xf32, #tpu.memory_space<hbm>>
        tpu.wait_dma2 semaphore(%arg26 : memref<!tpu.dma_semaphore, #tpu.memory_space<semaphore_mem>>) src(%arg17 : memref<64x64xf32, #tpu.memory_space<vmem>>) dst(%dma_wait3A_234 : memref<64x64xf32, #tpu.memory_space<hbm>>)
        %dma_wait3A_235 = arith.constant 0 : i32
        %dma_wait3A_236 = tpu.memref_slice %arg20[%add3A_165, %dma_wait3A_235] : memref<10112x64xf32, #tpu.memory_space<vmem_shared>> -> memref<64x64xf32, #tpu.memory_space<vmem_shared>>
        %dma_wait3A_237 = arith.constant 0 : i32
        %dma_wait3A_238 = tpu.memref_slice %arg20[%add3A_165, %dma_wait3A_237] : memref<10112x64xf32, #tpu.memory_space<vmem_shared>> -> memref<64x64xf32, #tpu.memory_space<vmem_shared>>
        tpu.wait_dma2 semaphore(%arg27 : memref<!tpu.dma_semaphore, #tpu.memory_space<semaphore_mem>>) src(%arg14 : memref<64x64xf32, #tpu.memory_space<vmem>>) dst(%dma_wait3A_238 : memref<64x64xf32, #tpu.memory_space<vmem_shared>>)
      } else {
      }
    }
    %scan3A_103 = arith.constant 10 : i32
    %barrier3A_104 = arith.constant 0 : index
    tpu.barrier barrier_id(%barrier3A_104)
    %dma_start3A_105 = arith.constant 0 : i32
    %dma_start3A_106 = arith.constant 0 : i32
    %dma_start3A_107 = tpu.memref_slice %arg8[%dma_start3A_105, %dma_start3A_106] : memref<160x125xi32, #tpu.memory_space<vmem>> -> memref<1x125xi32, #tpu.memory_space<vmem>>
    %dma_start3A_108 = tpu.memref_squeeze %dma_start3A_107 : memref<1x125xi32, #tpu.memory_space<vmem>> -> memref<125xi32, #tpu.memory_space<vmem>>
    %dma_start3A_109 = arith.constant 0 : i32
    %dma_start3A_110 = arith.constant 0 : i32
    %dma_start3A_111 = tpu.memref_slice %arg7[%arg0, %dma_start3A_109, %dma_start3A_110] : memref<2x10240x64xf32, #tpu.memory_space<hbm>> -> memref<1x10240x64xf32, #tpu.memory_space<hbm>>
    %dma_start3A_112 = tpu.memref_squeeze %dma_start3A_111 : memref<1x10240x64xf32, #tpu.memory_space<hbm>> -> memref<10240x64xf32, #tpu.memory_space<hbm>>
    %dma_start3A_113 = arith.constant 0 : i32
    %dma_start3A_114 = arith.constant 0 : i32
    %dma_start3A_115 = tpu.memref_slice %dma_start3A_112[%dma_start3A_113, %dma_start3A_114] : memref<10240x64xf32, #tpu.memory_space<hbm>> -> memref<10240x64xf32, #tpu.memory_space<hbm>>
    tpu.enqueue_indirect_dma source(%dma_start3A_115 : memref<10240x64xf32, #tpu.memory_space<hbm>>) target(%arg10 : memref<125x64xf32, #tpu.memory_space<vmem>>) offsets(%dma_start3A_108 : memref<125xi32, #tpu.memory_space<vmem>>) semaphore(%arg21 : memref<!tpu.dma_semaphore, #tpu.memory_space<semaphore_mem>>)
    %dma_start3A_116 = arith.constant 1 : i32
    %dma_start3A_117 = arith.constant 0 : i32
    %dma_start3A_118 = tpu.memref_slice %arg8[%dma_start3A_116, %dma_start3A_117] : memref<160x125xi32, #tpu.memory_space<vmem>> -> memref<1x125xi32, #tpu.memory_space<vmem>>
    %dma_start3A_119 = tpu.memref_squeeze %dma_start3A_118 : memref<1x125xi32, #tpu.memory_space<vmem>> -> memref<125xi32, #tpu.memory_space<vmem>>
    %dma_start3A_120 = arith.constant 0 : i32
    %dma_start3A_121 = arith.constant 0 : i32
    %dma_start3A_122 = tpu.memref_slice %arg7[%arg0, %dma_start3A_120, %dma_start3A_121] : memref<2x10240x64xf32, #tpu.memory_space<hbm>> -> memref<1x10240x64xf32, #tpu.memory_space<hbm>>
    %dma_start3A_123 = tpu.memref_squeeze %dma_start3A_122 : memref<1x10240x64xf32, #tpu.memory_space<hbm>> -> memref<10240x64xf32, #tpu.memory_space<hbm>>
    %dma_start3A_124 = arith.constant 0 : i32
    %dma_start3A_125 = arith.constant 0 : i32
    %dma_start3A_126 = tpu.memref_slice %dma_start3A_123[%dma_start3A_124, %dma_start3A_125] : memref<10240x64xf32, #tpu.memory_space<hbm>> -> memref<10240x64xf32, #tpu.memory_space<hbm>>
    tpu.enqueue_indirect_dma source(%dma_start3A_126 : memref<10240x64xf32, #tpu.memory_space<hbm>>) target(%arg11 : memref<125x64xf32, #tpu.memory_space<vmem>>) offsets(%dma_start3A_119 : memref<125xi32, #tpu.memory_space<vmem>>) semaphore(%arg22 : memref<!tpu.dma_semaphore, #tpu.memory_space<semaphore_mem>>)
    %dma_start3A_127 = arith.constant 2 : i32
    %dma_start3A_128 = arith.constant 0 : i32
    %dma_start3A_129 = tpu.memref_slice %arg8[%dma_start3A_127, %dma_start3A_128] : memref<160x125xi32, #tpu.memory_space<vmem>> -> memref<1x125xi32, #tpu.memory_space<vmem>>
    %dma_start3A_130 = tpu.memref_squeeze %dma_start3A_129 : memref<1x125xi32, #tpu.memory_space<vmem>> -> memref<125xi32, #tpu.memory_space<vmem>>
    %dma_start3A_131 = arith.constant 0 : i32
    %dma_start3A_132 = arith.constant 0 : i32
    %dma_start3A_133 = tpu.memref_slice %arg7[%arg0, %dma_start3A_131, %dma_start3A_132] : memref<2x10240x64xf32, #tpu.memory_space<hbm>> -> memref<1x10240x64xf32, #tpu.memory_space<hbm>>
    %dma_start3A_134 = tpu.memref_squeeze %dma_start3A_133 : memref<1x10240x64xf32, #tpu.memory_space<hbm>> -> memref<10240x64xf32, #tpu.memory_space<hbm>>
    %dma_start3A_135 = arith.constant 0 : i32
    %dma_start3A_136 = arith.constant 0 : i32
    %dma_start3A_137 = tpu.memref_slice %dma_start3A_134[%dma_start3A_135, %dma_start3A_136] : memref<10240x64xf32, #tpu.memory_space<hbm>> -> memref<10240x64xf32, #tpu.memory_space<hbm>>
    tpu.enqueue_indirect_dma source(%dma_start3A_137 : memref<10240x64xf32, #tpu.memory_space<hbm>>) target(%arg12 : memref<125x64xf32, #tpu.memory_space<vmem>>) offsets(%dma_start3A_130 : memref<125xi32, #tpu.memory_space<vmem>>) semaphore(%arg23 : memref<!tpu.dma_semaphore, #tpu.memory_space<semaphore_mem>>)
    %dma_start3A_138 = arith.constant 3 : i32
    %dma_start3A_139 = arith.constant 0 : i32
    %dma_start3A_140 = tpu.memref_slice %arg8[%dma_start3A_138, %dma_start3A_139] : memref<160x125xi32, #tpu.memory_space<vmem>> -> memref<1x125xi32, #tpu.memory_space<vmem>>
    %dma_start3A_141 = tpu.memref_squeeze %dma_start3A_140 : memref<1x125xi32, #tpu.memory_space<vmem>> -> memref<125xi32, #tpu.memory_space<vmem>>
    %dma_start3A_142 = arith.constant 0 : i32
    %dma_start3A_143 = arith.constant 0 : i32
    %dma_start3A_144 = tpu.memref_slice %arg7[%arg0, %dma_start3A_142, %dma_start3A_143] : memref<2x10240x64xf32, #tpu.memory_space<hbm>> -> memref<1x10240x64xf32, #tpu.memory_space<hbm>>
    %dma_start3A_145 = tpu.memref_squeeze %dma_start3A_144 : memref<1x10240x64xf32, #tpu.memory_space<hbm>> -> memref<10240x64xf32, #tpu.memory_space<hbm>>
    %dma_start3A_146 = arith.constant 0 : i32
    %dma_start3A_147 = arith.constant 0 : i32
    %dma_start3A_148 = tpu.memref_slice %dma_start3A_145[%dma_start3A_146, %dma_start3A_147] : memref<10240x64xf32, #tpu.memory_space<hbm>> -> memref<10240x64xf32, #tpu.memory_space<hbm>>
    tpu.enqueue_indirect_dma source(%dma_start3A_148 : memref<10240x64xf32, #tpu.memory_space<hbm>>) target(%arg13 : memref<125x64xf32, #tpu.memory_space<vmem>>) offsets(%dma_start3A_141 : memref<125xi32, #tpu.memory_space<vmem>>) semaphore(%arg24 : memref<!tpu.dma_semaphore, #tpu.memory_space<semaphore_mem>>)
    %scan3A_149 = arith.constant 0 : i32
    %scan3A_150 = arith.constant 40 : i32
    %scan3A_151 = arith.addi %scan3A_149, %scan3A_150 : i32
    %scan3A_152 = arith.constant 1 : i32
    scf.for %scan3A_160 = %scan3A_149 to %scan3A_151 step %scan3A_152  : i32 {
      %mul3A_161 = arith.constant 4 : i32
      %mul3A_162 = arith.muli %scan3A_160, %mul3A_161 : i32
      %add3A_163 = arith.constant 0 : i32
      %add3A_164 = arith.addi %add3A_163, %mul3A_162 : i32
      %add3A_165 = arith.constant 0 : i32
      %add3A_166 = arith.addi %add3A_164, %add3A_165 : i32
      %dma_wait3A_167 = arith.constant 0 : i32
      %dma_wait3A_168 = tpu.memref_slice %arg8[%add3A_166, %dma_wait3A_167] : memref<160x125xi32, #tpu.memory_space<vmem>> -> memref<1x125xi32, #tpu.memory_space<vmem>>
      %dma_wait3A_169 = tpu.memref_squeeze %dma_wait3A_168 : memref<1x125xi32, #tpu.memory_space<vmem>> -> memref<125xi32, #tpu.memory_space<vmem>>
      %dma_wait3A_170 = arith.constant 0 : i32
      %dma_wait3A_171 = arith.constant 0 : i32
      %dma_wait3A_172 = tpu.memref_slice %arg7[%arg0, %dma_wait3A_170, %dma_wait3A_171] : memref<2x10240x64xf32, #tpu.memory_space<hbm>> -> memref<1x10240x64xf32, #tpu.memory_space<hbm>>
      %dma_wait3A_173 = tpu.memref_squeeze %dma_wait3A_172 : memref<1x10240x64xf32, #tpu.memory_space<hbm>> -> memref<10240x64xf32, #tpu.memory_space<hbm>>
      %dma_wait3A_174 = arith.constant 0 : i32
      %dma_wait3A_175 = arith.constant 0 : i32
      %dma_wait3A_176 = tpu.memref_slice %dma_wait3A_173[%dma_wait3A_174, %dma_wait3A_175] : memref<10240x64xf32, #tpu.memory_space<hbm>> -> memref<10240x64xf32, #tpu.memory_space<hbm>>
      tpu.wait_indirect_dma semaphore(%arg21 : memref<!tpu.dma_semaphore, #tpu.memory_space<semaphore_mem>>) src(%dma_wait3A_176 : memref<10240x64xf32, #tpu.memory_space<hbm>>) dst(%arg10 : memref<125x64xf32, #tpu.memory_space<vmem>>)
      %dma_start3A_177 = arith.constant 0 : i32
      %dma_start3A_178 = tpu.memref_slice %arg9[%add3A_166, %dma_start3A_177] : memref<160x125xi32, #tpu.memory_space<vmem>> -> memref<1x125xi32, #tpu.memory_space<vmem>>
      %dma_start3A_179 = tpu.memref_squeeze %dma_start3A_178 : memref<1x125xi32, #tpu.memory_space<vmem>> -> memref<125xi32, #tpu.memory_space<vmem>>
      %dma_start3A_180 = arith.constant 0 : i32
      %dma_start3A_181 = arith.constant 0 : i32
      %dma_start3A_182 = tpu.memref_slice %arg20[%dma_start3A_180, %dma_start3A_181] : memref<10112x64xf32, #tpu.memory_space<vmem_shared>> -> memref<10112x64xf32, #tpu.memory_space<vmem_shared>>
      tpu.enqueue_indirect_dma source(%arg10 : memref<125x64xf32, #tpu.memory_space<vmem>>) target(%dma_start3A_182 : memref<10112x64xf32, #tpu.memory_space<vmem_shared>>) offsets(%dma_start3A_179 : memref<125xi32, #tpu.memory_space<vmem>>) semaphore(%arg25 : memref<!tpu.dma_semaphore, #tpu.memory_space<semaphore_mem>>) {add = true}
      %add3A_183 = arith.constant 1 : i32
      %add3A_184 = arith.addi %add3A_164, %add3A_183 : i32
      %dma_wait3A_185 = arith.constant 0 : i32
      %dma_wait3A_186 = tpu.memref_slice %arg8[%add3A_184, %dma_wait3A_185] : memref<160x125xi32, #tpu.memory_space<vmem>> -> memref<1x125xi32, #tpu.memory_space<vmem>>
      %dma_wait3A_187 = tpu.memref_squeeze %dma_wait3A_186 : memref<1x125xi32, #tpu.memory_space<vmem>> -> memref<125xi32, #tpu.memory_space<vmem>>
      %dma_wait3A_188 = arith.constant 0 : i32
      %dma_wait3A_189 = arith.constant 0 : i32
      %dma_wait3A_190 = tpu.memref_slice %arg7[%arg0, %dma_wait3A_188, %dma_wait3A_189] : memref<2x10240x64xf32, #tpu.memory_space<hbm>> -> memref<1x10240x64xf32, #tpu.memory_space<hbm>>
      %dma_wait3A_191 = tpu.memref_squeeze %dma_wait3A_190 : memref<1x10240x64xf32, #tpu.memory_space<hbm>> -> memref<10240x64xf32, #tpu.memory_space<hbm>>
      %dma_wait3A_192 = arith.constant 0 : i32
      %dma_wait3A_193 = arith.constant 0 : i32
      %dma_wait3A_194 = tpu.memref_slice %dma_wait3A_191[%dma_wait3A_192, %dma_wait3A_193] : memref<10240x64xf32, #tpu.memory_space<hbm>> -> memref<10240x64xf32, #tpu.memory_space<hbm>>
      tpu.wait_indirect_dma semaphore(%arg22 : memref<!tpu.dma_semaphore, #tpu.memory_space<semaphore_mem>>) src(%dma_wait3A_194 : memref<10240x64xf32, #tpu.memory_space<hbm>>) dst(%arg11 : memref<125x64xf32, #tpu.memory_space<vmem>>)
      %dma_start3A_195 = arith.constant 0 : i32
      %dma_start3A_196 = tpu.memref_slice %arg9[%add3A_184, %dma_start3A_195] : memref<160x125xi32, #tpu.memory_space<vmem>> -> memref<1x125xi32, #tpu.memory_space<vmem>>
      %dma_start3A_197 = tpu.memref_squeeze %dma_start3A_196 : memref<1x125xi32, #tpu.memory_space<vmem>> -> memref<125xi32, #tpu.memory_space<vmem>>
      %dma_start3A_198 = arith.constant 0 : i32
      %dma_start3A_199 = arith.constant 0 : i32
      %dma_start3A_200 = tpu.memref_slice %arg20[%dma_start3A_198, %dma_start3A_199] : memref<10112x64xf32, #tpu.memory_space<vmem_shared>> -> memref<10112x64xf32, #tpu.memory_space<vmem_shared>>
      tpu.enqueue_indirect_dma source(%arg11 : memref<125x64xf32, #tpu.memory_space<vmem>>) target(%dma_start3A_200 : memref<10112x64xf32, #tpu.memory_space<vmem_shared>>) offsets(%dma_start3A_197 : memref<125xi32, #tpu.memory_space<vmem>>) semaphore(%arg26 : memref<!tpu.dma_semaphore, #tpu.memory_space<semaphore_mem>>) {add = true}
      %add3A_201 = arith.constant 2 : i32
      %add3A_202 = arith.addi %add3A_164, %add3A_201 : i32
      %dma_wait3A_203 = arith.constant 0 : i32
      %dma_wait3A_204 = tpu.memref_slice %arg8[%add3A_202, %dma_wait3A_203] : memref<160x125xi32, #tpu.memory_space<vmem>> -> memref<1x125xi32, #tpu.memory_space<vmem>>
      %dma_wait3A_205 = tpu.memref_squeeze %dma_wait3A_204 : memref<1x125xi32, #tpu.memory_space<vmem>> -> memref<125xi32, #tpu.memory_space<vmem>>
      %dma_wait3A_206 = arith.constant 0 : i32
      %dma_wait3A_207 = arith.constant 0 : i32
      %dma_wait3A_208 = tpu.memref_slice %arg7[%arg0, %dma_wait3A_206, %dma_wait3A_207] : memref<2x10240x64xf32, #tpu.memory_space<hbm>> -> memref<1x10240x64xf32, #tpu.memory_space<hbm>>
      %dma_wait3A_209 = tpu.memref_squeeze %dma_wait3A_208 : memref<1x10240x64xf32, #tpu.memory_space<hbm>> -> memref<10240x64xf32, #tpu.memory_space<hbm>>
      %dma_wait3A_210 = arith.constant 0 : i32
      %dma_wait3A_211 = arith.constant 0 : i32
      %dma_wait3A_212 = tpu.memref_slice %dma_wait3A_209[%dma_wait3A_210, %dma_wait3A_211] : memref<10240x64xf32, #tpu.memory_space<hbm>> -> memref<10240x64xf32, #tpu.memory_space<hbm>>
      tpu.wait_indirect_dma semaphore(%arg23 : memref<!tpu.dma_semaphore, #tpu.memory_space<semaphore_mem>>) src(%dma_wait3A_212 : memref<10240x64xf32, #tpu.memory_space<hbm>>) dst(%arg12 : memref<125x64xf32, #tpu.memory_space<vmem>>)
      %dma_start3A_213 = arith.constant 0 : i32
      %dma_start3A_214 = tpu.memref_slice %arg9[%add3A_202, %dma_start3A_213] : memref<160x125xi32, #tpu.memory_space<vmem>> -> memref<1x125xi32, #tpu.memory_space<vmem>>
      %dma_start3A_215 = tpu.memref_squeeze %dma_start3A_214 : memref<1x125xi32, #tpu.memory_space<vmem>> -> memref<125xi32, #tpu.memory_space<vmem>>
      %dma_start3A_216 = arith.constant 0 : i32
      %dma_start3A_217 = arith.constant 0 : i32
      %dma_start3A_218 = tpu.memref_slice %arg20[%dma_start3A_216, %dma_start3A_217] : memref<10112x64xf32, #tpu.memory_space<vmem_shared>> -> memref<10112x64xf32, #tpu.memory_space<vmem_shared>>
      tpu.enqueue_indirect_dma source(%arg12 : memref<125x64xf32, #tpu.memory_space<vmem>>) target(%dma_start3A_218 : memref<10112x64xf32, #tpu.memory_space<vmem_shared>>) offsets(%dma_start3A_215 : memref<125xi32, #tpu.memory_space<vmem>>) semaphore(%arg27 : memref<!tpu.dma_semaphore, #tpu.memory_space<semaphore_mem>>) {add = true}
      %add3A_219 = arith.constant 3 : i32
      %add3A_220 = arith.addi %add3A_164, %add3A_219 : i32
      %dma_wait3A_221 = arith.constant 0 : i32
      %dma_wait3A_222 = tpu.memref_slice %arg8[%add3A_220, %dma_wait3A_221] : memref<160x125xi32, #tpu.memory_space<vmem>> -> memref<1x125xi32, #tpu.memory_space<vmem>>
      %dma_wait3A_223 = tpu.memref_squeeze %dma_wait3A_222 : memref<1x125xi32, #tpu.memory_space<vmem>> -> memref<125xi32, #tpu.memory_space<vmem>>
      %dma_wait3A_224 = arith.constant 0 : i32
      %dma_wait3A_225 = arith.constant 0 : i32
      %dma_wait3A_226 = tpu.memref_slice %arg7[%arg0, %dma_wait3A_224, %dma_wait3A_225] : memref<2x10240x64xf32, #tpu.memory_space<hbm>> -> memref<1x10240x64xf32, #tpu.memory_space<hbm>>
      %dma_wait3A_227 = tpu.memref_squeeze %dma_wait3A_226 : memref<1x10240x64xf32, #tpu.memory_space<hbm>> -> memref<10240x64xf32, #tpu.memory_space<hbm>>
      %dma_wait3A_228 = arith.constant 0 : i32
      %dma_wait3A_229 = arith.constant 0 : i32
      %dma_wait3A_230 = tpu.memref_slice %dma_wait3A_227[%dma_wait3A_228, %dma_wait3A_229] : memref<10240x64xf32, #tpu.memory_space<hbm>> -> memref<10240x64xf32, #tpu.memory_space<hbm>>
      tpu.wait_indirect_dma semaphore(%arg24 : memref<!tpu.dma_semaphore, #tpu.memory_space<semaphore_mem>>) src(%dma_wait3A_230 : memref<10240x64xf32, #tpu.memory_space<hbm>>) dst(%arg13 : memref<125x64xf32, #tpu.memory_space<vmem>>)
      %dma_start3A_231 = arith.constant 0 : i32
      %dma_start3A_232 = tpu.memref_slice %arg9[%add3A_220, %dma_start3A_231] : memref<160x125xi32, #tpu.memory_space<vmem>> -> memref<1x125xi32, #tpu.memory_space<vmem>>
      %dma_start3A_233 = tpu.memref_squeeze %dma_start3A_232 : memref<1x125xi32, #tpu.memory_space<vmem>> -> memref<125xi32, #tpu.memory_space<vmem>>
      %dma_start3A_234 = arith.constant 0 : i32
      %dma_start3A_235 = arith.constant 0 : i32
      %dma_start3A_236 = tpu.memref_slice %arg20[%dma_start3A_234, %dma_start3A_235] : memref<10112x64xf32, #tpu.memory_space<vmem_shared>> -> memref<10112x64xf32, #tpu.memory_space<vmem_shared>>
      tpu.enqueue_indirect_dma source(%arg13 : memref<125x64xf32, #tpu.memory_space<vmem>>) target(%dma_start3A_236 : memref<10112x64xf32, #tpu.memory_space<vmem_shared>>) offsets(%dma_start3A_233 : memref<125xi32, #tpu.memory_space<vmem>>) semaphore(%arg28 : memref<!tpu.dma_semaphore, #tpu.memory_space<semaphore_mem>>) {add = true}
      %add3A_237 = arith.constant 0 : i32
      %add3A_238 = arith.addi %add3A_164, %add3A_237 : i32
      %dma_wait3A_239 = arith.constant 0 : i32
      %dma_wait3A_240 = tpu.memref_slice %arg9[%add3A_238, %dma_wait3A_239] : memref<160x125xi32, #tpu.memory_space<vmem>> -> memref<1x125xi32, #tpu.memory_space<vmem>>
      %dma_wait3A_241 = tpu.memref_squeeze %dma_wait3A_240 : memref<1x125xi32, #tpu.memory_space<vmem>> -> memref<125xi32, #tpu.memory_space<vmem>>
      %dma_wait3A_242 = arith.constant 0 : i32
      %dma_wait3A_243 = arith.constant 0 : i32
      %dma_wait3A_244 = tpu.memref_slice %arg20[%dma_wait3A_242, %dma_wait3A_243] : memref<10112x64xf32, #tpu.memory_space<vmem_shared>> -> memref<10112x64xf32, #tpu.memory_space<vmem_shared>>
      tpu.wait_indirect_dma semaphore(%arg25 : memref<!tpu.dma_semaphore, #tpu.memory_space<semaphore_mem>>) src(%arg10 : memref<125x64xf32, #tpu.memory_space<vmem>>) dst(%dma_wait3A_244 : memref<10112x64xf32, #tpu.memory_space<vmem_shared>>)
      %add3A_245 = arith.constant 4 : i32
      %add3A_246 = arith.addi %add3A_238, %add3A_245 : i32
      %lt3A = arith.constant 160 : i32
      %lt3A_247 = arith.cmpi slt, %add3A_246, %lt3A : i32
      %convert_element_type3A = arith.extui %lt3A_247 : i1 to i32
      %cond3A = arith.constant 0 : i32
      %cond3A_248 = arith.cmpi ne, %convert_element_type3A, %cond3A : i32
      scf.if %cond3A_248 {
        %add3A_294 = arith.constant 4 : i32
        %add3A_295 = arith.addi %add3A_238, %add3A_294 : i32
        %dma_start3A_296 = arith.constant 0 : i32
        %dma_start3A_297 = tpu.memref_slice %arg8[%add3A_295, %dma_start3A_296] : memref<160x125xi32, #tpu.memory_space<vmem>> -> memref<1x125xi32, #tpu.memory_space<vmem>>
        %dma_start3A_298 = tpu.memref_squeeze %dma_start3A_297 : memref<1x125xi32, #tpu.memory_space<vmem>> -> memref<125xi32, #tpu.memory_space<vmem>>
        %dma_start3A_299 = arith.constant 0 : i32
        %dma_start3A_300 = arith.constant 0 : i32
        %dma_start3A_301 = tpu.memref_slice %arg7[%arg0, %dma_start3A_299, %dma_start3A_300] : memref<2x10240x64xf32, #tpu.memory_space<hbm>> -> memref<1x10240x64xf32, #tpu.memory_space<hbm>>
        %dma_start3A_302 = tpu.memref_squeeze %dma_start3A_301 : memref<1x10240x64xf32, #tpu.memory_space<hbm>> -> memref<10240x64xf32, #tpu.memory_space<hbm>>
        %dma_start3A_303 = arith.constant 0 : i32
        %dma_start3A_304 = arith.constant 0 : i32
        %dma_start3A_305 = tpu.memref_slice %dma_start3A_302[%dma_start3A_303, %dma_start3A_304] : memref<10240x64xf32, #tpu.memory_space<hbm>> -> memref<10240x64xf32, #tpu.memory_space<hbm>>
        tpu.enqueue_indirect_dma source(%dma_start3A_305 : memref<10240x64xf32, #tpu.memory_space<hbm>>) target(%arg10 : memref<125x64xf32, #tpu.memory_space<vmem>>) offsets(%dma_start3A_298 : memref<125xi32, #tpu.memory_space<vmem>>) semaphore(%arg21 : memref<!tpu.dma_semaphore, #tpu.memory_space<semaphore_mem>>)
      } else {
      }
      %add3A_249 = arith.constant 1 : i32
      %add3A_250 = arith.addi %add3A_164, %add3A_249 : i32
      %dma_wait3A_251 = arith.constant 0 : i32
      %dma_wait3A_252 = tpu.memref_slice %arg9[%add3A_250, %dma_wait3A_251] : memref<160x125xi32, #tpu.memory_space<vmem>> -> memref<1x125xi32, #tpu.memory_space<vmem>>
      %dma_wait3A_253 = tpu.memref_squeeze %dma_wait3A_252 : memref<1x125xi32, #tpu.memory_space<vmem>> -> memref<125xi32, #tpu.memory_space<vmem>>
      %dma_wait3A_254 = arith.constant 0 : i32
      %dma_wait3A_255 = arith.constant 0 : i32
      %dma_wait3A_256 = tpu.memref_slice %arg20[%dma_wait3A_254, %dma_wait3A_255] : memref<10112x64xf32, #tpu.memory_space<vmem_shared>> -> memref<10112x64xf32, #tpu.memory_space<vmem_shared>>
      tpu.wait_indirect_dma semaphore(%arg26 : memref<!tpu.dma_semaphore, #tpu.memory_space<semaphore_mem>>) src(%arg11 : memref<125x64xf32, #tpu.memory_space<vmem>>) dst(%dma_wait3A_256 : memref<10112x64xf32, #tpu.memory_space<vmem_shared>>)
      %add3A_257 = arith.constant 4 : i32
      %add3A_258 = arith.addi %add3A_250, %add3A_257 : i32
      %lt3A_259 = arith.constant 160 : i32
      %lt3A_260 = arith.cmpi slt, %add3A_258, %lt3A_259 : i32
      %convert_element_type3A_261 = arith.extui %lt3A_260 : i1 to i32
      %cond3A_262 = arith.constant 0 : i32
      %cond3A_263 = arith.cmpi ne, %convert_element_type3A_261, %cond3A_262 : i32
      scf.if %cond3A_263 {
        %add3A_294 = arith.constant 4 : i32
        %add3A_295 = arith.addi %add3A_250, %add3A_294 : i32
        %dma_start3A_296 = arith.constant 0 : i32
        %dma_start3A_297 = tpu.memref_slice %arg8[%add3A_295, %dma_start3A_296] : memref<160x125xi32, #tpu.memory_space<vmem>> -> memref<1x125xi32, #tpu.memory_space<vmem>>
        %dma_start3A_298 = tpu.memref_squeeze %dma_start3A_297 : memref<1x125xi32, #tpu.memory_space<vmem>> -> memref<125xi32, #tpu.memory_space<vmem>>
        %dma_start3A_299 = arith.constant 0 : i32
        %dma_start3A_300 = arith.constant 0 : i32
        %dma_start3A_301 = tpu.memref_slice %arg7[%arg0, %dma_start3A_299, %dma_start3A_300] : memref<2x10240x64xf32, #tpu.memory_space<hbm>> -> memref<1x10240x64xf32, #tpu.memory_space<hbm>>
        %dma_start3A_302 = tpu.memref_squeeze %dma_start3A_301 : memref<1x10240x64xf32, #tpu.memory_space<hbm>> -> memref<10240x64xf32, #tpu.memory_space<hbm>>
        %dma_start3A_303 = arith.constant 0 : i32
        %dma_start3A_304 = arith.constant 0 : i32
        %dma_start3A_305 = tpu.memref_slice %dma_start3A_302[%dma_start3A_303, %dma_start3A_304] : memref<10240x64xf32, #tpu.memory_space<hbm>> -> memref<10240x64xf32, #tpu.memory_space<hbm>>
        tpu.enqueue_indirect_dma source(%dma_start3A_305 : memref<10240x64xf32, #tpu.memory_space<hbm>>) target(%arg11 : memref<125x64xf32, #tpu.memory_space<vmem>>) offsets(%dma_start3A_298 : memref<125xi32, #tpu.memory_space<vmem>>) semaphore(%arg22 : memref<!tpu.dma_semaphore, #tpu.memory_space<semaphore_mem>>)
      } else {
      }
      %add3A_264 = arith.constant 2 : i32
      %add3A_265 = arith.addi %add3A_164, %add3A_264 : i32
      %dma_wait3A_266 = arith.constant 0 : i32
      %dma_wait3A_267 = tpu.memref_slice %arg9[%add3A_265, %dma_wait3A_266] : memref<160x125xi32, #tpu.memory_space<vmem>> -> memref<1x125xi32, #tpu.memory_space<vmem>>
      %dma_wait3A_268 = tpu.memref_squeeze %dma_wait3A_267 : memref<1x125xi32, #tpu.memory_space<vmem>> -> memref<125xi32, #tpu.memory_space<vmem>>
      %dma_wait3A_269 = arith.constant 0 : i32
      %dma_wait3A_270 = arith.constant 0 : i32
      %dma_wait3A_271 = tpu.memref_slice %arg20[%dma_wait3A_269, %dma_wait3A_270] : memref<10112x64xf32, #tpu.memory_space<vmem_shared>> -> memref<10112x64xf32, #tpu.memory_space<vmem_shared>>
      tpu.wait_indirect_dma semaphore(%arg27 : memref<!tpu.dma_semaphore, #tpu.memory_space<semaphore_mem>>) src(%arg12 : memref<125x64xf32, #tpu.memory_space<vmem>>) dst(%dma_wait3A_271 : memref<10112x64xf32, #tpu.memory_space<vmem_shared>>)
      %add3A_272 = arith.constant 4 : i32
      %add3A_273 = arith.addi %add3A_265, %add3A_272 : i32
      %lt3A_274 = arith.constant 160 : i32
      %lt3A_275 = arith.cmpi slt, %add3A_273, %lt3A_274 : i32
      %convert_element_type3A_276 = arith.extui %lt3A_275 : i1 to i32
      %cond3A_277 = arith.constant 0 : i32
      %cond3A_278 = arith.cmpi ne, %convert_element_type3A_276, %cond3A_277 : i32
      scf.if %cond3A_278 {
        %add3A_294 = arith.constant 4 : i32
        %add3A_295 = arith.addi %add3A_265, %add3A_294 : i32
        %dma_start3A_296 = arith.constant 0 : i32
        %dma_start3A_297 = tpu.memref_slice %arg8[%add3A_295, %dma_start3A_296] : memref<160x125xi32, #tpu.memory_space<vmem>> -> memref<1x125xi32, #tpu.memory_space<vmem>>
        %dma_start3A_298 = tpu.memref_squeeze %dma_start3A_297 : memref<1x125xi32, #tpu.memory_space<vmem>> -> memref<125xi32, #tpu.memory_space<vmem>>
        %dma_start3A_299 = arith.constant 0 : i32
        %dma_start3A_300 = arith.constant 0 : i32
        %dma_start3A_301 = tpu.memref_slice %arg7[%arg0, %dma_start3A_299, %dma_start3A_300] : memref<2x10240x64xf32, #tpu.memory_space<hbm>> -> memref<1x10240x64xf32, #tpu.memory_space<hbm>>
        %dma_start3A_302 = tpu.memref_squeeze %dma_start3A_301 : memref<1x10240x64xf32, #tpu.memory_space<hbm>> -> memref<10240x64xf32, #tpu.memory_space<hbm>>
        %dma_start3A_303 = arith.constant 0 : i32
        %dma_start3A_304 = arith.constant 0 : i32
        %dma_start3A_305 = tpu.memref_slice %dma_start3A_302[%dma_start3A_303, %dma_start3A_304] : memref<10240x64xf32, #tpu.memory_space<hbm>> -> memref<10240x64xf32, #tpu.memory_space<hbm>>
        tpu.enqueue_indirect_dma source(%dma_start3A_305 : memref<10240x64xf32, #tpu.memory_space<hbm>>) target(%arg12 : memref<125x64xf32, #tpu.memory_space<vmem>>) offsets(%dma_start3A_298 : memref<125xi32, #tpu.memory_space<vmem>>) semaphore(%arg23 : memref<!tpu.dma_semaphore, #tpu.memory_space<semaphore_mem>>)
      } else {
      }
      %add3A_279 = arith.constant 3 : i32
      %add3A_280 = arith.addi %add3A_164, %add3A_279 : i32
      %dma_wait3A_281 = arith.constant 0 : i32
      %dma_wait3A_282 = tpu.memref_slice %arg9[%add3A_280, %dma_wait3A_281] : memref<160x125xi32, #tpu.memory_space<vmem>> -> memref<1x125xi32, #tpu.memory_space<vmem>>
      %dma_wait3A_283 = tpu.memref_squeeze %dma_wait3A_282 : memref<1x125xi32, #tpu.memory_space<vmem>> -> memref<125xi32, #tpu.memory_space<vmem>>
      %dma_wait3A_284 = arith.constant 0 : i32
      %dma_wait3A_285 = arith.constant 0 : i32
      %dma_wait3A_286 = tpu.memref_slice %arg20[%dma_wait3A_284, %dma_wait3A_285] : memref<10112x64xf32, #tpu.memory_space<vmem_shared>> -> memref<10112x64xf32, #tpu.memory_space<vmem_shared>>
      tpu.wait_indirect_dma semaphore(%arg28 : memref<!tpu.dma_semaphore, #tpu.memory_space<semaphore_mem>>) src(%arg13 : memref<125x64xf32, #tpu.memory_space<vmem>>) dst(%dma_wait3A_286 : memref<10112x64xf32, #tpu.memory_space<vmem_shared>>)
      %add3A_287 = arith.constant 4 : i32
      %add3A_288 = arith.addi %add3A_280, %add3A_287 : i32
      %lt3A_289 = arith.constant 160 : i32
      %lt3A_290 = arith.cmpi slt, %add3A_288, %lt3A_289 : i32
      %convert_element_type3A_291 = arith.extui %lt3A_290 : i1 to i32
      %cond3A_292 = arith.constant 0 : i32
      %cond3A_293 = arith.cmpi ne, %convert_element_type3A_291, %cond3A_292 : i32
      scf.if %cond3A_293 {
        %add3A_294 = arith.constant 4 : i32
        %add3A_295 = arith.addi %add3A_280, %add3A_294 : i32
        %dma_start3A_296 = arith.constant 0 : i32
        %dma_start3A_297 = tpu.memref_slice %arg8[%add3A_295, %dma_start3A_296] : memref<160x125xi32, #tpu.memory_space<vmem>> -> memref<1x125xi32, #tpu.memory_space<vmem>>
        %dma_start3A_298 = tpu.memref_squeeze %dma_start3A_297 : memref<1x125xi32, #tpu.memory_space<vmem>> -> memref<125xi32, #tpu.memory_space<vmem>>
        %dma_start3A_299 = arith.constant 0 : i32
        %dma_start3A_300 = arith.constant 0 : i32
        %dma_start3A_301 = tpu.memref_slice %arg7[%arg0, %dma_start3A_299, %dma_start3A_300] : memref<2x10240x64xf32, #tpu.memory_space<hbm>> -> memref<1x10240x64xf32, #tpu.memory_space<hbm>>
        %dma_start3A_302 = tpu.memref_squeeze %dma_start3A_301 : memref<1x10240x64xf32, #tpu.memory_space<hbm>> -> memref<10240x64xf32, #tpu.memory_space<hbm>>
        %dma_start3A_303 = arith.constant 0 : i32
        %dma_start3A_304 = arith.constant 0 : i32
        %dma_start3A_305 = tpu.memref_slice %dma_start3A_302[%dma_start3A_303, %dma_start3A_304] : memref<10240x64xf32, #tpu.memory_space<hbm>> -> memref<10240x64xf32, #tpu.memory_space<hbm>>
        tpu.enqueue_indirect_dma source(%dma_start3A_305 : memref<10240x64xf32, #tpu.memory_space<hbm>>) target(%arg13 : memref<125x64xf32, #tpu.memory_space<vmem>>) offsets(%dma_start3A_298 : memref<125xi32, #tpu.memory_space<vmem>>) semaphore(%arg24 : memref<!tpu.dma_semaphore, #tpu.memory_space<semaphore_mem>>)
      } else {
      }
    }
    %scan3A_153 = arith.constant 40 : i32
    %barrier3A_154 = arith.constant 0 : index
    tpu.barrier barrier_id(%barrier3A_154)
    %scan3A_155 = arith.constant 0 : i32
    %scan3A_156 = arith.constant 10 : i32
    %scan3A_157 = arith.addi %scan3A_155, %scan3A_156 : i32
    %scan3A_158 = arith.constant 1 : i32
    scf.for %scan3A_160 = %scan3A_155 to %scan3A_157 step %scan3A_158  : i32 {
      %mul3A_161 = arith.constant 64 : i32
      %mul3A_162 = arith.muli %scan3A_160, %mul3A_161 : i32
      %add3A_163 = arith.constant 0 : i32
      %add3A_164 = arith.addi %add3A_163, %mul3A_162 : i32
      %add3A_165 = arith.addi %mul3A_1, %add3A_164 : i32
      %add3A_166 = arith.constant 64 : i32
      %add3A_167 = arith.addi %add3A_165, %add3A_166 : i32
      %le3A = arith.constant 10112 : i32
      %le3A_168 = arith.cmpi sle, %add3A_167, %le3A : i32
      %convert_element_type3A = arith.extui %le3A_168 : i1 to i32
      %cond3A = arith.constant 0 : i32
      %cond3A_169 = arith.cmpi ne, %convert_element_type3A, %cond3A : i32
      scf.if %cond3A_169 {
        %dma_start3A_170 = arith.constant 0 : i32
        %dma_start3A_171 = tpu.memref_slice %arg20[%add3A_165, %dma_start3A_170] : memref<10112x64xf32, #tpu.memory_space<vmem_shared>> -> memref<64x64xf32, #tpu.memory_space<vmem_shared>>
        %dma_start3A_172 = arith.constant 0 : i32
        %dma_start3A_173 = tpu.memref_slice %arg20[%add3A_165, %dma_start3A_172] : memref<10112x64xf32, #tpu.memory_space<vmem_shared>> -> memref<64x64xf32, #tpu.memory_space<vmem_shared>>
        tpu.enqueue_dma source(%dma_start3A_173 : memref<64x64xf32, #tpu.memory_space<vmem_shared>>) target(%arg15 : memref<64x64xf32, #tpu.memory_space<vmem>>) target_semaphore(%arg21 : memref<!tpu.dma_semaphore, #tpu.memory_space<semaphore_mem>>)
        %dma_start3A_174 = arith.constant 0 : i32
        %dma_start3A_175 = arith.constant 0 : i32
        %dma_start3A_176 = tpu.memref_slice %arg7[%arg0, %dma_start3A_174, %dma_start3A_175] : memref<2x10240x64xf32, #tpu.memory_space<hbm>> -> memref<1x10240x64xf32, #tpu.memory_space<hbm>>
        %dma_start3A_177 = tpu.memref_squeeze %dma_start3A_176 : memref<1x10240x64xf32, #tpu.memory_space<hbm>> -> memref<10240x64xf32, #tpu.memory_space<hbm>>
        %dma_start3A_178 = arith.constant 0 : i32
        %dma_start3A_179 = tpu.memref_slice %dma_start3A_177[%add3A_165, %dma_start3A_178] : memref<10240x64xf32, #tpu.memory_space<hbm>> -> memref<64x64xf32, #tpu.memory_space<hbm>>
        %dma_start3A_180 = arith.constant 0 : i32
        %dma_start3A_181 = arith.constant 0 : i32
        %dma_start3A_182 = tpu.memref_slice %arg7[%arg0, %dma_start3A_180, %dma_start3A_181] : memref<2x10240x64xf32, #tpu.memory_space<hbm>> -> memref<1x10240x64xf32, #tpu.memory_space<hbm>>
        %dma_start3A_183 = tpu.memref_squeeze %dma_start3A_182 : memref<1x10240x64xf32, #tpu.memory_space<hbm>> -> memref<10240x64xf32, #tpu.memory_space<hbm>>
        %dma_start3A_184 = arith.constant 0 : i32
        %dma_start3A_185 = tpu.memref_slice %dma_start3A_183[%add3A_165, %dma_start3A_184] : memref<10240x64xf32, #tpu.memory_space<hbm>> -> memref<64x64xf32, #tpu.memory_space<hbm>>
        tpu.enqueue_dma source(%dma_start3A_185 : memref<64x64xf32, #tpu.memory_space<hbm>>) target(%arg16 : memref<64x64xf32, #tpu.memory_space<vmem>>) target_semaphore(%arg22 : memref<!tpu.dma_semaphore, #tpu.memory_space<semaphore_mem>>)
        %dma_wait3A_186 = arith.constant 0 : i32
        %dma_wait3A_187 = tpu.memref_slice %arg20[%add3A_165, %dma_wait3A_186] : memref<10112x64xf32, #tpu.memory_space<vmem_shared>> -> memref<64x64xf32, #tpu.memory_space<vmem_shared>>
        %dma_wait3A_188 = arith.constant 0 : i32
        %dma_wait3A_189 = tpu.memref_slice %arg20[%add3A_165, %dma_wait3A_188] : memref<10112x64xf32, #tpu.memory_space<vmem_shared>> -> memref<64x64xf32, #tpu.memory_space<vmem_shared>>
        tpu.wait_dma2 semaphore(%arg21 : memref<!tpu.dma_semaphore, #tpu.memory_space<semaphore_mem>>) src(%dma_wait3A_189 : memref<64x64xf32, #tpu.memory_space<vmem_shared>>) dst(%arg15 : memref<64x64xf32, #tpu.memory_space<vmem>>)
        %dma_wait3A_190 = arith.constant 0 : i32
        %dma_wait3A_191 = arith.constant 0 : i32
        %dma_wait3A_192 = tpu.memref_slice %arg7[%arg0, %dma_wait3A_190, %dma_wait3A_191] : memref<2x10240x64xf32, #tpu.memory_space<hbm>> -> memref<1x10240x64xf32, #tpu.memory_space<hbm>>
        %dma_wait3A_193 = tpu.memref_squeeze %dma_wait3A_192 : memref<1x10240x64xf32, #tpu.memory_space<hbm>> -> memref<10240x64xf32, #tpu.memory_space<hbm>>
        %dma_wait3A_194 = arith.constant 0 : i32
        %dma_wait3A_195 = tpu.memref_slice %dma_wait3A_193[%add3A_165, %dma_wait3A_194] : memref<10240x64xf32, #tpu.memory_space<hbm>> -> memref<64x64xf32, #tpu.memory_space<hbm>>
        %dma_wait3A_196 = arith.constant 0 : i32
        %dma_wait3A_197 = arith.constant 0 : i32
        %dma_wait3A_198 = tpu.memref_slice %arg7[%arg0, %dma_wait3A_196, %dma_wait3A_197] : memref<2x10240x64xf32, #tpu.memory_space<hbm>> -> memref<1x10240x64xf32, #tpu.memory_space<hbm>>
        %dma_wait3A_199 = tpu.memref_squeeze %dma_wait3A_198 : memref<1x10240x64xf32, #tpu.memory_space<hbm>> -> memref<10240x64xf32, #tpu.memory_space<hbm>>
        %dma_wait3A_200 = arith.constant 0 : i32
        %dma_wait3A_201 = tpu.memref_slice %dma_wait3A_199[%add3A_165, %dma_wait3A_200] : memref<10240x64xf32, #tpu.memory_space<hbm>> -> memref<64x64xf32, #tpu.memory_space<hbm>>
        tpu.wait_dma2 semaphore(%arg22 : memref<!tpu.dma_semaphore, #tpu.memory_space<semaphore_mem>>) src(%dma_wait3A_201 : memref<64x64xf32, #tpu.memory_space<hbm>>) dst(%arg16 : memref<64x64xf32, #tpu.memory_space<vmem>>)
        %scan3A_202 = arith.constant 0 : i32
        %scan3A_203 = arith.constant 64 : i32
        %scan3A_204 = arith.addi %scan3A_202, %scan3A_203 : i32
        %scan3A_205 = arith.constant 1 : i32
        scf.for %scan3A_239 = %scan3A_202 to %scan3A_204 step %scan3A_205  : i32 {
          %mul3A_240 = arith.constant 1 : i32
          %mul3A_241 = arith.muli %scan3A_239, %mul3A_240 : i32
          %add3A_242 = arith.constant 0 : i32
          %add3A_243 = arith.addi %add3A_242, %mul3A_241 : i32
          %add3A_244 = arith.addi %add3A_164, %add3A_243 : i32
          %broadcast_in_dim3A_245 = vector.broadcast %add3A_244 : i32 to vector<16xi32>
          %gather3A = tpu.vector_load_idx %arg18[%broadcast_in_dim3A_245] : memref<640xf32, #tpu.memory_space<vmem>>[vector<16xi32>], vector<16xf32>,
          %get3A = arith.index_cast %add3A_243 : i32 to index
          %get3A_246 = arith.constant 0 : index
          %get3A_247 = tpu.vector_load %arg15[%get3A, %get3A_246] {strides = array<i32>} : memref<64x64xf32, #tpu.memory_space<vmem>>, vector<16xf32>,
          %get3A_248 = arith.index_cast %add3A_243 : i32 to index
          %get3A_249 = arith.constant 0 : index
          %get3A_250 = tpu.vector_load %arg16[%get3A_248, %get3A_249] {strides = array<i32>} : memref<64x64xf32, #tpu.memory_space<vmem>>, vector<16xf32>,
          %add3A_251 = arith.addf %get3A_247, %get3A_250 : vector<16xf32>
          %mul3A_252 = arith.mulf %add3A_251, %gather3A : vector<16xf32>
          %swap3A = arith.index_cast %add3A_243 : i32 to index
          %swap3A_253 = arith.constant 0 : index
          %swap3A_254 = tpu.vector_load %arg17[%swap3A, %swap3A_253] {strides = array<i32>} : memref<64x64xf32, #tpu.memory_space<vmem>>, vector<16xf32>,
          tpu.vector_store %arg17[%swap3A, %swap3A_253], %mul3A_252 {strides = array<i32>} : memref<64x64xf32, #tpu.memory_space<vmem>>, vector<16xf32>,
          %get3A_255 = arith.index_cast %add3A_243 : i32 to index
          %get3A_256 = arith.constant 16 : index
          %get3A_257 = tpu.vector_load %arg15[%get3A_255, %get3A_256] {strides = array<i32>} : memref<64x64xf32, #tpu.memory_space<vmem>>, vector<16xf32>,
          %get3A_258 = arith.index_cast %add3A_243 : i32 to index
          %get3A_259 = arith.constant 16 : index
          %get3A_260 = tpu.vector_load %arg16[%get3A_258, %get3A_259] {strides = array<i32>} : memref<64x64xf32, #tpu.memory_space<vmem>>, vector<16xf32>,
          %add3A_261 = arith.addf %get3A_257, %get3A_260 : vector<16xf32>
          %mul3A_262 = arith.mulf %add3A_261, %gather3A : vector<16xf32>
          %swap3A_263 = arith.index_cast %add3A_243 : i32 to index
          %swap3A_264 = arith.constant 16 : index
          %swap3A_265 = tpu.vector_load %arg17[%swap3A_263, %swap3A_264] {strides = array<i32>} : memref<64x64xf32, #tpu.memory_space<vmem>>, vector<16xf32>,
          tpu.vector_store %arg17[%swap3A_263, %swap3A_264], %mul3A_262 {strides = array<i32>} : memref<64x64xf32, #tpu.memory_space<vmem>>, vector<16xf32>,
          %get3A_266 = arith.index_cast %add3A_243 : i32 to index
          %get3A_267 = arith.constant 32 : index
          %get3A_268 = tpu.vector_load %arg15[%get3A_266, %get3A_267] {strides = array<i32>} : memref<64x64xf32, #tpu.memory_space<vmem>>, vector<16xf32>,
          %get3A_269 = arith.index_cast %add3A_243 : i32 to index
          %get3A_270 = arith.constant 32 : index
          %get3A_271 = tpu.vector_load %arg16[%get3A_269, %get3A_270] {strides = array<i32>} : memref<64x64xf32, #tpu.memory_space<vmem>>, vector<16xf32>,
          %add3A_272 = arith.addf %get3A_268, %get3A_271 : vector<16xf32>
          %mul3A_273 = arith.mulf %add3A_272, %gather3A : vector<16xf32>
          %swap3A_274 = arith.index_cast %add3A_243 : i32 to index
          %swap3A_275 = arith.constant 32 : index
          %swap3A_276 = tpu.vector_load %arg17[%swap3A_274, %swap3A_275] {strides = array<i32>} : memref<64x64xf32, #tpu.memory_space<vmem>>, vector<16xf32>,
          tpu.vector_store %arg17[%swap3A_274, %swap3A_275], %mul3A_273 {strides = array<i32>} : memref<64x64xf32, #tpu.memory_space<vmem>>, vector<16xf32>,
          %get3A_277 = arith.index_cast %add3A_243 : i32 to index
          %get3A_278 = arith.constant 48 : index
          %get3A_279 = tpu.vector_load %arg15[%get3A_277, %get3A_278] {strides = array<i32>} : memref<64x64xf32, #tpu.memory_space<vmem>>, vector<16xf32>,
          %get3A_280 = arith.index_cast %add3A_243 : i32 to index
          %get3A_281 = arith.constant 48 : index
          %get3A_282 = tpu.vector_load %arg16[%get3A_280, %get3A_281] {strides = array<i32>} : memref<64x64xf32, #tpu.memory_space<vmem>>, vector<16xf32>,
          %add3A_283 = arith.addf %get3A_279, %get3A_282 : vector<16xf32>
          %mul3A_284 = arith.mulf %add3A_283, %gather3A : vector<16xf32>
          %swap3A_285 = arith.index_cast %add3A_243 : i32 to index
          %swap3A_286 = arith.constant 48 : index
          %swap3A_287 = tpu.vector_load %arg17[%swap3A_285, %swap3A_286] {strides = array<i32>} : memref<64x64xf32, #tpu.memory_space<vmem>>, vector<16xf32>,
          tpu.vector_store %arg17[%swap3A_285, %swap3A_286], %mul3A_284 {strides = array<i32>} : memref<64x64xf32, #tpu.memory_space<vmem>>, vector<16xf32>,
        }
        %scan3A_206 = arith.constant 64 : i32
        %dma_start3A_207 = arith.constant 0 : i32
        %dma_start3A_208 = arith.constant 0 : i32
        %dma_start3A_209 = tpu.memref_slice %arg7[%arg0, %dma_start3A_207, %dma_start3A_208] : memref<2x10240x64xf32, #tpu.memory_space<hbm>> -> memref<1x10240x64xf32, #tpu.memory_space<hbm>>
        %dma_start3A_210 = tpu.memref_squeeze %dma_start3A_209 : memref<1x10240x64xf32, #tpu.memory_space<hbm>> -> memref<10240x64xf32, #tpu.memory_space<hbm>>
        %dma_start3A_211 = arith.constant 0 : i32
        %dma_start3A_212 = tpu.memref_slice %dma_start3A_210[%add3A_165, %dma_start3A_211] : memref<10240x64xf32, #tpu.memory_space<hbm>> -> memref<64x64xf32, #tpu.memory_space<hbm>>
        %dma_start3A_213 = arith.constant 0 : i32
        %dma_start3A_214 = arith.constant 0 : i32
        %dma_start3A_215 = tpu.memref_slice %arg7[%arg0, %dma_start3A_213, %dma_start3A_214] : memref<2x10240x64xf32, #tpu.memory_space<hbm>> -> memref<1x10240x64xf32, #tpu.memory_space<hbm>>
        %dma_start3A_216 = tpu.memref_squeeze %dma_start3A_215 : memref<1x10240x64xf32, #tpu.memory_space<hbm>> -> memref<10240x64xf32, #tpu.memory_space<hbm>>
        %dma_start3A_217 = arith.constant 0 : i32
        %dma_start3A_218 = tpu.memref_slice %dma_start3A_216[%add3A_165, %dma_start3A_217] : memref<10240x64xf32, #tpu.memory_space<hbm>> -> memref<64x64xf32, #tpu.memory_space<hbm>>
        tpu.enqueue_dma source(%arg17 : memref<64x64xf32, #tpu.memory_space<vmem>>) target(%dma_start3A_218 : memref<64x64xf32, #tpu.memory_space<hbm>>) target_semaphore(%arg26 : memref<!tpu.dma_semaphore, #tpu.memory_space<semaphore_mem>>)
        %dma_start3A_219 = arith.constant 0 : i32
        %dma_start3A_220 = tpu.memref_slice %arg20[%add3A_165, %dma_start3A_219] : memref<10112x64xf32, #tpu.memory_space<vmem_shared>> -> memref<64x64xf32, #tpu.memory_space<vmem_shared>>
        %dma_start3A_221 = arith.constant 0 : i32
        %dma_start3A_222 = tpu.memref_slice %arg20[%add3A_165, %dma_start3A_221] : memref<10112x64xf32, #tpu.memory_space<vmem_shared>> -> memref<64x64xf32, #tpu.memory_space<vmem_shared>>
        tpu.enqueue_dma source(%arg14 : memref<64x64xf32, #tpu.memory_space<vmem>>) target(%dma_start3A_222 : memref<64x64xf32, #tpu.memory_space<vmem_shared>>) target_semaphore(%arg27 : memref<!tpu.dma_semaphore, #tpu.memory_space<semaphore_mem>>)
        %dma_wait3A_223 = arith.constant 0 : i32
        %dma_wait3A_224 = arith.constant 0 : i32
        %dma_wait3A_225 = tpu.memref_slice %arg7[%arg0, %dma_wait3A_223, %dma_wait3A_224] : memref<2x10240x64xf32, #tpu.memory_space<hbm>> -> memref<1x10240x64xf32, #tpu.memory_space<hbm>>
        %dma_wait3A_226 = tpu.memref_squeeze %dma_wait3A_225 : memref<1x10240x64xf32, #tpu.memory_space<hbm>> -> memref<10240x64xf32, #tpu.memory_space<hbm>>
        %dma_wait3A_227 = arith.constant 0 : i32
        %dma_wait3A_228 = tpu.memref_slice %dma_wait3A_226[%add3A_165, %dma_wait3A_227] : memref<10240x64xf32, #tpu.memory_space<hbm>> -> memref<64x64xf32, #tpu.memory_space<hbm>>
        %dma_wait3A_229 = arith.constant 0 : i32
        %dma_wait3A_230 = arith.constant 0 : i32
        %dma_wait3A_231 = tpu.memref_slice %arg7[%arg0, %dma_wait3A_229, %dma_wait3A_230] : memref<2x10240x64xf32, #tpu.memory_space<hbm>> -> memref<1x10240x64xf32, #tpu.memory_space<hbm>>
        %dma_wait3A_232 = tpu.memref_squeeze %dma_wait3A_231 : memref<1x10240x64xf32, #tpu.memory_space<hbm>> -> memref<10240x64xf32, #tpu.memory_space<hbm>>
        %dma_wait3A_233 = arith.constant 0 : i32
        %dma_wait3A_234 = tpu.memref_slice %dma_wait3A_232[%add3A_165, %dma_wait3A_233] : memref<10240x64xf32, #tpu.memory_space<hbm>> -> memref<64x64xf32, #tpu.memory_space<hbm>>
        tpu.wait_dma2 semaphore(%arg26 : memref<!tpu.dma_semaphore, #tpu.memory_space<semaphore_mem>>) src(%arg17 : memref<64x64xf32, #tpu.memory_space<vmem>>) dst(%dma_wait3A_234 : memref<64x64xf32, #tpu.memory_space<hbm>>)
        %dma_wait3A_235 = arith.constant 0 : i32
        %dma_wait3A_236 = tpu.memref_slice %arg20[%add3A_165, %dma_wait3A_235] : memref<10112x64xf32, #tpu.memory_space<vmem_shared>> -> memref<64x64xf32, #tpu.memory_space<vmem_shared>>
        %dma_wait3A_237 = arith.constant 0 : i32
        %dma_wait3A_238 = tpu.memref_slice %arg20[%add3A_165, %dma_wait3A_237] : memref<10112x64xf32, #tpu.memory_space<vmem_shared>> -> memref<64x64xf32, #tpu.memory_space<vmem_shared>>
        tpu.wait_dma2 semaphore(%arg27 : memref<!tpu.dma_semaphore, #tpu.memory_space<semaphore_mem>>) src(%arg14 : memref<64x64xf32, #tpu.memory_space<vmem>>) dst(%dma_wait3A_238 : memref<64x64xf32, #tpu.memory_space<vmem_shared>>)
      } else {
      }
    }
    %scan3A_159 = arith.constant 10 : i32
    return
  }
}

#map = affine_map<(d0, d1) -> (0, 0)>
#map1 = affine_map<(d0, d1) -> (0)>
#map2 = affine_map<(d0, d1) -> (0, 0, 0)>
module attributes {stable_mosaic.version = 14 : i64} {
  func.func @_prop2_sc(%arg0: i32, %arg1: i32, %arg2: memref<2560x125xi32, #tpu.memory_space<hbm>>, %arg3: memref<2560x125xi32, #tpu.memory_space<hbm>>, %arg4: memref<10240x64xf32, #tpu.memory_space<hbm>>, %arg5: memref<10240x64xf32, #tpu.memory_space<hbm>>, %arg6: memref<20480xf32, #tpu.memory_space<hbm>>, %arg7: memref<2x10240x64xf32, #tpu.memory_space<hbm>>, %arg8: memref<160x125xi32, #tpu.memory_space<vmem>>, %arg9: memref<160x125xi32, #tpu.memory_space<vmem>>, %arg10: memref<125x64xf32, #tpu.memory_space<vmem>>, %arg11: memref<125x64xf32, #tpu.memory_space<vmem>>, %arg12: memref<125x64xf32, #tpu.memory_space<vmem>>, %arg13: memref<125x64xf32, #tpu.memory_space<vmem>>, %arg14: memref<64x64xf32, #tpu.memory_space<vmem>>, %arg15: memref<64x64xf32, #tpu.memory_space<vmem>>, %arg16: memref<64x64xf32, #tpu.memory_space<vmem>>, %arg17: memref<64x64xf32, #tpu.memory_space<vmem>>, %arg18: memref<640xf32, #tpu.memory_space<vmem>>, %arg19: memref<640xf32, #tpu.memory_space<vmem>>, %arg20: memref<10112x64xf32, #tpu.memory_space<vmem_shared>>, %arg21: memref<!tpu.dma_semaphore, #tpu.memory_space<semaphore_mem>>, %arg22: memref<!tpu.dma_semaphore, #tpu.memory_space<semaphore_mem>>, %arg23: memref<!tpu.dma_semaphore, #tpu.memory_space<semaphore_mem>>, %arg24: memref<!tpu.dma_semaphore, #tpu.memory_space<semaphore_mem>>, %arg25: memref<!tpu.dma_semaphore, #tpu.memory_space<semaphore_mem>>, %arg26: memref<!tpu.dma_semaphore, #tpu.memory_space<semaphore_mem>>, %arg27: memref<!tpu.dma_semaphore, #tpu.memory_space<semaphore_mem>>, %arg28: memref<!tpu.dma_semaphore, #tpu.memory_space<semaphore_mem>>) attributes {dimension_semantics = [#tpu.dimension_semantics<core_parallel>, #tpu.dimension_semantics<subcore_parallel>], iteration_bounds = array<i64: 2, 16>, scalar_prefetch = 0 : i64, scratch_operands = 21 : i64, tpu.core_type = #tpu.core_type<sc_vector_subcore>, window_params = [{transform_indices = #map}, {transform_indices = #map}, {transform_indices = #map}, {transform_indices = #map}, {transform_indices = #map1}, {transform_indices = #map2}]} {
    %broadcast_in_dim3A = arith.constant 0.000000e+00 : f32
    %broadcast_in_dim3A_0 = vector.broadcast %broadcast_in_dim3A : f32 to vector<16xf32>
    %mul3A = arith.constant 640 : i32
    %mul3A_1 = arith.muli %arg1, %mul3A : i32
    %mul3A_2 = arith.constant 160 : i32
    %mul3A_3 = arith.muli %arg1, %mul3A_2 : i32
    %dma_start3A = arith.constant 0 : i32
    %dma_start3A_4 = tpu.memref_slice %arg2[%mul3A_3, %dma_start3A] : memref<2560x125xi32, #tpu.memory_space<hbm>> -> memref<160x125xi32, #tpu.memory_space<hbm>>
    %dma_start3A_5 = arith.constant 0 : i32
    %dma_start3A_6 = tpu.memref_slice %arg2[%mul3A_3, %dma_start3A_5] : memref<2560x125xi32, #tpu.memory_space<hbm>> -> memref<160x125xi32, #tpu.memory_space<hbm>>
    tpu.enqueue_dma source(%dma_start3A_6 : memref<160x125xi32, #tpu.memory_space<hbm>>) target(%arg8 : memref<160x125xi32, #tpu.memory_space<vmem>>) target_semaphore(%arg21 : memref<!tpu.dma_semaphore, #tpu.memory_space<semaphore_mem>>)
    %mul3A_7 = arith.constant 160 : i32
    %mul3A_8 = arith.muli %arg1, %mul3A_7 : i32
    %dma_start3A_9 = arith.constant 0 : i32
    %dma_start3A_10 = tpu.memref_slice %arg3[%mul3A_8, %dma_start3A_9] : memref<2560x125xi32, #tpu.memory_space<hbm>> -> memref<160x125xi32, #tpu.memory_space<hbm>>
    %dma_start3A_11 = arith.constant 0 : i32
    %dma_start3A_12 = tpu.memref_slice %arg3[%mul3A_8, %dma_start3A_11] : memref<2560x125xi32, #tpu.memory_space<hbm>> -> memref<160x125xi32, #tpu.memory_space<hbm>>
    tpu.enqueue_dma source(%dma_start3A_12 : memref<160x125xi32, #tpu.memory_space<hbm>>) target(%arg9 : memref<160x125xi32, #tpu.memory_space<vmem>>) target_semaphore(%arg22 : memref<!tpu.dma_semaphore, #tpu.memory_space<semaphore_mem>>)
    %scan3A = arith.constant 0 : i32
    %scan3A_13 = arith.constant 64 : i32
    %scan3A_14 = arith.addi %scan3A, %scan3A_13 : i32
    %scan3A_15 = arith.constant 1 : i32
    scf.for %scan3A_160 = %scan3A to %scan3A_14 step %scan3A_15  : i32 {
      %mul3A_161 = arith.constant 1 : i32
      %mul3A_162 = arith.muli %scan3A_160, %mul3A_161 : i32
      %add3A_163 = arith.constant 0 : i32
      %add3A_164 = arith.addi %add3A_163, %mul3A_162 : i32
      %scan3A_165 = arith.constant 0 : i32
      %scan3A_166 = arith.constant 4 : i32
      %scan3A_167 = arith.addi %scan3A_165, %scan3A_166 : i32
      %scan3A_168 = arith.constant 1 : i32
      scf.for %scan3A_170 = %scan3A_165 to %scan3A_167 step %scan3A_168  : i32 {
        %mul3A_171 = arith.constant 16 : i32
        %mul3A_172 = arith.muli %scan3A_170, %mul3A_171 : i32
        %add3A_173 = arith.constant 0 : i32
        %add3A_174 = arith.addi %add3A_173, %mul3A_172 : i32
        %swap3A = arith.index_cast %add3A_164 : i32 to index
        %swap3A_175 = arith.index_cast %add3A_174 : i32 to index
        %swap3A_176 = tpu.vector_load %arg14[%swap3A, %swap3A_175] {strides = array<i32>} : memref<64x64xf32, #tpu.memory_space<vmem>>, vector<16xf32>,
        tpu.vector_store %arg14[%swap3A, %swap3A_175], %broadcast_in_dim3A_0 {strides = array<i32>} : memref<64x64xf32, #tpu.memory_space<vmem>>, vector<16xf32>,
      }
      %scan3A_169 = arith.constant 4 : i32
    }
    %scan3A_16 = arith.constant 64 : i32
    %scan3A_17 = arith.constant 0 : i32
    %scan3A_18 = arith.constant 10 : i32
    %scan3A_19 = arith.addi %scan3A_17, %scan3A_18 : i32
    %scan3A_20 = arith.constant 1 : i32
    scf.for %scan3A_160 = %scan3A_17 to %scan3A_19 step %scan3A_20  : i32 {
      %mul3A_161 = arith.constant 64 : i32
      %mul3A_162 = arith.muli %scan3A_160, %mul3A_161 : i32
      %add3A_163 = arith.constant 0 : i32
      %add3A_164 = arith.addi %add3A_163, %mul3A_162 : i32
      %add3A_165 = arith.addi %mul3A_1, %add3A_164 : i32
      %add3A_166 = arith.constant 64 : i32
      %add3A_167 = arith.addi %add3A_165, %add3A_166 : i32
      %le3A = arith.constant 10112 : i32
      %le3A_168 = arith.cmpi sle, %add3A_167, %le3A : i32
      %convert_element_type3A = arith.extui %le3A_168 : i1 to i32
      %cond3A = arith.constant 0 : i32
      %cond3A_169 = arith.cmpi ne, %convert_element_type3A, %cond3A : i32
      scf.if %cond3A_169 {
        %add3A_170 = arith.addi %mul3A_1, %add3A_164 : i32
        %dma_start3A_171 = arith.constant 0 : i32
        %dma_start3A_172 = tpu.memref_slice %arg20[%add3A_170, %dma_start3A_171] : memref<10112x64xf32, #tpu.memory_space<vmem_shared>> -> memref<64x64xf32, #tpu.memory_space<vmem_shared>>
        %dma_start3A_173 = arith.constant 0 : i32
        %dma_start3A_174 = tpu.memref_slice %arg20[%add3A_170, %dma_start3A_173] : memref<10112x64xf32, #tpu.memory_space<vmem_shared>> -> memref<64x64xf32, #tpu.memory_space<vmem_shared>>
        tpu.enqueue_dma source(%arg14 : memref<64x64xf32, #tpu.memory_space<vmem>>) target(%dma_start3A_174 : memref<64x64xf32, #tpu.memory_space<vmem_shared>>) target_semaphore(%arg25 : memref<!tpu.dma_semaphore, #tpu.memory_space<semaphore_mem>>)
      } else {
      }
    }
    %scan3A_21 = arith.constant 10 : i32
    %scan3A_22 = arith.constant 0 : i32
    %scan3A_23 = arith.constant 10 : i32
    %scan3A_24 = arith.addi %scan3A_22, %scan3A_23 : i32
    %scan3A_25 = arith.constant 1 : i32
    scf.for %scan3A_160 = %scan3A_22 to %scan3A_24 step %scan3A_25  : i32 {
      %mul3A_161 = arith.constant 64 : i32
      %mul3A_162 = arith.muli %scan3A_160, %mul3A_161 : i32
      %add3A_163 = arith.constant 0 : i32
      %add3A_164 = arith.addi %add3A_163, %mul3A_162 : i32
      %add3A_165 = arith.addi %mul3A_1, %add3A_164 : i32
      %add3A_166 = arith.constant 64 : i32
      %add3A_167 = arith.addi %add3A_165, %add3A_166 : i32
      %le3A = arith.constant 10112 : i32
      %le3A_168 = arith.cmpi sle, %add3A_167, %le3A : i32
      %convert_element_type3A = arith.extui %le3A_168 : i1 to i32
      %cond3A = arith.constant 0 : i32
      %cond3A_169 = arith.cmpi ne, %convert_element_type3A, %cond3A : i32
      scf.if %cond3A_169 {
        %add3A_170 = arith.addi %mul3A_1, %add3A_164 : i32
        %dma_wait3A_171 = arith.constant 0 : i32
        %dma_wait3A_172 = tpu.memref_slice %arg20[%add3A_170, %dma_wait3A_171] : memref<10112x64xf32, #tpu.memory_space<vmem_shared>> -> memref<64x64xf32, #tpu.memory_space<vmem_shared>>
        %dma_wait3A_173 = arith.constant 0 : i32
        %dma_wait3A_174 = tpu.memref_slice %arg20[%add3A_170, %dma_wait3A_173] : memref<10112x64xf32, #tpu.memory_space<vmem_shared>> -> memref<64x64xf32, #tpu.memory_space<vmem_shared>>
        tpu.wait_dma2 semaphore(%arg25 : memref<!tpu.dma_semaphore, #tpu.memory_space<semaphore_mem>>) src(%arg14 : memref<64x64xf32, #tpu.memory_space<vmem>>) dst(%dma_wait3A_174 : memref<64x64xf32, #tpu.memory_space<vmem_shared>>)
      } else {
      }
    }
    %scan3A_26 = arith.constant 10 : i32
    "tpu.region"() ({
      %run_scoped3A = tpu.sem_alloc : memref<!tpu.dma_semaphore, #tpu.memory_space<semaphore_mem>>
      %dma_start3A_160 = tpu.memref_slice %arg6[%mul3A_1] : memref<20480xf32, #tpu.memory_space<hbm>> -> memref<640xf32, #tpu.memory_space<hbm>>
      %dma_start3A_161 = tpu.memref_slice %arg6[%mul3A_1] : memref<20480xf32, #tpu.memory_space<hbm>> -> memref<640xf32, #tpu.memory_space<hbm>>
      tpu.enqueue_dma source(%dma_start3A_161 : memref<640xf32, #tpu.memory_space<hbm>>) target(%arg18 : memref<640xf32, #tpu.memory_space<vmem>>) target_semaphore(%run_scoped3A : memref<!tpu.dma_semaphore, #tpu.memory_space<semaphore_mem>>)
      %dma_wait3A_162 = tpu.memref_slice %arg6[%mul3A_1] : memref<20480xf32, #tpu.memory_space<hbm>> -> memref<640xf32, #tpu.memory_space<hbm>>
      %dma_wait3A_163 = tpu.memref_slice %arg6[%mul3A_1] : memref<20480xf32, #tpu.memory_space<hbm>> -> memref<640xf32, #tpu.memory_space<hbm>>
      tpu.wait_dma2 semaphore(%run_scoped3A : memref<!tpu.dma_semaphore, #tpu.memory_space<semaphore_mem>>) src(%dma_wait3A_163 : memref<640xf32, #tpu.memory_space<hbm>>) dst(%arg18 : memref<640xf32, #tpu.memory_space<vmem>>)
      tpu.yield
    }) : () -> ()
    %add3A = arith.constant 10240 : i32
    %add3A_27 = arith.addi %add3A, %mul3A_1 : i32
    "tpu.region"() ({
      %run_scoped3A = tpu.sem_alloc : memref<!tpu.dma_semaphore, #tpu.memory_space<semaphore_mem>>
      %dma_start3A_160 = tpu.memref_slice %arg6[%add3A_27] : memref<20480xf32, #tpu.memory_space<hbm>> -> memref<640xf32, #tpu.memory_space<hbm>>
      %dma_start3A_161 = tpu.memref_slice %arg6[%add3A_27] : memref<20480xf32, #tpu.memory_space<hbm>> -> memref<640xf32, #tpu.memory_space<hbm>>
      tpu.enqueue_dma source(%dma_start3A_161 : memref<640xf32, #tpu.memory_space<hbm>>) target(%arg19 : memref<640xf32, #tpu.memory_space<vmem>>) target_semaphore(%run_scoped3A : memref<!tpu.dma_semaphore, #tpu.memory_space<semaphore_mem>>)
      %dma_wait3A_162 = tpu.memref_slice %arg6[%add3A_27] : memref<20480xf32, #tpu.memory_space<hbm>> -> memref<640xf32, #tpu.memory_space<hbm>>
      %dma_wait3A_163 = tpu.memref_slice %arg6[%add3A_27] : memref<20480xf32, #tpu.memory_space<hbm>> -> memref<640xf32, #tpu.memory_space<hbm>>
      tpu.wait_dma2 semaphore(%run_scoped3A : memref<!tpu.dma_semaphore, #tpu.memory_space<semaphore_mem>>) src(%dma_wait3A_163 : memref<640xf32, #tpu.memory_space<hbm>>) dst(%arg19 : memref<640xf32, #tpu.memory_space<vmem>>)
      tpu.yield
    }) : () -> ()
    %scan3A_28 = arith.constant 0 : i32
    %scan3A_29 = arith.constant 40 : i32
    %scan3A_30 = arith.addi %scan3A_28, %scan3A_29 : i32
    %scan3A_31 = arith.constant 1 : i32
    scf.for %scan3A_160 = %scan3A_28 to %scan3A_30 step %scan3A_31  : i32 {
      %mul3A_161 = arith.constant 16 : i32
      %mul3A_162 = arith.muli %scan3A_160, %mul3A_161 : i32
      %add3A_163 = arith.constant 0 : i32
      %add3A_164 = arith.addi %add3A_163, %mul3A_162 : i32
      %get3A = arith.index_cast %add3A_164 : i32 to index
      %get3A_165 = tpu.vector_load %arg18[%get3A] {strides = array<i32>} : memref<640xf32, #tpu.memory_space<vmem>>, vector<16xf32>,
      %get3A_166 = arith.index_cast %add3A_164 : i32 to index
      %get3A_167 = tpu.vector_load %arg19[%get3A_166] {strides = array<i32>} : memref<640xf32, #tpu.memory_space<vmem>>, vector<16xf32>,
      %add3A_168 = arith.addf %get3A_165, %get3A_167 : vector<16xf32>
      %add3A_169 = arith.constant 1.000000e+00 : f32
      %add3A_170 = vector.broadcast %add3A_169 : f32 to vector<16xf32>
      %add3A_171 = arith.addf %add3A_168, %add3A_170 : vector<16xf32>
      %bitcast3A = vector.bitcast %add3A_171 : vector<16xf32> to vector<16xi32>
      %shift_right_logical3A = arith.constant 1 : i32
      %shift_right_logical3A_172 = vector.broadcast %shift_right_logical3A : i32 to vector<16xi32>
      %shift_right_logical3A_173 = arith.shrui %bitcast3A, %shift_right_logical3A_172 : vector<16xi32>
      %sub3A = arith.constant 1597463007 : i32
      %sub3A_174 = vector.broadcast %sub3A : i32 to vector<16xi32>
      %sub3A_175 = arith.subi %sub3A_174, %shift_right_logical3A_173 : vector<16xi32>
      %bitcast3A_176 = vector.bitcast %sub3A_175 : vector<16xi32> to vector<16xf32>
      %mul3A_177 = arith.constant 5.000000e-01 : f32
      %mul3A_178 = vector.broadcast %mul3A_177 : f32 to vector<16xf32>
      %mul3A_179 = arith.mulf %mul3A_178, %add3A_171 : vector<16xf32>
      %mul3A_180 = arith.mulf %mul3A_179, %bitcast3A_176 : vector<16xf32>
      %mul3A_181 = arith.mulf %mul3A_180, %bitcast3A_176 : vector<16xf32>
      %sub3A_182 = arith.constant 1.500000e+00 : f32
      %sub3A_183 = vector.broadcast %sub3A_182 : f32 to vector<16xf32>
      %sub3A_184 = arith.subf %sub3A_183, %mul3A_181 : vector<16xf32>
      %mul3A_185 = arith.mulf %bitcast3A_176, %sub3A_184 : vector<16xf32>
      %mul3A_186 = arith.mulf %mul3A_179, %mul3A_185 : vector<16xf32>
      %mul3A_187 = arith.mulf %mul3A_186, %mul3A_185 : vector<16xf32>
      %sub3A_188 = arith.constant 1.500000e+00 : f32
      %sub3A_189 = vector.broadcast %sub3A_188 : f32 to vector<16xf32>
      %sub3A_190 = arith.subf %sub3A_189, %mul3A_187 : vector<16xf32>
      %mul3A_191 = arith.mulf %mul3A_185, %sub3A_190 : vector<16xf32>
      %mul3A_192 = arith.mulf %mul3A_179, %mul3A_191 : vector<16xf32>
      %mul3A_193 = arith.mulf %mul3A_192, %mul3A_191 : vector<16xf32>
      %sub3A_194 = arith.constant 1.500000e+00 : f32
      %sub3A_195 = vector.broadcast %sub3A_194 : f32 to vector<16xf32>
      %sub3A_196 = arith.subf %sub3A_195, %mul3A_193 : vector<16xf32>
      %mul3A_197 = arith.mulf %mul3A_191, %sub3A_196 : vector<16xf32>
      %mul3A_198 = arith.mulf %mul3A_179, %mul3A_197 : vector<16xf32>
      %mul3A_199 = arith.mulf %mul3A_198, %mul3A_197 : vector<16xf32>
      %sub3A_200 = arith.constant 1.500000e+00 : f32
      %sub3A_201 = vector.broadcast %sub3A_200 : f32 to vector<16xf32>
      %sub3A_202 = arith.subf %sub3A_201, %mul3A_199 : vector<16xf32>
      %mul3A_203 = arith.mulf %mul3A_197, %sub3A_202 : vector<16xf32>
      %swap3A = arith.index_cast %add3A_164 : i32 to index
      %swap3A_204 = tpu.vector_load %arg18[%swap3A] {strides = array<i32>} : memref<640xf32, #tpu.memory_space<vmem>>, vector<16xf32>,
      tpu.vector_store %arg18[%swap3A], %mul3A_203 {strides = array<i32>} : memref<640xf32, #tpu.memory_space<vmem>>, vector<16xf32>,
      %mul3A_205 = arith.mulf %mul3A_203, %mul3A_203 : vector<16xf32>
      %swap3A_206 = arith.index_cast %add3A_164 : i32 to index
      %swap3A_207 = tpu.vector_load %arg19[%swap3A_206] {strides = array<i32>} : memref<640xf32, #tpu.memory_space<vmem>>, vector<16xf32>,
      tpu.vector_store %arg19[%swap3A_206], %mul3A_205 {strides = array<i32>} : memref<640xf32, #tpu.memory_space<vmem>>, vector<16xf32>,
    }
    %scan3A_32 = arith.constant 40 : i32
    %scan3A_33 = arith.constant 0 : i32
    %scan3A_34 = arith.constant 10 : i32
    %scan3A_35 = arith.addi %scan3A_33, %scan3A_34 : i32
    %scan3A_36 = arith.constant 1 : i32
    scf.for %scan3A_160 = %scan3A_33 to %scan3A_35 step %scan3A_36  : i32 {
      %mul3A_161 = arith.constant 64 : i32
      %mul3A_162 = arith.muli %scan3A_160, %mul3A_161 : i32
      %add3A_163 = arith.constant 0 : i32
      %add3A_164 = arith.addi %add3A_163, %mul3A_162 : i32
      %add3A_165 = arith.addi %mul3A_1, %add3A_164 : i32
      %eq3A = arith.constant 0 : i32
      %eq3A_166 = arith.cmpi eq, %arg0, %eq3A : i32
      %convert_element_type3A = arith.extui %eq3A_166 : i1 to i32
      %cond3A = arith.constant 0 : i32
      %cond3A_167 = arith.cmpi ne, %convert_element_type3A, %cond3A : i32
      scf.if %cond3A_167 {
        "tpu.region"() ({
          %run_scoped3A = tpu.sem_alloc : memref<!tpu.dma_semaphore, #tpu.memory_space<semaphore_mem>>
          %dma_start3A_178 = arith.constant 0 : i32
          %dma_start3A_179 = tpu.memref_slice %arg4[%add3A_165, %dma_start3A_178] : memref<10240x64xf32, #tpu.memory_space<hbm>> -> memref<64x64xf32, #tpu.memory_space<hbm>>
          %dma_start3A_180 = arith.constant 0 : i32
          %dma_start3A_181 = tpu.memref_slice %arg4[%add3A_165, %dma_start3A_180] : memref<10240x64xf32, #tpu.memory_space<hbm>> -> memref<64x64xf32, #tpu.memory_space<hbm>>
          tpu.enqueue_dma source(%dma_start3A_181 : memref<64x64xf32, #tpu.memory_space<hbm>>) target(%arg16 : memref<64x64xf32, #tpu.memory_space<vmem>>) target_semaphore(%run_scoped3A : memref<!tpu.dma_semaphore, #tpu.memory_space<semaphore_mem>>)
          %dma_wait3A_182 = arith.constant 0 : i32
          %dma_wait3A_183 = tpu.memref_slice %arg4[%add3A_165, %dma_wait3A_182] : memref<10240x64xf32, #tpu.memory_space<hbm>> -> memref<64x64xf32, #tpu.memory_space<hbm>>
          %dma_wait3A_184 = arith.constant 0 : i32
          %dma_wait3A_185 = tpu.memref_slice %arg4[%add3A_165, %dma_wait3A_184] : memref<10240x64xf32, #tpu.memory_space<hbm>> -> memref<64x64xf32, #tpu.memory_space<hbm>>
          tpu.wait_dma2 semaphore(%run_scoped3A : memref<!tpu.dma_semaphore, #tpu.memory_space<semaphore_mem>>) src(%dma_wait3A_185 : memref<64x64xf32, #tpu.memory_space<hbm>>) dst(%arg16 : memref<64x64xf32, #tpu.memory_space<vmem>>)
          tpu.yield
        }) : () -> ()
      } else {
      }
      %eq3A_168 = arith.constant 1 : i32
      %eq3A_169 = arith.cmpi eq, %arg0, %eq3A_168 : i32
      %convert_element_type3A_170 = arith.extui %eq3A_169 : i1 to i32
      %cond3A_171 = arith.constant 0 : i32
      %cond3A_172 = arith.cmpi ne, %convert_element_type3A_170, %cond3A_171 : i32
      scf.if %cond3A_172 {
        "tpu.region"() ({
          %run_scoped3A = tpu.sem_alloc : memref<!tpu.dma_semaphore, #tpu.memory_space<semaphore_mem>>
          %dma_start3A_178 = arith.constant 0 : i32
          %dma_start3A_179 = tpu.memref_slice %arg5[%add3A_165, %dma_start3A_178] : memref<10240x64xf32, #tpu.memory_space<hbm>> -> memref<64x64xf32, #tpu.memory_space<hbm>>
          %dma_start3A_180 = arith.constant 0 : i32
          %dma_start3A_181 = tpu.memref_slice %arg5[%add3A_165, %dma_start3A_180] : memref<10240x64xf32, #tpu.memory_space<hbm>> -> memref<64x64xf32, #tpu.memory_space<hbm>>
          tpu.enqueue_dma source(%dma_start3A_181 : memref<64x64xf32, #tpu.memory_space<hbm>>) target(%arg16 : memref<64x64xf32, #tpu.memory_space<vmem>>) target_semaphore(%run_scoped3A : memref<!tpu.dma_semaphore, #tpu.memory_space<semaphore_mem>>)
          %dma_wait3A_182 = arith.constant 0 : i32
          %dma_wait3A_183 = tpu.memref_slice %arg5[%add3A_165, %dma_wait3A_182] : memref<10240x64xf32, #tpu.memory_space<hbm>> -> memref<64x64xf32, #tpu.memory_space<hbm>>
          %dma_wait3A_184 = arith.constant 0 : i32
          %dma_wait3A_185 = tpu.memref_slice %arg5[%add3A_165, %dma_wait3A_184] : memref<10240x64xf32, #tpu.memory_space<hbm>> -> memref<64x64xf32, #tpu.memory_space<hbm>>
          tpu.wait_dma2 semaphore(%run_scoped3A : memref<!tpu.dma_semaphore, #tpu.memory_space<semaphore_mem>>) src(%dma_wait3A_185 : memref<64x64xf32, #tpu.memory_space<hbm>>) dst(%arg16 : memref<64x64xf32, #tpu.memory_space<vmem>>)
          tpu.yield
        }) : () -> ()
      } else {
      }
      %scan3A_173 = arith.constant 0 : i32
      %scan3A_174 = arith.constant 64 : i32
      %scan3A_175 = arith.addi %scan3A_173, %scan3A_174 : i32
      %scan3A_176 = arith.constant 1 : i32
      scf.for %scan3A_178 = %scan3A_173 to %scan3A_175 step %scan3A_176  : i32 {
        %mul3A_179 = arith.constant 1 : i32
        %mul3A_180 = arith.muli %scan3A_178, %mul3A_179 : i32
        %add3A_181 = arith.constant 0 : i32
        %add3A_182 = arith.addi %add3A_181, %mul3A_180 : i32
        %add3A_183 = arith.addi %add3A_164, %add3A_182 : i32
        %broadcast_in_dim3A_184 = vector.broadcast %add3A_183 : i32 to vector<16xi32>
        %gather3A = tpu.vector_load_idx %arg18[%broadcast_in_dim3A_184] : memref<640xf32, #tpu.memory_space<vmem>>[vector<16xi32>], vector<16xf32>,
        %get3A = arith.index_cast %add3A_182 : i32 to index
        %get3A_185 = arith.constant 0 : index
        %get3A_186 = tpu.vector_load %arg16[%get3A, %get3A_185] {strides = array<i32>} : memref<64x64xf32, #tpu.memory_space<vmem>>, vector<16xf32>,
        %mul3A_187 = arith.mulf %get3A_186, %gather3A : vector<16xf32>
        %swap3A = arith.index_cast %add3A_182 : i32 to index
        %swap3A_188 = arith.constant 0 : index
        %swap3A_189 = tpu.vector_load %arg17[%swap3A, %swap3A_188] {strides = array<i32>} : memref<64x64xf32, #tpu.memory_space<vmem>>, vector<16xf32>,
        tpu.vector_store %arg17[%swap3A, %swap3A_188], %mul3A_187 {strides = array<i32>} : memref<64x64xf32, #tpu.memory_space<vmem>>, vector<16xf32>,
        %get3A_190 = arith.index_cast %add3A_182 : i32 to index
        %get3A_191 = arith.constant 16 : index
        %get3A_192 = tpu.vector_load %arg16[%get3A_190, %get3A_191] {strides = array<i32>} : memref<64x64xf32, #tpu.memory_space<vmem>>, vector<16xf32>,
        %mul3A_193 = arith.mulf %get3A_192, %gather3A : vector<16xf32>
        %swap3A_194 = arith.index_cast %add3A_182 : i32 to index
        %swap3A_195 = arith.constant 16 : index
        %swap3A_196 = tpu.vector_load %arg17[%swap3A_194, %swap3A_195] {strides = array<i32>} : memref<64x64xf32, #tpu.memory_space<vmem>>, vector<16xf32>,
        tpu.vector_store %arg17[%swap3A_194, %swap3A_195], %mul3A_193 {strides = array<i32>} : memref<64x64xf32, #tpu.memory_space<vmem>>, vector<16xf32>,
        %get3A_197 = arith.index_cast %add3A_182 : i32 to index
        %get3A_198 = arith.constant 32 : index
        %get3A_199 = tpu.vector_load %arg16[%get3A_197, %get3A_198] {strides = array<i32>} : memref<64x64xf32, #tpu.memory_space<vmem>>, vector<16xf32>,
        %mul3A_200 = arith.mulf %get3A_199, %gather3A : vector<16xf32>
        %swap3A_201 = arith.index_cast %add3A_182 : i32 to index
        %swap3A_202 = arith.constant 32 : index
        %swap3A_203 = tpu.vector_load %arg17[%swap3A_201, %swap3A_202] {strides = array<i32>} : memref<64x64xf32, #tpu.memory_space<vmem>>, vector<16xf32>,
        tpu.vector_store %arg17[%swap3A_201, %swap3A_202], %mul3A_200 {strides = array<i32>} : memref<64x64xf32, #tpu.memory_space<vmem>>, vector<16xf32>,
        %get3A_204 = arith.index_cast %add3A_182 : i32 to index
        %get3A_205 = arith.constant 48 : index
        %get3A_206 = tpu.vector_load %arg16[%get3A_204, %get3A_205] {strides = array<i32>} : memref<64x64xf32, #tpu.memory_space<vmem>>, vector<16xf32>,
        %mul3A_207 = arith.mulf %get3A_206, %gather3A : vector<16xf32>
        %swap3A_208 = arith.index_cast %add3A_182 : i32 to index
        %swap3A_209 = arith.constant 48 : index
        %swap3A_210 = tpu.vector_load %arg17[%swap3A_208, %swap3A_209] {strides = array<i32>} : memref<64x64xf32, #tpu.memory_space<vmem>>, vector<16xf32>,
        tpu.vector_store %arg17[%swap3A_208, %swap3A_209], %mul3A_207 {strides = array<i32>} : memref<64x64xf32, #tpu.memory_space<vmem>>, vector<16xf32>,
      }
      %scan3A_177 = arith.constant 64 : i32
      "tpu.region"() ({
        %run_scoped3A = tpu.sem_alloc : memref<!tpu.dma_semaphore, #tpu.memory_space<semaphore_mem>>
        %dma_start3A_178 = arith.constant 0 : i32
        %dma_start3A_179 = tpu.memref_slice %arg7[%arg0, %add3A_165, %dma_start3A_178] : memref<2x10240x64xf32, #tpu.memory_space<hbm>> -> memref<1x64x64xf32, #tpu.memory_space<hbm>>
        %dma_start3A_180 = tpu.memref_squeeze %dma_start3A_179 : memref<1x64x64xf32, #tpu.memory_space<hbm>> -> memref<64x64xf32, #tpu.memory_space<hbm>>
        %dma_start3A_181 = arith.constant 0 : i32
        %dma_start3A_182 = tpu.memref_slice %arg7[%arg0, %add3A_165, %dma_start3A_181] : memref<2x10240x64xf32, #tpu.memory_space<hbm>> -> memref<1x64x64xf32, #tpu.memory_space<hbm>>
        %dma_start3A_183 = tpu.memref_squeeze %dma_start3A_182 : memref<1x64x64xf32, #tpu.memory_space<hbm>> -> memref<64x64xf32, #tpu.memory_space<hbm>>
        tpu.enqueue_dma source(%arg17 : memref<64x64xf32, #tpu.memory_space<vmem>>) target(%dma_start3A_183 : memref<64x64xf32, #tpu.memory_space<hbm>>) target_semaphore(%run_scoped3A : memref<!tpu.dma_semaphore, #tpu.memory_space<semaphore_mem>>)
        %dma_wait3A_184 = arith.constant 0 : i32
        %dma_wait3A_185 = tpu.memref_slice %arg7[%arg0, %add3A_165, %dma_wait3A_184] : memref<2x10240x64xf32, #tpu.memory_space<hbm>> -> memref<1x64x64xf32, #tpu.memory_space<hbm>>
        %dma_wait3A_186 = tpu.memref_squeeze %dma_wait3A_185 : memref<1x64x64xf32, #tpu.memory_space<hbm>> -> memref<64x64xf32, #tpu.memory_space<hbm>>
        %dma_wait3A_187 = arith.constant 0 : i32
        %dma_wait3A_188 = tpu.memref_slice %arg7[%arg0, %add3A_165, %dma_wait3A_187] : memref<2x10240x64xf32, #tpu.memory_space<hbm>> -> memref<1x64x64xf32, #tpu.memory_space<hbm>>
        %dma_wait3A_189 = tpu.memref_squeeze %dma_wait3A_188 : memref<1x64x64xf32, #tpu.memory_space<hbm>> -> memref<64x64xf32, #tpu.memory_space<hbm>>
        tpu.wait_dma2 semaphore(%run_scoped3A : memref<!tpu.dma_semaphore, #tpu.memory_space<semaphore_mem>>) src(%arg17 : memref<64x64xf32, #tpu.memory_space<vmem>>) dst(%dma_wait3A_189 : memref<64x64xf32, #tpu.memory_space<hbm>>)
        tpu.yield
      }) : () -> ()
    }
    %scan3A_37 = arith.constant 10 : i32
    %mul3A_38 = arith.constant 160 : i32
    %mul3A_39 = arith.muli %arg1, %mul3A_38 : i32
    %dma_wait3A = arith.constant 0 : i32
    %dma_wait3A_40 = tpu.memref_slice %arg2[%mul3A_39, %dma_wait3A] : memref<2560x125xi32, #tpu.memory_space<hbm>> -> memref<160x125xi32, #tpu.memory_space<hbm>>
    %dma_wait3A_41 = arith.constant 0 : i32
    %dma_wait3A_42 = tpu.memref_slice %arg2[%mul3A_39, %dma_wait3A_41] : memref<2560x125xi32, #tpu.memory_space<hbm>> -> memref<160x125xi32, #tpu.memory_space<hbm>>
    tpu.wait_dma2 semaphore(%arg21 : memref<!tpu.dma_semaphore, #tpu.memory_space<semaphore_mem>>) src(%dma_wait3A_42 : memref<160x125xi32, #tpu.memory_space<hbm>>) dst(%arg8 : memref<160x125xi32, #tpu.memory_space<vmem>>)
    %mul3A_43 = arith.constant 160 : i32
    %mul3A_44 = arith.muli %arg1, %mul3A_43 : i32
    %dma_wait3A_45 = arith.constant 0 : i32
    %dma_wait3A_46 = tpu.memref_slice %arg3[%mul3A_44, %dma_wait3A_45] : memref<2560x125xi32, #tpu.memory_space<hbm>> -> memref<160x125xi32, #tpu.memory_space<hbm>>
    %dma_wait3A_47 = arith.constant 0 : i32
    %dma_wait3A_48 = tpu.memref_slice %arg3[%mul3A_44, %dma_wait3A_47] : memref<2560x125xi32, #tpu.memory_space<hbm>> -> memref<160x125xi32, #tpu.memory_space<hbm>>
    tpu.wait_dma2 semaphore(%arg22 : memref<!tpu.dma_semaphore, #tpu.memory_space<semaphore_mem>>) src(%dma_wait3A_48 : memref<160x125xi32, #tpu.memory_space<hbm>>) dst(%arg9 : memref<160x125xi32, #tpu.memory_space<vmem>>)
    %barrier3A = arith.constant 0 : index
    tpu.barrier barrier_id(%barrier3A)
    %dma_start3A_49 = arith.constant 0 : i32
    %dma_start3A_50 = arith.constant 0 : i32
    %dma_start3A_51 = tpu.memref_slice %arg8[%dma_start3A_49, %dma_start3A_50] : memref<160x125xi32, #tpu.memory_space<vmem>> -> memref<1x125xi32, #tpu.memory_space<vmem>>
    %dma_start3A_52 = tpu.memref_squeeze %dma_start3A_51 : memref<1x125xi32, #tpu.memory_space<vmem>> -> memref<125xi32, #tpu.memory_space<vmem>>
    %dma_start3A_53 = arith.constant 0 : i32
    %dma_start3A_54 = arith.constant 0 : i32
    %dma_start3A_55 = tpu.memref_slice %arg7[%arg0, %dma_start3A_53, %dma_start3A_54] : memref<2x10240x64xf32, #tpu.memory_space<hbm>> -> memref<1x10240x64xf32, #tpu.memory_space<hbm>>
    %dma_start3A_56 = tpu.memref_squeeze %dma_start3A_55 : memref<1x10240x64xf32, #tpu.memory_space<hbm>> -> memref<10240x64xf32, #tpu.memory_space<hbm>>
    %dma_start3A_57 = arith.constant 0 : i32
    %dma_start3A_58 = arith.constant 0 : i32
    %dma_start3A_59 = tpu.memref_slice %dma_start3A_56[%dma_start3A_57, %dma_start3A_58] : memref<10240x64xf32, #tpu.memory_space<hbm>> -> memref<10240x64xf32, #tpu.memory_space<hbm>>
    tpu.enqueue_indirect_dma source(%dma_start3A_59 : memref<10240x64xf32, #tpu.memory_space<hbm>>) target(%arg10 : memref<125x64xf32, #tpu.memory_space<vmem>>) offsets(%dma_start3A_52 : memref<125xi32, #tpu.memory_space<vmem>>) semaphore(%arg21 : memref<!tpu.dma_semaphore, #tpu.memory_space<semaphore_mem>>)
    %dma_start3A_60 = arith.constant 1 : i32
    %dma_start3A_61 = arith.constant 0 : i32
    %dma_start3A_62 = tpu.memref_slice %arg8[%dma_start3A_60, %dma_start3A_61] : memref<160x125xi32, #tpu.memory_space<vmem>> -> memref<1x125xi32, #tpu.memory_space<vmem>>
    %dma_start3A_63 = tpu.memref_squeeze %dma_start3A_62 : memref<1x125xi32, #tpu.memory_space<vmem>> -> memref<125xi32, #tpu.memory_space<vmem>>
    %dma_start3A_64 = arith.constant 0 : i32
    %dma_start3A_65 = arith.constant 0 : i32
    %dma_start3A_66 = tpu.memref_slice %arg7[%arg0, %dma_start3A_64, %dma_start3A_65] : memref<2x10240x64xf32, #tpu.memory_space<hbm>> -> memref<1x10240x64xf32, #tpu.memory_space<hbm>>
    %dma_start3A_67 = tpu.memref_squeeze %dma_start3A_66 : memref<1x10240x64xf32, #tpu.memory_space<hbm>> -> memref<10240x64xf32, #tpu.memory_space<hbm>>
    %dma_start3A_68 = arith.constant 0 : i32
    %dma_start3A_69 = arith.constant 0 : i32
    %dma_start3A_70 = tpu.memref_slice %dma_start3A_67[%dma_start3A_68, %dma_start3A_69] : memref<10240x64xf32, #tpu.memory_space<hbm>> -> memref<10240x64xf32, #tpu.memory_space<hbm>>
    tpu.enqueue_indirect_dma source(%dma_start3A_70 : memref<10240x64xf32, #tpu.memory_space<hbm>>) target(%arg11 : memref<125x64xf32, #tpu.memory_space<vmem>>) offsets(%dma_start3A_63 : memref<125xi32, #tpu.memory_space<vmem>>) semaphore(%arg22 : memref<!tpu.dma_semaphore, #tpu.memory_space<semaphore_mem>>)
    %dma_start3A_71 = arith.constant 2 : i32
    %dma_start3A_72 = arith.constant 0 : i32
    %dma_start3A_73 = tpu.memref_slice %arg8[%dma_start3A_71, %dma_start3A_72] : memref<160x125xi32, #tpu.memory_space<vmem>> -> memref<1x125xi32, #tpu.memory_space<vmem>>
    %dma_start3A_74 = tpu.memref_squeeze %dma_start3A_73 : memref<1x125xi32, #tpu.memory_space<vmem>> -> memref<125xi32, #tpu.memory_space<vmem>>
    %dma_start3A_75 = arith.constant 0 : i32
    %dma_start3A_76 = arith.constant 0 : i32
    %dma_start3A_77 = tpu.memref_slice %arg7[%arg0, %dma_start3A_75, %dma_start3A_76] : memref<2x10240x64xf32, #tpu.memory_space<hbm>> -> memref<1x10240x64xf32, #tpu.memory_space<hbm>>
    %dma_start3A_78 = tpu.memref_squeeze %dma_start3A_77 : memref<1x10240x64xf32, #tpu.memory_space<hbm>> -> memref<10240x64xf32, #tpu.memory_space<hbm>>
    %dma_start3A_79 = arith.constant 0 : i32
    %dma_start3A_80 = arith.constant 0 : i32
    %dma_start3A_81 = tpu.memref_slice %dma_start3A_78[%dma_start3A_79, %dma_start3A_80] : memref<10240x64xf32, #tpu.memory_space<hbm>> -> memref<10240x64xf32, #tpu.memory_space<hbm>>
    tpu.enqueue_indirect_dma source(%dma_start3A_81 : memref<10240x64xf32, #tpu.memory_space<hbm>>) target(%arg12 : memref<125x64xf32, #tpu.memory_space<vmem>>) offsets(%dma_start3A_74 : memref<125xi32, #tpu.memory_space<vmem>>) semaphore(%arg23 : memref<!tpu.dma_semaphore, #tpu.memory_space<semaphore_mem>>)
    %dma_start3A_82 = arith.constant 3 : i32
    %dma_start3A_83 = arith.constant 0 : i32
    %dma_start3A_84 = tpu.memref_slice %arg8[%dma_start3A_82, %dma_start3A_83] : memref<160x125xi32, #tpu.memory_space<vmem>> -> memref<1x125xi32, #tpu.memory_space<vmem>>
    %dma_start3A_85 = tpu.memref_squeeze %dma_start3A_84 : memref<1x125xi32, #tpu.memory_space<vmem>> -> memref<125xi32, #tpu.memory_space<vmem>>
    %dma_start3A_86 = arith.constant 0 : i32
    %dma_start3A_87 = arith.constant 0 : i32
    %dma_start3A_88 = tpu.memref_slice %arg7[%arg0, %dma_start3A_86, %dma_start3A_87] : memref<2x10240x64xf32, #tpu.memory_space<hbm>> -> memref<1x10240x64xf32, #tpu.memory_space<hbm>>
    %dma_start3A_89 = tpu.memref_squeeze %dma_start3A_88 : memref<1x10240x64xf32, #tpu.memory_space<hbm>> -> memref<10240x64xf32, #tpu.memory_space<hbm>>
    %dma_start3A_90 = arith.constant 0 : i32
    %dma_start3A_91 = arith.constant 0 : i32
    %dma_start3A_92 = tpu.memref_slice %dma_start3A_89[%dma_start3A_90, %dma_start3A_91] : memref<10240x64xf32, #tpu.memory_space<hbm>> -> memref<10240x64xf32, #tpu.memory_space<hbm>>
    tpu.enqueue_indirect_dma source(%dma_start3A_92 : memref<10240x64xf32, #tpu.memory_space<hbm>>) target(%arg13 : memref<125x64xf32, #tpu.memory_space<vmem>>) offsets(%dma_start3A_85 : memref<125xi32, #tpu.memory_space<vmem>>) semaphore(%arg24 : memref<!tpu.dma_semaphore, #tpu.memory_space<semaphore_mem>>)
    %scan3A_93 = arith.constant 0 : i32
    %scan3A_94 = arith.constant 40 : i32
    %scan3A_95 = arith.addi %scan3A_93, %scan3A_94 : i32
    %scan3A_96 = arith.constant 1 : i32
    scf.for %scan3A_160 = %scan3A_93 to %scan3A_95 step %scan3A_96  : i32 {
      %mul3A_161 = arith.constant 4 : i32
      %mul3A_162 = arith.muli %scan3A_160, %mul3A_161 : i32
      %add3A_163 = arith.constant 0 : i32
      %add3A_164 = arith.addi %add3A_163, %mul3A_162 : i32
      %add3A_165 = arith.constant 0 : i32
      %add3A_166 = arith.addi %add3A_164, %add3A_165 : i32
      %dma_wait3A_167 = arith.constant 0 : i32
      %dma_wait3A_168 = tpu.memref_slice %arg8[%add3A_166, %dma_wait3A_167] : memref<160x125xi32, #tpu.memory_space<vmem>> -> memref<1x125xi32, #tpu.memory_space<vmem>>
      %dma_wait3A_169 = tpu.memref_squeeze %dma_wait3A_168 : memref<1x125xi32, #tpu.memory_space<vmem>> -> memref<125xi32, #tpu.memory_space<vmem>>
      %dma_wait3A_170 = arith.constant 0 : i32
      %dma_wait3A_171 = arith.constant 0 : i32
      %dma_wait3A_172 = tpu.memref_slice %arg7[%arg0, %dma_wait3A_170, %dma_wait3A_171] : memref<2x10240x64xf32, #tpu.memory_space<hbm>> -> memref<1x10240x64xf32, #tpu.memory_space<hbm>>
      %dma_wait3A_173 = tpu.memref_squeeze %dma_wait3A_172 : memref<1x10240x64xf32, #tpu.memory_space<hbm>> -> memref<10240x64xf32, #tpu.memory_space<hbm>>
      %dma_wait3A_174 = arith.constant 0 : i32
      %dma_wait3A_175 = arith.constant 0 : i32
      %dma_wait3A_176 = tpu.memref_slice %dma_wait3A_173[%dma_wait3A_174, %dma_wait3A_175] : memref<10240x64xf32, #tpu.memory_space<hbm>> -> memref<10240x64xf32, #tpu.memory_space<hbm>>
      tpu.wait_indirect_dma semaphore(%arg21 : memref<!tpu.dma_semaphore, #tpu.memory_space<semaphore_mem>>) src(%dma_wait3A_176 : memref<10240x64xf32, #tpu.memory_space<hbm>>) dst(%arg10 : memref<125x64xf32, #tpu.memory_space<vmem>>)
      %dma_start3A_177 = arith.constant 0 : i32
      %dma_start3A_178 = tpu.memref_slice %arg9[%add3A_166, %dma_start3A_177] : memref<160x125xi32, #tpu.memory_space<vmem>> -> memref<1x125xi32, #tpu.memory_space<vmem>>
      %dma_start3A_179 = tpu.memref_squeeze %dma_start3A_178 : memref<1x125xi32, #tpu.memory_space<vmem>> -> memref<125xi32, #tpu.memory_space<vmem>>
      %dma_start3A_180 = arith.constant 0 : i32
      %dma_start3A_181 = arith.constant 0 : i32
      %dma_start3A_182 = tpu.memref_slice %arg20[%dma_start3A_180, %dma_start3A_181] : memref<10112x64xf32, #tpu.memory_space<vmem_shared>> -> memref<10112x64xf32, #tpu.memory_space<vmem_shared>>
      tpu.enqueue_indirect_dma source(%arg10 : memref<125x64xf32, #tpu.memory_space<vmem>>) target(%dma_start3A_182 : memref<10112x64xf32, #tpu.memory_space<vmem_shared>>) offsets(%dma_start3A_179 : memref<125xi32, #tpu.memory_space<vmem>>) semaphore(%arg25 : memref<!tpu.dma_semaphore, #tpu.memory_space<semaphore_mem>>) {add = true}
      %add3A_183 = arith.constant 1 : i32
      %add3A_184 = arith.addi %add3A_164, %add3A_183 : i32
      %dma_wait3A_185 = arith.constant 0 : i32
      %dma_wait3A_186 = tpu.memref_slice %arg8[%add3A_184, %dma_wait3A_185] : memref<160x125xi32, #tpu.memory_space<vmem>> -> memref<1x125xi32, #tpu.memory_space<vmem>>
      %dma_wait3A_187 = tpu.memref_squeeze %dma_wait3A_186 : memref<1x125xi32, #tpu.memory_space<vmem>> -> memref<125xi32, #tpu.memory_space<vmem>>
      %dma_wait3A_188 = arith.constant 0 : i32
      %dma_wait3A_189 = arith.constant 0 : i32
      %dma_wait3A_190 = tpu.memref_slice %arg7[%arg0, %dma_wait3A_188, %dma_wait3A_189] : memref<2x10240x64xf32, #tpu.memory_space<hbm>> -> memref<1x10240x64xf32, #tpu.memory_space<hbm>>
      %dma_wait3A_191 = tpu.memref_squeeze %dma_wait3A_190 : memref<1x10240x64xf32, #tpu.memory_space<hbm>> -> memref<10240x64xf32, #tpu.memory_space<hbm>>
      %dma_wait3A_192 = arith.constant 0 : i32
      %dma_wait3A_193 = arith.constant 0 : i32
      %dma_wait3A_194 = tpu.memref_slice %dma_wait3A_191[%dma_wait3A_192, %dma_wait3A_193] : memref<10240x64xf32, #tpu.memory_space<hbm>> -> memref<10240x64xf32, #tpu.memory_space<hbm>>
      tpu.wait_indirect_dma semaphore(%arg22 : memref<!tpu.dma_semaphore, #tpu.memory_space<semaphore_mem>>) src(%dma_wait3A_194 : memref<10240x64xf32, #tpu.memory_space<hbm>>) dst(%arg11 : memref<125x64xf32, #tpu.memory_space<vmem>>)
      %dma_start3A_195 = arith.constant 0 : i32
      %dma_start3A_196 = tpu.memref_slice %arg9[%add3A_184, %dma_start3A_195] : memref<160x125xi32, #tpu.memory_space<vmem>> -> memref<1x125xi32, #tpu.memory_space<vmem>>
      %dma_start3A_197 = tpu.memref_squeeze %dma_start3A_196 : memref<1x125xi32, #tpu.memory_space<vmem>> -> memref<125xi32, #tpu.memory_space<vmem>>
      %dma_start3A_198 = arith.constant 0 : i32
      %dma_start3A_199 = arith.constant 0 : i32
      %dma_start3A_200 = tpu.memref_slice %arg20[%dma_start3A_198, %dma_start3A_199] : memref<10112x64xf32, #tpu.memory_space<vmem_shared>> -> memref<10112x64xf32, #tpu.memory_space<vmem_shared>>
      tpu.enqueue_indirect_dma source(%arg11 : memref<125x64xf32, #tpu.memory_space<vmem>>) target(%dma_start3A_200 : memref<10112x64xf32, #tpu.memory_space<vmem_shared>>) offsets(%dma_start3A_197 : memref<125xi32, #tpu.memory_space<vmem>>) semaphore(%arg26 : memref<!tpu.dma_semaphore, #tpu.memory_space<semaphore_mem>>) {add = true}
      %add3A_201 = arith.constant 2 : i32
      %add3A_202 = arith.addi %add3A_164, %add3A_201 : i32
      %dma_wait3A_203 = arith.constant 0 : i32
      %dma_wait3A_204 = tpu.memref_slice %arg8[%add3A_202, %dma_wait3A_203] : memref<160x125xi32, #tpu.memory_space<vmem>> -> memref<1x125xi32, #tpu.memory_space<vmem>>
      %dma_wait3A_205 = tpu.memref_squeeze %dma_wait3A_204 : memref<1x125xi32, #tpu.memory_space<vmem>> -> memref<125xi32, #tpu.memory_space<vmem>>
      %dma_wait3A_206 = arith.constant 0 : i32
      %dma_wait3A_207 = arith.constant 0 : i32
      %dma_wait3A_208 = tpu.memref_slice %arg7[%arg0, %dma_wait3A_206, %dma_wait3A_207] : memref<2x10240x64xf32, #tpu.memory_space<hbm>> -> memref<1x10240x64xf32, #tpu.memory_space<hbm>>
      %dma_wait3A_209 = tpu.memref_squeeze %dma_wait3A_208 : memref<1x10240x64xf32, #tpu.memory_space<hbm>> -> memref<10240x64xf32, #tpu.memory_space<hbm>>
      %dma_wait3A_210 = arith.constant 0 : i32
      %dma_wait3A_211 = arith.constant 0 : i32
      %dma_wait3A_212 = tpu.memref_slice %dma_wait3A_209[%dma_wait3A_210, %dma_wait3A_211] : memref<10240x64xf32, #tpu.memory_space<hbm>> -> memref<10240x64xf32, #tpu.memory_space<hbm>>
      tpu.wait_indirect_dma semaphore(%arg23 : memref<!tpu.dma_semaphore, #tpu.memory_space<semaphore_mem>>) src(%dma_wait3A_212 : memref<10240x64xf32, #tpu.memory_space<hbm>>) dst(%arg12 : memref<125x64xf32, #tpu.memory_space<vmem>>)
      %dma_start3A_213 = arith.constant 0 : i32
      %dma_start3A_214 = tpu.memref_slice %arg9[%add3A_202, %dma_start3A_213] : memref<160x125xi32, #tpu.memory_space<vmem>> -> memref<1x125xi32, #tpu.memory_space<vmem>>
      %dma_start3A_215 = tpu.memref_squeeze %dma_start3A_214 : memref<1x125xi32, #tpu.memory_space<vmem>> -> memref<125xi32, #tpu.memory_space<vmem>>
      %dma_start3A_216 = arith.constant 0 : i32
      %dma_start3A_217 = arith.constant 0 : i32
      %dma_start3A_218 = tpu.memref_slice %arg20[%dma_start3A_216, %dma_start3A_217] : memref<10112x64xf32, #tpu.memory_space<vmem_shared>> -> memref<10112x64xf32, #tpu.memory_space<vmem_shared>>
      tpu.enqueue_indirect_dma source(%arg12 : memref<125x64xf32, #tpu.memory_space<vmem>>) target(%dma_start3A_218 : memref<10112x64xf32, #tpu.memory_space<vmem_shared>>) offsets(%dma_start3A_215 : memref<125xi32, #tpu.memory_space<vmem>>) semaphore(%arg27 : memref<!tpu.dma_semaphore, #tpu.memory_space<semaphore_mem>>) {add = true}
      %add3A_219 = arith.constant 3 : i32
      %add3A_220 = arith.addi %add3A_164, %add3A_219 : i32
      %dma_wait3A_221 = arith.constant 0 : i32
      %dma_wait3A_222 = tpu.memref_slice %arg8[%add3A_220, %dma_wait3A_221] : memref<160x125xi32, #tpu.memory_space<vmem>> -> memref<1x125xi32, #tpu.memory_space<vmem>>
      %dma_wait3A_223 = tpu.memref_squeeze %dma_wait3A_222 : memref<1x125xi32, #tpu.memory_space<vmem>> -> memref<125xi32, #tpu.memory_space<vmem>>
      %dma_wait3A_224 = arith.constant 0 : i32
      %dma_wait3A_225 = arith.constant 0 : i32
      %dma_wait3A_226 = tpu.memref_slice %arg7[%arg0, %dma_wait3A_224, %dma_wait3A_225] : memref<2x10240x64xf32, #tpu.memory_space<hbm>> -> memref<1x10240x64xf32, #tpu.memory_space<hbm>>
      %dma_wait3A_227 = tpu.memref_squeeze %dma_wait3A_226 : memref<1x10240x64xf32, #tpu.memory_space<hbm>> -> memref<10240x64xf32, #tpu.memory_space<hbm>>
      %dma_wait3A_228 = arith.constant 0 : i32
      %dma_wait3A_229 = arith.constant 0 : i32
      %dma_wait3A_230 = tpu.memref_slice %dma_wait3A_227[%dma_wait3A_228, %dma_wait3A_229] : memref<10240x64xf32, #tpu.memory_space<hbm>> -> memref<10240x64xf32, #tpu.memory_space<hbm>>
      tpu.wait_indirect_dma semaphore(%arg24 : memref<!tpu.dma_semaphore, #tpu.memory_space<semaphore_mem>>) src(%dma_wait3A_230 : memref<10240x64xf32, #tpu.memory_space<hbm>>) dst(%arg13 : memref<125x64xf32, #tpu.memory_space<vmem>>)
      %dma_start3A_231 = arith.constant 0 : i32
      %dma_start3A_232 = tpu.memref_slice %arg9[%add3A_220, %dma_start3A_231] : memref<160x125xi32, #tpu.memory_space<vmem>> -> memref<1x125xi32, #tpu.memory_space<vmem>>
      %dma_start3A_233 = tpu.memref_squeeze %dma_start3A_232 : memref<1x125xi32, #tpu.memory_space<vmem>> -> memref<125xi32, #tpu.memory_space<vmem>>
      %dma_start3A_234 = arith.constant 0 : i32
      %dma_start3A_235 = arith.constant 0 : i32
      %dma_start3A_236 = tpu.memref_slice %arg20[%dma_start3A_234, %dma_start3A_235] : memref<10112x64xf32, #tpu.memory_space<vmem_shared>> -> memref<10112x64xf32, #tpu.memory_space<vmem_shared>>
      tpu.enqueue_indirect_dma source(%arg13 : memref<125x64xf32, #tpu.memory_space<vmem>>) target(%dma_start3A_236 : memref<10112x64xf32, #tpu.memory_space<vmem_shared>>) offsets(%dma_start3A_233 : memref<125xi32, #tpu.memory_space<vmem>>) semaphore(%arg28 : memref<!tpu.dma_semaphore, #tpu.memory_space<semaphore_mem>>) {add = true}
      %add3A_237 = arith.constant 0 : i32
      %add3A_238 = arith.addi %add3A_164, %add3A_237 : i32
      %dma_wait3A_239 = arith.constant 0 : i32
      %dma_wait3A_240 = tpu.memref_slice %arg9[%add3A_238, %dma_wait3A_239] : memref<160x125xi32, #tpu.memory_space<vmem>> -> memref<1x125xi32, #tpu.memory_space<vmem>>
      %dma_wait3A_241 = tpu.memref_squeeze %dma_wait3A_240 : memref<1x125xi32, #tpu.memory_space<vmem>> -> memref<125xi32, #tpu.memory_space<vmem>>
      %dma_wait3A_242 = arith.constant 0 : i32
      %dma_wait3A_243 = arith.constant 0 : i32
      %dma_wait3A_244 = tpu.memref_slice %arg20[%dma_wait3A_242, %dma_wait3A_243] : memref<10112x64xf32, #tpu.memory_space<vmem_shared>> -> memref<10112x64xf32, #tpu.memory_space<vmem_shared>>
      tpu.wait_indirect_dma semaphore(%arg25 : memref<!tpu.dma_semaphore, #tpu.memory_space<semaphore_mem>>) src(%arg10 : memref<125x64xf32, #tpu.memory_space<vmem>>) dst(%dma_wait3A_244 : memref<10112x64xf32, #tpu.memory_space<vmem_shared>>)
      %add3A_245 = arith.constant 4 : i32
      %add3A_246 = arith.addi %add3A_238, %add3A_245 : i32
      %lt3A = arith.constant 160 : i32
      %lt3A_247 = arith.cmpi slt, %add3A_246, %lt3A : i32
      %convert_element_type3A = arith.extui %lt3A_247 : i1 to i32
      %cond3A = arith.constant 0 : i32
      %cond3A_248 = arith.cmpi ne, %convert_element_type3A, %cond3A : i32
      scf.if %cond3A_248 {
        %add3A_294 = arith.constant 4 : i32
        %add3A_295 = arith.addi %add3A_238, %add3A_294 : i32
        %dma_start3A_296 = arith.constant 0 : i32
        %dma_start3A_297 = tpu.memref_slice %arg8[%add3A_295, %dma_start3A_296] : memref<160x125xi32, #tpu.memory_space<vmem>> -> memref<1x125xi32, #tpu.memory_space<vmem>>
        %dma_start3A_298 = tpu.memref_squeeze %dma_start3A_297 : memref<1x125xi32, #tpu.memory_space<vmem>> -> memref<125xi32, #tpu.memory_space<vmem>>
        %dma_start3A_299 = arith.constant 0 : i32
        %dma_start3A_300 = arith.constant 0 : i32
        %dma_start3A_301 = tpu.memref_slice %arg7[%arg0, %dma_start3A_299, %dma_start3A_300] : memref<2x10240x64xf32, #tpu.memory_space<hbm>> -> memref<1x10240x64xf32, #tpu.memory_space<hbm>>
        %dma_start3A_302 = tpu.memref_squeeze %dma_start3A_301 : memref<1x10240x64xf32, #tpu.memory_space<hbm>> -> memref<10240x64xf32, #tpu.memory_space<hbm>>
        %dma_start3A_303 = arith.constant 0 : i32
        %dma_start3A_304 = arith.constant 0 : i32
        %dma_start3A_305 = tpu.memref_slice %dma_start3A_302[%dma_start3A_303, %dma_start3A_304] : memref<10240x64xf32, #tpu.memory_space<hbm>> -> memref<10240x64xf32, #tpu.memory_space<hbm>>
        tpu.enqueue_indirect_dma source(%dma_start3A_305 : memref<10240x64xf32, #tpu.memory_space<hbm>>) target(%arg10 : memref<125x64xf32, #tpu.memory_space<vmem>>) offsets(%dma_start3A_298 : memref<125xi32, #tpu.memory_space<vmem>>) semaphore(%arg21 : memref<!tpu.dma_semaphore, #tpu.memory_space<semaphore_mem>>)
      } else {
      }
      %add3A_249 = arith.constant 1 : i32
      %add3A_250 = arith.addi %add3A_164, %add3A_249 : i32
      %dma_wait3A_251 = arith.constant 0 : i32
      %dma_wait3A_252 = tpu.memref_slice %arg9[%add3A_250, %dma_wait3A_251] : memref<160x125xi32, #tpu.memory_space<vmem>> -> memref<1x125xi32, #tpu.memory_space<vmem>>
      %dma_wait3A_253 = tpu.memref_squeeze %dma_wait3A_252 : memref<1x125xi32, #tpu.memory_space<vmem>> -> memref<125xi32, #tpu.memory_space<vmem>>
      %dma_wait3A_254 = arith.constant 0 : i32
      %dma_wait3A_255 = arith.constant 0 : i32
      %dma_wait3A_256 = tpu.memref_slice %arg20[%dma_wait3A_254, %dma_wait3A_255] : memref<10112x64xf32, #tpu.memory_space<vmem_shared>> -> memref<10112x64xf32, #tpu.memory_space<vmem_shared>>
      tpu.wait_indirect_dma semaphore(%arg26 : memref<!tpu.dma_semaphore, #tpu.memory_space<semaphore_mem>>) src(%arg11 : memref<125x64xf32, #tpu.memory_space<vmem>>) dst(%dma_wait3A_256 : memref<10112x64xf32, #tpu.memory_space<vmem_shared>>)
      %add3A_257 = arith.constant 4 : i32
      %add3A_258 = arith.addi %add3A_250, %add3A_257 : i32
      %lt3A_259 = arith.constant 160 : i32
      %lt3A_260 = arith.cmpi slt, %add3A_258, %lt3A_259 : i32
      %convert_element_type3A_261 = arith.extui %lt3A_260 : i1 to i32
      %cond3A_262 = arith.constant 0 : i32
      %cond3A_263 = arith.cmpi ne, %convert_element_type3A_261, %cond3A_262 : i32
      scf.if %cond3A_263 {
        %add3A_294 = arith.constant 4 : i32
        %add3A_295 = arith.addi %add3A_250, %add3A_294 : i32
        %dma_start3A_296 = arith.constant 0 : i32
        %dma_start3A_297 = tpu.memref_slice %arg8[%add3A_295, %dma_start3A_296] : memref<160x125xi32, #tpu.memory_space<vmem>> -> memref<1x125xi32, #tpu.memory_space<vmem>>
        %dma_start3A_298 = tpu.memref_squeeze %dma_start3A_297 : memref<1x125xi32, #tpu.memory_space<vmem>> -> memref<125xi32, #tpu.memory_space<vmem>>
        %dma_start3A_299 = arith.constant 0 : i32
        %dma_start3A_300 = arith.constant 0 : i32
        %dma_start3A_301 = tpu.memref_slice %arg7[%arg0, %dma_start3A_299, %dma_start3A_300] : memref<2x10240x64xf32, #tpu.memory_space<hbm>> -> memref<1x10240x64xf32, #tpu.memory_space<hbm>>
        %dma_start3A_302 = tpu.memref_squeeze %dma_start3A_301 : memref<1x10240x64xf32, #tpu.memory_space<hbm>> -> memref<10240x64xf32, #tpu.memory_space<hbm>>
        %dma_start3A_303 = arith.constant 0 : i32
        %dma_start3A_304 = arith.constant 0 : i32
        %dma_start3A_305 = tpu.memref_slice %dma_start3A_302[%dma_start3A_303, %dma_start3A_304] : memref<10240x64xf32, #tpu.memory_space<hbm>> -> memref<10240x64xf32, #tpu.memory_space<hbm>>
        tpu.enqueue_indirect_dma source(%dma_start3A_305 : memref<10240x64xf32, #tpu.memory_space<hbm>>) target(%arg11 : memref<125x64xf32, #tpu.memory_space<vmem>>) offsets(%dma_start3A_298 : memref<125xi32, #tpu.memory_space<vmem>>) semaphore(%arg22 : memref<!tpu.dma_semaphore, #tpu.memory_space<semaphore_mem>>)
      } else {
      }
      %add3A_264 = arith.constant 2 : i32
      %add3A_265 = arith.addi %add3A_164, %add3A_264 : i32
      %dma_wait3A_266 = arith.constant 0 : i32
      %dma_wait3A_267 = tpu.memref_slice %arg9[%add3A_265, %dma_wait3A_266] : memref<160x125xi32, #tpu.memory_space<vmem>> -> memref<1x125xi32, #tpu.memory_space<vmem>>
      %dma_wait3A_268 = tpu.memref_squeeze %dma_wait3A_267 : memref<1x125xi32, #tpu.memory_space<vmem>> -> memref<125xi32, #tpu.memory_space<vmem>>
      %dma_wait3A_269 = arith.constant 0 : i32
      %dma_wait3A_270 = arith.constant 0 : i32
      %dma_wait3A_271 = tpu.memref_slice %arg20[%dma_wait3A_269, %dma_wait3A_270] : memref<10112x64xf32, #tpu.memory_space<vmem_shared>> -> memref<10112x64xf32, #tpu.memory_space<vmem_shared>>
      tpu.wait_indirect_dma semaphore(%arg27 : memref<!tpu.dma_semaphore, #tpu.memory_space<semaphore_mem>>) src(%arg12 : memref<125x64xf32, #tpu.memory_space<vmem>>) dst(%dma_wait3A_271 : memref<10112x64xf32, #tpu.memory_space<vmem_shared>>)
      %add3A_272 = arith.constant 4 : i32
      %add3A_273 = arith.addi %add3A_265, %add3A_272 : i32
      %lt3A_274 = arith.constant 160 : i32
      %lt3A_275 = arith.cmpi slt, %add3A_273, %lt3A_274 : i32
      %convert_element_type3A_276 = arith.extui %lt3A_275 : i1 to i32
      %cond3A_277 = arith.constant 0 : i32
      %cond3A_278 = arith.cmpi ne, %convert_element_type3A_276, %cond3A_277 : i32
      scf.if %cond3A_278 {
        %add3A_294 = arith.constant 4 : i32
        %add3A_295 = arith.addi %add3A_265, %add3A_294 : i32
        %dma_start3A_296 = arith.constant 0 : i32
        %dma_start3A_297 = tpu.memref_slice %arg8[%add3A_295, %dma_start3A_296] : memref<160x125xi32, #tpu.memory_space<vmem>> -> memref<1x125xi32, #tpu.memory_space<vmem>>
        %dma_start3A_298 = tpu.memref_squeeze %dma_start3A_297 : memref<1x125xi32, #tpu.memory_space<vmem>> -> memref<125xi32, #tpu.memory_space<vmem>>
        %dma_start3A_299 = arith.constant 0 : i32
        %dma_start3A_300 = arith.constant 0 : i32
        %dma_start3A_301 = tpu.memref_slice %arg7[%arg0, %dma_start3A_299, %dma_start3A_300] : memref<2x10240x64xf32, #tpu.memory_space<hbm>> -> memref<1x10240x64xf32, #tpu.memory_space<hbm>>
        %dma_start3A_302 = tpu.memref_squeeze %dma_start3A_301 : memref<1x10240x64xf32, #tpu.memory_space<hbm>> -> memref<10240x64xf32, #tpu.memory_space<hbm>>
        %dma_start3A_303 = arith.constant 0 : i32
        %dma_start3A_304 = arith.constant 0 : i32
        %dma_start3A_305 = tpu.memref_slice %dma_start3A_302[%dma_start3A_303, %dma_start3A_304] : memref<10240x64xf32, #tpu.memory_space<hbm>> -> memref<10240x64xf32, #tpu.memory_space<hbm>>
        tpu.enqueue_indirect_dma source(%dma_start3A_305 : memref<10240x64xf32, #tpu.memory_space<hbm>>) target(%arg12 : memref<125x64xf32, #tpu.memory_space<vmem>>) offsets(%dma_start3A_298 : memref<125xi32, #tpu.memory_space<vmem>>) semaphore(%arg23 : memref<!tpu.dma_semaphore, #tpu.memory_space<semaphore_mem>>)
      } else {
      }
      %add3A_279 = arith.constant 3 : i32
      %add3A_280 = arith.addi %add3A_164, %add3A_279 : i32
      %dma_wait3A_281 = arith.constant 0 : i32
      %dma_wait3A_282 = tpu.memref_slice %arg9[%add3A_280, %dma_wait3A_281] : memref<160x125xi32, #tpu.memory_space<vmem>> -> memref<1x125xi32, #tpu.memory_space<vmem>>
      %dma_wait3A_283 = tpu.memref_squeeze %dma_wait3A_282 : memref<1x125xi32, #tpu.memory_space<vmem>> -> memref<125xi32, #tpu.memory_space<vmem>>
      %dma_wait3A_284 = arith.constant 0 : i32
      %dma_wait3A_285 = arith.constant 0 : i32
      %dma_wait3A_286 = tpu.memref_slice %arg20[%dma_wait3A_284, %dma_wait3A_285] : memref<10112x64xf32, #tpu.memory_space<vmem_shared>> -> memref<10112x64xf32, #tpu.memory_space<vmem_shared>>
      tpu.wait_indirect_dma semaphore(%arg28 : memref<!tpu.dma_semaphore, #tpu.memory_space<semaphore_mem>>) src(%arg13 : memref<125x64xf32, #tpu.memory_space<vmem>>) dst(%dma_wait3A_286 : memref<10112x64xf32, #tpu.memory_space<vmem_shared>>)
      %add3A_287 = arith.constant 4 : i32
      %add3A_288 = arith.addi %add3A_280, %add3A_287 : i32
      %lt3A_289 = arith.constant 160 : i32
      %lt3A_290 = arith.cmpi slt, %add3A_288, %lt3A_289 : i32
      %convert_element_type3A_291 = arith.extui %lt3A_290 : i1 to i32
      %cond3A_292 = arith.constant 0 : i32
      %cond3A_293 = arith.cmpi ne, %convert_element_type3A_291, %cond3A_292 : i32
      scf.if %cond3A_293 {
        %add3A_294 = arith.constant 4 : i32
        %add3A_295 = arith.addi %add3A_280, %add3A_294 : i32
        %dma_start3A_296 = arith.constant 0 : i32
        %dma_start3A_297 = tpu.memref_slice %arg8[%add3A_295, %dma_start3A_296] : memref<160x125xi32, #tpu.memory_space<vmem>> -> memref<1x125xi32, #tpu.memory_space<vmem>>
        %dma_start3A_298 = tpu.memref_squeeze %dma_start3A_297 : memref<1x125xi32, #tpu.memory_space<vmem>> -> memref<125xi32, #tpu.memory_space<vmem>>
        %dma_start3A_299 = arith.constant 0 : i32
        %dma_start3A_300 = arith.constant 0 : i32
        %dma_start3A_301 = tpu.memref_slice %arg7[%arg0, %dma_start3A_299, %dma_start3A_300] : memref<2x10240x64xf32, #tpu.memory_space<hbm>> -> memref<1x10240x64xf32, #tpu.memory_space<hbm>>
        %dma_start3A_302 = tpu.memref_squeeze %dma_start3A_301 : memref<1x10240x64xf32, #tpu.memory_space<hbm>> -> memref<10240x64xf32, #tpu.memory_space<hbm>>
        %dma_start3A_303 = arith.constant 0 : i32
        %dma_start3A_304 = arith.constant 0 : i32
        %dma_start3A_305 = tpu.memref_slice %dma_start3A_302[%dma_start3A_303, %dma_start3A_304] : memref<10240x64xf32, #tpu.memory_space<hbm>> -> memref<10240x64xf32, #tpu.memory_space<hbm>>
        tpu.enqueue_indirect_dma source(%dma_start3A_305 : memref<10240x64xf32, #tpu.memory_space<hbm>>) target(%arg13 : memref<125x64xf32, #tpu.memory_space<vmem>>) offsets(%dma_start3A_298 : memref<125xi32, #tpu.memory_space<vmem>>) semaphore(%arg24 : memref<!tpu.dma_semaphore, #tpu.memory_space<semaphore_mem>>)
      } else {
      }
    }
    %scan3A_97 = arith.constant 40 : i32
    %barrier3A_98 = arith.constant 0 : index
    tpu.barrier barrier_id(%barrier3A_98)
    %scan3A_99 = arith.constant 0 : i32
    %scan3A_100 = arith.constant 10 : i32
    %scan3A_101 = arith.addi %scan3A_99, %scan3A_100 : i32
    %scan3A_102 = arith.constant 1 : i32
    scf.for %scan3A_160 = %scan3A_99 to %scan3A_101 step %scan3A_102  : i32 {
      %mul3A_161 = arith.constant 64 : i32
      %mul3A_162 = arith.muli %scan3A_160, %mul3A_161 : i32
      %add3A_163 = arith.constant 0 : i32
      %add3A_164 = arith.addi %add3A_163, %mul3A_162 : i32
      %add3A_165 = arith.addi %mul3A_1, %add3A_164 : i32
      %add3A_166 = arith.constant 64 : i32
      %add3A_167 = arith.addi %add3A_165, %add3A_166 : i32
      %le3A = arith.constant 10112 : i32
      %le3A_168 = arith.cmpi sle, %add3A_167, %le3A : i32
      %convert_element_type3A = arith.extui %le3A_168 : i1 to i32
      %cond3A = arith.constant 0 : i32
      %cond3A_169 = arith.cmpi ne, %convert_element_type3A, %cond3A : i32
      scf.if %cond3A_169 {
        %dma_start3A_170 = arith.constant 0 : i32
        %dma_start3A_171 = tpu.memref_slice %arg20[%add3A_165, %dma_start3A_170] : memref<10112x64xf32, #tpu.memory_space<vmem_shared>> -> memref<64x64xf32, #tpu.memory_space<vmem_shared>>
        %dma_start3A_172 = arith.constant 0 : i32
        %dma_start3A_173 = tpu.memref_slice %arg20[%add3A_165, %dma_start3A_172] : memref<10112x64xf32, #tpu.memory_space<vmem_shared>> -> memref<64x64xf32, #tpu.memory_space<vmem_shared>>
        tpu.enqueue_dma source(%dma_start3A_173 : memref<64x64xf32, #tpu.memory_space<vmem_shared>>) target(%arg15 : memref<64x64xf32, #tpu.memory_space<vmem>>) target_semaphore(%arg21 : memref<!tpu.dma_semaphore, #tpu.memory_space<semaphore_mem>>)
        %dma_start3A_174 = arith.constant 0 : i32
        %dma_start3A_175 = arith.constant 0 : i32
        %dma_start3A_176 = tpu.memref_slice %arg7[%arg0, %dma_start3A_174, %dma_start3A_175] : memref<2x10240x64xf32, #tpu.memory_space<hbm>> -> memref<1x10240x64xf32, #tpu.memory_space<hbm>>
        %dma_start3A_177 = tpu.memref_squeeze %dma_start3A_176 : memref<1x10240x64xf32, #tpu.memory_space<hbm>> -> memref<10240x64xf32, #tpu.memory_space<hbm>>
        %dma_start3A_178 = arith.constant 0 : i32
        %dma_start3A_179 = tpu.memref_slice %dma_start3A_177[%add3A_165, %dma_start3A_178] : memref<10240x64xf32, #tpu.memory_space<hbm>> -> memref<64x64xf32, #tpu.memory_space<hbm>>
        %dma_start3A_180 = arith.constant 0 : i32
        %dma_start3A_181 = arith.constant 0 : i32
        %dma_start3A_182 = tpu.memref_slice %arg7[%arg0, %dma_start3A_180, %dma_start3A_181] : memref<2x10240x64xf32, #tpu.memory_space<hbm>> -> memref<1x10240x64xf32, #tpu.memory_space<hbm>>
        %dma_start3A_183 = tpu.memref_squeeze %dma_start3A_182 : memref<1x10240x64xf32, #tpu.memory_space<hbm>> -> memref<10240x64xf32, #tpu.memory_space<hbm>>
        %dma_start3A_184 = arith.constant 0 : i32
        %dma_start3A_185 = tpu.memref_slice %dma_start3A_183[%add3A_165, %dma_start3A_184] : memref<10240x64xf32, #tpu.memory_space<hbm>> -> memref<64x64xf32, #tpu.memory_space<hbm>>
        tpu.enqueue_dma source(%dma_start3A_185 : memref<64x64xf32, #tpu.memory_space<hbm>>) target(%arg16 : memref<64x64xf32, #tpu.memory_space<vmem>>) target_semaphore(%arg22 : memref<!tpu.dma_semaphore, #tpu.memory_space<semaphore_mem>>)
        %dma_wait3A_186 = arith.constant 0 : i32
        %dma_wait3A_187 = tpu.memref_slice %arg20[%add3A_165, %dma_wait3A_186] : memref<10112x64xf32, #tpu.memory_space<vmem_shared>> -> memref<64x64xf32, #tpu.memory_space<vmem_shared>>
        %dma_wait3A_188 = arith.constant 0 : i32
        %dma_wait3A_189 = tpu.memref_slice %arg20[%add3A_165, %dma_wait3A_188] : memref<10112x64xf32, #tpu.memory_space<vmem_shared>> -> memref<64x64xf32, #tpu.memory_space<vmem_shared>>
        tpu.wait_dma2 semaphore(%arg21 : memref<!tpu.dma_semaphore, #tpu.memory_space<semaphore_mem>>) src(%dma_wait3A_189 : memref<64x64xf32, #tpu.memory_space<vmem_shared>>) dst(%arg15 : memref<64x64xf32, #tpu.memory_space<vmem>>)
        %dma_wait3A_190 = arith.constant 0 : i32
        %dma_wait3A_191 = arith.constant 0 : i32
        %dma_wait3A_192 = tpu.memref_slice %arg7[%arg0, %dma_wait3A_190, %dma_wait3A_191] : memref<2x10240x64xf32, #tpu.memory_space<hbm>> -> memref<1x10240x64xf32, #tpu.memory_space<hbm>>
        %dma_wait3A_193 = tpu.memref_squeeze %dma_wait3A_192 : memref<1x10240x64xf32, #tpu.memory_space<hbm>> -> memref<10240x64xf32, #tpu.memory_space<hbm>>
        %dma_wait3A_194 = arith.constant 0 : i32
        %dma_wait3A_195 = tpu.memref_slice %dma_wait3A_193[%add3A_165, %dma_wait3A_194] : memref<10240x64xf32, #tpu.memory_space<hbm>> -> memref<64x64xf32, #tpu.memory_space<hbm>>
        %dma_wait3A_196 = arith.constant 0 : i32
        %dma_wait3A_197 = arith.constant 0 : i32
        %dma_wait3A_198 = tpu.memref_slice %arg7[%arg0, %dma_wait3A_196, %dma_wait3A_197] : memref<2x10240x64xf32, #tpu.memory_space<hbm>> -> memref<1x10240x64xf32, #tpu.memory_space<hbm>>
        %dma_wait3A_199 = tpu.memref_squeeze %dma_wait3A_198 : memref<1x10240x64xf32, #tpu.memory_space<hbm>> -> memref<10240x64xf32, #tpu.memory_space<hbm>>
        %dma_wait3A_200 = arith.constant 0 : i32
        %dma_wait3A_201 = tpu.memref_slice %dma_wait3A_199[%add3A_165, %dma_wait3A_200] : memref<10240x64xf32, #tpu.memory_space<hbm>> -> memref<64x64xf32, #tpu.memory_space<hbm>>
        tpu.wait_dma2 semaphore(%arg22 : memref<!tpu.dma_semaphore, #tpu.memory_space<semaphore_mem>>) src(%dma_wait3A_201 : memref<64x64xf32, #tpu.memory_space<hbm>>) dst(%arg16 : memref<64x64xf32, #tpu.memory_space<vmem>>)
        %scan3A_202 = arith.constant 0 : i32
        %scan3A_203 = arith.constant 64 : i32
        %scan3A_204 = arith.addi %scan3A_202, %scan3A_203 : i32
        %scan3A_205 = arith.constant 1 : i32
        scf.for %scan3A_239 = %scan3A_202 to %scan3A_204 step %scan3A_205  : i32 {
          %mul3A_240 = arith.constant 1 : i32
          %mul3A_241 = arith.muli %scan3A_239, %mul3A_240 : i32
          %add3A_242 = arith.constant 0 : i32
          %add3A_243 = arith.addi %add3A_242, %mul3A_241 : i32
          %add3A_244 = arith.addi %add3A_164, %add3A_243 : i32
          %broadcast_in_dim3A_245 = vector.broadcast %add3A_244 : i32 to vector<16xi32>
          %gather3A = tpu.vector_load_idx %arg19[%broadcast_in_dim3A_245] : memref<640xf32, #tpu.memory_space<vmem>>[vector<16xi32>], vector<16xf32>,
          %get3A = arith.index_cast %add3A_243 : i32 to index
          %get3A_246 = arith.constant 0 : index
          %get3A_247 = tpu.vector_load %arg15[%get3A, %get3A_246] {strides = array<i32>} : memref<64x64xf32, #tpu.memory_space<vmem>>, vector<16xf32>,
          %get3A_248 = arith.index_cast %add3A_243 : i32 to index
          %get3A_249 = arith.constant 0 : index
          %get3A_250 = tpu.vector_load %arg16[%get3A_248, %get3A_249] {strides = array<i32>} : memref<64x64xf32, #tpu.memory_space<vmem>>, vector<16xf32>,
          %add3A_251 = arith.addf %get3A_247, %get3A_250 : vector<16xf32>
          %mul3A_252 = arith.mulf %add3A_251, %gather3A : vector<16xf32>
          %swap3A = arith.index_cast %add3A_243 : i32 to index
          %swap3A_253 = arith.constant 0 : index
          %swap3A_254 = tpu.vector_load %arg17[%swap3A, %swap3A_253] {strides = array<i32>} : memref<64x64xf32, #tpu.memory_space<vmem>>, vector<16xf32>,
          tpu.vector_store %arg17[%swap3A, %swap3A_253], %mul3A_252 {strides = array<i32>} : memref<64x64xf32, #tpu.memory_space<vmem>>, vector<16xf32>,
          %get3A_255 = arith.index_cast %add3A_243 : i32 to index
          %get3A_256 = arith.constant 16 : index
          %get3A_257 = tpu.vector_load %arg15[%get3A_255, %get3A_256] {strides = array<i32>} : memref<64x64xf32, #tpu.memory_space<vmem>>, vector<16xf32>,
          %get3A_258 = arith.index_cast %add3A_243 : i32 to index
          %get3A_259 = arith.constant 16 : index
          %get3A_260 = tpu.vector_load %arg16[%get3A_258, %get3A_259] {strides = array<i32>} : memref<64x64xf32, #tpu.memory_space<vmem>>, vector<16xf32>,
          %add3A_261 = arith.addf %get3A_257, %get3A_260 : vector<16xf32>
          %mul3A_262 = arith.mulf %add3A_261, %gather3A : vector<16xf32>
          %swap3A_263 = arith.index_cast %add3A_243 : i32 to index
          %swap3A_264 = arith.constant 16 : index
          %swap3A_265 = tpu.vector_load %arg17[%swap3A_263, %swap3A_264] {strides = array<i32>} : memref<64x64xf32, #tpu.memory_space<vmem>>, vector<16xf32>,
          tpu.vector_store %arg17[%swap3A_263, %swap3A_264], %mul3A_262 {strides = array<i32>} : memref<64x64xf32, #tpu.memory_space<vmem>>, vector<16xf32>,
          %get3A_266 = arith.index_cast %add3A_243 : i32 to index
          %get3A_267 = arith.constant 32 : index
          %get3A_268 = tpu.vector_load %arg15[%get3A_266, %get3A_267] {strides = array<i32>} : memref<64x64xf32, #tpu.memory_space<vmem>>, vector<16xf32>,
          %get3A_269 = arith.index_cast %add3A_243 : i32 to index
          %get3A_270 = arith.constant 32 : index
          %get3A_271 = tpu.vector_load %arg16[%get3A_269, %get3A_270] {strides = array<i32>} : memref<64x64xf32, #tpu.memory_space<vmem>>, vector<16xf32>,
          %add3A_272 = arith.addf %get3A_268, %get3A_271 : vector<16xf32>
          %mul3A_273 = arith.mulf %add3A_272, %gather3A : vector<16xf32>
          %swap3A_274 = arith.index_cast %add3A_243 : i32 to index
          %swap3A_275 = arith.constant 32 : index
          %swap3A_276 = tpu.vector_load %arg17[%swap3A_274, %swap3A_275] {strides = array<i32>} : memref<64x64xf32, #tpu.memory_space<vmem>>, vector<16xf32>,
          tpu.vector_store %arg17[%swap3A_274, %swap3A_275], %mul3A_273 {strides = array<i32>} : memref<64x64xf32, #tpu.memory_space<vmem>>, vector<16xf32>,
          %get3A_277 = arith.index_cast %add3A_243 : i32 to index
          %get3A_278 = arith.constant 48 : index
          %get3A_279 = tpu.vector_load %arg15[%get3A_277, %get3A_278] {strides = array<i32>} : memref<64x64xf32, #tpu.memory_space<vmem>>, vector<16xf32>,
          %get3A_280 = arith.index_cast %add3A_243 : i32 to index
          %get3A_281 = arith.constant 48 : index
          %get3A_282 = tpu.vector_load %arg16[%get3A_280, %get3A_281] {strides = array<i32>} : memref<64x64xf32, #tpu.memory_space<vmem>>, vector<16xf32>,
          %add3A_283 = arith.addf %get3A_279, %get3A_282 : vector<16xf32>
          %mul3A_284 = arith.mulf %add3A_283, %gather3A : vector<16xf32>
          %swap3A_285 = arith.index_cast %add3A_243 : i32 to index
          %swap3A_286 = arith.constant 48 : index
          %swap3A_287 = tpu.vector_load %arg17[%swap3A_285, %swap3A_286] {strides = array<i32>} : memref<64x64xf32, #tpu.memory_space<vmem>>, vector<16xf32>,
          tpu.vector_store %arg17[%swap3A_285, %swap3A_286], %mul3A_284 {strides = array<i32>} : memref<64x64xf32, #tpu.memory_space<vmem>>, vector<16xf32>,
        }
        %scan3A_206 = arith.constant 64 : i32
        %dma_start3A_207 = arith.constant 0 : i32
        %dma_start3A_208 = arith.constant 0 : i32
        %dma_start3A_209 = tpu.memref_slice %arg7[%arg0, %dma_start3A_207, %dma_start3A_208] : memref<2x10240x64xf32, #tpu.memory_space<hbm>> -> memref<1x10240x64xf32, #tpu.memory_space<hbm>>
        %dma_start3A_210 = tpu.memref_squeeze %dma_start3A_209 : memref<1x10240x64xf32, #tpu.memory_space<hbm>> -> memref<10240x64xf32, #tpu.memory_space<hbm>>
        %dma_start3A_211 = arith.constant 0 : i32
        %dma_start3A_212 = tpu.memref_slice %dma_start3A_210[%add3A_165, %dma_start3A_211] : memref<10240x64xf32, #tpu.memory_space<hbm>> -> memref<64x64xf32, #tpu.memory_space<hbm>>
        %dma_start3A_213 = arith.constant 0 : i32
        %dma_start3A_214 = arith.constant 0 : i32
        %dma_start3A_215 = tpu.memref_slice %arg7[%arg0, %dma_start3A_213, %dma_start3A_214] : memref<2x10240x64xf32, #tpu.memory_space<hbm>> -> memref<1x10240x64xf32, #tpu.memory_space<hbm>>
        %dma_start3A_216 = tpu.memref_squeeze %dma_start3A_215 : memref<1x10240x64xf32, #tpu.memory_space<hbm>> -> memref<10240x64xf32, #tpu.memory_space<hbm>>
        %dma_start3A_217 = arith.constant 0 : i32
        %dma_start3A_218 = tpu.memref_slice %dma_start3A_216[%add3A_165, %dma_start3A_217] : memref<10240x64xf32, #tpu.memory_space<hbm>> -> memref<64x64xf32, #tpu.memory_space<hbm>>
        tpu.enqueue_dma source(%arg17 : memref<64x64xf32, #tpu.memory_space<vmem>>) target(%dma_start3A_218 : memref<64x64xf32, #tpu.memory_space<hbm>>) target_semaphore(%arg26 : memref<!tpu.dma_semaphore, #tpu.memory_space<semaphore_mem>>)
        %dma_start3A_219 = arith.constant 0 : i32
        %dma_start3A_220 = tpu.memref_slice %arg20[%add3A_165, %dma_start3A_219] : memref<10112x64xf32, #tpu.memory_space<vmem_shared>> -> memref<64x64xf32, #tpu.memory_space<vmem_shared>>
        %dma_start3A_221 = arith.constant 0 : i32
        %dma_start3A_222 = tpu.memref_slice %arg20[%add3A_165, %dma_start3A_221] : memref<10112x64xf32, #tpu.memory_space<vmem_shared>> -> memref<64x64xf32, #tpu.memory_space<vmem_shared>>
        tpu.enqueue_dma source(%arg14 : memref<64x64xf32, #tpu.memory_space<vmem>>) target(%dma_start3A_222 : memref<64x64xf32, #tpu.memory_space<vmem_shared>>) target_semaphore(%arg27 : memref<!tpu.dma_semaphore, #tpu.memory_space<semaphore_mem>>)
        %dma_wait3A_223 = arith.constant 0 : i32
        %dma_wait3A_224 = arith.constant 0 : i32
        %dma_wait3A_225 = tpu.memref_slice %arg7[%arg0, %dma_wait3A_223, %dma_wait3A_224] : memref<2x10240x64xf32, #tpu.memory_space<hbm>> -> memref<1x10240x64xf32, #tpu.memory_space<hbm>>
        %dma_wait3A_226 = tpu.memref_squeeze %dma_wait3A_225 : memref<1x10240x64xf32, #tpu.memory_space<hbm>> -> memref<10240x64xf32, #tpu.memory_space<hbm>>
        %dma_wait3A_227 = arith.constant 0 : i32
        %dma_wait3A_228 = tpu.memref_slice %dma_wait3A_226[%add3A_165, %dma_wait3A_227] : memref<10240x64xf32, #tpu.memory_space<hbm>> -> memref<64x64xf32, #tpu.memory_space<hbm>>
        %dma_wait3A_229 = arith.constant 0 : i32
        %dma_wait3A_230 = arith.constant 0 : i32
        %dma_wait3A_231 = tpu.memref_slice %arg7[%arg0, %dma_wait3A_229, %dma_wait3A_230] : memref<2x10240x64xf32, #tpu.memory_space<hbm>> -> memref<1x10240x64xf32, #tpu.memory_space<hbm>>
        %dma_wait3A_232 = tpu.memref_squeeze %dma_wait3A_231 : memref<1x10240x64xf32, #tpu.memory_space<hbm>> -> memref<10240x64xf32, #tpu.memory_space<hbm>>
        %dma_wait3A_233 = arith.constant 0 : i32
        %dma_wait3A_234 = tpu.memref_slice %dma_wait3A_232[%add3A_165, %dma_wait3A_233] : memref<10240x64xf32, #tpu.memory_space<hbm>> -> memref<64x64xf32, #tpu.memory_space<hbm>>
        tpu.wait_dma2 semaphore(%arg26 : memref<!tpu.dma_semaphore, #tpu.memory_space<semaphore_mem>>) src(%arg17 : memref<64x64xf32, #tpu.memory_space<vmem>>) dst(%dma_wait3A_234 : memref<64x64xf32, #tpu.memory_space<hbm>>)
        %dma_wait3A_235 = arith.constant 0 : i32
        %dma_wait3A_236 = tpu.memref_slice %arg20[%add3A_165, %dma_wait3A_235] : memref<10112x64xf32, #tpu.memory_space<vmem_shared>> -> memref<64x64xf32, #tpu.memory_space<vmem_shared>>
        %dma_wait3A_237 = arith.constant 0 : i32
        %dma_wait3A_238 = tpu.memref_slice %arg20[%add3A_165, %dma_wait3A_237] : memref<10112x64xf32, #tpu.memory_space<vmem_shared>> -> memref<64x64xf32, #tpu.memory_space<vmem_shared>>
        tpu.wait_dma2 semaphore(%arg27 : memref<!tpu.dma_semaphore, #tpu.memory_space<semaphore_mem>>) src(%arg14 : memref<64x64xf32, #tpu.memory_space<vmem>>) dst(%dma_wait3A_238 : memref<64x64xf32, #tpu.memory_space<vmem_shared>>)
      } else {
      }
    }
    %scan3A_103 = arith.constant 10 : i32
    %barrier3A_104 = arith.constant 0 : index
    tpu.barrier barrier_id(%barrier3A_104)
    %dma_start3A_105 = arith.constant 0 : i32
    %dma_start3A_106 = arith.constant 0 : i32
    %dma_start3A_107 = tpu.memref_slice %arg8[%dma_start3A_105, %dma_start3A_106] : memref<160x125xi32, #tpu.memory_space<vmem>> -> memref<1x125xi32, #tpu.memory_space<vmem>>
    %dma_start3A_108 = tpu.memref_squeeze %dma_start3A_107 : memref<1x125xi32, #tpu.memory_space<vmem>> -> memref<125xi32, #tpu.memory_space<vmem>>
    %dma_start3A_109 = arith.constant 0 : i32
    %dma_start3A_110 = arith.constant 0 : i32
    %dma_start3A_111 = tpu.memref_slice %arg7[%arg0, %dma_start3A_109, %dma_start3A_110] : memref<2x10240x64xf32, #tpu.memory_space<hbm>> -> memref<1x10240x64xf32, #tpu.memory_space<hbm>>
    %dma_start3A_112 = tpu.memref_squeeze %dma_start3A_111 : memref<1x10240x64xf32, #tpu.memory_space<hbm>> -> memref<10240x64xf32, #tpu.memory_space<hbm>>
    %dma_start3A_113 = arith.constant 0 : i32
    %dma_start3A_114 = arith.constant 0 : i32
    %dma_start3A_115 = tpu.memref_slice %dma_start3A_112[%dma_start3A_113, %dma_start3A_114] : memref<10240x64xf32, #tpu.memory_space<hbm>> -> memref<10240x64xf32, #tpu.memory_space<hbm>>
    tpu.enqueue_indirect_dma source(%dma_start3A_115 : memref<10240x64xf32, #tpu.memory_space<hbm>>) target(%arg10 : memref<125x64xf32, #tpu.memory_space<vmem>>) offsets(%dma_start3A_108 : memref<125xi32, #tpu.memory_space<vmem>>) semaphore(%arg21 : memref<!tpu.dma_semaphore, #tpu.memory_space<semaphore_mem>>)
    %dma_start3A_116 = arith.constant 1 : i32
    %dma_start3A_117 = arith.constant 0 : i32
    %dma_start3A_118 = tpu.memref_slice %arg8[%dma_start3A_116, %dma_start3A_117] : memref<160x125xi32, #tpu.memory_space<vmem>> -> memref<1x125xi32, #tpu.memory_space<vmem>>
    %dma_start3A_119 = tpu.memref_squeeze %dma_start3A_118 : memref<1x125xi32, #tpu.memory_space<vmem>> -> memref<125xi32, #tpu.memory_space<vmem>>
    %dma_start3A_120 = arith.constant 0 : i32
    %dma_start3A_121 = arith.constant 0 : i32
    %dma_start3A_122 = tpu.memref_slice %arg7[%arg0, %dma_start3A_120, %dma_start3A_121] : memref<2x10240x64xf32, #tpu.memory_space<hbm>> -> memref<1x10240x64xf32, #tpu.memory_space<hbm>>
    %dma_start3A_123 = tpu.memref_squeeze %dma_start3A_122 : memref<1x10240x64xf32, #tpu.memory_space<hbm>> -> memref<10240x64xf32, #tpu.memory_space<hbm>>
    %dma_start3A_124 = arith.constant 0 : i32
    %dma_start3A_125 = arith.constant 0 : i32
    %dma_start3A_126 = tpu.memref_slice %dma_start3A_123[%dma_start3A_124, %dma_start3A_125] : memref<10240x64xf32, #tpu.memory_space<hbm>> -> memref<10240x64xf32, #tpu.memory_space<hbm>>
    tpu.enqueue_indirect_dma source(%dma_start3A_126 : memref<10240x64xf32, #tpu.memory_space<hbm>>) target(%arg11 : memref<125x64xf32, #tpu.memory_space<vmem>>) offsets(%dma_start3A_119 : memref<125xi32, #tpu.memory_space<vmem>>) semaphore(%arg22 : memref<!tpu.dma_semaphore, #tpu.memory_space<semaphore_mem>>)
    %dma_start3A_127 = arith.constant 2 : i32
    %dma_start3A_128 = arith.constant 0 : i32
    %dma_start3A_129 = tpu.memref_slice %arg8[%dma_start3A_127, %dma_start3A_128] : memref<160x125xi32, #tpu.memory_space<vmem>> -> memref<1x125xi32, #tpu.memory_space<vmem>>
    %dma_start3A_130 = tpu.memref_squeeze %dma_start3A_129 : memref<1x125xi32, #tpu.memory_space<vmem>> -> memref<125xi32, #tpu.memory_space<vmem>>
    %dma_start3A_131 = arith.constant 0 : i32
    %dma_start3A_132 = arith.constant 0 : i32
    %dma_start3A_133 = tpu.memref_slice %arg7[%arg0, %dma_start3A_131, %dma_start3A_132] : memref<2x10240x64xf32, #tpu.memory_space<hbm>> -> memref<1x10240x64xf32, #tpu.memory_space<hbm>>
    %dma_start3A_134 = tpu.memref_squeeze %dma_start3A_133 : memref<1x10240x64xf32, #tpu.memory_space<hbm>> -> memref<10240x64xf32, #tpu.memory_space<hbm>>
    %dma_start3A_135 = arith.constant 0 : i32
    %dma_start3A_136 = arith.constant 0 : i32
    %dma_start3A_137 = tpu.memref_slice %dma_start3A_134[%dma_start3A_135, %dma_start3A_136] : memref<10240x64xf32, #tpu.memory_space<hbm>> -> memref<10240x64xf32, #tpu.memory_space<hbm>>
    tpu.enqueue_indirect_dma source(%dma_start3A_137 : memref<10240x64xf32, #tpu.memory_space<hbm>>) target(%arg12 : memref<125x64xf32, #tpu.memory_space<vmem>>) offsets(%dma_start3A_130 : memref<125xi32, #tpu.memory_space<vmem>>) semaphore(%arg23 : memref<!tpu.dma_semaphore, #tpu.memory_space<semaphore_mem>>)
    %dma_start3A_138 = arith.constant 3 : i32
    %dma_start3A_139 = arith.constant 0 : i32
    %dma_start3A_140 = tpu.memref_slice %arg8[%dma_start3A_138, %dma_start3A_139] : memref<160x125xi32, #tpu.memory_space<vmem>> -> memref<1x125xi32, #tpu.memory_space<vmem>>
    %dma_start3A_141 = tpu.memref_squeeze %dma_start3A_140 : memref<1x125xi32, #tpu.memory_space<vmem>> -> memref<125xi32, #tpu.memory_space<vmem>>
    %dma_start3A_142 = arith.constant 0 : i32
    %dma_start3A_143 = arith.constant 0 : i32
    %dma_start3A_144 = tpu.memref_slice %arg7[%arg0, %dma_start3A_142, %dma_start3A_143] : memref<2x10240x64xf32, #tpu.memory_space<hbm>> -> memref<1x10240x64xf32, #tpu.memory_space<hbm>>
    %dma_start3A_145 = tpu.memref_squeeze %dma_start3A_144 : memref<1x10240x64xf32, #tpu.memory_space<hbm>> -> memref<10240x64xf32, #tpu.memory_space<hbm>>
    %dma_start3A_146 = arith.constant 0 : i32
    %dma_start3A_147 = arith.constant 0 : i32
    %dma_start3A_148 = tpu.memref_slice %dma_start3A_145[%dma_start3A_146, %dma_start3A_147] : memref<10240x64xf32, #tpu.memory_space<hbm>> -> memref<10240x64xf32, #tpu.memory_space<hbm>>
    tpu.enqueue_indirect_dma source(%dma_start3A_148 : memref<10240x64xf32, #tpu.memory_space<hbm>>) target(%arg13 : memref<125x64xf32, #tpu.memory_space<vmem>>) offsets(%dma_start3A_141 : memref<125xi32, #tpu.memory_space<vmem>>) semaphore(%arg24 : memref<!tpu.dma_semaphore, #tpu.memory_space<semaphore_mem>>)
    %scan3A_149 = arith.constant 0 : i32
    %scan3A_150 = arith.constant 40 : i32
    %scan3A_151 = arith.addi %scan3A_149, %scan3A_150 : i32
    %scan3A_152 = arith.constant 1 : i32
    scf.for %scan3A_160 = %scan3A_149 to %scan3A_151 step %scan3A_152  : i32 {
      %mul3A_161 = arith.constant 4 : i32
      %mul3A_162 = arith.muli %scan3A_160, %mul3A_161 : i32
      %add3A_163 = arith.constant 0 : i32
      %add3A_164 = arith.addi %add3A_163, %mul3A_162 : i32
      %add3A_165 = arith.constant 0 : i32
      %add3A_166 = arith.addi %add3A_164, %add3A_165 : i32
      %dma_wait3A_167 = arith.constant 0 : i32
      %dma_wait3A_168 = tpu.memref_slice %arg8[%add3A_166, %dma_wait3A_167] : memref<160x125xi32, #tpu.memory_space<vmem>> -> memref<1x125xi32, #tpu.memory_space<vmem>>
      %dma_wait3A_169 = tpu.memref_squeeze %dma_wait3A_168 : memref<1x125xi32, #tpu.memory_space<vmem>> -> memref<125xi32, #tpu.memory_space<vmem>>
      %dma_wait3A_170 = arith.constant 0 : i32
      %dma_wait3A_171 = arith.constant 0 : i32
      %dma_wait3A_172 = tpu.memref_slice %arg7[%arg0, %dma_wait3A_170, %dma_wait3A_171] : memref<2x10240x64xf32, #tpu.memory_space<hbm>> -> memref<1x10240x64xf32, #tpu.memory_space<hbm>>
      %dma_wait3A_173 = tpu.memref_squeeze %dma_wait3A_172 : memref<1x10240x64xf32, #tpu.memory_space<hbm>> -> memref<10240x64xf32, #tpu.memory_space<hbm>>
      %dma_wait3A_174 = arith.constant 0 : i32
      %dma_wait3A_175 = arith.constant 0 : i32
      %dma_wait3A_176 = tpu.memref_slice %dma_wait3A_173[%dma_wait3A_174, %dma_wait3A_175] : memref<10240x64xf32, #tpu.memory_space<hbm>> -> memref<10240x64xf32, #tpu.memory_space<hbm>>
      tpu.wait_indirect_dma semaphore(%arg21 : memref<!tpu.dma_semaphore, #tpu.memory_space<semaphore_mem>>) src(%dma_wait3A_176 : memref<10240x64xf32, #tpu.memory_space<hbm>>) dst(%arg10 : memref<125x64xf32, #tpu.memory_space<vmem>>)
      %dma_start3A_177 = arith.constant 0 : i32
      %dma_start3A_178 = tpu.memref_slice %arg9[%add3A_166, %dma_start3A_177] : memref<160x125xi32, #tpu.memory_space<vmem>> -> memref<1x125xi32, #tpu.memory_space<vmem>>
      %dma_start3A_179 = tpu.memref_squeeze %dma_start3A_178 : memref<1x125xi32, #tpu.memory_space<vmem>> -> memref<125xi32, #tpu.memory_space<vmem>>
      %dma_start3A_180 = arith.constant 0 : i32
      %dma_start3A_181 = arith.constant 0 : i32
      %dma_start3A_182 = tpu.memref_slice %arg20[%dma_start3A_180, %dma_start3A_181] : memref<10112x64xf32, #tpu.memory_space<vmem_shared>> -> memref<10112x64xf32, #tpu.memory_space<vmem_shared>>
      tpu.enqueue_indirect_dma source(%arg10 : memref<125x64xf32, #tpu.memory_space<vmem>>) target(%dma_start3A_182 : memref<10112x64xf32, #tpu.memory_space<vmem_shared>>) offsets(%dma_start3A_179 : memref<125xi32, #tpu.memory_space<vmem>>) semaphore(%arg25 : memref<!tpu.dma_semaphore, #tpu.memory_space<semaphore_mem>>) {add = true}
      %add3A_183 = arith.constant 1 : i32
      %add3A_184 = arith.addi %add3A_164, %add3A_183 : i32
      %dma_wait3A_185 = arith.constant 0 : i32
      %dma_wait3A_186 = tpu.memref_slice %arg8[%add3A_184, %dma_wait3A_185] : memref<160x125xi32, #tpu.memory_space<vmem>> -> memref<1x125xi32, #tpu.memory_space<vmem>>
      %dma_wait3A_187 = tpu.memref_squeeze %dma_wait3A_186 : memref<1x125xi32, #tpu.memory_space<vmem>> -> memref<125xi32, #tpu.memory_space<vmem>>
      %dma_wait3A_188 = arith.constant 0 : i32
      %dma_wait3A_189 = arith.constant 0 : i32
      %dma_wait3A_190 = tpu.memref_slice %arg7[%arg0, %dma_wait3A_188, %dma_wait3A_189] : memref<2x10240x64xf32, #tpu.memory_space<hbm>> -> memref<1x10240x64xf32, #tpu.memory_space<hbm>>
      %dma_wait3A_191 = tpu.memref_squeeze %dma_wait3A_190 : memref<1x10240x64xf32, #tpu.memory_space<hbm>> -> memref<10240x64xf32, #tpu.memory_space<hbm>>
      %dma_wait3A_192 = arith.constant 0 : i32
      %dma_wait3A_193 = arith.constant 0 : i32
      %dma_wait3A_194 = tpu.memref_slice %dma_wait3A_191[%dma_wait3A_192, %dma_wait3A_193] : memref<10240x64xf32, #tpu.memory_space<hbm>> -> memref<10240x64xf32, #tpu.memory_space<hbm>>
      tpu.wait_indirect_dma semaphore(%arg22 : memref<!tpu.dma_semaphore, #tpu.memory_space<semaphore_mem>>) src(%dma_wait3A_194 : memref<10240x64xf32, #tpu.memory_space<hbm>>) dst(%arg11 : memref<125x64xf32, #tpu.memory_space<vmem>>)
      %dma_start3A_195 = arith.constant 0 : i32
      %dma_start3A_196 = tpu.memref_slice %arg9[%add3A_184, %dma_start3A_195] : memref<160x125xi32, #tpu.memory_space<vmem>> -> memref<1x125xi32, #tpu.memory_space<vmem>>
      %dma_start3A_197 = tpu.memref_squeeze %dma_start3A_196 : memref<1x125xi32, #tpu.memory_space<vmem>> -> memref<125xi32, #tpu.memory_space<vmem>>
      %dma_start3A_198 = arith.constant 0 : i32
      %dma_start3A_199 = arith.constant 0 : i32
      %dma_start3A_200 = tpu.memref_slice %arg20[%dma_start3A_198, %dma_start3A_199] : memref<10112x64xf32, #tpu.memory_space<vmem_shared>> -> memref<10112x64xf32, #tpu.memory_space<vmem_shared>>
      tpu.enqueue_indirect_dma source(%arg11 : memref<125x64xf32, #tpu.memory_space<vmem>>) target(%dma_start3A_200 : memref<10112x64xf32, #tpu.memory_space<vmem_shared>>) offsets(%dma_start3A_197 : memref<125xi32, #tpu.memory_space<vmem>>) semaphore(%arg26 : memref<!tpu.dma_semaphore, #tpu.memory_space<semaphore_mem>>) {add = true}
      %add3A_201 = arith.constant 2 : i32
      %add3A_202 = arith.addi %add3A_164, %add3A_201 : i32
      %dma_wait3A_203 = arith.constant 0 : i32
      %dma_wait3A_204 = tpu.memref_slice %arg8[%add3A_202, %dma_wait3A_203] : memref<160x125xi32, #tpu.memory_space<vmem>> -> memref<1x125xi32, #tpu.memory_space<vmem>>
      %dma_wait3A_205 = tpu.memref_squeeze %dma_wait3A_204 : memref<1x125xi32, #tpu.memory_space<vmem>> -> memref<125xi32, #tpu.memory_space<vmem>>
      %dma_wait3A_206 = arith.constant 0 : i32
      %dma_wait3A_207 = arith.constant 0 : i32
      %dma_wait3A_208 = tpu.memref_slice %arg7[%arg0, %dma_wait3A_206, %dma_wait3A_207] : memref<2x10240x64xf32, #tpu.memory_space<hbm>> -> memref<1x10240x64xf32, #tpu.memory_space<hbm>>
      %dma_wait3A_209 = tpu.memref_squeeze %dma_wait3A_208 : memref<1x10240x64xf32, #tpu.memory_space<hbm>> -> memref<10240x64xf32, #tpu.memory_space<hbm>>
      %dma_wait3A_210 = arith.constant 0 : i32
      %dma_wait3A_211 = arith.constant 0 : i32
      %dma_wait3A_212 = tpu.memref_slice %dma_wait3A_209[%dma_wait3A_210, %dma_wait3A_211] : memref<10240x64xf32, #tpu.memory_space<hbm>> -> memref<10240x64xf32, #tpu.memory_space<hbm>>
      tpu.wait_indirect_dma semaphore(%arg23 : memref<!tpu.dma_semaphore, #tpu.memory_space<semaphore_mem>>) src(%dma_wait3A_212 : memref<10240x64xf32, #tpu.memory_space<hbm>>) dst(%arg12 : memref<125x64xf32, #tpu.memory_space<vmem>>)
      %dma_start3A_213 = arith.constant 0 : i32
      %dma_start3A_214 = tpu.memref_slice %arg9[%add3A_202, %dma_start3A_213] : memref<160x125xi32, #tpu.memory_space<vmem>> -> memref<1x125xi32, #tpu.memory_space<vmem>>
      %dma_start3A_215 = tpu.memref_squeeze %dma_start3A_214 : memref<1x125xi32, #tpu.memory_space<vmem>> -> memref<125xi32, #tpu.memory_space<vmem>>
      %dma_start3A_216 = arith.constant 0 : i32
      %dma_start3A_217 = arith.constant 0 : i32
      %dma_start3A_218 = tpu.memref_slice %arg20[%dma_start3A_216, %dma_start3A_217] : memref<10112x64xf32, #tpu.memory_space<vmem_shared>> -> memref<10112x64xf32, #tpu.memory_space<vmem_shared>>
      tpu.enqueue_indirect_dma source(%arg12 : memref<125x64xf32, #tpu.memory_space<vmem>>) target(%dma_start3A_218 : memref<10112x64xf32, #tpu.memory_space<vmem_shared>>) offsets(%dma_start3A_215 : memref<125xi32, #tpu.memory_space<vmem>>) semaphore(%arg27 : memref<!tpu.dma_semaphore, #tpu.memory_space<semaphore_mem>>) {add = true}
      %add3A_219 = arith.constant 3 : i32
      %add3A_220 = arith.addi %add3A_164, %add3A_219 : i32
      %dma_wait3A_221 = arith.constant 0 : i32
      %dma_wait3A_222 = tpu.memref_slice %arg8[%add3A_220, %dma_wait3A_221] : memref<160x125xi32, #tpu.memory_space<vmem>> -> memref<1x125xi32, #tpu.memory_space<vmem>>
      %dma_wait3A_223 = tpu.memref_squeeze %dma_wait3A_222 : memref<1x125xi32, #tpu.memory_space<vmem>> -> memref<125xi32, #tpu.memory_space<vmem>>
      %dma_wait3A_224 = arith.constant 0 : i32
      %dma_wait3A_225 = arith.constant 0 : i32
      %dma_wait3A_226 = tpu.memref_slice %arg7[%arg0, %dma_wait3A_224, %dma_wait3A_225] : memref<2x10240x64xf32, #tpu.memory_space<hbm>> -> memref<1x10240x64xf32, #tpu.memory_space<hbm>>
      %dma_wait3A_227 = tpu.memref_squeeze %dma_wait3A_226 : memref<1x10240x64xf32, #tpu.memory_space<hbm>> -> memref<10240x64xf32, #tpu.memory_space<hbm>>
      %dma_wait3A_228 = arith.constant 0 : i32
      %dma_wait3A_229 = arith.constant 0 : i32
      %dma_wait3A_230 = tpu.memref_slice %dma_wait3A_227[%dma_wait3A_228, %dma_wait3A_229] : memref<10240x64xf32, #tpu.memory_space<hbm>> -> memref<10240x64xf32, #tpu.memory_space<hbm>>
      tpu.wait_indirect_dma semaphore(%arg24 : memref<!tpu.dma_semaphore, #tpu.memory_space<semaphore_mem>>) src(%dma_wait3A_230 : memref<10240x64xf32, #tpu.memory_space<hbm>>) dst(%arg13 : memref<125x64xf32, #tpu.memory_space<vmem>>)
      %dma_start3A_231 = arith.constant 0 : i32
      %dma_start3A_232 = tpu.memref_slice %arg9[%add3A_220, %dma_start3A_231] : memref<160x125xi32, #tpu.memory_space<vmem>> -> memref<1x125xi32, #tpu.memory_space<vmem>>
      %dma_start3A_233 = tpu.memref_squeeze %dma_start3A_232 : memref<1x125xi32, #tpu.memory_space<vmem>> -> memref<125xi32, #tpu.memory_space<vmem>>
      %dma_start3A_234 = arith.constant 0 : i32
      %dma_start3A_235 = arith.constant 0 : i32
      %dma_start3A_236 = tpu.memref_slice %arg20[%dma_start3A_234, %dma_start3A_235] : memref<10112x64xf32, #tpu.memory_space<vmem_shared>> -> memref<10112x64xf32, #tpu.memory_space<vmem_shared>>
      tpu.enqueue_indirect_dma source(%arg13 : memref<125x64xf32, #tpu.memory_space<vmem>>) target(%dma_start3A_236 : memref<10112x64xf32, #tpu.memory_space<vmem_shared>>) offsets(%dma_start3A_233 : memref<125xi32, #tpu.memory_space<vmem>>) semaphore(%arg28 : memref<!tpu.dma_semaphore, #tpu.memory_space<semaphore_mem>>) {add = true}
      %add3A_237 = arith.constant 0 : i32
      %add3A_238 = arith.addi %add3A_164, %add3A_237 : i32
      %dma_wait3A_239 = arith.constant 0 : i32
      %dma_wait3A_240 = tpu.memref_slice %arg9[%add3A_238, %dma_wait3A_239] : memref<160x125xi32, #tpu.memory_space<vmem>> -> memref<1x125xi32, #tpu.memory_space<vmem>>
      %dma_wait3A_241 = tpu.memref_squeeze %dma_wait3A_240 : memref<1x125xi32, #tpu.memory_space<vmem>> -> memref<125xi32, #tpu.memory_space<vmem>>
      %dma_wait3A_242 = arith.constant 0 : i32
      %dma_wait3A_243 = arith.constant 0 : i32
      %dma_wait3A_244 = tpu.memref_slice %arg20[%dma_wait3A_242, %dma_wait3A_243] : memref<10112x64xf32, #tpu.memory_space<vmem_shared>> -> memref<10112x64xf32, #tpu.memory_space<vmem_shared>>
      tpu.wait_indirect_dma semaphore(%arg25 : memref<!tpu.dma_semaphore, #tpu.memory_space<semaphore_mem>>) src(%arg10 : memref<125x64xf32, #tpu.memory_space<vmem>>) dst(%dma_wait3A_244 : memref<10112x64xf32, #tpu.memory_space<vmem_shared>>)
      %add3A_245 = arith.constant 4 : i32
      %add3A_246 = arith.addi %add3A_238, %add3A_245 : i32
      %lt3A = arith.constant 160 : i32
      %lt3A_247 = arith.cmpi slt, %add3A_246, %lt3A : i32
      %convert_element_type3A = arith.extui %lt3A_247 : i1 to i32
      %cond3A = arith.constant 0 : i32
      %cond3A_248 = arith.cmpi ne, %convert_element_type3A, %cond3A : i32
      scf.if %cond3A_248 {
        %add3A_294 = arith.constant 4 : i32
        %add3A_295 = arith.addi %add3A_238, %add3A_294 : i32
        %dma_start3A_296 = arith.constant 0 : i32
        %dma_start3A_297 = tpu.memref_slice %arg8[%add3A_295, %dma_start3A_296] : memref<160x125xi32, #tpu.memory_space<vmem>> -> memref<1x125xi32, #tpu.memory_space<vmem>>
        %dma_start3A_298 = tpu.memref_squeeze %dma_start3A_297 : memref<1x125xi32, #tpu.memory_space<vmem>> -> memref<125xi32, #tpu.memory_space<vmem>>
        %dma_start3A_299 = arith.constant 0 : i32
        %dma_start3A_300 = arith.constant 0 : i32
        %dma_start3A_301 = tpu.memref_slice %arg7[%arg0, %dma_start3A_299, %dma_start3A_300] : memref<2x10240x64xf32, #tpu.memory_space<hbm>> -> memref<1x10240x64xf32, #tpu.memory_space<hbm>>
        %dma_start3A_302 = tpu.memref_squeeze %dma_start3A_301 : memref<1x10240x64xf32, #tpu.memory_space<hbm>> -> memref<10240x64xf32, #tpu.memory_space<hbm>>
        %dma_start3A_303 = arith.constant 0 : i32
        %dma_start3A_304 = arith.constant 0 : i32
        %dma_start3A_305 = tpu.memref_slice %dma_start3A_302[%dma_start3A_303, %dma_start3A_304] : memref<10240x64xf32, #tpu.memory_space<hbm>> -> memref<10240x64xf32, #tpu.memory_space<hbm>>
        tpu.enqueue_indirect_dma source(%dma_start3A_305 : memref<10240x64xf32, #tpu.memory_space<hbm>>) target(%arg10 : memref<125x64xf32, #tpu.memory_space<vmem>>) offsets(%dma_start3A_298 : memref<125xi32, #tpu.memory_space<vmem>>) semaphore(%arg21 : memref<!tpu.dma_semaphore, #tpu.memory_space<semaphore_mem>>)
      } else {
      }
      %add3A_249 = arith.constant 1 : i32
      %add3A_250 = arith.addi %add3A_164, %add3A_249 : i32
      %dma_wait3A_251 = arith.constant 0 : i32
      %dma_wait3A_252 = tpu.memref_slice %arg9[%add3A_250, %dma_wait3A_251] : memref<160x125xi32, #tpu.memory_space<vmem>> -> memref<1x125xi32, #tpu.memory_space<vmem>>
      %dma_wait3A_253 = tpu.memref_squeeze %dma_wait3A_252 : memref<1x125xi32, #tpu.memory_space<vmem>> -> memref<125xi32, #tpu.memory_space<vmem>>
      %dma_wait3A_254 = arith.constant 0 : i32
      %dma_wait3A_255 = arith.constant 0 : i32
      %dma_wait3A_256 = tpu.memref_slice %arg20[%dma_wait3A_254, %dma_wait3A_255] : memref<10112x64xf32, #tpu.memory_space<vmem_shared>> -> memref<10112x64xf32, #tpu.memory_space<vmem_shared>>
      tpu.wait_indirect_dma semaphore(%arg26 : memref<!tpu.dma_semaphore, #tpu.memory_space<semaphore_mem>>) src(%arg11 : memref<125x64xf32, #tpu.memory_space<vmem>>) dst(%dma_wait3A_256 : memref<10112x64xf32, #tpu.memory_space<vmem_shared>>)
      %add3A_257 = arith.constant 4 : i32
      %add3A_258 = arith.addi %add3A_250, %add3A_257 : i32
      %lt3A_259 = arith.constant 160 : i32
      %lt3A_260 = arith.cmpi slt, %add3A_258, %lt3A_259 : i32
      %convert_element_type3A_261 = arith.extui %lt3A_260 : i1 to i32
      %cond3A_262 = arith.constant 0 : i32
      %cond3A_263 = arith.cmpi ne, %convert_element_type3A_261, %cond3A_262 : i32
      scf.if %cond3A_263 {
        %add3A_294 = arith.constant 4 : i32
        %add3A_295 = arith.addi %add3A_250, %add3A_294 : i32
        %dma_start3A_296 = arith.constant 0 : i32
        %dma_start3A_297 = tpu.memref_slice %arg8[%add3A_295, %dma_start3A_296] : memref<160x125xi32, #tpu.memory_space<vmem>> -> memref<1x125xi32, #tpu.memory_space<vmem>>
        %dma_start3A_298 = tpu.memref_squeeze %dma_start3A_297 : memref<1x125xi32, #tpu.memory_space<vmem>> -> memref<125xi32, #tpu.memory_space<vmem>>
        %dma_start3A_299 = arith.constant 0 : i32
        %dma_start3A_300 = arith.constant 0 : i32
        %dma_start3A_301 = tpu.memref_slice %arg7[%arg0, %dma_start3A_299, %dma_start3A_300] : memref<2x10240x64xf32, #tpu.memory_space<hbm>> -> memref<1x10240x64xf32, #tpu.memory_space<hbm>>
        %dma_start3A_302 = tpu.memref_squeeze %dma_start3A_301 : memref<1x10240x64xf32, #tpu.memory_space<hbm>> -> memref<10240x64xf32, #tpu.memory_space<hbm>>
        %dma_start3A_303 = arith.constant 0 : i32
        %dma_start3A_304 = arith.constant 0 : i32
        %dma_start3A_305 = tpu.memref_slice %dma_start3A_302[%dma_start3A_303, %dma_start3A_304] : memref<10240x64xf32, #tpu.memory_space<hbm>> -> memref<10240x64xf32, #tpu.memory_space<hbm>>
        tpu.enqueue_indirect_dma source(%dma_start3A_305 : memref<10240x64xf32, #tpu.memory_space<hbm>>) target(%arg11 : memref<125x64xf32, #tpu.memory_space<vmem>>) offsets(%dma_start3A_298 : memref<125xi32, #tpu.memory_space<vmem>>) semaphore(%arg22 : memref<!tpu.dma_semaphore, #tpu.memory_space<semaphore_mem>>)
      } else {
      }
      %add3A_264 = arith.constant 2 : i32
      %add3A_265 = arith.addi %add3A_164, %add3A_264 : i32
      %dma_wait3A_266 = arith.constant 0 : i32
      %dma_wait3A_267 = tpu.memref_slice %arg9[%add3A_265, %dma_wait3A_266] : memref<160x125xi32, #tpu.memory_space<vmem>> -> memref<1x125xi32, #tpu.memory_space<vmem>>
      %dma_wait3A_268 = tpu.memref_squeeze %dma_wait3A_267 : memref<1x125xi32, #tpu.memory_space<vmem>> -> memref<125xi32, #tpu.memory_space<vmem>>
      %dma_wait3A_269 = arith.constant 0 : i32
      %dma_wait3A_270 = arith.constant 0 : i32
      %dma_wait3A_271 = tpu.memref_slice %arg20[%dma_wait3A_269, %dma_wait3A_270] : memref<10112x64xf32, #tpu.memory_space<vmem_shared>> -> memref<10112x64xf32, #tpu.memory_space<vmem_shared>>
      tpu.wait_indirect_dma semaphore(%arg27 : memref<!tpu.dma_semaphore, #tpu.memory_space<semaphore_mem>>) src(%arg12 : memref<125x64xf32, #tpu.memory_space<vmem>>) dst(%dma_wait3A_271 : memref<10112x64xf32, #tpu.memory_space<vmem_shared>>)
      %add3A_272 = arith.constant 4 : i32
      %add3A_273 = arith.addi %add3A_265, %add3A_272 : i32
      %lt3A_274 = arith.constant 160 : i32
      %lt3A_275 = arith.cmpi slt, %add3A_273, %lt3A_274 : i32
      %convert_element_type3A_276 = arith.extui %lt3A_275 : i1 to i32
      %cond3A_277 = arith.constant 0 : i32
      %cond3A_278 = arith.cmpi ne, %convert_element_type3A_276, %cond3A_277 : i32
      scf.if %cond3A_278 {
        %add3A_294 = arith.constant 4 : i32
        %add3A_295 = arith.addi %add3A_265, %add3A_294 : i32
        %dma_start3A_296 = arith.constant 0 : i32
        %dma_start3A_297 = tpu.memref_slice %arg8[%add3A_295, %dma_start3A_296] : memref<160x125xi32, #tpu.memory_space<vmem>> -> memref<1x125xi32, #tpu.memory_space<vmem>>
        %dma_start3A_298 = tpu.memref_squeeze %dma_start3A_297 : memref<1x125xi32, #tpu.memory_space<vmem>> -> memref<125xi32, #tpu.memory_space<vmem>>
        %dma_start3A_299 = arith.constant 0 : i32
        %dma_start3A_300 = arith.constant 0 : i32
        %dma_start3A_301 = tpu.memref_slice %arg7[%arg0, %dma_start3A_299, %dma_start3A_300] : memref<2x10240x64xf32, #tpu.memory_space<hbm>> -> memref<1x10240x64xf32, #tpu.memory_space<hbm>>
        %dma_start3A_302 = tpu.memref_squeeze %dma_start3A_301 : memref<1x10240x64xf32, #tpu.memory_space<hbm>> -> memref<10240x64xf32, #tpu.memory_space<hbm>>
        %dma_start3A_303 = arith.constant 0 : i32
        %dma_start3A_304 = arith.constant 0 : i32
        %dma_start3A_305 = tpu.memref_slice %dma_start3A_302[%dma_start3A_303, %dma_start3A_304] : memref<10240x64xf32, #tpu.memory_space<hbm>> -> memref<10240x64xf32, #tpu.memory_space<hbm>>
        tpu.enqueue_indirect_dma source(%dma_start3A_305 : memref<10240x64xf32, #tpu.memory_space<hbm>>) target(%arg12 : memref<125x64xf32, #tpu.memory_space<vmem>>) offsets(%dma_start3A_298 : memref<125xi32, #tpu.memory_space<vmem>>) semaphore(%arg23 : memref<!tpu.dma_semaphore, #tpu.memory_space<semaphore_mem>>)
      } else {
      }
      %add3A_279 = arith.constant 3 : i32
      %add3A_280 = arith.addi %add3A_164, %add3A_279 : i32
      %dma_wait3A_281 = arith.constant 0 : i32
      %dma_wait3A_282 = tpu.memref_slice %arg9[%add3A_280, %dma_wait3A_281] : memref<160x125xi32, #tpu.memory_space<vmem>> -> memref<1x125xi32, #tpu.memory_space<vmem>>
      %dma_wait3A_283 = tpu.memref_squeeze %dma_wait3A_282 : memref<1x125xi32, #tpu.memory_space<vmem>> -> memref<125xi32, #tpu.memory_space<vmem>>
      %dma_wait3A_284 = arith.constant 0 : i32
      %dma_wait3A_285 = arith.constant 0 : i32
      %dma_wait3A_286 = tpu.memref_slice %arg20[%dma_wait3A_284, %dma_wait3A_285] : memref<10112x64xf32, #tpu.memory_space<vmem_shared>> -> memref<10112x64xf32, #tpu.memory_space<vmem_shared>>
      tpu.wait_indirect_dma semaphore(%arg28 : memref<!tpu.dma_semaphore, #tpu.memory_space<semaphore_mem>>) src(%arg13 : memref<125x64xf32, #tpu.memory_space<vmem>>) dst(%dma_wait3A_286 : memref<10112x64xf32, #tpu.memory_space<vmem_shared>>)
      %add3A_287 = arith.constant 4 : i32
      %add3A_288 = arith.addi %add3A_280, %add3A_287 : i32
      %lt3A_289 = arith.constant 160 : i32
      %lt3A_290 = arith.cmpi slt, %add3A_288, %lt3A_289 : i32
      %convert_element_type3A_291 = arith.extui %lt3A_290 : i1 to i32
      %cond3A_292 = arith.constant 0 : i32
      %cond3A_293 = arith.cmpi ne, %convert_element_type3A_291, %cond3A_292 : i32
      scf.if %cond3A_293 {
        %add3A_294 = arith.constant 4 : i32
        %add3A_295 = arith.addi %add3A_280, %add3A_294 : i32
        %dma_start3A_296 = arith.constant 0 : i32
        %dma_start3A_297 = tpu.memref_slice %arg8[%add3A_295, %dma_start3A_296] : memref<160x125xi32, #tpu.memory_space<vmem>> -> memref<1x125xi32, #tpu.memory_space<vmem>>
        %dma_start3A_298 = tpu.memref_squeeze %dma_start3A_297 : memref<1x125xi32, #tpu.memory_space<vmem>> -> memref<125xi32, #tpu.memory_space<vmem>>
        %dma_start3A_299 = arith.constant 0 : i32
        %dma_start3A_300 = arith.constant 0 : i32
        %dma_start3A_301 = tpu.memref_slice %arg7[%arg0, %dma_start3A_299, %dma_start3A_300] : memref<2x10240x64xf32, #tpu.memory_space<hbm>> -> memref<1x10240x64xf32, #tpu.memory_space<hbm>>
        %dma_start3A_302 = tpu.memref_squeeze %dma_start3A_301 : memref<1x10240x64xf32, #tpu.memory_space<hbm>> -> memref<10240x64xf32, #tpu.memory_space<hbm>>
        %dma_start3A_303 = arith.constant 0 : i32
        %dma_start3A_304 = arith.constant 0 : i32
        %dma_start3A_305 = tpu.memref_slice %dma_start3A_302[%dma_start3A_303, %dma_start3A_304] : memref<10240x64xf32, #tpu.memory_space<hbm>> -> memref<10240x64xf32, #tpu.memory_space<hbm>>
        tpu.enqueue_indirect_dma source(%dma_start3A_305 : memref<10240x64xf32, #tpu.memory_space<hbm>>) target(%arg13 : memref<125x64xf32, #tpu.memory_space<vmem>>) offsets(%dma_start3A_298 : memref<125xi32, #tpu.memory_space<vmem>>) semaphore(%arg24 : memref<!tpu.dma_semaphore, #tpu.memory_space<semaphore_mem>>)
      } else {
      }
    }
    %scan3A_153 = arith.constant 40 : i32
    %barrier3A_154 = arith.constant 0 : index
    tpu.barrier barrier_id(%barrier3A_154)
    %scan3A_155 = arith.constant 0 : i32
    %scan3A_156 = arith.constant 10 : i32
    %scan3A_157 = arith.addi %scan3A_155, %scan3A_156 : i32
    %scan3A_158 = arith.constant 1 : i32
    scf.for %scan3A_160 = %scan3A_155 to %scan3A_157 step %scan3A_158  : i32 {
      %mul3A_161 = arith.constant 64 : i32
      %mul3A_162 = arith.muli %scan3A_160, %mul3A_161 : i32
      %add3A_163 = arith.constant 0 : i32
      %add3A_164 = arith.addi %add3A_163, %mul3A_162 : i32
      %add3A_165 = arith.addi %mul3A_1, %add3A_164 : i32
      %add3A_166 = arith.constant 64 : i32
      %add3A_167 = arith.addi %add3A_165, %add3A_166 : i32
      %le3A = arith.constant 10112 : i32
      %le3A_168 = arith.cmpi sle, %add3A_167, %le3A : i32
      %convert_element_type3A = arith.extui %le3A_168 : i1 to i32
      %cond3A = arith.constant 0 : i32
      %cond3A_169 = arith.cmpi ne, %convert_element_type3A, %cond3A : i32
      scf.if %cond3A_169 {
        %dma_start3A_170 = arith.constant 0 : i32
        %dma_start3A_171 = tpu.memref_slice %arg20[%add3A_165, %dma_start3A_170] : memref<10112x64xf32, #tpu.memory_space<vmem_shared>> -> memref<64x64xf32, #tpu.memory_space<vmem_shared>>
        %dma_start3A_172 = arith.constant 0 : i32
        %dma_start3A_173 = tpu.memref_slice %arg20[%add3A_165, %dma_start3A_172] : memref<10112x64xf32, #tpu.memory_space<vmem_shared>> -> memref<64x64xf32, #tpu.memory_space<vmem_shared>>
        tpu.enqueue_dma source(%dma_start3A_173 : memref<64x64xf32, #tpu.memory_space<vmem_shared>>) target(%arg15 : memref<64x64xf32, #tpu.memory_space<vmem>>) target_semaphore(%arg21 : memref<!tpu.dma_semaphore, #tpu.memory_space<semaphore_mem>>)
        %dma_start3A_174 = arith.constant 0 : i32
        %dma_start3A_175 = arith.constant 0 : i32
        %dma_start3A_176 = tpu.memref_slice %arg7[%arg0, %dma_start3A_174, %dma_start3A_175] : memref<2x10240x64xf32, #tpu.memory_space<hbm>> -> memref<1x10240x64xf32, #tpu.memory_space<hbm>>
        %dma_start3A_177 = tpu.memref_squeeze %dma_start3A_176 : memref<1x10240x64xf32, #tpu.memory_space<hbm>> -> memref<10240x64xf32, #tpu.memory_space<hbm>>
        %dma_start3A_178 = arith.constant 0 : i32
        %dma_start3A_179 = tpu.memref_slice %dma_start3A_177[%add3A_165, %dma_start3A_178] : memref<10240x64xf32, #tpu.memory_space<hbm>> -> memref<64x64xf32, #tpu.memory_space<hbm>>
        %dma_start3A_180 = arith.constant 0 : i32
        %dma_start3A_181 = arith.constant 0 : i32
        %dma_start3A_182 = tpu.memref_slice %arg7[%arg0, %dma_start3A_180, %dma_start3A_181] : memref<2x10240x64xf32, #tpu.memory_space<hbm>> -> memref<1x10240x64xf32, #tpu.memory_space<hbm>>
        %dma_start3A_183 = tpu.memref_squeeze %dma_start3A_182 : memref<1x10240x64xf32, #tpu.memory_space<hbm>> -> memref<10240x64xf32, #tpu.memory_space<hbm>>
        %dma_start3A_184 = arith.constant 0 : i32
        %dma_start3A_185 = tpu.memref_slice %dma_start3A_183[%add3A_165, %dma_start3A_184] : memref<10240x64xf32, #tpu.memory_space<hbm>> -> memref<64x64xf32, #tpu.memory_space<hbm>>
        tpu.enqueue_dma source(%dma_start3A_185 : memref<64x64xf32, #tpu.memory_space<hbm>>) target(%arg16 : memref<64x64xf32, #tpu.memory_space<vmem>>) target_semaphore(%arg22 : memref<!tpu.dma_semaphore, #tpu.memory_space<semaphore_mem>>)
        %dma_wait3A_186 = arith.constant 0 : i32
        %dma_wait3A_187 = tpu.memref_slice %arg20[%add3A_165, %dma_wait3A_186] : memref<10112x64xf32, #tpu.memory_space<vmem_shared>> -> memref<64x64xf32, #tpu.memory_space<vmem_shared>>
        %dma_wait3A_188 = arith.constant 0 : i32
        %dma_wait3A_189 = tpu.memref_slice %arg20[%add3A_165, %dma_wait3A_188] : memref<10112x64xf32, #tpu.memory_space<vmem_shared>> -> memref<64x64xf32, #tpu.memory_space<vmem_shared>>
        tpu.wait_dma2 semaphore(%arg21 : memref<!tpu.dma_semaphore, #tpu.memory_space<semaphore_mem>>) src(%dma_wait3A_189 : memref<64x64xf32, #tpu.memory_space<vmem_shared>>) dst(%arg15 : memref<64x64xf32, #tpu.memory_space<vmem>>)
        %dma_wait3A_190 = arith.constant 0 : i32
        %dma_wait3A_191 = arith.constant 0 : i32
        %dma_wait3A_192 = tpu.memref_slice %arg7[%arg0, %dma_wait3A_190, %dma_wait3A_191] : memref<2x10240x64xf32, #tpu.memory_space<hbm>> -> memref<1x10240x64xf32, #tpu.memory_space<hbm>>
        %dma_wait3A_193 = tpu.memref_squeeze %dma_wait3A_192 : memref<1x10240x64xf32, #tpu.memory_space<hbm>> -> memref<10240x64xf32, #tpu.memory_space<hbm>>
        %dma_wait3A_194 = arith.constant 0 : i32
        %dma_wait3A_195 = tpu.memref_slice %dma_wait3A_193[%add3A_165, %dma_wait3A_194] : memref<10240x64xf32, #tpu.memory_space<hbm>> -> memref<64x64xf32, #tpu.memory_space<hbm>>
        %dma_wait3A_196 = arith.constant 0 : i32
        %dma_wait3A_197 = arith.constant 0 : i32
        %dma_wait3A_198 = tpu.memref_slice %arg7[%arg0, %dma_wait3A_196, %dma_wait3A_197] : memref<2x10240x64xf32, #tpu.memory_space<hbm>> -> memref<1x10240x64xf32, #tpu.memory_space<hbm>>
        %dma_wait3A_199 = tpu.memref_squeeze %dma_wait3A_198 : memref<1x10240x64xf32, #tpu.memory_space<hbm>> -> memref<10240x64xf32, #tpu.memory_space<hbm>>
        %dma_wait3A_200 = arith.constant 0 : i32
        %dma_wait3A_201 = tpu.memref_slice %dma_wait3A_199[%add3A_165, %dma_wait3A_200] : memref<10240x64xf32, #tpu.memory_space<hbm>> -> memref<64x64xf32, #tpu.memory_space<hbm>>
        tpu.wait_dma2 semaphore(%arg22 : memref<!tpu.dma_semaphore, #tpu.memory_space<semaphore_mem>>) src(%dma_wait3A_201 : memref<64x64xf32, #tpu.memory_space<hbm>>) dst(%arg16 : memref<64x64xf32, #tpu.memory_space<vmem>>)
        %scan3A_202 = arith.constant 0 : i32
        %scan3A_203 = arith.constant 64 : i32
        %scan3A_204 = arith.addi %scan3A_202, %scan3A_203 : i32
        %scan3A_205 = arith.constant 1 : i32
        scf.for %scan3A_239 = %scan3A_202 to %scan3A_204 step %scan3A_205  : i32 {
          %mul3A_240 = arith.constant 1 : i32
          %mul3A_241 = arith.muli %scan3A_239, %mul3A_240 : i32
          %add3A_242 = arith.constant 0 : i32
          %add3A_243 = arith.addi %add3A_242, %mul3A_241 : i32
          %add3A_244 = arith.addi %add3A_164, %add3A_243 : i32
          %broadcast_in_dim3A_245 = vector.broadcast %add3A_244 : i32 to vector<16xi32>
          %gather3A = tpu.vector_load_idx %arg18[%broadcast_in_dim3A_245] : memref<640xf32, #tpu.memory_space<vmem>>[vector<16xi32>], vector<16xf32>,
          %get3A = arith.index_cast %add3A_243 : i32 to index
          %get3A_246 = arith.constant 0 : index
          %get3A_247 = tpu.vector_load %arg15[%get3A, %get3A_246] {strides = array<i32>} : memref<64x64xf32, #tpu.memory_space<vmem>>, vector<16xf32>,
          %get3A_248 = arith.index_cast %add3A_243 : i32 to index
          %get3A_249 = arith.constant 0 : index
          %get3A_250 = tpu.vector_load %arg16[%get3A_248, %get3A_249] {strides = array<i32>} : memref<64x64xf32, #tpu.memory_space<vmem>>, vector<16xf32>,
          %add3A_251 = arith.addf %get3A_247, %get3A_250 : vector<16xf32>
          %mul3A_252 = arith.mulf %add3A_251, %gather3A : vector<16xf32>
          %swap3A = arith.index_cast %add3A_243 : i32 to index
          %swap3A_253 = arith.constant 0 : index
          %swap3A_254 = tpu.vector_load %arg17[%swap3A, %swap3A_253] {strides = array<i32>} : memref<64x64xf32, #tpu.memory_space<vmem>>, vector<16xf32>,
          tpu.vector_store %arg17[%swap3A, %swap3A_253], %mul3A_252 {strides = array<i32>} : memref<64x64xf32, #tpu.memory_space<vmem>>, vector<16xf32>,
          %get3A_255 = arith.index_cast %add3A_243 : i32 to index
          %get3A_256 = arith.constant 16 : index
          %get3A_257 = tpu.vector_load %arg15[%get3A_255, %get3A_256] {strides = array<i32>} : memref<64x64xf32, #tpu.memory_space<vmem>>, vector<16xf32>,
          %get3A_258 = arith.index_cast %add3A_243 : i32 to index
          %get3A_259 = arith.constant 16 : index
          %get3A_260 = tpu.vector_load %arg16[%get3A_258, %get3A_259] {strides = array<i32>} : memref<64x64xf32, #tpu.memory_space<vmem>>, vector<16xf32>,
          %add3A_261 = arith.addf %get3A_257, %get3A_260 : vector<16xf32>
          %mul3A_262 = arith.mulf %add3A_261, %gather3A : vector<16xf32>
          %swap3A_263 = arith.index_cast %add3A_243 : i32 to index
          %swap3A_264 = arith.constant 16 : index
          %swap3A_265 = tpu.vector_load %arg17[%swap3A_263, %swap3A_264] {strides = array<i32>} : memref<64x64xf32, #tpu.memory_space<vmem>>, vector<16xf32>,
          tpu.vector_store %arg17[%swap3A_263, %swap3A_264], %mul3A_262 {strides = array<i32>} : memref<64x64xf32, #tpu.memory_space<vmem>>, vector<16xf32>,
          %get3A_266 = arith.index_cast %add3A_243 : i32 to index
          %get3A_267 = arith.constant 32 : index
          %get3A_268 = tpu.vector_load %arg15[%get3A_266, %get3A_267] {strides = array<i32>} : memref<64x64xf32, #tpu.memory_space<vmem>>, vector<16xf32>,
          %get3A_269 = arith.index_cast %add3A_243 : i32 to index
          %get3A_270 = arith.constant 32 : index
          %get3A_271 = tpu.vector_load %arg16[%get3A_269, %get3A_270] {strides = array<i32>} : memref<64x64xf32, #tpu.memory_space<vmem>>, vector<16xf32>,
          %add3A_272 = arith.addf %get3A_268, %get3A_271 : vector<16xf32>
          %mul3A_273 = arith.mulf %add3A_272, %gather3A : vector<16xf32>
          %swap3A_274 = arith.index_cast %add3A_243 : i32 to index
          %swap3A_275 = arith.constant 32 : index
          %swap3A_276 = tpu.vector_load %arg17[%swap3A_274, %swap3A_275] {strides = array<i32>} : memref<64x64xf32, #tpu.memory_space<vmem>>, vector<16xf32>,
          tpu.vector_store %arg17[%swap3A_274, %swap3A_275], %mul3A_273 {strides = array<i32>} : memref<64x64xf32, #tpu.memory_space<vmem>>, vector<16xf32>,
          %get3A_277 = arith.index_cast %add3A_243 : i32 to index
          %get3A_278 = arith.constant 48 : index
          %get3A_279 = tpu.vector_load %arg15[%get3A_277, %get3A_278] {strides = array<i32>} : memref<64x64xf32, #tpu.memory_space<vmem>>, vector<16xf32>,
          %get3A_280 = arith.index_cast %add3A_243 : i32 to index
          %get3A_281 = arith.constant 48 : index
          %get3A_282 = tpu.vector_load %arg16[%get3A_280, %get3A_281] {strides = array<i32>} : memref<64x64xf32, #tpu.memory_space<vmem>>, vector<16xf32>,
          %add3A_283 = arith.addf %get3A_279, %get3A_282 : vector<16xf32>
          %mul3A_284 = arith.mulf %add3A_283, %gather3A : vector<16xf32>
          %swap3A_285 = arith.index_cast %add3A_243 : i32 to index
          %swap3A_286 = arith.constant 48 : index
          %swap3A_287 = tpu.vector_load %arg17[%swap3A_285, %swap3A_286] {strides = array<i32>} : memref<64x64xf32, #tpu.memory_space<vmem>>, vector<16xf32>,
          tpu.vector_store %arg17[%swap3A_285, %swap3A_286], %mul3A_284 {strides = array<i32>} : memref<64x64xf32, #tpu.memory_space<vmem>>, vector<16xf32>,
        }
        %scan3A_206 = arith.constant 64 : i32
        %dma_start3A_207 = arith.constant 0 : i32
        %dma_start3A_208 = arith.constant 0 : i32
        %dma_start3A_209 = tpu.memref_slice %arg7[%arg0, %dma_start3A_207, %dma_start3A_208] : memref<2x10240x64xf32, #tpu.memory_space<hbm>> -> memref<1x10240x64xf32, #tpu.memory_space<hbm>>
        %dma_start3A_210 = tpu.memref_squeeze %dma_start3A_209 : memref<1x10240x64xf32, #tpu.memory_space<hbm>> -> memref<10240x64xf32, #tpu.memory_space<hbm>>
        %dma_start3A_211 = arith.constant 0 : i32
        %dma_start3A_212 = tpu.memref_slice %dma_start3A_210[%add3A_165, %dma_start3A_211] : memref<10240x64xf32, #tpu.memory_space<hbm>> -> memref<64x64xf32, #tpu.memory_space<hbm>>
        %dma_start3A_213 = arith.constant 0 : i32
        %dma_start3A_214 = arith.constant 0 : i32
        %dma_start3A_215 = tpu.memref_slice %arg7[%arg0, %dma_start3A_213, %dma_start3A_214] : memref<2x10240x64xf32, #tpu.memory_space<hbm>> -> memref<1x10240x64xf32, #tpu.memory_space<hbm>>
        %dma_start3A_216 = tpu.memref_squeeze %dma_start3A_215 : memref<1x10240x64xf32, #tpu.memory_space<hbm>> -> memref<10240x64xf32, #tpu.memory_space<hbm>>
        %dma_start3A_217 = arith.constant 0 : i32
        %dma_start3A_218 = tpu.memref_slice %dma_start3A_216[%add3A_165, %dma_start3A_217] : memref<10240x64xf32, #tpu.memory_space<hbm>> -> memref<64x64xf32, #tpu.memory_space<hbm>>
        tpu.enqueue_dma source(%arg17 : memref<64x64xf32, #tpu.memory_space<vmem>>) target(%dma_start3A_218 : memref<64x64xf32, #tpu.memory_space<hbm>>) target_semaphore(%arg26 : memref<!tpu.dma_semaphore, #tpu.memory_space<semaphore_mem>>)
        %dma_start3A_219 = arith.constant 0 : i32
        %dma_start3A_220 = tpu.memref_slice %arg20[%add3A_165, %dma_start3A_219] : memref<10112x64xf32, #tpu.memory_space<vmem_shared>> -> memref<64x64xf32, #tpu.memory_space<vmem_shared>>
        %dma_start3A_221 = arith.constant 0 : i32
        %dma_start3A_222 = tpu.memref_slice %arg20[%add3A_165, %dma_start3A_221] : memref<10112x64xf32, #tpu.memory_space<vmem_shared>> -> memref<64x64xf32, #tpu.memory_space<vmem_shared>>
        tpu.enqueue_dma source(%arg14 : memref<64x64xf32, #tpu.memory_space<vmem>>) target(%dma_start3A_222 : memref<64x64xf32, #tpu.memory_space<vmem_shared>>) target_semaphore(%arg27 : memref<!tpu.dma_semaphore, #tpu.memory_space<semaphore_mem>>)
        %dma_wait3A_223 = arith.constant 0 : i32
        %dma_wait3A_224 = arith.constant 0 : i32
        %dma_wait3A_225 = tpu.memref_slice %arg7[%arg0, %dma_wait3A_223, %dma_wait3A_224] : memref<2x10240x64xf32, #tpu.memory_space<hbm>> -> memref<1x10240x64xf32, #tpu.memory_space<hbm>>
        %dma_wait3A_226 = tpu.memref_squeeze %dma_wait3A_225 : memref<1x10240x64xf32, #tpu.memory_space<hbm>> -> memref<10240x64xf32, #tpu.memory_space<hbm>>
        %dma_wait3A_227 = arith.constant 0 : i32
        %dma_wait3A_228 = tpu.memref_slice %dma_wait3A_226[%add3A_165, %dma_wait3A_227] : memref<10240x64xf32, #tpu.memory_space<hbm>> -> memref<64x64xf32, #tpu.memory_space<hbm>>
        %dma_wait3A_229 = arith.constant 0 : i32
        %dma_wait3A_230 = arith.constant 0 : i32
        %dma_wait3A_231 = tpu.memref_slice %arg7[%arg0, %dma_wait3A_229, %dma_wait3A_230] : memref<2x10240x64xf32, #tpu.memory_space<hbm>> -> memref<1x10240x64xf32, #tpu.memory_space<hbm>>
        %dma_wait3A_232 = tpu.memref_squeeze %dma_wait3A_231 : memref<1x10240x64xf32, #tpu.memory_space<hbm>> -> memref<10240x64xf32, #tpu.memory_space<hbm>>
        %dma_wait3A_233 = arith.constant 0 : i32
        %dma_wait3A_234 = tpu.memref_slice %dma_wait3A_232[%add3A_165, %dma_wait3A_233] : memref<10240x64xf32, #tpu.memory_space<hbm>> -> memref<64x64xf32, #tpu.memory_space<hbm>>
        tpu.wait_dma2 semaphore(%arg26 : memref<!tpu.dma_semaphore, #tpu.memory_space<semaphore_mem>>) src(%arg17 : memref<64x64xf32, #tpu.memory_space<vmem>>) dst(%dma_wait3A_234 : memref<64x64xf32, #tpu.memory_space<hbm>>)
        %dma_wait3A_235 = arith.constant 0 : i32
        %dma_wait3A_236 = tpu.memref_slice %arg20[%add3A_165, %dma_wait3A_235] : memref<10112x64xf32, #tpu.memory_space<vmem_shared>> -> memref<64x64xf32, #tpu.memory_space<vmem_shared>>
        %dma_wait3A_237 = arith.constant 0 : i32
        %dma_wait3A_238 = tpu.memref_slice %arg20[%add3A_165, %dma_wait3A_237] : memref<10112x64xf32, #tpu.memory_space<vmem_shared>> -> memref<64x64xf32, #tpu.memory_space<vmem_shared>>
        tpu.wait_dma2 semaphore(%arg27 : memref<!tpu.dma_semaphore, #tpu.memory_space<semaphore_mem>>) src(%arg14 : memref<64x64xf32, #tpu.memory_space<vmem>>) dst(%dma_wait3A_238 : memref<64x64xf32, #tpu.memory_space<vmem_shared>>)
      } else {
      }
    }
    %scan3A_159 = arith.constant 10 : i32
    return
  }
}

module attributes {stable_mosaic.version = 14 : i64} {
  func.func @_mlp_body(%arg0: i32, %arg1: memref<2x1024x64xf32, #tpu.memory_space<vmem>>, %arg2: memref<128x256xf32, #tpu.memory_space<vmem>>, %arg3: memref<1x256xf32, #tpu.memory_space<vmem>>, %arg4: memref<256x128xf32, #tpu.memory_space<vmem>>, %arg5: memref<1024x64xf32, #tpu.memory_space<vmem>>, %arg6: memref<1024x64xf32, #tpu.memory_space<vmem>>) attributes {dimension_semantics = [#tpu.dimension_semantics<arbitrary>], iteration_bounds = array<i64: 10>, scalar_prefetch = 0 : i64, scratch_operands = 0 : i64, tpu.core_type = #tpu.core_type<tc>, window_params = [{transform_indices = @transform_0, window_bounds = array<i64: 2, 1024, 64>}, {pipeline_mode = #tpu.pipeline_mode<synchronous>, transform_indices = @transform_1, window_bounds = array<i64: 128, 256>}, {pipeline_mode = #tpu.pipeline_mode<synchronous>, transform_indices = @transform_2, window_bounds = array<i64: 1, 256>}, {pipeline_mode = #tpu.pipeline_mode<synchronous>, transform_indices = @transform_3, window_bounds = array<i64: 256, 128>}, {transform_indices = @transform_4, window_bounds = array<i64: 1024, 64>}, {transform_indices = @transform_5, window_bounds = array<i64: 1024, 64>}]} {
    %get3A = arith.constant 0 : index
    %get3A_0 = arith.constant 0 : index
    %get3A_1 = arith.constant 0 : index
    %get3A_2 = vector.load %arg1[%get3A, %get3A_0, %get3A_1] : memref<2x1024x64xf32, #tpu.memory_space<vmem>>, vector<2x1024x64xf32>
    %slice3A = vector.extract_strided_slice %get3A_2 {offsets = [0, 0, 0], sizes = [1, 1024, 64], strides = [1, 1, 1]} : vector<2x1024x64xf32> to vector<1x1024x64xf32>
    %squeeze3A = vector.shape_cast %slice3A : vector<1x1024x64xf32> to vector<1024x64xf32>
    %slice3A_3 = vector.extract_strided_slice %get3A_2 {offsets = [1, 0, 0], sizes = [1, 1024, 64], strides = [1, 1, 1]} : vector<2x1024x64xf32> to vector<1x1024x64xf32>
    %squeeze3A_4 = vector.shape_cast %slice3A_3 : vector<1x1024x64xf32> to vector<1024x64xf32>
    %concatenate3A = tpu.concatenate %squeeze3A, %squeeze3A_4 in 1 : vector<1024x64xf32>, vector<1024x64xf32> -> vector<1024x128xf32>
    %get3A_5 = arith.constant 0 : index
    %get3A_6 = arith.constant 0 : index
    %get3A_7 = vector.load %arg2[%get3A_5, %get3A_6] : memref<128x256xf32, #tpu.memory_space<vmem>>, vector<128x256xf32>
    %dot_general3A = arith.constant dense<0.000000e+00> : vector<1024x256xf32>
    %dot_general3A_8 = tpu.matmul %concatenate3A, %get3A_7, %dot_general3A {dimension_numbers = #tpu.dot_dimension_numbers<[1], [0], [0], [1], [0, 0, 1, 1], [], []>, transpose_lhs_hint = false} : vector<1024x128xf32>, vector<128x256xf32>, vector<1024x256xf32> -> vector<1024x256xf32>
    %get3A_9 = arith.constant 0 : index
    %get3A_10 = arith.constant 0 : index
    %get3A_11 = vector.load %arg3[%get3A_9, %get3A_10] : memref<1x256xf32, #tpu.memory_space<vmem>>, vector<1x256xf32>
    %add3A = vector.broadcast %get3A_11 : vector<1x256xf32> to vector<1024x256xf32>
    %add3A_12 = arith.addf %dot_general3A_8, %add3A : vector<1024x256xf32>
    %max3A = arith.constant 0.000000e+00 : f32
    %max3A_13 = vector.broadcast %max3A : f32 to vector<1024x256xf32>
    %max3A_14 = arith.maximumf %add3A_12, %max3A_13 : vector<1024x256xf32>
    %get3A_15 = arith.constant 0 : index
    %get3A_16 = arith.constant 0 : index
    %get3A_17 = vector.load %arg4[%get3A_15, %get3A_16] : memref<256x128xf32, #tpu.memory_space<vmem>>, vector<256x128xf32>
    %dot_general3A_18 = arith.constant dense<0.000000e+00> : vector<1024x128xf32>
    %dot_general3A_19 = tpu.matmul %max3A_14, %get3A_17, %dot_general3A_18 {dimension_numbers = #tpu.dot_dimension_numbers<[1], [0], [0], [1], [0, 0, 1, 1], [], []>, transpose_lhs_hint = false} : vector<1024x256xf32>, vector<256x128xf32>, vector<1024x128xf32> -> vector<1024x128xf32>
    %slice3A_20 = vector.extract_strided_slice %dot_general3A_19 {offsets = [0, 0], sizes = [1024, 64], strides = [1, 1]} : vector<1024x128xf32> to vector<1024x64xf32>
    %swap3A = arith.constant 0 : index
    %swap3A_21 = arith.constant 0 : index
    %swap3A_22 = vector.load %arg5[%swap3A, %swap3A_21] : memref<1024x64xf32, #tpu.memory_space<vmem>>, vector<1024x64xf32>
    tpu.vector_store %arg5[%swap3A, %swap3A_21], %slice3A_20 {strides = array<i32>} : memref<1024x64xf32, #tpu.memory_space<vmem>>, vector<1024x64xf32>,
    %slice3A_23 = vector.extract_strided_slice %dot_general3A_19 {offsets = [0, 64], sizes = [1024, 64], strides = [1, 1]} : vector<1024x128xf32> to vector<1024x64xf32>
    %swap3A_24 = arith.constant 0 : index
    %swap3A_25 = arith.constant 0 : index
    %swap3A_26 = vector.load %arg6[%swap3A_24, %swap3A_25] : memref<1024x64xf32, #tpu.memory_space<vmem>>, vector<1024x64xf32>
    tpu.vector_store %arg6[%swap3A_24, %swap3A_25], %slice3A_23 {strides = array<i32>} : memref<1024x64xf32, #tpu.memory_space<vmem>>, vector<1024x64xf32>,
    return
  }
  func.func @transform_0(%arg0: i32) -> (i32, i32, i32) {
    %c0_i32 = arith.constant 0 : i32
    %c0_i32_0 = arith.constant 0 : i32
    %c0_i32_1 = arith.constant 0 : i32
    return %c0_i32, %arg0, %c0_i32_0 : i32, i32, i32
  }
  func.func @transform_1(%arg0: i32) -> (i32, i32) {
    %c0_i32 = arith.constant 0 : i32
    %c0_i32_0 = arith.constant 0 : i32
    %c0_i32_1 = arith.constant 0 : i32
    return %c0_i32, %c0_i32_0 : i32, i32
  }
  func.func @transform_2(%arg0: i32) -> (i32, i32) {
    %c0_i32 = arith.constant 0 : i32
    %c0_i32_0 = arith.constant 0 : i32
    %c0_i32_1 = arith.constant 0 : i32
    return %c0_i32, %c0_i32_0 : i32, i32
  }
  func.func @transform_3(%arg0: i32) -> (i32, i32) {
    %c0_i32 = arith.constant 0 : i32
    %c0_i32_0 = arith.constant 0 : i32
    %c0_i32_1 = arith.constant 0 : i32
    return %c0_i32, %c0_i32_0 : i32, i32
  }
  func.func @transform_4(%arg0: i32) -> (i32, i32) {
    %c0_i32 = arith.constant 0 : i32
    %c0_i32_0 = arith.constant 0 : i32
    return %arg0, %c0_i32 : i32, i32
  }
  func.func @transform_5(%arg0: i32) -> (i32, i32) {
    %c0_i32 = arith.constant 0 : i32
    %c0_i32_0 = arith.constant 0 : i32
    return %arg0, %c0_i32 : i32, i32
  }
}

module attributes {stable_mosaic.version = 14 : i64} {
  func.func @_final_body(%arg0: i32, %arg1: memref<2x1024x64xf32, #tpu.memory_space<vmem>>, %arg2: memref<1x128xf32, #tpu.memory_space<vmem>>, %arg3: memref<1024x128xf32, #tpu.memory_space<vmem>>) attributes {dimension_semantics = [#tpu.dimension_semantics<arbitrary>], iteration_bounds = array<i64: 10>, scalar_prefetch = 0 : i64, scratch_operands = 0 : i64, tpu.core_type = #tpu.core_type<tc>, window_params = [{transform_indices = @transform_0, window_bounds = array<i64: 2, 1024, 64>}, {pipeline_mode = #tpu.pipeline_mode<synchronous>, transform_indices = @transform_1, window_bounds = array<i64: 1, 128>}, {transform_indices = @transform_2, window_bounds = array<i64: 1024, 128>}]} {
    %get3A = arith.constant 0 : index
    %get3A_0 = arith.constant 0 : index
    %get3A_1 = arith.constant 0 : index
    %get3A_2 = vector.load %arg1[%get3A, %get3A_0, %get3A_1] : memref<2x1024x64xf32, #tpu.memory_space<vmem>>, vector<2x1024x64xf32>
    %slice3A = vector.extract_strided_slice %get3A_2 {offsets = [0, 0, 0], sizes = [1, 1024, 64], strides = [1, 1, 1]} : vector<2x1024x64xf32> to vector<1x1024x64xf32>
    %squeeze3A = vector.shape_cast %slice3A : vector<1x1024x64xf32> to vector<1024x64xf32>
    %slice3A_3 = vector.extract_strided_slice %get3A_2 {offsets = [1, 0, 0], sizes = [1, 1024, 64], strides = [1, 1, 1]} : vector<2x1024x64xf32> to vector<1x1024x64xf32>
    %squeeze3A_4 = vector.shape_cast %slice3A_3 : vector<1x1024x64xf32> to vector<1024x64xf32>
    %concatenate3A = tpu.concatenate %squeeze3A, %squeeze3A_4 in 1 : vector<1024x64xf32>, vector<1024x64xf32> -> vector<1024x128xf32>
    %get3A_5 = arith.constant 0 : index
    %get3A_6 = arith.constant 0 : index
    %get3A_7 = vector.load %arg2[%get3A_5, %get3A_6] : memref<1x128xf32, #tpu.memory_space<vmem>>, vector<1x128xf32>
    %add3A = vector.broadcast %get3A_7 : vector<1x128xf32> to vector<1024x128xf32>
    %add3A_8 = arith.addf %concatenate3A, %add3A : vector<1024x128xf32>
    %reduce_max3A = arith.constant dense<0xFF800000> : vector<1024xf32>
    %reduce_max3A_9 = vector.multi_reduction <maximumf>, %add3A_8, %reduce_max3A [1] : vector<1024x128xf32> to vector<1024xf32>
    %broadcast_in_dim3A = vector.shape_cast %reduce_max3A_9 : vector<1024xf32> to vector<1024x1xf32>
    %sub3A = vector.broadcast %broadcast_in_dim3A : vector<1024x1xf32> to vector<1024x128xf32>
    %sub3A_10 = arith.subf %add3A_8, %sub3A : vector<1024x128xf32>
    %exp3A = math.exp %sub3A_10 : vector<1024x128xf32>
    %reduce_sum3A = arith.constant dense<0.000000e+00> : vector<1024xf32>
    %reduce_sum3A_11 = vector.multi_reduction <add>, %exp3A, %reduce_sum3A [1] : vector<1024x128xf32> to vector<1024xf32>
    %broadcast_in_dim3A_12 = vector.shape_cast %reduce_sum3A_11 : vector<1024xf32> to vector<1024x1xf32>
    %log3A = math.log %broadcast_in_dim3A_12 : vector<1024x1xf32>
    %sub3A_13 = vector.broadcast %broadcast_in_dim3A : vector<1024x1xf32> to vector<1024x128xf32>
    %sub3A_14 = arith.subf %add3A_8, %sub3A_13 : vector<1024x128xf32>
    %sub3A_15 = vector.broadcast %log3A : vector<1024x1xf32> to vector<1024x128xf32>
    %sub3A_16 = arith.subf %sub3A_14, %sub3A_15 : vector<1024x128xf32>
    %swap3A = arith.constant 0 : index
    %swap3A_17 = arith.constant 0 : index
    %swap3A_18 = vector.load %arg3[%swap3A, %swap3A_17] : memref<1024x128xf32, #tpu.memory_space<vmem>>, vector<1024x128xf32>
    tpu.vector_store %arg3[%swap3A, %swap3A_17], %sub3A_16 {strides = array<i32>} : memref<1024x128xf32, #tpu.memory_space<vmem>>, vector<1024x128xf32>,
    return
  }
  func.func @transform_0(%arg0: i32) -> (i32, i32, i32) {
    %c0_i32 = arith.constant 0 : i32
    %c0_i32_0 = arith.constant 0 : i32
    %c0_i32_1 = arith.constant 0 : i32
    return %c0_i32, %arg0, %c0_i32_0 : i32, i32, i32
  }
  func.func @transform_1(%arg0: i32) -> (i32, i32) {
    %c0_i32 = arith.constant 0 : i32
    %c0_i32_0 = arith.constant 0 : i32
    %c0_i32_1 = arith.constant 0 : i32
    return %c0_i32, %c0_i32_0 : i32, i32
  }
  func.func @transform_2(%arg0: i32) -> (i32, i32) {
    %c0_i32 = arith.constant 0 : i32
    %c0_i32_0 = arith.constant 0 : i32
    return %arg0, %c0_i32 : i32, i32
  }
}

</mosaic_0001>

<sc_bundles>
// kernel: kernel.10.cloned.1.call-start
scs
__scs_entry_jumppad:
0x0: {  	(pc) =	sbr.rel $0x88, $3  }
0x1: {  	(tag) =	ssettag $0x0;
	lr =	simm.s32 $0x1  }
0x2: {  	[smem:$0x3F9B] =	sst lr;
	_ =	strace $0xD0000000  }
0x3: {  	_ = 	snop  }
0x4: {  	_ = 	snop  }
0x5: {  	_ = 	snop  }
0x6: {  	_ = 	snop  }
0x7: {  	_ = 	snop  }
__scs_overlays_trampoline_lowered:
0x8: {  	[smem:$0x3FAA] =	sst s0  }
0x9: {  	[smem:$0x3FAB] =	sst s1  }
0xa: {  	[smem:$0x3FAC] =	sst s2  }
0xb: {  	[smem:$0x3FAD] =	sst s3  }
0xc: {  	[smem:$0x3FAE] =	sst s4  }
0xd: {  	[smem:$0x3FAF] =	sst s5  }
0xe: {  	[smem:$0x3FB0] =	sst s6  }
0xf: {  	[smem:$0x3FB1] =	sst s7  }
0x10: {  	[smem:$0x3FB2] =	sst s8  }
0x11: {  	[smem:$0x3FB3] =	sst s9;
	s0 =	simm.s32 @!p0 $0x0  }
0x12: {  	s1 =	sld [smem:$0x3F99];
	s0 =	simm.s32 @p0 $0x1  }
0x13: {  	[smem:$0x3FB4] =	sst s0;
	s0 =	simm.s32 @!p1 $0x0  }
0x14: {  	s2 =	sld [smem:$0x3F98];
	s0 =	simm.s32 @p1 $0x1  }
0x15: {  	[smem:$0x3FB5] =	sst s0;
	s0 =	simm.s32 @!p2 $0x0  }
0x16: {  	s3 =	sld [smem:$0x3FDB];
	s0 =	simm.s32 @p2 $0x1  }
0x17: {  	s4 =	simm.s32 $0x1BF5;
	[smem:$0x3FB7] =	sst s0  }
0x18: {  	s0 =	sld [smem:$0x3F9A];
	_ =	swait.ge [sflag:s4], $0x0  }
0x19: {  	s7 =	sld [smem:$0x3F9B]  }
0x1a: {  	s8 =	sadd.s32 $0xFFFFE003, lr  }
0x1b: {  	s9 =	sadd.s32 $0xFFFFFEF7, lr;
	s5 =	simm.s32 $0xFFFFFFFF;
	p2 =	slt.u32 s8, $0xFFFFF086  }
0x1c: {  	p1 =	slt.u32 s9, $0xF7A;
	s5 =	simm.s32 @!p2 $0x0  }
0x1d: {  	s5 =	simm.s32 @p1 $0x1;
	p0 =	seq.s32 s7, s2  }
0x1e: {  	s7 =	smul.u32 @!p0 $0xF7A, s2;
	p2 =	seq.s32 @!p0 s5, $0x0  }
0x1f: {  	s9 =	smul.u32 $0xF7A, s1;
	s8 =	simm.s32 @!p0 $0x1BF5;
	p2 =	por !p2, p0  }
0x20: {  	[sflag:s8] =	ssyncset.s32 @!p0 $0xFFFFF086;
	s6 =	sadd.s32 @!p0 s3, s7;
	s7 =	simm.s32 @!p0 $0x108  }
0x21: {  	s3 =	sadd.s32 s3, s9;
	s6 =	sadd.s32 @!p0 $0x88, s6;
	s7 =	simm.s32 @p2 $0x1082  }
0x22: {  	[simem:s7], [sflag:s8] =	dma.local @!p0 [hbm:s6], $0xF7A  }
0x23: {  	s9 =	sor.u32 $0xD0000000, s2;
	s6 =	simm.s32 $0x108;
	_ =	swait.ge @!p0 [sflag:s8], $0x0  }
0x24: {  	s3 =	sadd.s32 $0x88, s3;
	s6 =	simm.s32 @!p1 $0x1082;
	[sflag:s4] =	ssyncset.s32 $0xFFFFF086  }
0x25: {  	[simem:s6], [sflag:s4] =	dma.local [hbm:s3], $0xF7A  }
0x26: {  	[smem:$0x3F9B] =	sst s1;
	(tag) =	ssettag s2;
	_ =	strace s9  }
0x27: {  	s1 =	sld [smem:$0x3FAB]  }
0x28: {  	s2 =	sld [smem:$0x3FAC]  }
0x29: {  	s4 =	sld [smem:$0x3FAE]  }
0x2a: {  	p0 =	seq.s32 s5, $0x0;
	s5 =	sld [smem:$0x3FAF]  }
0x2b: {  	s6 =	sld [smem:$0x3FB0]  }
0x2c: {  	s7 =	sld [smem:$0x3FB1]  }
0x2d: {  	s3 =	simm.s32 $0x108;
	s8 =	sld [smem:$0x3FB2]  }
0x2e: {  	s3 =	simm.s32 @!p0 $0x1082;
	s9 =	sld [smem:$0x3FB3]  }
0x2f: {  	lr =	sadd.s32 s0, s3;
	s0 =	sld [smem:$0x3FAA]  }
0x30: {  	s3 =	sld [smem:$0x3FAD]  }
0x31: {  	[smem:$0x3FB6] =	sst s10  }
0x32: {  	s10 =	sld [smem:$0x3FB4];
	_ =	sdelay $0x3  }
0x33: {  	p0 =	seq.s32 s10, $0x1;
	s10 =	sld [smem:$0x3FB6];
	_ =	sdelay $0x3  }
0x34: {  	[smem:$0x3FB6] =	sst s10  }
0x35: {  	s10 =	sld [smem:$0x3FB5];
	_ =	sdelay $0x3  }
0x36: {  	p1 =	seq.s32 s10, $0x1;
	s10 =	sld [smem:$0x3FB6];
	_ =	sdelay $0x3  }
0x37: {  	[smem:$0x3FB6] =	sst s10  }
0x38: {  	s10 =	sld [smem:$0x3FB7]  }
0x39: {  	_ = 	snop;
	(pc) =	sbr.ind lr, $3  }
0x3a: {  	_ = 	snop  }
0x3b: {  	_ = 	snop  }
0x3c: {  	p2 =	seq.s32 s10, $0x1;
	s10 =	sld [smem:$0x3FB6]  }
0x3d: {  	_ =	shalt  }
0x3e: {  	_ =	shalt  }
0x3f: {  	_ =	shalt  }
0x40: {  	_ =	shalt  }
0x41: {  	_ =	shalt  }
0x42: {  	_ =	shalt  }
0x43: {  	_ =	shalt  }
0x44: {  	_ =	shalt  }
0x45: {  	_ =	shalt  }
0x46: {  	_ =	shalt  }
0x47: {  	_ =	shalt  }
0x48: {  	_ =	shalt  }
0x49: {  	_ =	shalt  }
0x4a: {  	_ =	shalt  }
0x4b: {  	_ =	shalt  }
0x4c: {  	_ =	shalt  }
0x4d: {  	_ =	shalt  }
0x4e: {  	_ =	shalt  }
0x4f: {  	_ =	shalt  }
0x50: {  	_ =	shalt  }
0x51: {  	_ =	shalt  }
0x52: {  	_ =	shalt  }
0x53: {  	_ =	shalt  }
0x54: {  	_ =	shalt  }
0x55: {  	_ =	shalt  }
0x56: {  	_ =	shalt  }
0x57: {  	_ =	shalt  }
0x58: {  	_ =	shalt  }
0x59: {  	_ =	shalt  }
0x5a: {  	_ =	shalt  }
0x5b: {  	_ =	shalt  }
0x5c: {  	_ =	shalt  }
0x5d: {  	_ =	shalt  }
0x5e: {  	_ =	shalt  }
0x5f: {  	_ =	shalt  }
0x60: {  	_ =	shalt  }
0x61: {  	_ =	shalt  }
0x62: {  	_ =	shalt  }
0x63: {  	_ =	shalt  }
0x64: {  	_ =	shalt  }
0x65: {  	_ =	shalt  }
0x66: {  	_ =	shalt  }
0x67: {  	_ =	shalt  }
0x68: {  	_ =	shalt  }
0x69: {  	_ =	shalt  }
0x6a: {  	_ =	shalt  }
0x6b: {  	_ =	shalt  }
0x6c: {  	_ =	shalt  }
0x6d: {  	_ =	shalt  }
0x6e: {  	_ =	shalt  }
0x6f: {  	_ =	shalt  }
0x70: {  	_ =	shalt  }
0x71: {  	_ =	shalt  }
0x72: {  	_ =	shalt  }
0x73: {  	_ =	shalt  }
0x74: {  	_ =	shalt  }
0x75: {  	_ =	shalt  }
0x76: {  	_ =	shalt  }
0x77: {  	_ =	shalt  }
0x78: {  	_ =	shalt  }
0x79: {  	_ =	shalt  }
0x7a: {  	_ =	shalt  }
0x7b: {  	_ =	shalt  }
0x7c: {  	_ =	shalt  }
0x7d: {  	_ =	shalt  }
0x7e: {  	_ =	shalt  }
0x7f: {  	_ =	shalt  }
0x80: {  	_ =	shalt  }
0x81: {  	_ =	shalt  }
0x82: {  	_ =	shalt  }
0x83: {  	_ =	shalt  }
0x84: {  	_ =	shalt  }
0x85: {  	_ =	shalt  }
0x86: {  	_ =	shalt  }
0x87: {  	_ =	shalt  }
.Lfunc_end0:
.L_simem_size_0:
called_computation.1_lowered:
.L_overlay_start_0:
0x88: {  	s2 =	sld [smem:$0x3FD9]  }
0x89: {  	s3 =	sld [smem:$0x3FFE];
	_ =	sdelay $0x1  }
0x8a: {  	s1 =	srdreg.scid  }
0x8b: {  	s0 =	sand.u32 $0x1, s1  }
0x8c: {  	s17 =	sshll.u32 s0, $0xA;
	s2 =	sadd.s32 s3, s2  }
0x8d: {  	s2 =	sadd.s32 s2, s17  }
0x8e: {  	[smem:$0x3FC2] =	sst s2  }
0x8f: {  	_ = 	snop  }
0x90: {  	s2 =	sld [smem:$0x3FD0];
	(tm) =	ssettm $0x1  }
0x91: {  	s18 =	sld [smem:$0x3FFB];
	_ =	sdelay $0x3  }
0x92: {  	_ =	strace s18  }
0x93: {  	s3 =	sld [smem:$0x3FFC];
	_ =	sdelay $0x3  }
0x94: {  	_ =	strace s3  }
0x95: {  	s3 =	sld [smem:$0x3FFD];
	_ =	sdelay $0x3  }
0x96: {  	_ =	strace s3  }
0x97: {  	_ =	strace $0x8FFFFFFF  }
0x98: {  	s19 =	sld [smem:$0x3FDB];
	_ =	sdelay $0x1  }
0x99: {  	s4 =	simm.s32 $_scs_section_size  }
0x9a: {  	s5 =	simm.s32 $_size__tile_overlayer_lowered;
	s6 =	simm.s32 $_tile_overlayer_lowered  }
0x9b: {  	s22 =	simm.s32 $0x1BFF;
	s21 =	sshll.u32 s6, $0x1;
	s3 =	sadd.s32 s4, s19  }
0x9c: {  	s7 =	simm.s32 $0x0;
	s20 =	sshll.u32 s5, $0x1;
	s5 =	sadd.s32 s21, s3  }
0x9d: {  	[timem:s7], [sflag:s22] =	dma.local [hbm:s5], s20  }
0x9e: {  	_ =	swait.ge [sflag:s22], s20  }
0x9f: {  	s4 =	ssub.s32 $0x0, s20;
	[sflag:s22] =	ssyncset.done $0x0  }
0xa0: {  	[sflag:s22] =	ssyncadd.s32 s4;
	_ =	sdelay $0x1  }
0xa1: {  	s23 =	simm.s32 $0x1B8B  }
0xa2: {  	_ =	swait.ge [sflag:s23], $0x1  }
0xa3: {  	[sflag:s23] =	ssyncset.done $0x0  }
0xa4: {  	s25 =	simm.s32 $0x1B8E;
	s24 =	sld [smem:$0x3FFE];
	[sflag:s23] =	ssyncadd.s32 $0xFFFFFFFF  }
0xa5: {  	s26 =	simm.s32 $execute0_lowered;
	[smem:$0x3FD2] =	sst s25  }
0xa6: {  	s5 =	sshll.u32 s26, $0x1;
	_ =	strace $0x80000049;
	[dreg:$0x1] =	wrdreg $0xFFFFFFFF  }
0xa7: {  	s28 =	simm.s32 $_size_execute0_lowered;
	s3 =	sadd.s32 s3, s5;
	[dreg:$0x0] =	wrdreg $0x0  }
0xa8: {  	s5 =	sshll.u32 s28, $0x1;
	[dreg:$0x2] =	wrdreg s3  }
0xa9: {  	[dreg:$0x3] =	wrdreg s5  }
0xaa: {  	[dreg:$0x4] =	wrdreg $0xC0  }
0xab: {  	_ =	task [dreg:s7], $0x5FFFF  }
0xac: {  	[dreg:$0x1] =	wrdreg $0xFFFFFFFF  }
0xad: {  	[dreg:$0x0] =	wrdreg $0x60  }
0xae: {  	[dreg:$0x2] =	wrdreg s24  }
0xaf: {  	[dreg:$0x3] =	wrdreg s2  }
0xb0: {  	[dreg:$0x4] =	wrdreg $0x162000  }
0xb1: {  	[dreg:$0x5] =	wrdreg $0x9  }
0xb2: {  	_ =	task.clear_ibuf [dreg:s7], $0x6FFFF;
	_ =	strace $0x90000049  }
0xb3: {  	s29 =	simm.s32 $0x9;
	_ =	strace $0x8000004B  }
0xb4: {  	_ =	swait.ge [sflag:s29], $0x1  }
0xb5: {  	[sflag:s29] =	ssyncadd.s32 $0xFFFFFFFF  }
0xb6: {  	_ =	strace $0x9000004B  }
0xb7: {  	_ =	sfence  }
0xb8: {  	s30 =	sld [smem:$0x0];
	_ =	sdelay $0x2  }
0xb9: {  	s31 =	sshll.u32 s1, $0xD;
	s1 =	sshrl.u32 s1, $0x2  }
0xba: {  	s3 =	sand.u32 $0x4000, s31;
	s1 =	sadd.s32 s1, s30  }
0xbb: {  	s0 =	sor.u32 s3, s0;
	s1 =	sshll.u32 s1, $0x11  }
0xbc: {  	s0 =	sor.u32 s1, s0  }
0xbd: {  	s0 =	sadd.s32 $0x8F2B, s0  }
0xbe: {  	[sflag:s0] =	ssyncadd.remote.s32 $0x1  }
0xbf: {  	_ =	sfence.sel $0xFFFF  }
0xc0: {  	[dreg:$0x0] =	wrdreg $0xFFFFFFFF;
	(pc) =	sbr.abs _section_cstart, $3  }
0xc1: {  	[dreg:$0x1] =	wrdreg $0xFFFFFFFF  }
0xc2: {  	_ =	task.clear_ibuf [dreg:s7], $0x2FFFF;
	_ =	strace $0x9FFFFFFF  }
0xc3: {  	(tm) =	ssettm $0x7FFFFFFF  }
tec
execute0_lowered:
.L_overlay_start_1:
0x0: {  	(tag) =	ssettag $0x1  }
0x1: {  	s0 =	rddreg [dreg:$0x0]  }
0x2: {  	s11 =	rddreg [dreg:$0x1]  }
0x3: {  	s3 =	rddreg [dreg:$0x2];
	s1 =	simm.s32 $0x0  }
0x4: {  	s10 =	stileid.u32;
	s2 =	srdreg.scid;
	s28 =	simm.s32 $0x15D00  }
0x5: {  	s29 =	simm.s32 $0x9;
	s30 =	simm.s32 $0x15F80;
	s25 =	smul.u32 $0xA00, s10  }
0x6: {  	s31 =	simm.s32 $0x13D00;
	[smem:$0x7FF] =	sst s1;
	s5 =	smul.u32 $0x280, s10  }
0x7: {  	s2 =	sand.u32 $0x1, s2;
	s8 =	sadd.s32 $0x20000, s0;
	s12 =	sadd.s32 $0x34000, s0  }
0x8: {  	_ =	strace $0x8000004A;
	s7 =	ssub.s32 $0x2, s2;
	s15 =	smul.u32 $0x14000, s2  }
0x9: {  	p0 =	seq.s32 s2, $0x1;
	s2 =	smul.u32 $0xA0000, s2;
	[dreg:$0x4] =	wrdreg s12  }
0xa: {  	s1 =	sadd.s32 s25, s0;
	s6 =	sshrl.u32 s5, $0x3;
	s9 =	sshrl.u32 s7, $0x1  }
0xb: {  	s6 =	sadd.s32 s6, s0;
	s4 =	sadd.s32 $0xC000, s1;
	[dreg:$0x9] =	wrdreg s2  }
0xc: {  	s26 =	ssub.s32 s7, s9;
	s1 =	sadd.s32 $0x16000, s1;
	[dreg:$0x5] =	wrdreg s4  }
0xd: {  	s9 =	smul.u32 $0x28000, s10;
	[dreg:$0x6] =	wrdreg s1;
	s13 =	sadd.s32 $0xB600, s6  }
0xe: {  	s11 =	smov.u32 @p0 s8;
	s14 =	sadd.s32 $0xBB00, s6;
	[dreg:$0x7] =	wrdreg s13  }
0xf: {  	s0 =	smax.u32 s26, $0x1;
	[dreg:$0x8] =	wrdreg s14;
	s16 =	sshrl.u32 s9, $0x2  }
0x10: {  	p0 =	seq.s32 s10, $0xF;
	[dreg:$0xb] =	wrdreg s0;
	s17 =	sadd.s32 s16, s3  }
0x11: {  	s8 =	simm.s32 $0xA000;
	s18 =	sadd.s32 $0x1000, s17;
	[dreg:$0xa] =	wrdreg s17  }
0x12: {  	s7 =	simm.s32 $0x7D;
	s19 =	sadd.s32 $0x2000, s17;
	[dreg:$0xc] =	wrdreg s18  }
0x13: {  	s10 =	simm.s32 $0xBF40;
	s20 =	sadd.s32 $0x3000, s17;
	[dreg:$0xd] =	wrdreg s19  }
0x14: {  	s1 =	simm.s32 $0x1;
	s21 =	sadd.s32 $0x4000, s17;
	[dreg:$0xe] =	wrdreg s20  }
0x15: {  	s4 =	simm.s32 $0x0;
	s22 =	sadd.s32 $0x5000, s17;
	[dreg:$0xf] =	wrdreg s21  }
0x16: {  	s13 =	sadd.s32 s12, s15;
	s23 =	sadd.s32 $0x6000, s17;
	[dreg:$0x10] =	wrdreg s22  }
0x17: {  	s0 =	simm.s32 $0x14D00;
	s24 =	sadd.s32 $0x7000, s17;
	[dreg:$0x11] =	wrdreg s23  }
.Ltmp0:
0x18: {  	s25 =	sadd.s32 $0x8000, s17;
	[dreg:$0x12] =	wrdreg s24;
	(pc) =	sbr.rel .LBB2_1-.Ltmp0, $4  }
0x19: {  	s15 =	simm.s32 $0xDE80;
	s26 =	sadd.s32 $0x9000, s17;
	[dreg:$0x13] =	wrdreg s25  }
0x1a: {  	s17 =	simm.s32 $0xFDC0;
	[dreg:$0x14] =	wrdreg s26;
	s26 =	simm.s32 $0x5  }
0x1b: {  	s24 =	simm.s32 $0x2;
	s18 =	simm.s32 $0x3;
	s19 =	simm.s32 $0x4  }
0x1c: {  	v0 =	vimm.f32 $0.0e+00;
	s20 =	simm.s32 $0x6;
	s21 =	simm.s32 $0x7;
	s22 =	simm.s32 $0x8  }
.LBB2_25:
0x1d: {  	s4 =	rddreg [dreg:$0x15]  }
0x1e: {  	s2 =	rddreg [dreg:$0xb];
	s4 =	sadd.s32 $0x1, s4  }
0x1f: {  	p1 =	sne.s32 s4, s2  }
.Ltmp1:
0x20: {  	_ = 	snop;
	(pc) =	sbr.rel @!p1 .LBB2_26-.Ltmp1, $1  }
0x21: {  	_ =	sdelay $0x3  }
.LBB2_1:
0x22: {  	[dreg:$0x15] =	wrdreg s4  }
0x23: {  	s2 =	simm.s32 $0x0;
	s25 =	rddreg [dreg:$0x5]  }
0x24: {  	[tilespmem:s2], [sflag:$0x1] =	stream.linear.gather [hbm4b:s25+s2], $0x5000, $0x38;
	v63 =	vld [tilespmem:$0x0]  }
0x25: {  	s6 =	rddreg [dreg:$0x6];
	s9 =	simm.s32 $0x5000  }
0x26: {  	[tilespmem:s9], [sflag:$0x2] =	stream.linear.gather [hbm4b:s6+s2], $0x5000, $0x38;
	v63 =	vld [tilespmem:$0x0]  }
0x27: {  	s4 =	simm.s32 $0x0;
	s6 =	simm.s32 $0x100;
	s2 =	simm.s32 $0x0  }
.LBB2_2:
0x28: {  	p1 =	sne.s32 s6, $0x3F00;
	[tilespmem:s2+$0x11D30] =	vst v0;
	s9 =	smov.u32 s6;
	s6 =	sadd.s32 $0x100, s6  }
.Ltmp2:
0x29: {  	[tilespmem:s2+$0x11D20] =	vst v0;
	(pc) =	sbr.rel @p1 .LBB2_2-.Ltmp2, $3  }
0x2a: {  	[tilespmem:s2+$0x11D00] =	vst v0  }
0x2b: {  	[tilespmem:s2+$0x11D10] =	vst v0;
	_ =	sdelay $0x1  }
0x2c: {  	s2 =	sshra.s32 s9, $0x2  }
0x2d: {  	[tilespmem:s2+$0x11D30] =	vst v0  }
0x2e: {  	[tilespmem:s2+$0x11D20] =	vst v0  }
0x2f: {  	[tilespmem:s2+$0x11D00] =	vst v0  }
0x30: {  	[tilespmem:s2+$0x11D10] =	vst v0;
	s14 =	rddreg [dreg:$0xa];
	s6 =	simm.s32 $0x11D00  }
0x31: {  	[spmem:s14] =	stream.linear.scatter [tilespmem:s6], [sflag:$0x5], $0x1000, $0x38;
	v63 =	vld [tilespmem:$0x0]  }
0x32: {  	s16 =	rddreg [dreg:$0xc]  }
0x33: {  	[spmem:s16] =	stream.linear.scatter [tilespmem:s6], [sflag:$0x5], $0x1000, $0x38;
	v63 =	vld [tilespmem:$0x0]  }
0x34: {  	s23 =	rddreg [dreg:$0xd]  }
0x35: {  	[spmem:s23] =	stream.linear.scatter [tilespmem:s6], [sflag:$0x5], $0x1000, $0x38;
	v63 =	vld [tilespmem:$0x0]  }
0x36: {  	s25 =	rddreg [dreg:$0xe]  }
0x37: {  	[spmem:s25] =	stream.linear.scatter [tilespmem:s6], [sflag:$0x5], $0x1000, $0x38;
	v63 =	vld [tilespmem:$0x0]  }
0x38: {  	s9 =	rddreg [dreg:$0xf]  }
0x39: {  	[spmem:s9] =	stream.linear.scatter [tilespmem:s6], [sflag:$0x5], $0x1000, $0x38;
	v63 =	vld [tilespmem:$0x0]  }
0x3a: {  	s12 =	rddreg [dreg:$0x10]  }
0x3b: {  	[spmem:s12] =	stream.linear.scatter [tilespmem:s6], [sflag:$0x5], $0x1000, $0x38;
	v63 =	vld [tilespmem:$0x0]  }
0x3c: {  	s14 =	rddreg [dreg:$0x11]  }
0x3d: {  	[spmem:s14] =	stream.linear.scatter [tilespmem:s6], [sflag:$0x5], $0x1000, $0x38;
	v63 =	vld [tilespmem:$0x0]  }
0x3e: {  	s16 =	rddreg [dreg:$0x12]  }
0x3f: {  	[spmem:s16] =	stream.linear.scatter [tilespmem:s6], [sflag:$0x5], $0x1000, $0x38;
	v63 =	vld [tilespmem:$0x0]  }
0x40: {  	s2 =	simm.s32 @!p0 $0x11D00;
	s6 =	rddreg [dreg:$0x13]  }
0x41: {  	[spmem:s6] =	stream.linear.scatter @!p0 [tilespmem:s2], [sflag:$0x5], $0x1000, $0x38;
	v63 =	vld [tilespmem:$0x0]  }
0x42: {  	s6 =	rddreg [dreg:$0x14]  }
0x43: {  	[spmem:s6] =	stream.linear.scatter @!p0 [tilespmem:s2], [sflag:$0x5], $0x1000, $0x38;
	v63 =	vld [tilespmem:$0x0]  }
0x44: {  	_ =	swait.ge [sflag:s26], $0x1000  }
0x45: {  	[sflag:s26] =	ssyncset.done $0x0  }
0x46: {  	[sflag:s26] =	ssyncadd.s32 $0xFFFFF000  }
0x47: {  	_ =	swait.ge [sflag:s26], $0x1000  }
0x48: {  	[sflag:s26] =	ssyncset.done $0x0  }
0x49: {  	[sflag:s26] =	ssyncadd.s32 $0xFFFFF000  }
0x4a: {  	_ =	swait.ge [sflag:s26], $0x1000  }
0x4b: {  	[sflag:s26] =	ssyncset.done $0x0  }
0x4c: {  	[sflag:s26] =	ssyncadd.s32 $0xFFFFF000  }
0x4d: {  	_ =	swait.ge [sflag:s26], $0x1000  }
0x4e: {  	[sflag:s26] =	ssyncset.done $0x0  }
0x4f: {  	[sflag:s26] =	ssyncadd.s32 $0xFFFFF000  }
0x50: {  	_ =	swait.ge [sflag:s26], $0x1000  }
0x51: {  	[sflag:s26] =	ssyncset.done $0x0  }
0x52: {  	[sflag:s26] =	ssyncadd.s32 $0xFFFFF000  }
0x53: {  	_ =	swait.ge [sflag:s26], $0x1000  }
0x54: {  	[sflag:s26] =	ssyncset.done $0x0  }
0x55: {  	[sflag:s26] =	ssyncadd.s32 $0xFFFFF000  }
0x56: {  	_ =	swait.ge [sflag:s26], $0x1000  }
0x57: {  	[sflag:s26] =	ssyncset.done $0x0  }
0x58: {  	[sflag:s26] =	ssyncadd.s32 $0xFFFFF000  }
0x59: {  	_ =	swait.ge [sflag:s26], $0x1000  }
0x5a: {  	[sflag:s26] =	ssyncset.done $0x0  }
0x5b: {  	s2 =	simm.s32 @!p0 $0x5;
	[sflag:s26] =	ssyncadd.s32 $0xFFFFF000  }
0x5c: {  	_ =	swait.ge @!p0 [sflag:s2], $0x1000  }
0x5d: {  	[sflag:s2] =	ssyncset.done @!p0 $0x0  }
0x5e: {  	[sflag:s2] =	ssyncadd.s32 @!p0 $0xFFFFF000  }
0x5f: {  	_ =	swait.ge @!p0 [sflag:s2], $0x1000  }
0x60: {  	[sflag:s2] =	ssyncset.done @!p0 $0x0  }
0x61: {  	s14 =	simm.s32 $0x0;
	s23 =	rddreg [dreg:$0x7];
	[sflag:s2] =	ssyncadd.s32 @!p0 $0xFFFFF000  }
0x62: {  	[tilespmem:s28], [sflag:$0x9] =	stream.linear.gather [hbm4b:s23+s14], $0x280, $0x38;
	v63 =	vld [tilespmem:$0x0]  }
0x63: {  	_ =	swait.ge [sflag:s29], $0x280  }
0x64: {  	[sflag:s29] =	ssyncset.done $0x0  }
0x65: {  	s25 =	rddreg [dreg:$0x8];
	[sflag:s29] =	ssyncadd.s32 $0xFFFFFD80  }
0x66: {  	[tilespmem:s30], [sflag:$0x9] =	stream.linear.gather [hbm4b:s25+s14], $0x280, $0x38;
	v63 =	vld [tilespmem:$0x0]  }
0x67: {  	_ =	swait.ge [sflag:s29], $0x280  }
0x68: {  	[sflag:s29] =	ssyncset.done $0x0  }
0x69: {  	s16 =	simm.s32 $0x0;
	[sflag:s29] =	ssyncadd.s32 $0xFFFFFD80  }
0x6a: {  	s9 =	simm.s32 $0x40;
	v1 =	vld [tilespmem:s16+$0x15D00]  }
.LBB2_4:
0x6b: {  	p1 =	sne.s32 s9, $0x9C0;
	v2 =	vld [tilespmem:s16+$0x15F80];
	_ =	sdelay $0x4  }
0x6c: {  	v1 =	vadd.f32 v2, v1;
	_ =	sdelay $0x1  }
0x6d: {  	v1 =	vadd.f32 $1.000000000e+00, v1;
	_ =	sdelay $0x1  }
0x6e: {  	v2 =	vshrl.u32 v1, $0x1;
	v1 =	vmul.f32 $5.000000000e-01, v1  }
0x6f: {  	v2 =	vsub.s32 $0x5F3759DF, v2  }
0x70: {  	v3 =	vmul.f32 v2, v1;
	_ =	sdelay $0x1  }
0x71: {  	v3 =	vmul.f32 v2, v3;
	_ =	sdelay $0x1  }
0x72: {  	v3 =	vsub.f32 $1.500000000e+00, v3;
	_ =	sdelay $0x1  }
0x73: {  	v2 =	vmul.f32 v2, v3;
	_ =	sdelay $0x1  }
0x74: {  	v3 =	vmul.f32 v2, v1;
	_ =	sdelay $0x1  }
0x75: {  	v3 =	vmul.f32 v3, v2;
	_ =	sdelay $0x1  }
0x76: {  	v3 =	vsub.f32 $1.500000000e+00, v3;
	_ =	sdelay $0x1  }
0x77: {  	v2 =	vmul.f32 v3, v2;
	_ =	sdelay $0x1  }
0x78: {  	v3 =	vmul.f32 v2, v1;
	_ =	sdelay $0x1  }
0x79: {  	v3 =	vmul.f32 v3, v2;
	_ =	sdelay $0x1  }
0x7a: {  	v3 =	vsub.f32 $1.500000000e+00, v3;
	_ =	sdelay $0x1  }
0x7b: {  	v2 =	vmul.f32 v3, v2;
	_ =	sdelay $0x1  }
0x7c: {  	v1 =	vmul.f32 v2, v1;
	_ =	sdelay $0x1  }
0x7d: {  	v1 =	vmul.f32 v1, v2;
	_ =	sdelay $0x1  }
0x7e: {  	v1 =	vsub.f32 $1.500000000e+00, v1;
	_ =	sdelay $0x1  }
.Ltmp3:
0x7f: {  	v1 =	vmul.f32 v1, v2;
	(pc) =	sbr.rel @p1 .LBB2_4-.Ltmp3, $4  }
0x80: {  	_ = 	snop  }
0x81: {  	[tilespmem:s16+$0x15D00] =	vst v1;
	v2 =	vmul.f32 v1, v1  }
0x82: {  	s2 =	sshra.s32 s9, $0x2  }
0x83: {  	s9 =	sadd.s32 $0x40, s9;
	v1 =	vld [tilespmem:s2+$0x15D00];
	[tilespmem:s16+$0x15F80] =	vst v2;
	s16 =	smov.u32 s2  }
0x84: {  	v2 =	vld [tilespmem:s16+$0x15F80];
	_ =	sdelay $0x4  }
0x85: {  	v1 =	vadd.f32 v2, v1;
	_ =	sdelay $0x1  }
0x86: {  	v1 =	vadd.f32 $1.000000000e+00, v1;
	_ =	sdelay $0x1  }
0x87: {  	v2 =	vshrl.u32 v1, $0x1;
	v1 =	vmul.f32 $5.000000000e-01, v1  }
0x88: {  	v2 =	vsub.s32 $0x5F3759DF, v2  }
0x89: {  	v3 =	vmul.f32 v2, v1;
	_ =	sdelay $0x1  }
0x8a: {  	v3 =	vmul.f32 v2, v3;
	_ =	sdelay $0x1  }
0x8b: {  	v3 =	vsub.f32 $1.500000000e+00, v3;
	_ =	sdelay $0x1  }
0x8c: {  	v2 =	vmul.f32 v2, v3;
	_ =	sdelay $0x1  }
0x8d: {  	v3 =	vmul.f32 v2, v1;
	_ =	sdelay $0x1  }
0x8e: {  	v3 =	vmul.f32 v3, v2;
	_ =	sdelay $0x1  }
0x8f: {  	v3 =	vsub.f32 $1.500000000e+00, v3;
	_ =	sdelay $0x1  }
0x90: {  	v2 =	vmul.f32 v3, v2;
	_ =	sdelay $0x1  }
0x91: {  	v3 =	vmul.f32 v2, v1;
	_ =	sdelay $0x1  }
0x92: {  	v3 =	vmul.f32 v3, v2;
	_ =	sdelay $0x1  }
0x93: {  	v3 =	vsub.f32 $1.500000000e+00, v3;
	_ =	sdelay $0x1  }
0x94: {  	v2 =	vmul.f32 v3, v2;
	_ =	sdelay $0x1  }
0x95: {  	v1 =	vmul.f32 v2, v1;
	_ =	sdelay $0x1  }
0x96: {  	v1 =	vmul.f32 v1, v2;
	_ =	sdelay $0x1  }
0x97: {  	v1 =	vsub.f32 $1.500000000e+00, v1;
	_ =	sdelay $0x1  }
0x98: {  	v1 =	vmul.f32 v1, v2;
	_ =	sdelay $0x1  }
0x99: {  	v2 =	vmul.f32 v1, v1  }
0x9a: {  	[tilespmem:s16+$0x15D00] =	vst v1  }
0x9b: {  	s9 =	simm.s32 $0x0;
	[tilespmem:s16+$0x15F80] =	vst v2  }
.LBB2_6:
0x9c: {  	s2 =	sshll.u32 s9, $0x6  }
0x9d: {  	s12 =	sadd.s32 s5, s2  }
0x9e: {  	s2 =	sshll.u32 s12, $0x3  }
0x9f: {  	s6 =	simm.s32 $0x0;
	s2 =	sadd.s32 s11, s2  }
0xa0: {  	[tilespmem:s31], [sflag:$0x9] =	stream.linear.gather [hbm4b:s2+s6], $0x1000, $0x38;
	v63 =	vld [tilespmem:$0x0]  }
0xa1: {  	v1 =	vmov s14;
	_ =	swait.ge [sflag:s29], $0x1000  }
0xa2: {  	[sflag:s29] =	ssyncset.done $0x0  }
0xa3: {  	s16 =	simm.s32 $0x0;
	[sflag:s29] =	ssyncadd.s32 $0xFFFFF000  }
0xa4: {  	v2 =	vld [tilespmem:s16+$0x13D00]  }
0xa5: {  	v3 =	vld [tilespmem:s16+$0x13D10]  }
0xa6: {  	v6 =	vld.idx.msk [tilespmem:v1+s28+$0x0], $0xffff  }
0xa7: {  	v5 =	vld [tilespmem:s16+$0x13D20]  }
0xa8: {  	v7 =	vld [tilespmem:s16+$0x13D30];
	_ =	sdelay $0x3  }
0xa9: {  	s2 =	sadd.s32 $0x1, s14;
	v4 =	vmul.f32 v2, v6;
	v2 =	vmul.f32 v3, v6  }
0xaa: {  	s23 =	simm.s32 $0x200;
	s6 =	simm.s32 $0x100;
	v1 =	vmov s2;
	v5 =	vmul.f32 v5, v6;
	v3 =	vmul.f32 v7, v6  }
.LBB2_7:
0xab: {  	p1 =	sne.s32 s23, $0x3F00;
	[tilespmem:s16+$0x14D00] =	vst v4  }
0xac: {  	s25 =	sshra.s32 s6, $0x2;
	s6 =	smov.u32 s23;
	[tilespmem:s16+$0x14D10] =	vst v2  }
0xad: {  	v2 =	vld [tilespmem:s25+$0x13D00];
	[tilespmem:s16+$0x14D20] =	vst v5  }
0xae: {  	v5 =	vld [tilespmem:s25+$0x13D10];
	[tilespmem:s16+$0x14D30] =	vst v3;
	s16 =	smov.u32 s25  }
0xaf: {  	v3 =	vld.idx.msk [tilespmem:v1+s28+$0x0], $0xffff  }
0xb0: {  	v6 =	vld [tilespmem:s16+$0x13D20]  }
0xb1: {  	v7 =	vld [tilespmem:s16+$0x13D30]  }
.Ltmp4:
0xb2: {  	(pc) =	sbr.rel @p1 .LBB2_7-.Ltmp4, $3  }
0xb3: {  	_ =	sdelay $0x1  }
0xb4: {  	s2 =	sadd.s32 $0x1, s2;
	v4 =	vmul.f32 v2, v3;
	v2 =	vmul.f32 v5, v3  }
0xb5: {  	s23 =	sadd.s32 $0x100, s23;
	v1 =	vmov s2;
	v5 =	vmul.f32 v6, v3;
	v3 =	vmul.f32 v7, v3  }
0xb6: {  	[tilespmem:s16+$0x14D00] =	vst v4  }
0xb7: {  	s2 =	sshra.s32 s6, $0x2;
	[tilespmem:s16+$0x14D10] =	vst v2  }
0xb8: {  	v2 =	vld [tilespmem:s2+$0x13D00];
	[tilespmem:s16+$0x14D20] =	vst v5  }
0xb9: {  	v4 =	vld [tilespmem:s2+$0x13D10];
	[tilespmem:s16+$0x14D30] =	vst v3  }
0xba: {  	v1 =	vld.idx.msk [tilespmem:v1+s28+$0x0], $0xffff;
	_ =	sdelay $0x1  }
0xbb: {  	v3 =	vld [tilespmem:s2+$0x13D20]  }
0xbc: {  	v5 =	vld [tilespmem:s2+$0x13D30];
	_ =	sdelay $0x1  }
0xbd: {  	v2 =	vmul.f32 v2, v1  }
0xbe: {  	v4 =	vmul.f32 v4, v1  }
0xbf: {  	s23 =	rddreg [dreg:$0x9];
	s16 =	sshll.u32 s12, $0x6;
	v3 =	vmul.f32 v3, v1;
	[tilespmem:s2+$0x14D00] =	vst v2  }
0xc0: {  	s9 =	sadd.s32 $0x1, s9;
	s6 =	sadd.s32 s23, s16;
	v1 =	vmul.f32 v5, v1;
	[tilespmem:s2+$0x14D10] =	vst v4  }
0xc1: {  	s25 =	rddreg [dreg:$0x4];
	p1 =	sne.s32 s9, $0xA;
	s6 =	sshrl.u32 s6, $0x3;
	[tilespmem:s2+$0x14D20] =	vst v3  }
.Ltmp5:
0xc2: {  	[tilespmem:s2+$0x14D30] =	vst v1;
	s2 =	sadd.s32 s25, s6;
	(pc) =	sbr.rel @p1 .LBB2_6-.Ltmp5, $4  }
0xc3: {  	[hbm4b:s2+s4] =	stream.linear.scatter [tilespmem:s0], [sflag:$0x9], $0x1000, $0x38;
	v63 =	vld [tilespmem:$0x0]  }
0xc4: {  	_ =	swait.ge [sflag:s29], $0x1000  }
0xc5: {  	[sflag:s29] =	ssyncset.done $0x0  }
0xc6: {  	s14 =	sadd.s32 $0x40, s14;
	[sflag:s29] =	ssyncadd.s32 $0xFFFFF000  }
0xc7: {  	_ =	swait.ge [sflag:s1], $0x5000  }
0xc8: {  	[sflag:s1] =	ssyncset.done $0x0  }
0xc9: {  	[sflag:s1] =	ssyncadd.s32 $0xFFFFB000  }
0xca: {  	_ =	swait.ge [sflag:s24], $0x5000  }
0xcb: {  	[sflag:s24] =	ssyncset.done $0x0  }
0xcc: {  	[sflag:s24] =	ssyncadd.s32 $0xFFFFB000  }
0xcd: {  	s2 =	simm.s32 $0x0;
	[bflag:$0x0] =	sbarrier.arrive $0xFFFF  }
0xce: {  	[tilespmem:s8], [sflag:$0x1] =	stream.indirect.gather [hbm4b:s13+s7], $0x40, s2, s7, $0xb8;
	v63 =	vld [tilespmem:$0x0]  }
0xcf: {  	s16 =	simm.s32 $0x80  }
0xd0: {  	[tilespmem:s10], [sflag:$0x2] =	stream.indirect.gather [hbm4b:s13+s7], $0x40, s16, s7, $0xb8;
	v63 =	vld [tilespmem:$0x0]  }
0xd1: {  	s23 =	simm.s32 $0x100  }
0xd2: {  	[tilespmem:s15], [sflag:$0x3] =	stream.indirect.gather [hbm4b:s13+s7], $0x40, s23, s7, $0xb8;
	v63 =	vld [tilespmem:$0x0]  }
0xd3: {  	s25 =	simm.s32 $0x180  }
0xd4: {  	[tilespmem:s17], [sflag:$0x4] =	stream.indirect.gather [hbm4b:s13+s7], $0x40, s25, s7, $0xb8;
	v63 =	vld [tilespmem:$0x0]  }
0xd5: {  	_ =	swait.ge [sflag:s1], $0x1F40  }
0xd6: {  	[sflag:s1] =	ssyncset.done $0x0  }
0xd7: {  	s6 =	simm.s32 $0x5000;
	[sflag:s1] =	ssyncadd.s32 $0xFFFFE0C0  }
0xd8: {  	[spmem:s3] =	stream.indirect.scatter.add.f32 [tilespmem:s8], [sflag:$0x5], $0x40, s6, s7, $0xb8;
	v63 =	vld [tilespmem:$0x0]  }
0xd9: {  	_ =	swait.ge [sflag:s24], $0x1F40  }
0xda: {  	[sflag:s24] =	ssyncset.done $0x0  }
0xdb: {  	s9 =	simm.s32 $0x5080;
	[sflag:s24] =	ssyncadd.s32 $0xFFFFE0C0  }
0xdc: {  	[spmem:s3] =	stream.indirect.scatter.add.f32 [tilespmem:s10], [sflag:$0x6], $0x40, s9, s7, $0xb8;
	v63 =	vld [tilespmem:$0x0]  }
0xdd: {  	_ =	swait.ge [sflag:s18], $0x1F40  }
0xde: {  	[sflag:s18] =	ssyncset.done $0x0  }
0xdf: {  	s12 =	simm.s32 $0x5100;
	[sflag:s18] =	ssyncadd.s32 $0xFFFFE0C0  }
0xe0: {  	[spmem:s3] =	stream.indirect.scatter.add.f32 [tilespmem:s15], [sflag:$0x7], $0x40, s12, s7, $0xb8;
	v63 =	vld [tilespmem:$0x0]  }
0xe1: {  	_ =	swait.ge [sflag:s19], $0x1F40  }
0xe2: {  	[sflag:s19] =	ssyncset.done $0x0  }
0xe3: {  	s14 =	simm.s32 $0x5180;
	[sflag:s19] =	ssyncadd.s32 $0xFFFFE0C0  }
0xe4: {  	[spmem:s3] =	stream.indirect.scatter.add.f32 [tilespmem:s17], [sflag:$0x8], $0x40, s14, s7, $0xb8;
	v63 =	vld [tilespmem:$0x0]  }
0xe5: {  	_ =	swait.ge [sflag:s26], $0x1F40  }
0xe6: {  	[sflag:s26] =	ssyncset.done $0x0  }
0xe7: {  	s16 =	simm.s32 $0x200;
	[sflag:s26] =	ssyncadd.s32 $0xFFFFE0C0  }
0xe8: {  	[tilespmem:s8], [sflag:$0x1] =	stream.indirect.gather [hbm4b:s13+s7], $0x40, s16, s7, $0xb8;
	v63 =	vld [tilespmem:$0x0]  }
0xe9: {  	_ =	swait.ge [sflag:s20], $0x1F40  }
0xea: {  	[sflag:s20] =	ssyncset.done $0x0  }
0xeb: {  	s23 =	simm.s32 $0x280;
	[sflag:s20] =	ssyncadd.s32 $0xFFFFE0C0  }
0xec: {  	[tilespmem:s10], [sflag:$0x2] =	stream.indirect.gather [hbm4b:s13+s7], $0x40, s23, s7, $0xb8;
	v63 =	vld [tilespmem:$0x0]  }
0xed: {  	_ =	swait.ge [sflag:s21], $0x1F40  }
0xee: {  	[sflag:s21] =	ssyncset.done $0x0  }
0xef: {  	s25 =	simm.s32 $0x300;
	[sflag:s21] =	ssyncadd.s32 $0xFFFFE0C0  }
0xf0: {  	[tilespmem:s15], [sflag:$0x3] =	stream.indirect.gather [hbm4b:s13+s7], $0x40, s25, s7, $0xb8;
	v63 =	vld [tilespmem:$0x0]  }
0xf1: {  	_ =	swait.ge [sflag:s22], $0x1F40  }
0xf2: {  	[sflag:s22] =	ssyncset.done $0x0  }
0xf3: {  	s2 =	simm.s32 $0x380;
	s9 =	simm.s32 $0x800;
	[sflag:s22] =	ssyncadd.s32 $0xFFFFE0C0  }
.LBB2_10:
0xf4: {  	[tilespmem:s17], [sflag:$0x4] =	stream.indirect.gather [hbm4b:s13+s7], $0x40, s2, s7, $0xb8;
	v63 =	vld [tilespmem:$0x0]  }
0xf5: {  	s2 =	smov.u32 s9  }
0xf6: {  	p1 =	sne.s32 s9, $0x13000;
	s9 =	sadd.s32 $0x800, s9;
	_ =	swait.ge [sflag:s1], $0x1F40  }
0xf7: {  	s12 =	sshra.s32 s2, $0x2;
	[sflag:s1] =	ssyncset.done $0x0  }
0xf8: {  	s2 =	sadd.s32 $0x5000, s12;
	[sflag:s1] =	ssyncadd.s32 $0xFFFFE0C0  }
0xf9: {  	[spmem:s3] =	stream.indirect.scatter.add.f32 [tilespmem:s8], [sflag:$0x5], $0x40, s2, s7, $0xb8;
	v63 =	vld [tilespmem:$0x0]  }
0xfa: {  	_ =	swait.ge [sflag:s24], $0x1F40  }
0xfb: {  	[sflag:s24] =	ssyncset.done $0x0  }
0xfc: {  	s2 =	sadd.s32 $0x5080, s12;
	[sflag:s24] =	ssyncadd.s32 $0xFFFFE0C0  }
0xfd: {  	[spmem:s3] =	stream.indirect.scatter.add.f32 [tilespmem:s10], [sflag:$0x6], $0x40, s2, s7, $0xb8;
	v63 =	vld [tilespmem:$0x0]  }
0xfe: {  	_ =	swait.ge [sflag:s18], $0x1F40  }
0xff: {  	[sflag:s18] =	ssyncset.done $0x0  }
0x100: {  	s2 =	sadd.s32 $0x5100, s12;
	[sflag:s18] =	ssyncadd.s32 $0xFFFFE0C0  }
0x101: {  	[spmem:s3] =	stream.indirect.scatter.add.f32 [tilespmem:s15], [sflag:$0x7], $0x40, s2, s7, $0xb8;
	v63 =	vld [tilespmem:$0x0]  }
0x102: {  	_ =	swait.ge [sflag:s19], $0x1F40  }
0x103: {  	[sflag:s19] =	ssyncset.done $0x0  }
0x104: {  	s2 =	sadd.s32 $0x5180, s12;
	[sflag:s19] =	ssyncadd.s32 $0xFFFFE0C0  }
0x105: {  	[spmem:s3] =	stream.indirect.scatter.add.f32 [tilespmem:s17], [sflag:$0x8], $0x40, s2, s7, $0xb8;
	v63 =	vld [tilespmem:$0x0]  }
0x106: {  	_ =	swait.ge [sflag:s26], $0x1F40  }
0x107: {  	[sflag:s26] =	ssyncset.done $0x0  }
0x108: {  	s2 =	sadd.s32 $0x200, s12;
	[sflag:s26] =	ssyncadd.s32 $0xFFFFE0C0  }
0x109: {  	[tilespmem:s8], [sflag:$0x1] =	stream.indirect.gather [hbm4b:s13+s7], $0x40, s2, s7, $0xb8;
	v63 =	vld [tilespmem:$0x0]  }
0x10a: {  	_ =	swait.ge [sflag:s20], $0x1F40  }
0x10b: {  	[sflag:s20] =	ssyncset.done $0x0  }
0x10c: {  	s2 =	sadd.s32 $0x280, s12;
	[sflag:s20] =	ssyncadd.s32 $0xFFFFE0C0  }
0x10d: {  	[tilespmem:s10], [sflag:$0x2] =	stream.indirect.gather [hbm4b:s13+s7], $0x40, s2, s7, $0xb8;
	v63 =	vld [tilespmem:$0x0]  }
0x10e: {  	_ =	swait.ge [sflag:s21], $0x1F40  }
0x10f: {  	[sflag:s21] =	ssyncset.done $0x0  }
.Ltmp6:
0x110: {  	s2 =	sadd.s32 $0x300, s12;
	[sflag:s21] =	ssyncadd.s32 $0xFFFFE0C0;
	(pc) =	sbr.rel @p1 .LBB2_10-.Ltmp6, $4  }
0x111: {  	[tilespmem:s15], [sflag:$0x3] =	stream.indirect.gather [hbm4b:s13+s7], $0x40, s2, s7, $0xb8;
	v63 =	vld [tilespmem:$0x0]  }
0x112: {  	_ =	swait.ge [sflag:s22], $0x1F40  }
0x113: {  	[sflag:s22] =	ssyncset.done $0x0  }
0x114: {  	s2 =	sadd.s32 $0x380, s12;
	[sflag:s22] =	ssyncadd.s32 $0xFFFFE0C0  }
0x115: {  	[tilespmem:s17], [sflag:$0x4] =	stream.indirect.gather [hbm4b:s13+s7], $0x40, s2, s7, $0xb8;
	v63 =	vld [tilespmem:$0x0]  }
0x116: {  	_ =	swait.ge [sflag:s1], $0x1F40  }
0x117: {  	[sflag:s1] =	ssyncset.done $0x0  }
0x118: {  	s14 =	simm.s32 $0x9E00;
	[sflag:s1] =	ssyncadd.s32 $0xFFFFE0C0  }
0x119: {  	[spmem:s3] =	stream.indirect.scatter.add.f32 [tilespmem:s8], [sflag:$0x5], $0x40, s14, s7, $0xb8;
	v63 =	vld [tilespmem:$0x0]  }
0x11a: {  	_ =	swait.ge [sflag:s24], $0x1F40  }
0x11b: {  	[sflag:s24] =	ssyncset.done $0x0  }
0x11c: {  	s16 =	simm.s32 $0x9E80;
	[sflag:s24] =	ssyncadd.s32 $0xFFFFE0C0  }
0x11d: {  	[spmem:s3] =	stream.indirect.scatter.add.f32 [tilespmem:s10], [sflag:$0x6], $0x40, s16, s7, $0xb8;
	v63 =	vld [tilespmem:$0x0]  }
0x11e: {  	_ =	swait.ge [sflag:s18], $0x1F40  }
0x11f: {  	[sflag:s18] =	ssyncset.done $0x0  }
0x120: {  	s23 =	simm.s32 $0x9F00;
	[sflag:s18] =	ssyncadd.s32 $0xFFFFE0C0  }
0x121: {  	[spmem:s3] =	stream.indirect.scatter.add.f32 [tilespmem:s15], [sflag:$0x7], $0x40, s23, s7, $0xb8;
	v63 =	vld [tilespmem:$0x0]  }
0x122: {  	_ =	swait.ge [sflag:s19], $0x1F40  }
0x123: {  	[sflag:s19] =	ssyncset.done $0x0  }
0x124: {  	s25 =	simm.s32 $0x9F80;
	[sflag:s19] =	ssyncadd.s32 $0xFFFFE0C0  }
0x125: {  	[spmem:s3] =	stream.indirect.scatter.add.f32 [tilespmem:s17], [sflag:$0x8], $0x40, s25, s7, $0xb8;
	v63 =	vld [tilespmem:$0x0]  }
0x126: {  	_ =	swait.ge [sflag:s26], $0x1F40  }
0x127: {  	[sflag:s26] =	ssyncset.done $0x0  }
0x128: {  	[sflag:s26] =	ssyncadd.s32 $0xFFFFE0C0  }
0x129: {  	_ =	swait.ge [sflag:s20], $0x1F40  }
0x12a: {  	[sflag:s20] =	ssyncset.done $0x0  }
0x12b: {  	[sflag:s20] =	ssyncadd.s32 $0xFFFFE0C0  }
0x12c: {  	_ =	swait.ge [sflag:s21], $0x1F40  }
0x12d: {  	[sflag:s21] =	ssyncset.done $0x0  }
0x12e: {  	[sflag:s21] =	ssyncadd.s32 $0xFFFFE0C0  }
.Ltmp7:
0x12f: {  	_ =	swait.ge [sflag:s22], $0x1F40;
	(pc) =	sbr.rel .LBB2_12-.Ltmp7, $4  }
0x130: {  	[sflag:s22] =	ssyncset.done $0x0  }
0x131: {  	[sflag:s22] =	ssyncadd.s32 $0xFFFFE0C0  }
0x132: {  	[bflag:$0x0] =	sbarrier.arrive $0xFFFF  }
0x133: {  	s14 =	simm.s32 $0x0;
	s16 =	simm.s32 $0x0  }
.LBB2_16:
0x134: {  	s16 =	sadd.s32 $0x1, s16  }
0x135: {  	p1 =	sne.s32 s16, $0xA  }
.Ltmp8:
0x136: {  	_ = 	snop;
	(pc) =	sbr.rel @!p1 .LBB2_17-.Ltmp8, $2  }
0x137: {  	_ =	sdelay $0x2  }
0x138: {  	s14 =	sadd.s32 $0x40, s14  }
.LBB2_12:
0x139: {  	s2 =	sshll.u32 s16, $0x6  }
0x13a: {  	s2 =	sadd.s32 s5, s2  }
0x13b: {  	p1 =	sgt.u32 s2, $0x2740  }
.Ltmp9:
0x13c: {  	_ = 	snop;
	(pc) =	sbr.rel @p1 .LBB2_16-.Ltmp9, $1  }
0x13d: {  	_ =	sdelay $0x3  }
0x13e: {  	s6 =	sshll.u32 s2, $0x6  }
0x13f: {  	s6 =	sand.u32 $0x3FFFFFC0, s6  }
0x140: {  	s9 =	simm.s32 $0x12D00;
	s23 =	sshll.u32 s2, $0x3;
	s12 =	sadd.s32 s6, s3  }
0x141: {  	[tilespmem:s9], [sflag:$0x1] =	stream.linear.gather [spmem:s12], $0x1000, $0x38;
	v63 =	vld [tilespmem:$0x0]  }
0x142: {  	s25 =	simm.s32 $0x0;
	s9 =	sadd.s32 s13, s23  }
0x143: {  	[tilespmem:s31], [sflag:$0x2] =	stream.linear.gather [hbm4b:s9+s25], $0x1000, $0x38;
	v63 =	vld [tilespmem:$0x0]  }
0x144: {  	_ =	swait.ge [sflag:s1], $0x1000  }
0x145: {  	[sflag:s1] =	ssyncset.done $0x0  }
0x146: {  	[sflag:s1] =	ssyncadd.s32 $0xFFFFF000  }
0x147: {  	_ =	swait.ge [sflag:s24], $0x1000  }
0x148: {  	[sflag:s24] =	ssyncset.done $0x0  }
0x149: {  	s23 =	simm.s32 $0x0;
	[sflag:s24] =	ssyncadd.s32 $0xFFFFF000  }
0x14a: {  	v2 =	vld [tilespmem:s23+$0x12D00]  }
0x14b: {  	v3 =	vld [tilespmem:s23+$0x13D00]  }
0x14c: {  	v4 =	vld [tilespmem:s23+$0x12D10]  }
0x14d: {  	v1 =	vmov s14;
	v5 =	vld [tilespmem:s23+$0x13D10]  }
0x14e: {  	v6 =	vld [tilespmem:s23+$0x12D20]  }
0x14f: {  	v7 =	vld [tilespmem:s23+$0x13D20]  }
0x150: {  	v8 =	vld [tilespmem:s23+$0x12D30]  }
0x151: {  	v9 =	vld [tilespmem:s23+$0x13D30]  }
0x152: {  	v10 =	vld.idx.msk [tilespmem:v1+s30+$0x0], $0xffff;
	_ =	sdelay $0x1  }
0x153: {  	s25 =	simm.s32 $0x40  }
0x154: {  	v1 =	vld [tilespmem:s25+$0x12D00];
	v11 =	vadd.f32 v3, v2;
	v4 =	vadd.f32 v5, v4  }
0x155: {  	v2 =	vld [tilespmem:s25+$0x13D00];
	v12 =	vadd.f32 v7, v6;
	v8 =	vadd.f32 v9, v8  }
0x156: {  	s2 =	sadd.s32 $0x1, s14;
	v3 =	vld [tilespmem:s25+$0x12D10];
	v7 =	vmul.f32 v11, v10;
	v6 =	vmul.f32 v4, v10  }
0x157: {  	s6 =	simm.s32 $0x200;
	v5 =	vmov s2;
	v4 =	vld [tilespmem:s25+$0x13D10];
	v9 =	vmul.f32 v12, v10;
	v8 =	vmul.f32 v8, v10  }
.LBB2_14:
0x158: {  	p1 =	sne.s32 s6, $0x3F00;
	v10 =	vld [tilespmem:s25+$0x12D20];
	[tilespmem:s23+$0x14D00] =	vst v7  }
0x159: {  	v7 =	vld [tilespmem:s25+$0x13D20];
	[tilespmem:s23+$0x14D10] =	vst v6  }
0x15a: {  	v6 =	vld [tilespmem:s25+$0x12D30];
	[tilespmem:s23+$0x14D20] =	vst v9  }
0x15b: {  	v9 =	vld [tilespmem:s25+$0x13D30];
	[tilespmem:s23+$0x14D30] =	vst v8;
	s23 =	smov.u32 s25  }
0x15c: {  	v8 =	vld.idx.msk [tilespmem:v5+s30+$0x0], $0xffff;
	_ =	sdelay $0x2  }
.Ltmp10:
0x15d: {  	s25 =	sshra.s32 s6, $0x2;
	(pc) =	sbr.rel @p1 .LBB2_14-.Ltmp10, $4  }
0x15e: {  	v5 =	vadd.f32 v2, v1;
	v4 =	vadd.f32 v4, v3;
	v1 =	vld [tilespmem:s25+$0x12D00]  }
0x15f: {  	v10 =	vadd.f32 v7, v10;
	v11 =	vadd.f32 v9, v6;
	v2 =	vld [tilespmem:s25+$0x13D00]  }
0x160: {  	s2 =	sadd.s32 $0x1, s2;
	v7 =	vmul.f32 v5, v8;
	v6 =	vmul.f32 v4, v8;
	v3 =	vld [tilespmem:s25+$0x12D10]  }
0x161: {  	s6 =	sadd.s32 $0x100, s6;
	v5 =	vmov s2;
	v9 =	vmul.f32 v10, v8;
	v8 =	vmul.f32 v11, v8;
	v4 =	vld [tilespmem:s25+$0x13D10]  }
0x162: {  	v10 =	vld [tilespmem:s25+$0x12D20];
	[tilespmem:s23+$0x14D00] =	vst v7  }
0x163: {  	v7 =	vld [tilespmem:s25+$0x13D20];
	[tilespmem:s23+$0x14D10] =	vst v6  }
0x164: {  	v6 =	vld [tilespmem:s25+$0x12D30];
	[tilespmem:s23+$0x14D20] =	vst v9  }
0x165: {  	v9 =	vld [tilespmem:s25+$0x13D30];
	[tilespmem:s23+$0x14D30] =	vst v8  }
0x166: {  	v5 =	vld.idx.msk [tilespmem:v5+s30+$0x0], $0xffff;
	_ =	sdelay $0x2  }
0x167: {  	v1 =	vadd.f32 v2, v1  }
0x168: {  	v2 =	vadd.f32 v4, v3  }
0x169: {  	v3 =	vadd.f32 v7, v10;
	v1 =	vmul.f32 v1, v5  }
0x16a: {  	v62 =	vadd.f32 v9, v6;
	v2 =	vmul.f32 v2, v5  }
0x16b: {  	v3 =	vmul.f32 v3, v5;
	[tilespmem:s25+$0x14D00] =	vst v1  }
0x16c: {  	v1 =	vmul.f32 v62, v5;
	[tilespmem:s25+$0x14D10] =	vst v2  }
0x16d: {  	[tilespmem:s25+$0x14D20] =	vst v3  }
0x16e: {  	[tilespmem:s25+$0x14D30] =	vst v1  }
0x16f: {  	[hbm4b:s9+s4] =	stream.linear.scatter [tilespmem:s0], [sflag:$0x6], $0x1000, $0x38;
	v63 =	vld [tilespmem:$0x0]  }
0x170: {  	s2 =	simm.s32 $0x11D00  }
0x171: {  	[spmem:s12] =	stream.linear.scatter [tilespmem:s2], [sflag:$0x7], $0x1000, $0x38;
	v63 =	vld [tilespmem:$0x0]  }
0x172: {  	_ =	swait.ge [sflag:s20], $0x1000  }
.Ltmp11:
0x173: {  	[sflag:s20] =	ssyncset.done $0x0;
	(pc) =	sbr.rel .LBB2_16-.Ltmp11, $4  }
0x174: {  	[sflag:s20] =	ssyncadd.s32 $0xFFFFF000  }
0x175: {  	_ =	swait.ge [sflag:s21], $0x1000  }
0x176: {  	[sflag:s21] =	ssyncset.done $0x0  }
0x177: {  	[sflag:s21] =	ssyncadd.s32 $0xFFFFF000  }
.LBB2_17:
0x178: {  	[bflag:$0x0] =	sbarrier.arrive $0xFFFF;
	s2 =	simm.s32 $0x0  }
0x179: {  	[tilespmem:s8], [sflag:$0x1] =	stream.indirect.gather [hbm4b:s13+s7], $0x40, s2, s7, $0xb8;
	v63 =	vld [tilespmem:$0x0]  }
0x17a: {  	s16 =	simm.s32 $0x80  }
0x17b: {  	[tilespmem:s10], [sflag:$0x2] =	stream.indirect.gather [hbm4b:s13+s7], $0x40, s16, s7, $0xb8;
	v63 =	vld [tilespmem:$0x0]  }
0x17c: {  	s23 =	simm.s32 $0x100  }
0x17d: {  	[tilespmem:s15], [sflag:$0x3] =	stream.indirect.gather [hbm4b:s13+s7], $0x40, s23, s7, $0xb8;
	v63 =	vld [tilespmem:$0x0]  }
0x17e: {  	s25 =	simm.s32 $0x180  }
0x17f: {  	[tilespmem:s17], [sflag:$0x4] =	stream.indirect.gather [hbm4b:s13+s7], $0x40, s25, s7, $0xb8;
	v63 =	vld [tilespmem:$0x0]  }
0x180: {  	_ =	swait.ge [sflag:s1], $0x1F40  }
0x181: {  	[sflag:s1] =	ssyncset.done $0x0  }
0x182: {  	s6 =	simm.s32 $0x5000;
	[sflag:s1] =	ssyncadd.s32 $0xFFFFE0C0  }
0x183: {  	[spmem:s3] =	stream.indirect.scatter.add.f32 [tilespmem:s8], [sflag:$0x5], $0x40, s6, s7, $0xb8;
	v63 =	vld [tilespmem:$0x0]  }
0x184: {  	_ =	swait.ge [sflag:s24], $0x1F40  }
0x185: {  	[sflag:s24] =	ssyncset.done $0x0  }
0x186: {  	s9 =	simm.s32 $0x5080;
	[sflag:s24] =	ssyncadd.s32 $0xFFFFE0C0  }
0x187: {  	[spmem:s3] =	stream.indirect.scatter.add.f32 [tilespmem:s10], [sflag:$0x6], $0x40, s9, s7, $0xb8;
	v63 =	vld [tilespmem:$0x0]  }
0x188: {  	_ =	swait.ge [sflag:s18], $0x1F40  }
0x189: {  	[sflag:s18] =	ssyncset.done $0x0  }
0x18a: {  	s12 =	simm.s32 $0x5100;
	[sflag:s18] =	ssyncadd.s32 $0xFFFFE0C0  }
0x18b: {  	[spmem:s3] =	stream.indirect.scatter.add.f32 [tilespmem:s15], [sflag:$0x7], $0x40, s12, s7, $0xb8;
	v63 =	vld [tilespmem:$0x0]  }
0x18c: {  	_ =	swait.ge [sflag:s19], $0x1F40  }
0x18d: {  	[sflag:s19] =	ssyncset.done $0x0  }
0x18e: {  	s14 =	simm.s32 $0x5180;
	[sflag:s19] =	ssyncadd.s32 $0xFFFFE0C0  }
0x18f: {  	[spmem:s3] =	stream.indirect.scatter.add.f32 [tilespmem:s17], [sflag:$0x8], $0x40, s14, s7, $0xb8;
	v63 =	vld [tilespmem:$0x0]  }
0x190: {  	_ =	swait.ge [sflag:s26], $0x1F40  }
0x191: {  	[sflag:s26] =	ssyncset.done $0x0  }
0x192: {  	s16 =	simm.s32 $0x200;
	[sflag:s26] =	ssyncadd.s32 $0xFFFFE0C0  }
0x193: {  	[tilespmem:s8], [sflag:$0x1] =	stream.indirect.gather [hbm4b:s13+s7], $0x40, s16, s7, $0xb8;
	v63 =	vld [tilespmem:$0x0]  }
0x194: {  	_ =	swait.ge [sflag:s20], $0x1F40  }
0x195: {  	[sflag:s20] =	ssyncset.done $0x0  }
0x196: {  	s23 =	simm.s32 $0x280;
	[sflag:s20] =	ssyncadd.s32 $0xFFFFE0C0  }
0x197: {  	[tilespmem:s10], [sflag:$0x2] =	stream.indirect.gather [hbm4b:s13+s7], $0x40, s23, s7, $0xb8;
	v63 =	vld [tilespmem:$0x0]  }
0x198: {  	_ =	swait.ge [sflag:s21], $0x1F40  }
0x199: {  	[sflag:s21] =	ssyncset.done $0x0  }
0x19a: {  	s25 =	simm.s32 $0x300;
	[sflag:s21] =	ssyncadd.s32 $0xFFFFE0C0  }
0x19b: {  	[tilespmem:s15], [sflag:$0x3] =	stream.indirect.gather [hbm4b:s13+s7], $0x40, s25, s7, $0xb8;
	v63 =	vld [tilespmem:$0x0]  }
0x19c: {  	_ =	swait.ge [sflag:s22], $0x1F40  }
0x19d: {  	[sflag:s22] =	ssyncset.done $0x0  }
0x19e: {  	s2 =	simm.s32 $0x380;
	s9 =	simm.s32 $0x800;
	[sflag:s22] =	ssyncadd.s32 $0xFFFFE0C0  }
.LBB2_18:
0x19f: {  	[tilespmem:s17], [sflag:$0x4] =	stream.indirect.gather [hbm4b:s13+s7], $0x40, s2, s7, $0xb8;
	v63 =	vld [tilespmem:$0x0]  }
0x1a0: {  	s2 =	smov.u32 s9  }
0x1a1: {  	p1 =	sne.s32 s9, $0x13000;
	s9 =	sadd.s32 $0x800, s9;
	_ =	swait.ge [sflag:s1], $0x1F40  }
0x1a2: {  	s12 =	sshra.s32 s2, $0x2;
	[sflag:s1] =	ssyncset.done $0x0  }
0x1a3: {  	s2 =	sadd.s32 $0x5000, s12;
	[sflag:s1] =	ssyncadd.s32 $0xFFFFE0C0  }
0x1a4: {  	[spmem:s3] =	stream.indirect.scatter.add.f32 [tilespmem:s8], [sflag:$0x5], $0x40, s2, s7, $0xb8;
	v63 =	vld [tilespmem:$0x0]  }
0x1a5: {  	_ =	swait.ge [sflag:s24], $0x1F40  }
0x1a6: {  	[sflag:s24] =	ssyncset.done $0x0  }
0x1a7: {  	s2 =	sadd.s32 $0x5080, s12;
	[sflag:s24] =	ssyncadd.s32 $0xFFFFE0C0  }
0x1a8: {  	[spmem:s3] =	stream.indirect.scatter.add.f32 [tilespmem:s10], [sflag:$0x6], $0x40, s2, s7, $0xb8;
	v63 =	vld [tilespmem:$0x0]  }
0x1a9: {  	_ =	swait.ge [sflag:s18], $0x1F40  }
0x1aa: {  	[sflag:s18] =	ssyncset.done $0x0  }
0x1ab: {  	s2 =	sadd.s32 $0x5100, s12;
	[sflag:s18] =	ssyncadd.s32 $0xFFFFE0C0  }
0x1ac: {  	[spmem:s3] =	stream.indirect.scatter.add.f32 [tilespmem:s15], [sflag:$0x7], $0x40, s2, s7, $0xb8;
	v63 =	vld [tilespmem:$0x0]  }
0x1ad: {  	_ =	swait.ge [sflag:s19], $0x1F40  }
0x1ae: {  	[sflag:s19] =	ssyncset.done $0x0  }
0x1af: {  	s2 =	sadd.s32 $0x5180, s12;
	[sflag:s19] =	ssyncadd.s32 $0xFFFFE0C0  }
0x1b0: {  	[spmem:s3] =	stream.indirect.scatter.add.f32 [tilespmem:s17], [sflag:$0x8], $0x40, s2, s7, $0xb8;
	v63 =	vld [tilespmem:$0x0]  }
0x1b1: {  	_ =	swait.ge [sflag:s26], $0x1F40  }
0x1b2: {  	[sflag:s26] =	ssyncset.done $0x0  }
0x1b3: {  	s2 =	sadd.s32 $0x200, s12;
	[sflag:s26] =	ssyncadd.s32 $0xFFFFE0C0  }
0x1b4: {  	[tilespmem:s8], [sflag:$0x1] =	stream.indirect.gather [hbm4b:s13+s7], $0x40, s2, s7, $0xb8;
	v63 =	vld [tilespmem:$0x0]  }
0x1b5: {  	_ =	swait.ge [sflag:s20], $0x1F40  }
0x1b6: {  	[sflag:s20] =	ssyncset.done $0x0  }
0x1b7: {  	s2 =	sadd.s32 $0x280, s12;
	[sflag:s20] =	ssyncadd.s32 $0xFFFFE0C0  }
0x1b8: {  	[tilespmem:s10], [sflag:$0x2] =	stream.indirect.gather [hbm4b:s13+s7], $0x40, s2, s7, $0xb8;
	v63 =	vld [tilespmem:$0x0]  }
0x1b9: {  	_ =	swait.ge [sflag:s21], $0x1F40  }
0x1ba: {  	[sflag:s21] =	ssyncset.done $0x0  }
.Ltmp12:
0x1bb: {  	s2 =	sadd.s32 $0x300, s12;
	[sflag:s21] =	ssyncadd.s32 $0xFFFFE0C0;
	(pc) =	sbr.rel @p1 .LBB2_18-.Ltmp12, $4  }
0x1bc: {  	[tilespmem:s15], [sflag:$0x3] =	stream.indirect.gather [hbm4b:s13+s7], $0x40, s2, s7, $0xb8;
	v63 =	vld [tilespmem:$0x0]  }
0x1bd: {  	_ =	swait.ge [sflag:s22], $0x1F40  }
0x1be: {  	[sflag:s22] =	ssyncset.done $0x0  }
0x1bf: {  	s2 =	sadd.s32 $0x380, s12;
	[sflag:s22] =	ssyncadd.s32 $0xFFFFE0C0  }
0x1c0: {  	[tilespmem:s17], [sflag:$0x4] =	stream.indirect.gather [hbm4b:s13+s7], $0x40, s2, s7, $0xb8;
	v63 =	vld [tilespmem:$0x0]  }
0x1c1: {  	_ =	swait.ge [sflag:s1], $0x1F40  }
0x1c2: {  	[sflag:s1] =	ssyncset.done $0x0  }
0x1c3: {  	s14 =	simm.s32 $0x9E00;
	[sflag:s1] =	ssyncadd.s32 $0xFFFFE0C0  }
0x1c4: {  	[spmem:s3] =	stream.indirect.scatter.add.f32 [tilespmem:s8], [sflag:$0x5], $0x40, s14, s7, $0xb8;
	v63 =	vld [tilespmem:$0x0]  }
0x1c5: {  	_ =	swait.ge [sflag:s24], $0x1F40  }
0x1c6: {  	[sflag:s24] =	ssyncset.done $0x0  }
0x1c7: {  	s16 =	simm.s32 $0x9E80;
	[sflag:s24] =	ssyncadd.s32 $0xFFFFE0C0  }
0x1c8: {  	[spmem:s3] =	stream.indirect.scatter.add.f32 [tilespmem:s10], [sflag:$0x6], $0x40, s16, s7, $0xb8;
	v63 =	vld [tilespmem:$0x0]  }
0x1c9: {  	_ =	swait.ge [sflag:s18], $0x1F40  }
0x1ca: {  	[sflag:s18] =	ssyncset.done $0x0  }
0x1cb: {  	s23 =	simm.s32 $0x9F00;
	[sflag:s18] =	ssyncadd.s32 $0xFFFFE0C0  }
0x1cc: {  	[spmem:s3] =	stream.indirect.scatter.add.f32 [tilespmem:s15], [sflag:$0x7], $0x40, s23, s7, $0xb8;
	v63 =	vld [tilespmem:$0x0]  }
0x1cd: {  	_ =	swait.ge [sflag:s19], $0x1F40  }
0x1ce: {  	[sflag:s19] =	ssyncset.done $0x0  }
0x1cf: {  	s25 =	simm.s32 $0x9F80;
	[sflag:s19] =	ssyncadd.s32 $0xFFFFE0C0  }
0x1d0: {  	[spmem:s3] =	stream.indirect.scatter.add.f32 [tilespmem:s17], [sflag:$0x8], $0x40, s25, s7, $0xb8;
	v63 =	vld [tilespmem:$0x0]  }
0x1d1: {  	_ =	swait.ge [sflag:s26], $0x1F40  }
0x1d2: {  	[sflag:s26] =	ssyncset.done $0x0  }
0x1d3: {  	[sflag:s26] =	ssyncadd.s32 $0xFFFFE0C0  }
0x1d4: {  	_ =	swait.ge [sflag:s20], $0x1F40  }
0x1d5: {  	[sflag:s20] =	ssyncset.done $0x0  }
0x1d6: {  	[sflag:s20] =	ssyncadd.s32 $0xFFFFE0C0  }
0x1d7: {  	_ =	swait.ge [sflag:s21], $0x1F40  }
0x1d8: {  	[sflag:s21] =	ssyncset.done $0x0  }
0x1d9: {  	[sflag:s21] =	ssyncadd.s32 $0xFFFFE0C0  }
.Ltmp13:
0x1da: {  	_ =	swait.ge [sflag:s22], $0x1F40;
	(pc) =	sbr.rel .LBB2_20-.Ltmp13, $4  }
0x1db: {  	[sflag:s22] =	ssyncset.done $0x0  }
0x1dc: {  	[sflag:s22] =	ssyncadd.s32 $0xFFFFE0C0  }
0x1dd: {  	[bflag:$0x0] =	sbarrier.arrive $0xFFFF  }
0x1de: {  	s14 =	simm.s32 $0x0;
	s16 =	simm.s32 $0x0  }
.LBB2_24:
0x1df: {  	s16 =	sadd.s32 $0x1, s16  }
0x1e0: {  	p1 =	sne.s32 s16, $0xA  }
.Ltmp14:
0x1e1: {  	_ = 	snop;
	(pc) =	sbr.rel @!p1 .LBB2_25-.Ltmp14, $2  }
0x1e2: {  	_ =	sdelay $0x2  }
0x1e3: {  	s14 =	sadd.s32 $0x40, s14  }
.LBB2_20:
0x1e4: {  	s2 =	sshll.u32 s16, $0x6  }
0x1e5: {  	s2 =	sadd.s32 s5, s2  }
0x1e6: {  	p1 =	sgt.u32 s2, $0x2740  }
.Ltmp15:
0x1e7: {  	_ = 	snop;
	(pc) =	sbr.rel @p1 .LBB2_24-.Ltmp15, $1  }
0x1e8: {  	_ =	sdelay $0x3  }
0x1e9: {  	s6 =	sshll.u32 s2, $0x6  }
0x1ea: {  	s6 =	sand.u32 $0x3FFFFFC0, s6  }
0x1eb: {  	s9 =	simm.s32 $0x12D00;
	s23 =	sshll.u32 s2, $0x3;
	s12 =	sadd.s32 s6, s3  }
0x1ec: {  	[tilespmem:s9], [sflag:$0x1] =	stream.linear.gather [spmem:s12], $0x1000, $0x38;
	v63 =	vld [tilespmem:$0x0]  }
0x1ed: {  	s25 =	simm.s32 $0x0;
	s9 =	sadd.s32 s13, s23  }
0x1ee: {  	[tilespmem:s31], [sflag:$0x2] =	stream.linear.gather [hbm4b:s9+s25], $0x1000, $0x38;
	v63 =	vld [tilespmem:$0x0]  }
0x1ef: {  	_ =	swait.ge [sflag:s1], $0x1000  }
0x1f0: {  	[sflag:s1] =	ssyncset.done $0x0  }
0x1f1: {  	[sflag:s1] =	ssyncadd.s32 $0xFFFFF000  }
0x1f2: {  	_ =	swait.ge [sflag:s24], $0x1000  }
0x1f3: {  	[sflag:s24] =	ssyncset.done $0x0  }
0x1f4: {  	s23 =	simm.s32 $0x0;
	[sflag:s24] =	ssyncadd.s32 $0xFFFFF000  }
0x1f5: {  	v2 =	vld [tilespmem:s23+$0x12D00]  }
0x1f6: {  	v3 =	vld [tilespmem:s23+$0x13D00]  }
0x1f7: {  	v4 =	vld [tilespmem:s23+$0x12D10]  }
0x1f8: {  	v1 =	vmov s14;
	v5 =	vld [tilespmem:s23+$0x13D10]  }
0x1f9: {  	v6 =	vld [tilespmem:s23+$0x12D20]  }
0x1fa: {  	v7 =	vld [tilespmem:s23+$0x13D20]  }
0x1fb: {  	v8 =	vld [tilespmem:s23+$0x12D30]  }
0x1fc: {  	v9 =	vld [tilespmem:s23+$0x13D30]  }
0x1fd: {  	v10 =	vld.idx.msk [tilespmem:v1+s28+$0x0], $0xffff;
	_ =	sdelay $0x1  }
0x1fe: {  	s25 =	simm.s32 $0x40  }
0x1ff: {  	v1 =	vld [tilespmem:s25+$0x12D00];
	v11 =	vadd.f32 v3, v2;
	v4 =	vadd.f32 v5, v4  }
0x200: {  	v2 =	vld [tilespmem:s25+$0x13D00];
	v12 =	vadd.f32 v7, v6;
	v8 =	vadd.f32 v9, v8  }
0x201: {  	s2 =	sadd.s32 $0x1, s14;
	v3 =	vld [tilespmem:s25+$0x12D10];
	v7 =	vmul.f32 v11, v10;
	v6 =	vmul.f32 v4, v10  }
0x202: {  	s6 =	simm.s32 $0x200;
	v5 =	vmov s2;
	v4 =	vld [tilespmem:s25+$0x13D10];
	v9 =	vmul.f32 v12, v10;
	v8 =	vmul.f32 v8, v10  }
.LBB2_22:
0x203: {  	p1 =	sne.s32 s6, $0x3F00;
	v10 =	vld [tilespmem:s25+$0x12D20];
	[tilespmem:s23+$0x14D00] =	vst v7  }
0x204: {  	v7 =	vld [tilespmem:s25+$0x13D20];
	[tilespmem:s23+$0x14D10] =	vst v6  }
0x205: {  	v6 =	vld [tilespmem:s25+$0x12D30];
	[tilespmem:s23+$0x14D20] =	vst v9  }
0x206: {  	v9 =	vld [tilespmem:s25+$0x13D30];
	[tilespmem:s23+$0x14D30] =	vst v8;
	s23 =	smov.u32 s25  }
0x207: {  	v8 =	vld.idx.msk [tilespmem:v5+s28+$0x0], $0xffff;
	_ =	sdelay $0x2  }
.Ltmp16:
0x208: {  	s25 =	sshra.s32 s6, $0x2;
	(pc) =	sbr.rel @p1 .LBB2_22-.Ltmp16, $4  }
0x209: {  	v5 =	vadd.f32 v2, v1;
	v4 =	vadd.f32 v4, v3;
	v1 =	vld [tilespmem:s25+$0x12D00]  }
0x20a: {  	v10 =	vadd.f32 v7, v10;
	v11 =	vadd.f32 v9, v6;
	v2 =	vld [tilespmem:s25+$0x13D00]  }
0x20b: {  	s2 =	sadd.s32 $0x1, s2;
	v7 =	vmul.f32 v5, v8;
	v6 =	vmul.f32 v4, v8;
	v3 =	vld [tilespmem:s25+$0x12D10]  }
0x20c: {  	s6 =	sadd.s32 $0x100, s6;
	v5 =	vmov s2;
	v9 =	vmul.f32 v10, v8;
	v8 =	vmul.f32 v11, v8;
	v4 =	vld [tilespmem:s25+$0x13D10]  }
0x20d: {  	v10 =	vld [tilespmem:s25+$0x12D20];
	[tilespmem:s23+$0x14D00] =	vst v7  }
0x20e: {  	v7 =	vld [tilespmem:s25+$0x13D20];
	[tilespmem:s23+$0x14D10] =	vst v6  }
0x20f: {  	v6 =	vld [tilespmem:s25+$0x12D30];
	[tilespmem:s23+$0x14D20] =	vst v9  }
0x210: {  	v9 =	vld [tilespmem:s25+$0x13D30];
	[tilespmem:s23+$0x14D30] =	vst v8  }
0x211: {  	v5 =	vld.idx.msk [tilespmem:v5+s28+$0x0], $0xffff;
	_ =	sdelay $0x2  }
0x212: {  	v1 =	vadd.f32 v2, v1  }
0x213: {  	v2 =	vadd.f32 v4, v3  }
0x214: {  	v3 =	vadd.f32 v7, v10;
	v1 =	vmul.f32 v1, v5  }
0x215: {  	v62 =	vadd.f32 v9, v6;
	v2 =	vmul.f32 v2, v5  }
0x216: {  	v3 =	vmul.f32 v3, v5;
	[tilespmem:s25+$0x14D00] =	vst v1  }
0x217: {  	v1 =	vmul.f32 v62, v5;
	[tilespmem:s25+$0x14D10] =	vst v2  }
0x218: {  	[tilespmem:s25+$0x14D20] =	vst v3  }
0x219: {  	[tilespmem:s25+$0x14D30] =	vst v1  }
0x21a: {  	[hbm4b:s9+s4] =	stream.linear.scatter [tilespmem:s0], [sflag:$0x6], $0x1000, $0x38;
	v63 =	vld [tilespmem:$0x0]  }
0x21b: {  	s2 =	simm.s32 $0x11D00  }
0x21c: {  	[spmem:s12] =	stream.linear.scatter [tilespmem:s2], [sflag:$0x7], $0x1000, $0x38;
	v63 =	vld [tilespmem:$0x0]  }
0x21d: {  	_ =	swait.ge [sflag:s20], $0x1000  }
.Ltmp17:
0x21e: {  	[sflag:s20] =	ssyncset.done $0x0;
	(pc) =	sbr.rel .LBB2_24-.Ltmp17, $4  }
0x21f: {  	[sflag:s20] =	ssyncadd.s32 $0xFFFFF000  }
0x220: {  	_ =	swait.ge [sflag:s21], $0x1000  }
0x221: {  	[sflag:s21] =	ssyncset.done $0x0  }
0x222: {  	[sflag:s21] =	ssyncadd.s32 $0xFFFFF000  }
.LBB2_26:
0x223: {  	_ =	sfence.sel $0x180000  }
0x224: {  	[bflag:$0x0] =	sbarrier.arrive $0xFFFF  }
0x225: {  	_ =	strace $0x9000004A  }
0x226: {  	s0 =	stileid.u32;
	[bflag:$0x2] =	sbarrier.arrive $0xFFFF  }
0x227: {  	p0 =	sne.s32 s0, $0x0;
	s0 =	rddreg [dreg:$0x3]  }
0x228: {  	s0 =	sadd.s32 @!p0 $0x100000, s0  }
0x229: {  	[sflag:s0] =	ssyncadd.tile.s32 @!p0 $0x1;
	_ =	shalt  }
.Lfunc_end2:
_tile_overlayer_lowered:
.L_overlay_start_2:
0x22a: {  	(tag) =	ssettag $0x2  }
0x22b: {  	s0 =	rddreg [dreg:$0x0];
	s2 =	stileid.u32  }
0x22c: {  	s1 =	rddreg [dreg:$0x1];
	p0 =	sne.s32 s2, $0x0  }
0x22d: {  	s3 =	rddreg [dreg:$0x2];
	[bflag:$0x3] =	sbarrier.arrive $0xFFFF;
	s2 =	simm.s32 @!p0 $0x1C09  }
0x22e: {  	[timem:s3], [sflag:s2] =	dma.local @!p0 [hbm:s0], s1  }
0x22f: {  	s0 =	simm.s32 @!p0 $0x9  }
0x230: {  	_ =	swait.ge @!p0 [sflag:s0], s1  }
0x231: {  	s1 =	ssub.s32 @!p0 $0x0, s1;
	[sflag:s0] =	ssyncset.done @!p0 $0x0  }
0x232: {  	[sflag:s0] =	ssyncadd.s32 @!p0 s1  }
0x233: {  	[bflag:$0x3] =	sbarrier.arrive $0xFFFF  }
0x234: {  	_ =	shalt  }

// kernel: kernel.13.cloned.1.call-start
scs
__scs_entry_jumppad:
0x0: {  	(pc) =	sbr.rel $0x88, $3  }
0x1: {  	(tag) =	ssettag $0x0;
	lr =	simm.s32 $0x1  }
0x2: {  	[smem:$0x3F9B] =	sst lr;
	_ =	strace $0xD0000000  }
0x3: {  	_ = 	snop  }
0x4: {  	_ = 	snop  }
0x5: {  	_ = 	snop  }
0x6: {  	_ = 	snop  }
0x7: {  	_ = 	snop  }
__scs_overlays_trampoline_lowered:
0x8: {  	[smem:$0x3FAA] =	sst s0  }
0x9: {  	[smem:$0x3FAB] =	sst s1  }
0xa: {  	[smem:$0x3FAC] =	sst s2  }
0xb: {  	[smem:$0x3FAD] =	sst s3  }
0xc: {  	[smem:$0x3FAE] =	sst s4  }
0xd: {  	[smem:$0x3FAF] =	sst s5  }
0xe: {  	[smem:$0x3FB0] =	sst s6  }
0xf: {  	[smem:$0x3FB1] =	sst s7  }
0x10: {  	[smem:$0x3FB2] =	sst s8  }
0x11: {  	[smem:$0x3FB3] =	sst s9;
	s0 =	simm.s32 @!p0 $0x0  }
0x12: {  	s1 =	sld [smem:$0x3F99];
	s0 =	simm.s32 @p0 $0x1  }
0x13: {  	[smem:$0x3FB4] =	sst s0;
	s0 =	simm.s32 @!p1 $0x0  }
0x14: {  	s2 =	sld [smem:$0x3F98];
	s0 =	simm.s32 @p1 $0x1  }
0x15: {  	[smem:$0x3FB5] =	sst s0;
	s0 =	simm.s32 @!p2 $0x0  }
0x16: {  	s3 =	sld [smem:$0x3FDB];
	s0 =	simm.s32 @p2 $0x1  }
0x17: {  	s4 =	simm.s32 $0x1BF5;
	[smem:$0x3FB7] =	sst s0  }
0x18: {  	s0 =	sld [smem:$0x3F9A];
	_ =	swait.ge [sflag:s4], $0x0  }
0x19: {  	s7 =	sld [smem:$0x3F9B]  }
0x1a: {  	s8 =	sadd.s32 $0xFFFFE003, lr  }
0x1b: {  	s9 =	sadd.s32 $0xFFFFFEF7, lr;
	s5 =	simm.s32 $0xFFFFFFFF;
	p2 =	slt.u32 s8, $0xFFFFF086  }
0x1c: {  	p1 =	slt.u32 s9, $0xF7A;
	s5 =	simm.s32 @!p2 $0x0  }
0x1d: {  	s5 =	simm.s32 @p1 $0x1;
	p0 =	seq.s32 s7, s2  }
0x1e: {  	s7 =	smul.u32 @!p0 $0xF7A, s2;
	p2 =	seq.s32 @!p0 s5, $0x0  }
0x1f: {  	s9 =	smul.u32 $0xF7A, s1;
	s8 =	simm.s32 @!p0 $0x1BF5;
	p2 =	por !p2, p0  }
0x20: {  	[sflag:s8] =	ssyncset.s32 @!p0 $0xFFFFF086;
	s6 =	sadd.s32 @!p0 s3, s7;
	s7 =	simm.s32 @!p0 $0x108  }
0x21: {  	s3 =	sadd.s32 s3, s9;
	s6 =	sadd.s32 @!p0 $0x88, s6;
	s7 =	simm.s32 @p2 $0x1082  }
0x22: {  	[simem:s7], [sflag:s8] =	dma.local @!p0 [hbm:s6], $0xF7A  }
0x23: {  	s9 =	sor.u32 $0xD0000000, s2;
	s6 =	simm.s32 $0x108;
	_ =	swait.ge @!p0 [sflag:s8], $0x0  }
0x24: {  	s3 =	sadd.s32 $0x88, s3;
	s6 =	simm.s32 @!p1 $0x1082;
	[sflag:s4] =	ssyncset.s32 $0xFFFFF086  }
0x25: {  	[simem:s6], [sflag:s4] =	dma.local [hbm:s3], $0xF7A  }
0x26: {  	[smem:$0x3F9B] =	sst s1;
	(tag) =	ssettag s2;
	_ =	strace s9  }
0x27: {  	s1 =	sld [smem:$0x3FAB]  }
0x28: {  	s2 =	sld [smem:$0x3FAC]  }
0x29: {  	s4 =	sld [smem:$0x3FAE]  }
0x2a: {  	p0 =	seq.s32 s5, $0x0;
	s5 =	sld [smem:$0x3FAF]  }
0x2b: {  	s6 =	sld [smem:$0x3FB0]  }
0x2c: {  	s7 =	sld [smem:$0x3FB1]  }
0x2d: {  	s3 =	simm.s32 $0x108;
	s8 =	sld [smem:$0x3FB2]  }
0x2e: {  	s3 =	simm.s32 @!p0 $0x1082;
	s9 =	sld [smem:$0x3FB3]  }
0x2f: {  	lr =	sadd.s32 s0, s3;
	s0 =	sld [smem:$0x3FAA]  }
0x30: {  	s3 =	sld [smem:$0x3FAD]  }
0x31: {  	[smem:$0x3FB6] =	sst s10  }
0x32: {  	s10 =	sld [smem:$0x3FB4];
	_ =	sdelay $0x3  }
0x33: {  	p0 =	seq.s32 s10, $0x1;
	s10 =	sld [smem:$0x3FB6];
	_ =	sdelay $0x3  }
0x34: {  	[smem:$0x3FB6] =	sst s10  }
0x35: {  	s10 =	sld [smem:$0x3FB5];
	_ =	sdelay $0x3  }
0x36: {  	p1 =	seq.s32 s10, $0x1;
	s10 =	sld [smem:$0x3FB6];
	_ =	sdelay $0x3  }
0x37: {  	[smem:$0x3FB6] =	sst s10  }
0x38: {  	s10 =	sld [smem:$0x3FB7]  }
0x39: {  	_ = 	snop;
	(pc) =	sbr.ind lr, $3  }
0x3a: {  	_ = 	snop  }
0x3b: {  	_ = 	snop  }
0x3c: {  	p2 =	seq.s32 s10, $0x1;
	s10 =	sld [smem:$0x3FB6]  }
0x3d: {  	_ =	shalt  }
0x3e: {  	_ =	shalt  }
0x3f: {  	_ =	shalt  }
0x40: {  	_ =	shalt  }
0x41: {  	_ =	shalt  }
0x42: {  	_ =	shalt  }
0x43: {  	_ =	shalt  }
0x44: {  	_ =	shalt  }
0x45: {  	_ =	shalt  }
0x46: {  	_ =	shalt  }
0x47: {  	_ =	shalt  }
0x48: {  	_ =	shalt  }
0x49: {  	_ =	shalt  }
0x4a: {  	_ =	shalt  }
0x4b: {  	_ =	shalt  }
0x4c: {  	_ =	shalt  }
0x4d: {  	_ =	shalt  }
0x4e: {  	_ =	shalt  }
0x4f: {  	_ =	shalt  }
0x50: {  	_ =	shalt  }
0x51: {  	_ =	shalt  }
0x52: {  	_ =	shalt  }
0x53: {  	_ =	shalt  }
0x54: {  	_ =	shalt  }
0x55: {  	_ =	shalt  }
0x56: {  	_ =	shalt  }
0x57: {  	_ =	shalt  }
0x58: {  	_ =	shalt  }
0x59: {  	_ =	shalt  }
0x5a: {  	_ =	shalt  }
0x5b: {  	_ =	shalt  }
0x5c: {  	_ =	shalt  }
0x5d: {  	_ =	shalt  }
0x5e: {  	_ =	shalt  }
0x5f: {  	_ =	shalt  }
0x60: {  	_ =	shalt  }
0x61: {  	_ =	shalt  }
0x62: {  	_ =	shalt  }
0x63: {  	_ =	shalt  }
0x64: {  	_ =	shalt  }
0x65: {  	_ =	shalt  }
0x66: {  	_ =	shalt  }
0x67: {  	_ =	shalt  }
0x68: {  	_ =	shalt  }
0x69: {  	_ =	shalt  }
0x6a: {  	_ =	shalt  }
0x6b: {  	_ =	shalt  }
0x6c: {  	_ =	shalt  }
0x6d: {  	_ =	shalt  }
0x6e: {  	_ =	shalt  }
0x6f: {  	_ =	shalt  }
0x70: {  	_ =	shalt  }
0x71: {  	_ =	shalt  }
0x72: {  	_ =	shalt  }
0x73: {  	_ =	shalt  }
0x74: {  	_ =	shalt  }
0x75: {  	_ =	shalt  }
0x76: {  	_ =	shalt  }
0x77: {  	_ =	shalt  }
0x78: {  	_ =	shalt  }
0x79: {  	_ =	shalt  }
0x7a: {  	_ =	shalt  }
0x7b: {  	_ =	shalt  }
0x7c: {  	_ =	shalt  }
0x7d: {  	_ =	shalt  }
0x7e: {  	_ =	shalt  }
0x7f: {  	_ =	shalt  }
0x80: {  	_ =	shalt  }
0x81: {  	_ =	shalt  }
0x82: {  	_ =	shalt  }
0x83: {  	_ =	shalt  }
0x84: {  	_ =	shalt  }
0x85: {  	_ =	shalt  }
0x86: {  	_ =	shalt  }
0x87: {  	_ =	shalt  }
.Lfunc_end0:
.L_simem_size_0:
called_computation.2_lowered:
.L_overlay_start_0:
0x88: {  	s2 =	sld [smem:$0x3FD9]  }
0x89: {  	s3 =	sld [smem:$0x3FFE];
	_ =	sdelay $0x1  }
0x8a: {  	s1 =	srdreg.scid  }
0x8b: {  	s0 =	sand.u32 $0x1, s1  }
0x8c: {  	s17 =	sshll.u32 s0, $0xA;
	s2 =	sadd.s32 s3, s2  }
0x8d: {  	s2 =	sadd.s32 s2, s17  }
0x8e: {  	[smem:$0x3FC2] =	sst s2  }
0x8f: {  	_ = 	snop  }
0x90: {  	s2 =	sld [smem:$0x3FD0];
	(tm) =	ssettm $0x1  }
0x91: {  	s18 =	sld [smem:$0x3FFB];
	_ =	sdelay $0x3  }
0x92: {  	_ =	strace s18  }
0x93: {  	s3 =	sld [smem:$0x3FFC];
	_ =	sdelay $0x3  }
0x94: {  	_ =	strace s3  }
0x95: {  	s3 =	sld [smem:$0x3FFD];
	_ =	sdelay $0x3  }
0x96: {  	_ =	strace s3  }
0x97: {  	_ =	strace $0x8FFFFFFF  }
0x98: {  	s19 =	sld [smem:$0x3FDB];
	_ =	sdelay $0x1  }
0x99: {  	s4 =	simm.s32 $_scs_section_size  }
0x9a: {  	s5 =	simm.s32 $_size__tile_overlayer_lowered;
	s6 =	simm.s32 $_tile_overlayer_lowered  }
0x9b: {  	s22 =	simm.s32 $0x1BFF;
	s21 =	sshll.u32 s6, $0x1;
	s3 =	sadd.s32 s4, s19  }
0x9c: {  	s7 =	simm.s32 $0x0;
	s20 =	sshll.u32 s5, $0x1;
	s5 =	sadd.s32 s21, s3  }
0x9d: {  	[timem:s7], [sflag:s22] =	dma.local [hbm:s5], s20  }
0x9e: {  	_ =	swait.ge [sflag:s22], s20  }
0x9f: {  	s4 =	ssub.s32 $0x0, s20;
	[sflag:s22] =	ssyncset.done $0x0  }
0xa0: {  	[sflag:s22] =	ssyncadd.s32 s4;
	_ =	sdelay $0x1  }
0xa1: {  	s23 =	simm.s32 $0x1B8B  }
0xa2: {  	_ =	swait.ge [sflag:s23], $0x1  }
0xa3: {  	[sflag:s23] =	ssyncset.done $0x0  }
0xa4: {  	s25 =	simm.s32 $0x1B8E;
	s24 =	sld [smem:$0x3FFE];
	[sflag:s23] =	ssyncadd.s32 $0xFFFFFFFF  }
0xa5: {  	s26 =	simm.s32 $execute0_lowered;
	[smem:$0x3FD2] =	sst s25  }
0xa6: {  	s5 =	sshll.u32 s26, $0x1;
	_ =	strace $0x8000004C;
	[dreg:$0x1] =	wrdreg $0xFFFFFFFF  }
0xa7: {  	s28 =	simm.s32 $_size_execute0_lowered;
	s3 =	sadd.s32 s3, s5;
	[dreg:$0x0] =	wrdreg $0x0  }
0xa8: {  	s5 =	sshll.u32 s28, $0x1;
	[dreg:$0x2] =	wrdreg s3  }
0xa9: {  	[dreg:$0x3] =	wrdreg s5  }
0xaa: {  	[dreg:$0x4] =	wrdreg $0xC0  }
0xab: {  	_ =	task [dreg:s7], $0x5FFFF  }
0xac: {  	[dreg:$0x1] =	wrdreg $0xFFFFFFFF  }
0xad: {  	[dreg:$0x0] =	wrdreg $0x60  }
0xae: {  	[dreg:$0x2] =	wrdreg s24  }
0xaf: {  	[dreg:$0x3] =	wrdreg s2  }
0xb0: {  	[dreg:$0x4] =	wrdreg $0x162000  }
0xb1: {  	[dreg:$0x5] =	wrdreg $0x9  }
0xb2: {  	_ =	task.clear_ibuf [dreg:s7], $0x6FFFF;
	_ =	strace $0x9000004C  }
0xb3: {  	s29 =	simm.s32 $0x9;
	_ =	strace $0x8000004E  }
0xb4: {  	_ =	swait.ge [sflag:s29], $0x1  }
0xb5: {  	[sflag:s29] =	ssyncadd.s32 $0xFFFFFFFF  }
0xb6: {  	_ =	strace $0x9000004E  }
0xb7: {  	_ =	sfence  }
0xb8: {  	s30 =	sld [smem:$0x0];
	_ =	sdelay $0x2  }
0xb9: {  	s31 =	sshll.u32 s1, $0xD;
	s1 =	sshrl.u32 s1, $0x2  }
0xba: {  	s3 =	sand.u32 $0x4000, s31;
	s1 =	sadd.s32 s1, s30  }
0xbb: {  	s0 =	sor.u32 s3, s0;
	s1 =	sshll.u32 s1, $0x11  }
0xbc: {  	s0 =	sor.u32 s1, s0  }
0xbd: {  	s0 =	sadd.s32 $0x8F2B, s0  }
0xbe: {  	[sflag:s0] =	ssyncadd.remote.s32 $0x1  }
0xbf: {  	_ =	sfence.sel $0xFFFF  }
0xc0: {  	[dreg:$0x0] =	wrdreg $0xFFFFFFFF;
	(pc) =	sbr.abs _section_cstart, $3  }
0xc1: {  	[dreg:$0x1] =	wrdreg $0xFFFFFFFF  }
0xc2: {  	_ =	task.clear_ibuf [dreg:s7], $0x2FFFF;
	_ =	strace $0x9FFFFFFF  }
0xc3: {  	(tm) =	ssettm $0x7FFFFFFF  }
tec
execute0_lowered:
.L_overlay_start_1:
0x0: {  	(tag) =	ssettag $0x1  }
0x1: {  	s0 =	rddreg [dreg:$0x0]  }
0x2: {  	s11 =	rddreg [dreg:$0x1]  }
0x3: {  	s3 =	rddreg [dreg:$0x2];
	s1 =	simm.s32 $0x0  }
0x4: {  	s10 =	stileid.u32;
	s2 =	srdreg.scid;
	s28 =	simm.s32 $0x15D00  }
0x5: {  	s29 =	simm.s32 $0x9;
	s30 =	simm.s32 $0x15F80;
	s25 =	smul.u32 $0xA00, s10  }
0x6: {  	s31 =	simm.s32 $0x13D00;
	[smem:$0x7FF] =	sst s1;
	s5 =	smul.u32 $0x280, s10  }
0x7: {  	s2 =	sand.u32 $0x1, s2;
	s8 =	sadd.s32 $0x20000, s0;
	s12 =	sadd.s32 $0x34000, s0  }
0x8: {  	_ =	strace $0x8000004D;
	s7 =	ssub.s32 $0x2, s2;
	s15 =	smul.u32 $0x14000, s2  }
0x9: {  	p0 =	seq.s32 s2, $0x1;
	s2 =	smul.u32 $0xA0000, s2;
	[dreg:$0x4] =	wrdreg s12  }
0xa: {  	s1 =	sadd.s32 s25, s0;
	s6 =	sshrl.u32 s5, $0x3;
	s9 =	sshrl.u32 s7, $0x1  }
0xb: {  	s6 =	sadd.s32 s6, s0;
	s4 =	sadd.s32 $0xC000, s1;
	[dreg:$0x9] =	wrdreg s2  }
0xc: {  	s26 =	ssub.s32 s7, s9;
	s1 =	sadd.s32 $0x16000, s1;
	[dreg:$0x5] =	wrdreg s4  }
0xd: {  	s9 =	smul.u32 $0x28000, s10;
	[dreg:$0x6] =	wrdreg s1;
	s13 =	sadd.s32 $0xB600, s6  }
0xe: {  	s11 =	smov.u32 @p0 s8;
	s14 =	sadd.s32 $0xBB00, s6;
	[dreg:$0x7] =	wrdreg s13  }
0xf: {  	s0 =	smax.u32 s26, $0x1;
	[dreg:$0x8] =	wrdreg s14;
	s16 =	sshrl.u32 s9, $0x2  }
0x10: {  	p0 =	seq.s32 s10, $0xF;
	[dreg:$0xb] =	wrdreg s0;
	s17 =	sadd.s32 s16, s3  }
0x11: {  	s8 =	simm.s32 $0xA000;
	s18 =	sadd.s32 $0x1000, s17;
	[dreg:$0xa] =	wrdreg s17  }
0x12: {  	s7 =	simm.s32 $0x7D;
	s19 =	sadd.s32 $0x2000, s17;
	[dreg:$0xc] =	wrdreg s18  }
0x13: {  	s10 =	simm.s32 $0xBF40;
	s20 =	sadd.s32 $0x3000, s17;
	[dreg:$0xd] =	wrdreg s19  }
0x14: {  	s1 =	simm.s32 $0x1;
	s21 =	sadd.s32 $0x4000, s17;
	[dreg:$0xe] =	wrdreg s20  }
0x15: {  	s4 =	simm.s32 $0x0;
	s22 =	sadd.s32 $0x5000, s17;
	[dreg:$0xf] =	wrdreg s21  }
0x16: {  	s13 =	sadd.s32 s12, s15;
	s23 =	sadd.s32 $0x6000, s17;
	[dreg:$0x10] =	wrdreg s22  }
0x17: {  	s0 =	simm.s32 $0x14D00;
	s24 =	sadd.s32 $0x7000, s17;
	[dreg:$0x11] =	wrdreg s23  }
.Ltmp0:
0x18: {  	s25 =	sadd.s32 $0x8000, s17;
	[dreg:$0x12] =	wrdreg s24;
	(pc) =	sbr.rel .LBB2_1-.Ltmp0, $4  }
0x19: {  	s15 =	simm.s32 $0xDE80;
	s26 =	sadd.s32 $0x9000, s17;
	[dreg:$0x13] =	wrdreg s25  }
0x1a: {  	s17 =	simm.s32 $0xFDC0;
	[dreg:$0x14] =	wrdreg s26;
	s26 =	simm.s32 $0x5  }
0x1b: {  	s24 =	simm.s32 $0x2;
	s18 =	simm.s32 $0x3;
	s19 =	simm.s32 $0x4  }
0x1c: {  	v0 =	vimm.f32 $0.0e+00;
	s20 =	simm.s32 $0x6;
	s21 =	simm.s32 $0x7;
	s22 =	simm.s32 $0x8  }
.LBB2_25:
0x1d: {  	s4 =	rddreg [dreg:$0x15]  }
0x1e: {  	s2 =	rddreg [dreg:$0xb];
	s4 =	sadd.s32 $0x1, s4  }
0x1f: {  	p1 =	sne.s32 s4, s2  }
.Ltmp1:
0x20: {  	_ = 	snop;
	(pc) =	sbr.rel @!p1 .LBB2_26-.Ltmp1, $1  }
0x21: {  	_ =	sdelay $0x3  }
.LBB2_1:
0x22: {  	[dreg:$0x15] =	wrdreg s4  }
0x23: {  	s2 =	simm.s32 $0x0;
	s25 =	rddreg [dreg:$0x5]  }
0x24: {  	[tilespmem:s2], [sflag:$0x1] =	stream.linear.gather [hbm4b:s25+s2], $0x5000, $0x38;
	v63 =	vld [tilespmem:$0x0]  }
0x25: {  	s6 =	rddreg [dreg:$0x6];
	s9 =	simm.s32 $0x5000  }
0x26: {  	[tilespmem:s9], [sflag:$0x2] =	stream.linear.gather [hbm4b:s6+s2], $0x5000, $0x38;
	v63 =	vld [tilespmem:$0x0]  }
0x27: {  	s4 =	simm.s32 $0x0;
	s6 =	simm.s32 $0x100;
	s2 =	simm.s32 $0x0  }
.LBB2_2:
0x28: {  	p1 =	sne.s32 s6, $0x3F00;
	[tilespmem:s2+$0x11D30] =	vst v0;
	s9 =	smov.u32 s6;
	s6 =	sadd.s32 $0x100, s6  }
.Ltmp2:
0x29: {  	[tilespmem:s2+$0x11D20] =	vst v0;
	(pc) =	sbr.rel @p1 .LBB2_2-.Ltmp2, $3  }
0x2a: {  	[tilespmem:s2+$0x11D00] =	vst v0  }
0x2b: {  	[tilespmem:s2+$0x11D10] =	vst v0;
	_ =	sdelay $0x1  }
0x2c: {  	s2 =	sshra.s32 s9, $0x2  }
0x2d: {  	[tilespmem:s2+$0x11D30] =	vst v0  }
0x2e: {  	[tilespmem:s2+$0x11D20] =	vst v0  }
0x2f: {  	[tilespmem:s2+$0x11D00] =	vst v0  }
0x30: {  	[tilespmem:s2+$0x11D10] =	vst v0;
	s14 =	rddreg [dreg:$0xa];
	s6 =	simm.s32 $0x11D00  }
0x31: {  	[spmem:s14] =	stream.linear.scatter [tilespmem:s6], [sflag:$0x5], $0x1000, $0x38;
	v63 =	vld [tilespmem:$0x0]  }
0x32: {  	s16 =	rddreg [dreg:$0xc]  }
0x33: {  	[spmem:s16] =	stream.linear.scatter [tilespmem:s6], [sflag:$0x5], $0x1000, $0x38;
	v63 =	vld [tilespmem:$0x0]  }
0x34: {  	s23 =	rddreg [dreg:$0xd]  }
0x35: {  	[spmem:s23] =	stream.linear.scatter [tilespmem:s6], [sflag:$0x5], $0x1000, $0x38;
	v63 =	vld [tilespmem:$0x0]  }
0x36: {  	s25 =	rddreg [dreg:$0xe]  }
0x37: {  	[spmem:s25] =	stream.linear.scatter [tilespmem:s6], [sflag:$0x5], $0x1000, $0x38;
	v63 =	vld [tilespmem:$0x0]  }
0x38: {  	s9 =	rddreg [dreg:$0xf]  }
0x39: {  	[spmem:s9] =	stream.linear.scatter [tilespmem:s6], [sflag:$0x5], $0x1000, $0x38;
	v63 =	vld [tilespmem:$0x0]  }
0x3a: {  	s12 =	rddreg [dreg:$0x10]  }
0x3b: {  	[spmem:s12] =	stream.linear.scatter [tilespmem:s6], [sflag:$0x5], $0x1000, $0x38;
	v63 =	vld [tilespmem:$0x0]  }
0x3c: {  	s14 =	rddreg [dreg:$0x11]  }
0x3d: {  	[spmem:s14] =	stream.linear.scatter [tilespmem:s6], [sflag:$0x5], $0x1000, $0x38;
	v63 =	vld [tilespmem:$0x0]  }
0x3e: {  	s16 =	rddreg [dreg:$0x12]  }
0x3f: {  	[spmem:s16] =	stream.linear.scatter [tilespmem:s6], [sflag:$0x5], $0x1000, $0x38;
	v63 =	vld [tilespmem:$0x0]  }
0x40: {  	s2 =	simm.s32 @!p0 $0x11D00;
	s6 =	rddreg [dreg:$0x13]  }
0x41: {  	[spmem:s6] =	stream.linear.scatter @!p0 [tilespmem:s2], [sflag:$0x5], $0x1000, $0x38;
	v63 =	vld [tilespmem:$0x0]  }
0x42: {  	s6 =	rddreg [dreg:$0x14]  }
0x43: {  	[spmem:s6] =	stream.linear.scatter @!p0 [tilespmem:s2], [sflag:$0x5], $0x1000, $0x38;
	v63 =	vld [tilespmem:$0x0]  }
0x44: {  	_ =	swait.ge [sflag:s26], $0x1000  }
0x45: {  	[sflag:s26] =	ssyncset.done $0x0  }
0x46: {  	[sflag:s26] =	ssyncadd.s32 $0xFFFFF000  }
0x47: {  	_ =	swait.ge [sflag:s26], $0x1000  }
0x48: {  	[sflag:s26] =	ssyncset.done $0x0  }
0x49: {  	[sflag:s26] =	ssyncadd.s32 $0xFFFFF000  }
0x4a: {  	_ =	swait.ge [sflag:s26], $0x1000  }
0x4b: {  	[sflag:s26] =	ssyncset.done $0x0  }
0x4c: {  	[sflag:s26] =	ssyncadd.s32 $0xFFFFF000  }
0x4d: {  	_ =	swait.ge [sflag:s26], $0x1000  }
0x4e: {  	[sflag:s26] =	ssyncset.done $0x0  }
0x4f: {  	[sflag:s26] =	ssyncadd.s32 $0xFFFFF000  }
0x50: {  	_ =	swait.ge [sflag:s26], $0x1000  }
0x51: {  	[sflag:s26] =	ssyncset.done $0x0  }
0x52: {  	[sflag:s26] =	ssyncadd.s32 $0xFFFFF000  }
0x53: {  	_ =	swait.ge [sflag:s26], $0x1000  }
0x54: {  	[sflag:s26] =	ssyncset.done $0x0  }
0x55: {  	[sflag:s26] =	ssyncadd.s32 $0xFFFFF000  }
0x56: {  	_ =	swait.ge [sflag:s26], $0x1000  }
0x57: {  	[sflag:s26] =	ssyncset.done $0x0  }
0x58: {  	[sflag:s26] =	ssyncadd.s32 $0xFFFFF000  }
0x59: {  	_ =	swait.ge [sflag:s26], $0x1000  }
0x5a: {  	[sflag:s26] =	ssyncset.done $0x0  }
0x5b: {  	s2 =	simm.s32 @!p0 $0x5;
	[sflag:s26] =	ssyncadd.s32 $0xFFFFF000  }
0x5c: {  	_ =	swait.ge @!p0 [sflag:s2], $0x1000  }
0x5d: {  	[sflag:s2] =	ssyncset.done @!p0 $0x0  }
0x5e: {  	[sflag:s2] =	ssyncadd.s32 @!p0 $0xFFFFF000  }
0x5f: {  	_ =	swait.ge @!p0 [sflag:s2], $0x1000  }
0x60: {  	[sflag:s2] =	ssyncset.done @!p0 $0x0  }
0x61: {  	s14 =	simm.s32 $0x0;
	s23 =	rddreg [dreg:$0x7];
	[sflag:s2] =	ssyncadd.s32 @!p0 $0xFFFFF000  }
0x62: {  	[tilespmem:s28], [sflag:$0x9] =	stream.linear.gather [hbm4b:s23+s14], $0x280, $0x38;
	v63 =	vld [tilespmem:$0x0]  }
0x63: {  	_ =	swait.ge [sflag:s29], $0x280  }
0x64: {  	[sflag:s29] =	ssyncset.done $0x0  }
0x65: {  	s25 =	rddreg [dreg:$0x8];
	[sflag:s29] =	ssyncadd.s32 $0xFFFFFD80  }
0x66: {  	[tilespmem:s30], [sflag:$0x9] =	stream.linear.gather [hbm4b:s25+s14], $0x280, $0x38;
	v63 =	vld [tilespmem:$0x0]  }
0x67: {  	_ =	swait.ge [sflag:s29], $0x280  }
0x68: {  	[sflag:s29] =	ssyncset.done $0x0  }
0x69: {  	s16 =	simm.s32 $0x0;
	[sflag:s29] =	ssyncadd.s32 $0xFFFFFD80  }
0x6a: {  	s9 =	simm.s32 $0x40;
	v1 =	vld [tilespmem:s16+$0x15D00]  }
.LBB2_4:
0x6b: {  	p1 =	sne.s32 s9, $0x9C0;
	v2 =	vld [tilespmem:s16+$0x15F80];
	_ =	sdelay $0x4  }
0x6c: {  	v1 =	vadd.f32 v2, v1;
	_ =	sdelay $0x1  }
0x6d: {  	v1 =	vadd.f32 $1.000000000e+00, v1;
	_ =	sdelay $0x1  }
0x6e: {  	v2 =	vshrl.u32 v1, $0x1;
	v1 =	vmul.f32 $5.000000000e-01, v1  }
0x6f: {  	v2 =	vsub.s32 $0x5F3759DF, v2  }
0x70: {  	v3 =	vmul.f32 v2, v1;
	_ =	sdelay $0x1  }
0x71: {  	v3 =	vmul.f32 v2, v3;
	_ =	sdelay $0x1  }
0x72: {  	v3 =	vsub.f32 $1.500000000e+00, v3;
	_ =	sdelay $0x1  }
0x73: {  	v2 =	vmul.f32 v2, v3;
	_ =	sdelay $0x1  }
0x74: {  	v3 =	vmul.f32 v2, v1;
	_ =	sdelay $0x1  }
0x75: {  	v3 =	vmul.f32 v3, v2;
	_ =	sdelay $0x1  }
0x76: {  	v3 =	vsub.f32 $1.500000000e+00, v3;
	_ =	sdelay $0x1  }
0x77: {  	v2 =	vmul.f32 v3, v2;
	_ =	sdelay $0x1  }
0x78: {  	v3 =	vmul.f32 v2, v1;
	_ =	sdelay $0x1  }
0x79: {  	v3 =	vmul.f32 v3, v2;
	_ =	sdelay $0x1  }
0x7a: {  	v3 =	vsub.f32 $1.500000000e+00, v3;
	_ =	sdelay $0x1  }
0x7b: {  	v2 =	vmul.f32 v3, v2;
	_ =	sdelay $0x1  }
0x7c: {  	v1 =	vmul.f32 v2, v1;
	_ =	sdelay $0x1  }
0x7d: {  	v1 =	vmul.f32 v1, v2;
	_ =	sdelay $0x1  }
0x7e: {  	v1 =	vsub.f32 $1.500000000e+00, v1;
	_ =	sdelay $0x1  }
.Ltmp3:
0x7f: {  	v1 =	vmul.f32 v1, v2;
	(pc) =	sbr.rel @p1 .LBB2_4-.Ltmp3, $4  }
0x80: {  	_ = 	snop  }
0x81: {  	[tilespmem:s16+$0x15D00] =	vst v1;
	v2 =	vmul.f32 v1, v1  }
0x82: {  	s2 =	sshra.s32 s9, $0x2  }
0x83: {  	s9 =	sadd.s32 $0x40, s9;
	v1 =	vld [tilespmem:s2+$0x15D00];
	[tilespmem:s16+$0x15F80] =	vst v2;
	s16 =	smov.u32 s2  }
0x84: {  	v2 =	vld [tilespmem:s16+$0x15F80];
	_ =	sdelay $0x4  }
0x85: {  	v1 =	vadd.f32 v2, v1;
	_ =	sdelay $0x1  }
0x86: {  	v1 =	vadd.f32 $1.000000000e+00, v1;
	_ =	sdelay $0x1  }
0x87: {  	v2 =	vshrl.u32 v1, $0x1;
	v1 =	vmul.f32 $5.000000000e-01, v1  }
0x88: {  	v2 =	vsub.s32 $0x5F3759DF, v2  }
0x89: {  	v3 =	vmul.f32 v2, v1;
	_ =	sdelay $0x1  }
0x8a: {  	v3 =	vmul.f32 v2, v3;
	_ =	sdelay $0x1  }
0x8b: {  	v3 =	vsub.f32 $1.500000000e+00, v3;
	_ =	sdelay $0x1  }
0x8c: {  	v2 =	vmul.f32 v2, v3;
	_ =	sdelay $0x1  }
0x8d: {  	v3 =	vmul.f32 v2, v1;
	_ =	sdelay $0x1  }
0x8e: {  	v3 =	vmul.f32 v3, v2;
	_ =	sdelay $0x1  }
0x8f: {  	v3 =	vsub.f32 $1.500000000e+00, v3;
	_ =	sdelay $0x1  }
0x90: {  	v2 =	vmul.f32 v3, v2;
	_ =	sdelay $0x1  }
0x91: {  	v3 =	vmul.f32 v2, v1;
	_ =	sdelay $0x1  }
0x92: {  	v3 =	vmul.f32 v3, v2;
	_ =	sdelay $0x1  }
0x93: {  	v3 =	vsub.f32 $1.500000000e+00, v3;
	_ =	sdelay $0x1  }
0x94: {  	v2 =	vmul.f32 v3, v2;
	_ =	sdelay $0x1  }
0x95: {  	v1 =	vmul.f32 v2, v1;
	_ =	sdelay $0x1  }
0x96: {  	v1 =	vmul.f32 v1, v2;
	_ =	sdelay $0x1  }
0x97: {  	v1 =	vsub.f32 $1.500000000e+00, v1;
	_ =	sdelay $0x1  }
0x98: {  	v1 =	vmul.f32 v1, v2;
	_ =	sdelay $0x1  }
0x99: {  	v2 =	vmul.f32 v1, v1  }
0x9a: {  	[tilespmem:s16+$0x15D00] =	vst v1  }
0x9b: {  	s9 =	simm.s32 $0x0;
	[tilespmem:s16+$0x15F80] =	vst v2  }
.LBB2_6:
0x9c: {  	s2 =	sshll.u32 s9, $0x6  }
0x9d: {  	s12 =	sadd.s32 s5, s2  }
0x9e: {  	s2 =	sshll.u32 s12, $0x3  }
0x9f: {  	s6 =	simm.s32 $0x0;
	s2 =	sadd.s32 s11, s2  }
0xa0: {  	[tilespmem:s31], [sflag:$0x9] =	stream.linear.gather [hbm4b:s2+s6], $0x1000, $0x38;
	v63 =	vld [tilespmem:$0x0]  }
0xa1: {  	v1 =	vmov s14;
	_ =	swait.ge [sflag:s29], $0x1000  }
0xa2: {  	[sflag:s29] =	ssyncset.done $0x0  }
0xa3: {  	s16 =	simm.s32 $0x0;
	[sflag:s29] =	ssyncadd.s32 $0xFFFFF000  }
0xa4: {  	v2 =	vld [tilespmem:s16+$0x13D00]  }
0xa5: {  	v3 =	vld [tilespmem:s16+$0x13D10]  }
0xa6: {  	v6 =	vld.idx.msk [tilespmem:v1+s28+$0x0], $0xffff  }
0xa7: {  	v5 =	vld [tilespmem:s16+$0x13D20]  }
0xa8: {  	v7 =	vld [tilespmem:s16+$0x13D30];
	_ =	sdelay $0x3  }
0xa9: {  	s2 =	sadd.s32 $0x1, s14;
	v4 =	vmul.f32 v2, v6;
	v2 =	vmul.f32 v3, v6  }
0xaa: {  	s23 =	simm.s32 $0x200;
	s6 =	simm.s32 $0x100;
	v1 =	vmov s2;
	v5 =	vmul.f32 v5, v6;
	v3 =	vmul.f32 v7, v6  }
.LBB2_7:
0xab: {  	p1 =	sne.s32 s23, $0x3F00;
	[tilespmem:s16+$0x14D00] =	vst v4  }
0xac: {  	s25 =	sshra.s32 s6, $0x2;
	s6 =	smov.u32 s23;
	[tilespmem:s16+$0x14D10] =	vst v2  }
0xad: {  	v2 =	vld [tilespmem:s25+$0x13D00];
	[tilespmem:s16+$0x14D20] =	vst v5  }
0xae: {  	v5 =	vld [tilespmem:s25+$0x13D10];
	[tilespmem:s16+$0x14D30] =	vst v3;
	s16 =	smov.u32 s25  }
0xaf: {  	v3 =	vld.idx.msk [tilespmem:v1+s28+$0x0], $0xffff  }
0xb0: {  	v6 =	vld [tilespmem:s16+$0x13D20]  }
0xb1: {  	v7 =	vld [tilespmem:s16+$0x13D30]  }
.Ltmp4:
0xb2: {  	(pc) =	sbr.rel @p1 .LBB2_7-.Ltmp4, $3  }
0xb3: {  	_ =	sdelay $0x1  }
0xb4: {  	s2 =	sadd.s32 $0x1, s2;
	v4 =	vmul.f32 v2, v3;
	v2 =	vmul.f32 v5, v3  }
0xb5: {  	s23 =	sadd.s32 $0x100, s23;
	v1 =	vmov s2;
	v5 =	vmul.f32 v6, v3;
	v3 =	vmul.f32 v7, v3  }
0xb6: {  	[tilespmem:s16+$0x14D00] =	vst v4  }
0xb7: {  	s2 =	sshra.s32 s6, $0x2;
	[tilespmem:s16+$0x14D10] =	vst v2  }
0xb8: {  	v2 =	vld [tilespmem:s2+$0x13D00];
	[tilespmem:s16+$0x14D20] =	vst v5  }
0xb9: {  	v4 =	vld [tilespmem:s2+$0x13D10];
	[tilespmem:s16+$0x14D30] =	vst v3  }
0xba: {  	v1 =	vld.idx.msk [tilespmem:v1+s28+$0x0], $0xffff;
	_ =	sdelay $0x1  }
0xbb: {  	v3 =	vld [tilespmem:s2+$0x13D20]  }
0xbc: {  	v5 =	vld [tilespmem:s2+$0x13D30];
	_ =	sdelay $0x1  }
0xbd: {  	v2 =	vmul.f32 v2, v1  }
0xbe: {  	v4 =	vmul.f32 v4, v1  }
0xbf: {  	s23 =	rddreg [dreg:$0x9];
	s16 =	sshll.u32 s12, $0x6;
	v3 =	vmul.f32 v3, v1;
	[tilespmem:s2+$0x14D00] =	vst v2  }
0xc0: {  	s9 =	sadd.s32 $0x1, s9;
	s6 =	sadd.s32 s23, s16;
	v1 =	vmul.f32 v5, v1;
	[tilespmem:s2+$0x14D10] =	vst v4  }
0xc1: {  	s25 =	rddreg [dreg:$0x4];
	p1 =	sne.s32 s9, $0xA;
	s6 =	sshrl.u32 s6, $0x3;
	[tilespmem:s2+$0x14D20] =	vst v3  }
.Ltmp5:
0xc2: {  	[tilespmem:s2+$0x14D30] =	vst v1;
	s2 =	sadd.s32 s25, s6;
	(pc) =	sbr.rel @p1 .LBB2_6-.Ltmp5, $4  }
0xc3: {  	[hbm4b:s2+s4] =	stream.linear.scatter [tilespmem:s0], [sflag:$0x9], $0x1000, $0x38;
	v63 =	vld [tilespmem:$0x0]  }
0xc4: {  	_ =	swait.ge [sflag:s29], $0x1000  }
0xc5: {  	[sflag:s29] =	ssyncset.done $0x0  }
0xc6: {  	s14 =	sadd.s32 $0x40, s14;
	[sflag:s29] =	ssyncadd.s32 $0xFFFFF000  }
0xc7: {  	_ =	swait.ge [sflag:s1], $0x5000  }
0xc8: {  	[sflag:s1] =	ssyncset.done $0x0  }
0xc9: {  	[sflag:s1] =	ssyncadd.s32 $0xFFFFB000  }
0xca: {  	_ =	swait.ge [sflag:s24], $0x5000  }
0xcb: {  	[sflag:s24] =	ssyncset.done $0x0  }
0xcc: {  	[sflag:s24] =	ssyncadd.s32 $0xFFFFB000  }
0xcd: {  	s2 =	simm.s32 $0x0;
	[bflag:$0x0] =	sbarrier.arrive $0xFFFF  }
0xce: {  	[tilespmem:s8], [sflag:$0x1] =	stream.indirect.gather [hbm4b:s13+s7], $0x40, s2, s7, $0xb8;
	v63 =	vld [tilespmem:$0x0]  }
0xcf: {  	s16 =	simm.s32 $0x80  }
0xd0: {  	[tilespmem:s10], [sflag:$0x2] =	stream.indirect.gather [hbm4b:s13+s7], $0x40, s16, s7, $0xb8;
	v63 =	vld [tilespmem:$0x0]  }
0xd1: {  	s23 =	simm.s32 $0x100  }
0xd2: {  	[tilespmem:s15], [sflag:$0x3] =	stream.indirect.gather [hbm4b:s13+s7], $0x40, s23, s7, $0xb8;
	v63 =	vld [tilespmem:$0x0]  }
0xd3: {  	s25 =	simm.s32 $0x180  }
0xd4: {  	[tilespmem:s17], [sflag:$0x4] =	stream.indirect.gather [hbm4b:s13+s7], $0x40, s25, s7, $0xb8;
	v63 =	vld [tilespmem:$0x0]  }
0xd5: {  	_ =	swait.ge [sflag:s1], $0x1F40  }
0xd6: {  	[sflag:s1] =	ssyncset.done $0x0  }
0xd7: {  	s6 =	simm.s32 $0x5000;
	[sflag:s1] =	ssyncadd.s32 $0xFFFFE0C0  }
0xd8: {  	[spmem:s3] =	stream.indirect.scatter.add.f32 [tilespmem:s8], [sflag:$0x5], $0x40, s6, s7, $0xb8;
	v63 =	vld [tilespmem:$0x0]  }
0xd9: {  	_ =	swait.ge [sflag:s24], $0x1F40  }
0xda: {  	[sflag:s24] =	ssyncset.done $0x0  }
0xdb: {  	s9 =	simm.s32 $0x5080;
	[sflag:s24] =	ssyncadd.s32 $0xFFFFE0C0  }
0xdc: {  	[spmem:s3] =	stream.indirect.scatter.add.f32 [tilespmem:s10], [sflag:$0x6], $0x40, s9, s7, $0xb8;
	v63 =	vld [tilespmem:$0x0]  }
0xdd: {  	_ =	swait.ge [sflag:s18], $0x1F40  }
0xde: {  	[sflag:s18] =	ssyncset.done $0x0  }
0xdf: {  	s12 =	simm.s32 $0x5100;
	[sflag:s18] =	ssyncadd.s32 $0xFFFFE0C0  }
0xe0: {  	[spmem:s3] =	stream.indirect.scatter.add.f32 [tilespmem:s15], [sflag:$0x7], $0x40, s12, s7, $0xb8;
	v63 =	vld [tilespmem:$0x0]  }
0xe1: {  	_ =	swait.ge [sflag:s19], $0x1F40  }
0xe2: {  	[sflag:s19] =	ssyncset.done $0x0  }
0xe3: {  	s14 =	simm.s32 $0x5180;
	[sflag:s19] =	ssyncadd.s32 $0xFFFFE0C0  }
0xe4: {  	[spmem:s3] =	stream.indirect.scatter.add.f32 [tilespmem:s17], [sflag:$0x8], $0x40, s14, s7, $0xb8;
	v63 =	vld [tilespmem:$0x0]  }
0xe5: {  	_ =	swait.ge [sflag:s26], $0x1F40  }
0xe6: {  	[sflag:s26] =	ssyncset.done $0x0  }
0xe7: {  	s16 =	simm.s32 $0x200;
	[sflag:s26] =	ssyncadd.s32 $0xFFFFE0C0  }
0xe8: {  	[tilespmem:s8], [sflag:$0x1] =	stream.indirect.gather [hbm4b:s13+s7], $0x40, s16, s7, $0xb8;
	v63 =	vld [tilespmem:$0x0]  }
0xe9: {  	_ =	swait.ge [sflag:s20], $0x1F40  }
0xea: {  	[sflag:s20] =	ssyncset.done $0x0  }
0xeb: {  	s23 =	simm.s32 $0x280;
	[sflag:s20] =	ssyncadd.s32 $0xFFFFE0C0  }
0xec: {  	[tilespmem:s10], [sflag:$0x2] =	stream.indirect.gather [hbm4b:s13+s7], $0x40, s23, s7, $0xb8;
	v63 =	vld [tilespmem:$0x0]  }
0xed: {  	_ =	swait.ge [sflag:s21], $0x1F40  }
0xee: {  	[sflag:s21] =	ssyncset.done $0x0  }
0xef: {  	s25 =	simm.s32 $0x300;
	[sflag:s21] =	ssyncadd.s32 $0xFFFFE0C0  }
0xf0: {  	[tilespmem:s15], [sflag:$0x3] =	stream.indirect.gather [hbm4b:s13+s7], $0x40, s25, s7, $0xb8;
	v63 =	vld [tilespmem:$0x0]  }
0xf1: {  	_ =	swait.ge [sflag:s22], $0x1F40  }
0xf2: {  	[sflag:s22] =	ssyncset.done $0x0  }
0xf3: {  	s2 =	simm.s32 $0x380;
	s9 =	simm.s32 $0x800;
	[sflag:s22] =	ssyncadd.s32 $0xFFFFE0C0  }
.LBB2_10:
0xf4: {  	[tilespmem:s17], [sflag:$0x4] =	stream.indirect.gather [hbm4b:s13+s7], $0x40, s2, s7, $0xb8;
	v63 =	vld [tilespmem:$0x0]  }
0xf5: {  	s2 =	smov.u32 s9  }
0xf6: {  	p1 =	sne.s32 s9, $0x13000;
	s9 =	sadd.s32 $0x800, s9;
	_ =	swait.ge [sflag:s1], $0x1F40  }
0xf7: {  	s12 =	sshra.s32 s2, $0x2;
	[sflag:s1] =	ssyncset.done $0x0  }
0xf8: {  	s2 =	sadd.s32 $0x5000, s12;
	[sflag:s1] =	ssyncadd.s32 $0xFFFFE0C0  }
0xf9: {  	[spmem:s3] =	stream.indirect.scatter.add.f32 [tilespmem:s8], [sflag:$0x5], $0x40, s2, s7, $0xb8;
	v63 =	vld [tilespmem:$0x0]  }
0xfa: {  	_ =	swait.ge [sflag:s24], $0x1F40  }
0xfb: {  	[sflag:s24] =	ssyncset.done $0x0  }
0xfc: {  	s2 =	sadd.s32 $0x5080, s12;
	[sflag:s24] =	ssyncadd.s32 $0xFFFFE0C0  }
0xfd: {  	[spmem:s3] =	stream.indirect.scatter.add.f32 [tilespmem:s10], [sflag:$0x6], $0x40, s2, s7, $0xb8;
	v63 =	vld [tilespmem:$0x0]  }
0xfe: {  	_ =	swait.ge [sflag:s18], $0x1F40  }
0xff: {  	[sflag:s18] =	ssyncset.done $0x0  }
0x100: {  	s2 =	sadd.s32 $0x5100, s12;
	[sflag:s18] =	ssyncadd.s32 $0xFFFFE0C0  }
0x101: {  	[spmem:s3] =	stream.indirect.scatter.add.f32 [tilespmem:s15], [sflag:$0x7], $0x40, s2, s7, $0xb8;
	v63 =	vld [tilespmem:$0x0]  }
0x102: {  	_ =	swait.ge [sflag:s19], $0x1F40  }
0x103: {  	[sflag:s19] =	ssyncset.done $0x0  }
0x104: {  	s2 =	sadd.s32 $0x5180, s12;
	[sflag:s19] =	ssyncadd.s32 $0xFFFFE0C0  }
0x105: {  	[spmem:s3] =	stream.indirect.scatter.add.f32 [tilespmem:s17], [sflag:$0x8], $0x40, s2, s7, $0xb8;
	v63 =	vld [tilespmem:$0x0]  }
0x106: {  	_ =	swait.ge [sflag:s26], $0x1F40  }
0x107: {  	[sflag:s26] =	ssyncset.done $0x0  }
0x108: {  	s2 =	sadd.s32 $0x200, s12;
	[sflag:s26] =	ssyncadd.s32 $0xFFFFE0C0  }
0x109: {  	[tilespmem:s8], [sflag:$0x1] =	stream.indirect.gather [hbm4b:s13+s7], $0x40, s2, s7, $0xb8;
	v63 =	vld [tilespmem:$0x0]  }
0x10a: {  	_ =	swait.ge [sflag:s20], $0x1F40  }
0x10b: {  	[sflag:s20] =	ssyncset.done $0x0  }
0x10c: {  	s2 =	sadd.s32 $0x280, s12;
	[sflag:s20] =	ssyncadd.s32 $0xFFFFE0C0  }
0x10d: {  	[tilespmem:s10], [sflag:$0x2] =	stream.indirect.gather [hbm4b:s13+s7], $0x40, s2, s7, $0xb8;
	v63 =	vld [tilespmem:$0x0]  }
0x10e: {  	_ =	swait.ge [sflag:s21], $0x1F40  }
0x10f: {  	[sflag:s21] =	ssyncset.done $0x0  }
.Ltmp6:
0x110: {  	s2 =	sadd.s32 $0x300, s12;
	[sflag:s21] =	ssyncadd.s32 $0xFFFFE0C0;
	(pc) =	sbr.rel @p1 .LBB2_10-.Ltmp6, $4  }
0x111: {  	[tilespmem:s15], [sflag:$0x3] =	stream.indirect.gather [hbm4b:s13+s7], $0x40, s2, s7, $0xb8;
	v63 =	vld [tilespmem:$0x0]  }
0x112: {  	_ =	swait.ge [sflag:s22], $0x1F40  }
0x113: {  	[sflag:s22] =	ssyncset.done $0x0  }
0x114: {  	s2 =	sadd.s32 $0x380, s12;
	[sflag:s22] =	ssyncadd.s32 $0xFFFFE0C0  }
0x115: {  	[tilespmem:s17], [sflag:$0x4] =	stream.indirect.gather [hbm4b:s13+s7], $0x40, s2, s7, $0xb8;
	v63 =	vld [tilespmem:$0x0]  }
0x116: {  	_ =	swait.ge [sflag:s1], $0x1F40  }
0x117: {  	[sflag:s1] =	ssyncset.done $0x0  }
0x118: {  	s14 =	simm.s32 $0x9E00;
	[sflag:s1] =	ssyncadd.s32 $0xFFFFE0C0  }
0x119: {  	[spmem:s3] =	stream.indirect.scatter.add.f32 [tilespmem:s8], [sflag:$0x5], $0x40, s14, s7, $0xb8;
	v63 =	vld [tilespmem:$0x0]  }
0x11a: {  	_ =	swait.ge [sflag:s24], $0x1F40  }
0x11b: {  	[sflag:s24] =	ssyncset.done $0x0  }
0x11c: {  	s16 =	simm.s32 $0x9E80;
	[sflag:s24] =	ssyncadd.s32 $0xFFFFE0C0  }
0x11d: {  	[spmem:s3] =	stream.indirect.scatter.add.f32 [tilespmem:s10], [sflag:$0x6], $0x40, s16, s7, $0xb8;
	v63 =	vld [tilespmem:$0x0]  }
0x11e: {  	_ =	swait.ge [sflag:s18], $0x1F40  }
0x11f: {  	[sflag:s18] =	ssyncset.done $0x0  }
0x120: {  	s23 =	simm.s32 $0x9F00;
	[sflag:s18] =	ssyncadd.s32 $0xFFFFE0C0  }
0x121: {  	[spmem:s3] =	stream.indirect.scatter.add.f32 [tilespmem:s15], [sflag:$0x7], $0x40, s23, s7, $0xb8;
	v63 =	vld [tilespmem:$0x0]  }
0x122: {  	_ =	swait.ge [sflag:s19], $0x1F40  }
0x123: {  	[sflag:s19] =	ssyncset.done $0x0  }
0x124: {  	s25 =	simm.s32 $0x9F80;
	[sflag:s19] =	ssyncadd.s32 $0xFFFFE0C0  }
0x125: {  	[spmem:s3] =	stream.indirect.scatter.add.f32 [tilespmem:s17], [sflag:$0x8], $0x40, s25, s7, $0xb8;
	v63 =	vld [tilespmem:$0x0]  }
0x126: {  	_ =	swait.ge [sflag:s26], $0x1F40  }
0x127: {  	[sflag:s26] =	ssyncset.done $0x0  }
0x128: {  	[sflag:s26] =	ssyncadd.s32 $0xFFFFE0C0  }
0x129: {  	_ =	swait.ge [sflag:s20], $0x1F40  }
0x12a: {  	[sflag:s20] =	ssyncset.done $0x0  }
0x12b: {  	[sflag:s20] =	ssyncadd.s32 $0xFFFFE0C0  }
0x12c: {  	_ =	swait.ge [sflag:s21], $0x1F40  }
0x12d: {  	[sflag:s21] =	ssyncset.done $0x0  }
0x12e: {  	[sflag:s21] =	ssyncadd.s32 $0xFFFFE0C0  }
.Ltmp7:
0x12f: {  	_ =	swait.ge [sflag:s22], $0x1F40;
	(pc) =	sbr.rel .LBB2_12-.Ltmp7, $4  }
0x130: {  	[sflag:s22] =	ssyncset.done $0x0  }
0x131: {  	[sflag:s22] =	ssyncadd.s32 $0xFFFFE0C0  }
0x132: {  	[bflag:$0x0] =	sbarrier.arrive $0xFFFF  }
0x133: {  	s14 =	simm.s32 $0x0;
	s16 =	simm.s32 $0x0  }
.LBB2_16:
0x134: {  	s16 =	sadd.s32 $0x1, s16  }
0x135: {  	p1 =	sne.s32 s16, $0xA  }
.Ltmp8:
0x136: {  	_ = 	snop;
	(pc) =	sbr.rel @!p1 .LBB2_17-.Ltmp8, $2  }
0x137: {  	_ =	sdelay $0x2  }
0x138: {  	s14 =	sadd.s32 $0x40, s14  }
.LBB2_12:
0x139: {  	s2 =	sshll.u32 s16, $0x6  }
0x13a: {  	s2 =	sadd.s32 s5, s2  }
0x13b: {  	p1 =	sgt.u32 s2, $0x2740  }
.Ltmp9:
0x13c: {  	_ = 	snop;
	(pc) =	sbr.rel @p1 .LBB2_16-.Ltmp9, $1  }
0x13d: {  	_ =	sdelay $0x3  }
0x13e: {  	s6 =	sshll.u32 s2, $0x6  }
0x13f: {  	s6 =	sand.u32 $0x3FFFFFC0, s6  }
0x140: {  	s9 =	simm.s32 $0x12D00;
	s23 =	sshll.u32 s2, $0x3;
	s12 =	sadd.s32 s6, s3  }
0x141: {  	[tilespmem:s9], [sflag:$0x1] =	stream.linear.gather [spmem:s12], $0x1000, $0x38;
	v63 =	vld [tilespmem:$0x0]  }
0x142: {  	s25 =	simm.s32 $0x0;
	s9 =	sadd.s32 s13, s23  }
0x143: {  	[tilespmem:s31], [sflag:$0x2] =	stream.linear.gather [hbm4b:s9+s25], $0x1000, $0x38;
	v63 =	vld [tilespmem:$0x0]  }
0x144: {  	_ =	swait.ge [sflag:s1], $0x1000  }
0x145: {  	[sflag:s1] =	ssyncset.done $0x0  }
0x146: {  	[sflag:s1] =	ssyncadd.s32 $0xFFFFF000  }
0x147: {  	_ =	swait.ge [sflag:s24], $0x1000  }
0x148: {  	[sflag:s24] =	ssyncset.done $0x0  }
0x149: {  	s23 =	simm.s32 $0x0;
	[sflag:s24] =	ssyncadd.s32 $0xFFFFF000  }
0x14a: {  	v2 =	vld [tilespmem:s23+$0x12D00]  }
0x14b: {  	v3 =	vld [tilespmem:s23+$0x13D00]  }
0x14c: {  	v4 =	vld [tilespmem:s23+$0x12D10]  }
0x14d: {  	v1 =	vmov s14;
	v5 =	vld [tilespmem:s23+$0x13D10]  }
0x14e: {  	v6 =	vld [tilespmem:s23+$0x12D20]  }
0x14f: {  	v7 =	vld [tilespmem:s23+$0x13D20]  }
0x150: {  	v8 =	vld [tilespmem:s23+$0x12D30]  }
0x151: {  	v9 =	vld [tilespmem:s23+$0x13D30]  }
0x152: {  	v10 =	vld.idx.msk [tilespmem:v1+s30+$0x0], $0xffff;
	_ =	sdelay $0x1  }
0x153: {  	s25 =	simm.s32 $0x40  }
0x154: {  	v1 =	vld [tilespmem:s25+$0x12D00];
	v11 =	vadd.f32 v3, v2;
	v4 =	vadd.f32 v5, v4  }
0x155: {  	v2 =	vld [tilespmem:s25+$0x13D00];
	v12 =	vadd.f32 v7, v6;
	v8 =	vadd.f32 v9, v8  }
0x156: {  	s2 =	sadd.s32 $0x1, s14;
	v3 =	vld [tilespmem:s25+$0x12D10];
	v7 =	vmul.f32 v11, v10;
	v6 =	vmul.f32 v4, v10  }
0x157: {  	s6 =	simm.s32 $0x200;
	v5 =	vmov s2;
	v4 =	vld [tilespmem:s25+$0x13D10];
	v9 =	vmul.f32 v12, v10;
	v8 =	vmul.f32 v8, v10  }
.LBB2_14:
0x158: {  	p1 =	sne.s32 s6, $0x3F00;
	v10 =	vld [tilespmem:s25+$0x12D20];
	[tilespmem:s23+$0x14D00] =	vst v7  }
0x159: {  	v7 =	vld [tilespmem:s25+$0x13D20];
	[tilespmem:s23+$0x14D10] =	vst v6  }
0x15a: {  	v6 =	vld [tilespmem:s25+$0x12D30];
	[tilespmem:s23+$0x14D20] =	vst v9  }
0x15b: {  	v9 =	vld [tilespmem:s25+$0x13D30];
	[tilespmem:s23+$0x14D30] =	vst v8;
	s23 =	smov.u32 s25  }
0x15c: {  	v8 =	vld.idx.msk [tilespmem:v5+s30+$0x0], $0xffff;
	_ =	sdelay $0x2  }
.Ltmp10:
0x15d: {  	s25 =	sshra.s32 s6, $0x2;
	(pc) =	sbr.rel @p1 .LBB2_14-.Ltmp10, $4  }
0x15e: {  	v5 =	vadd.f32 v2, v1;
	v4 =	vadd.f32 v4, v3;
	v1 =	vld [tilespmem:s25+$0x12D00]  }
0x15f: {  	v10 =	vadd.f32 v7, v10;
	v11 =	vadd.f32 v9, v6;
	v2 =	vld [tilespmem:s25+$0x13D00]  }
0x160: {  	s2 =	sadd.s32 $0x1, s2;
	v7 =	vmul.f32 v5, v8;
	v6 =	vmul.f32 v4, v8;
	v3 =	vld [tilespmem:s25+$0x12D10]  }
0x161: {  	s6 =	sadd.s32 $0x100, s6;
	v5 =	vmov s2;
	v9 =	vmul.f32 v10, v8;
	v8 =	vmul.f32 v11, v8;
	v4 =	vld [tilespmem:s25+$0x13D10]  }
0x162: {  	v10 =	vld [tilespmem:s25+$0x12D20];
	[tilespmem:s23+$0x14D00] =	vst v7  }
0x163: {  	v7 =	vld [tilespmem:s25+$0x13D20];
	[tilespmem:s23+$0x14D10] =	vst v6  }
0x164: {  	v6 =	vld [tilespmem:s25+$0x12D30];
	[tilespmem:s23+$0x14D20] =	vst v9  }
0x165: {  	v9 =	vld [tilespmem:s25+$0x13D30];
	[tilespmem:s23+$0x14D30] =	vst v8  }
0x166: {  	v5 =	vld.idx.msk [tilespmem:v5+s30+$0x0], $0xffff;
	_ =	sdelay $0x2  }
0x167: {  	v1 =	vadd.f32 v2, v1  }
0x168: {  	v2 =	vadd.f32 v4, v3  }
0x169: {  	v3 =	vadd.f32 v7, v10;
	v1 =	vmul.f32 v1, v5  }
0x16a: {  	v62 =	vadd.f32 v9, v6;
	v2 =	vmul.f32 v2, v5  }
0x16b: {  	v3 =	vmul.f32 v3, v5;
	[tilespmem:s25+$0x14D00] =	vst v1  }
0x16c: {  	v1 =	vmul.f32 v62, v5;
	[tilespmem:s25+$0x14D10] =	vst v2  }
0x16d: {  	[tilespmem:s25+$0x14D20] =	vst v3  }
0x16e: {  	[tilespmem:s25+$0x14D30] =	vst v1  }
0x16f: {  	[hbm4b:s9+s4] =	stream.linear.scatter [tilespmem:s0], [sflag:$0x6], $0x1000, $0x38;
	v63 =	vld [tilespmem:$0x0]  }
0x170: {  	s2 =	simm.s32 $0x11D00  }
0x171: {  	[spmem:s12] =	stream.linear.scatter [tilespmem:s2], [sflag:$0x7], $0x1000, $0x38;
	v63 =	vld [tilespmem:$0x0]  }
0x172: {  	_ =	swait.ge [sflag:s20], $0x1000  }
.Ltmp11:
0x173: {  	[sflag:s20] =	ssyncset.done $0x0;
	(pc) =	sbr.rel .LBB2_16-.Ltmp11, $4  }
0x174: {  	[sflag:s20] =	ssyncadd.s32 $0xFFFFF000  }
0x175: {  	_ =	swait.ge [sflag:s21], $0x1000  }
0x176: {  	[sflag:s21] =	ssyncset.done $0x0  }
0x177: {  	[sflag:s21] =	ssyncadd.s32 $0xFFFFF000  }
.LBB2_17:
0x178: {  	[bflag:$0x0] =	sbarrier.arrive $0xFFFF;
	s2 =	simm.s32 $0x0  }
0x179: {  	[tilespmem:s8], [sflag:$0x1] =	stream.indirect.gather [hbm4b:s13+s7], $0x40, s2, s7, $0xb8;
	v63 =	vld [tilespmem:$0x0]  }
0x17a: {  	s16 =	simm.s32 $0x80  }
0x17b: {  	[tilespmem:s10], [sflag:$0x2] =	stream.indirect.gather [hbm4b:s13+s7], $0x40, s16, s7, $0xb8;
	v63 =	vld [tilespmem:$0x0]  }
0x17c: {  	s23 =	simm.s32 $0x100  }
0x17d: {  	[tilespmem:s15], [sflag:$0x3] =	stream.indirect.gather [hbm4b:s13+s7], $0x40, s23, s7, $0xb8;
	v63 =	vld [tilespmem:$0x0]  }
0x17e: {  	s25 =	simm.s32 $0x180  }
0x17f: {  	[tilespmem:s17], [sflag:$0x4] =	stream.indirect.gather [hbm4b:s13+s7], $0x40, s25, s7, $0xb8;
	v63 =	vld [tilespmem:$0x0]  }
0x180: {  	_ =	swait.ge [sflag:s1], $0x1F40  }
0x181: {  	[sflag:s1] =	ssyncset.done $0x0  }
0x182: {  	s6 =	simm.s32 $0x5000;
	[sflag:s1] =	ssyncadd.s32 $0xFFFFE0C0  }
0x183: {  	[spmem:s3] =	stream.indirect.scatter.add.f32 [tilespmem:s8], [sflag:$0x5], $0x40, s6, s7, $0xb8;
	v63 =	vld [tilespmem:$0x0]  }
0x184: {  	_ =	swait.ge [sflag:s24], $0x1F40  }
0x185: {  	[sflag:s24] =	ssyncset.done $0x0  }
0x186: {  	s9 =	simm.s32 $0x5080;
	[sflag:s24] =	ssyncadd.s32 $0xFFFFE0C0  }
0x187: {  	[spmem:s3] =	stream.indirect.scatter.add.f32 [tilespmem:s10], [sflag:$0x6], $0x40, s9, s7, $0xb8;
	v63 =	vld [tilespmem:$0x0]  }
0x188: {  	_ =	swait.ge [sflag:s18], $0x1F40  }
0x189: {  	[sflag:s18] =	ssyncset.done $0x0  }
0x18a: {  	s12 =	simm.s32 $0x5100;
	[sflag:s18] =	ssyncadd.s32 $0xFFFFE0C0  }
0x18b: {  	[spmem:s3] =	stream.indirect.scatter.add.f32 [tilespmem:s15], [sflag:$0x7], $0x40, s12, s7, $0xb8;
	v63 =	vld [tilespmem:$0x0]  }
0x18c: {  	_ =	swait.ge [sflag:s19], $0x1F40  }
0x18d: {  	[sflag:s19] =	ssyncset.done $0x0  }
0x18e: {  	s14 =	simm.s32 $0x5180;
	[sflag:s19] =	ssyncadd.s32 $0xFFFFE0C0  }
0x18f: {  	[spmem:s3] =	stream.indirect.scatter.add.f32 [tilespmem:s17], [sflag:$0x8], $0x40, s14, s7, $0xb8;
	v63 =	vld [tilespmem:$0x0]  }
0x190: {  	_ =	swait.ge [sflag:s26], $0x1F40  }
0x191: {  	[sflag:s26] =	ssyncset.done $0x0  }
0x192: {  	s16 =	simm.s32 $0x200;
	[sflag:s26] =	ssyncadd.s32 $0xFFFFE0C0  }
0x193: {  	[tilespmem:s8], [sflag:$0x1] =	stream.indirect.gather [hbm4b:s13+s7], $0x40, s16, s7, $0xb8;
	v63 =	vld [tilespmem:$0x0]  }
0x194: {  	_ =	swait.ge [sflag:s20], $0x1F40  }
0x195: {  	[sflag:s20] =	ssyncset.done $0x0  }
0x196: {  	s23 =	simm.s32 $0x280;
	[sflag:s20] =	ssyncadd.s32 $0xFFFFE0C0  }
0x197: {  	[tilespmem:s10], [sflag:$0x2] =	stream.indirect.gather [hbm4b:s13+s7], $0x40, s23, s7, $0xb8;
	v63 =	vld [tilespmem:$0x0]  }
0x198: {  	_ =	swait.ge [sflag:s21], $0x1F40  }
0x199: {  	[sflag:s21] =	ssyncset.done $0x0  }
0x19a: {  	s25 =	simm.s32 $0x300;
	[sflag:s21] =	ssyncadd.s32 $0xFFFFE0C0  }
0x19b: {  	[tilespmem:s15], [sflag:$0x3] =	stream.indirect.gather [hbm4b:s13+s7], $0x40, s25, s7, $0xb8;
	v63 =	vld [tilespmem:$0x0]  }
0x19c: {  	_ =	swait.ge [sflag:s22], $0x1F40  }
0x19d: {  	[sflag:s22] =	ssyncset.done $0x0  }
0x19e: {  	s2 =	simm.s32 $0x380;
	s9 =	simm.s32 $0x800;
	[sflag:s22] =	ssyncadd.s32 $0xFFFFE0C0  }
.LBB2_18:
0x19f: {  	[tilespmem:s17], [sflag:$0x4] =	stream.indirect.gather [hbm4b:s13+s7], $0x40, s2, s7, $0xb8;
	v63 =	vld [tilespmem:$0x0]  }
0x1a0: {  	s2 =	smov.u32 s9  }
0x1a1: {  	p1 =	sne.s32 s9, $0x13000;
	s9 =	sadd.s32 $0x800, s9;
	_ =	swait.ge [sflag:s1], $0x1F40  }
0x1a2: {  	s12 =	sshra.s32 s2, $0x2;
	[sflag:s1] =	ssyncset.done $0x0  }
0x1a3: {  	s2 =	sadd.s32 $0x5000, s12;
	[sflag:s1] =	ssyncadd.s32 $0xFFFFE0C0  }
0x1a4: {  	[spmem:s3] =	stream.indirect.scatter.add.f32 [tilespmem:s8], [sflag:$0x5], $0x40, s2, s7, $0xb8;
	v63 =	vld [tilespmem:$0x0]  }
0x1a5: {  	_ =	swait.ge [sflag:s24], $0x1F40  }
0x1a6: {  	[sflag:s24] =	ssyncset.done $0x0  }
0x1a7: {  	s2 =	sadd.s32 $0x5080, s12;
	[sflag:s24] =	ssyncadd.s32 $0xFFFFE0C0  }
0x1a8: {  	[spmem:s3] =	stream.indirect.scatter.add.f32 [tilespmem:s10], [sflag:$0x6], $0x40, s2, s7, $0xb8;
	v63 =	vld [tilespmem:$0x0]  }
0x1a9: {  	_ =	swait.ge [sflag:s18], $0x1F40  }
0x1aa: {  	[sflag:s18] =	ssyncset.done $0x0  }
0x1ab: {  	s2 =	sadd.s32 $0x5100, s12;
	[sflag:s18] =	ssyncadd.s32 $0xFFFFE0C0  }
0x1ac: {  	[spmem:s3] =	stream.indirect.scatter.add.f32 [tilespmem:s15], [sflag:$0x7], $0x40, s2, s7, $0xb8;
	v63 =	vld [tilespmem:$0x0]  }
0x1ad: {  	_ =	swait.ge [sflag:s19], $0x1F40  }
0x1ae: {  	[sflag:s19] =	ssyncset.done $0x0  }
0x1af: {  	s2 =	sadd.s32 $0x5180, s12;
	[sflag:s19] =	ssyncadd.s32 $0xFFFFE0C0  }
0x1b0: {  	[spmem:s3] =	stream.indirect.scatter.add.f32 [tilespmem:s17], [sflag:$0x8], $0x40, s2, s7, $0xb8;
	v63 =	vld [tilespmem:$0x0]  }
0x1b1: {  	_ =	swait.ge [sflag:s26], $0x1F40  }
0x1b2: {  	[sflag:s26] =	ssyncset.done $0x0  }
0x1b3: {  	s2 =	sadd.s32 $0x200, s12;
	[sflag:s26] =	ssyncadd.s32 $0xFFFFE0C0  }
0x1b4: {  	[tilespmem:s8], [sflag:$0x1] =	stream.indirect.gather [hbm4b:s13+s7], $0x40, s2, s7, $0xb8;
	v63 =	vld [tilespmem:$0x0]  }
0x1b5: {  	_ =	swait.ge [sflag:s20], $0x1F40  }
0x1b6: {  	[sflag:s20] =	ssyncset.done $0x0  }
0x1b7: {  	s2 =	sadd.s32 $0x280, s12;
	[sflag:s20] =	ssyncadd.s32 $0xFFFFE0C0  }
0x1b8: {  	[tilespmem:s10], [sflag:$0x2] =	stream.indirect.gather [hbm4b:s13+s7], $0x40, s2, s7, $0xb8;
	v63 =	vld [tilespmem:$0x0]  }
0x1b9: {  	_ =	swait.ge [sflag:s21], $0x1F40  }
0x1ba: {  	[sflag:s21] =	ssyncset.done $0x0  }
.Ltmp12:
0x1bb: {  	s2 =	sadd.s32 $0x300, s12;
	[sflag:s21] =	ssyncadd.s32 $0xFFFFE0C0;
	(pc) =	sbr.rel @p1 .LBB2_18-.Ltmp12, $4  }
0x1bc: {  	[tilespmem:s15], [sflag:$0x3] =	stream.indirect.gather [hbm4b:s13+s7], $0x40, s2, s7, $0xb8;
	v63 =	vld [tilespmem:$0x0]  }
0x1bd: {  	_ =	swait.ge [sflag:s22], $0x1F40  }
0x1be: {  	[sflag:s22] =	ssyncset.done $0x0  }
0x1bf: {  	s2 =	sadd.s32 $0x380, s12;
	[sflag:s22] =	ssyncadd.s32 $0xFFFFE0C0  }
0x1c0: {  	[tilespmem:s17], [sflag:$0x4] =	stream.indirect.gather [hbm4b:s13+s7], $0x40, s2, s7, $0xb8;
	v63 =	vld [tilespmem:$0x0]  }
0x1c1: {  	_ =	swait.ge [sflag:s1], $0x1F40  }
0x1c2: {  	[sflag:s1] =	ssyncset.done $0x0  }
0x1c3: {  	s14 =	simm.s32 $0x9E00;
	[sflag:s1] =	ssyncadd.s32 $0xFFFFE0C0  }
0x1c4: {  	[spmem:s3] =	stream.indirect.scatter.add.f32 [tilespmem:s8], [sflag:$0x5], $0x40, s14, s7, $0xb8;
	v63 =	vld [tilespmem:$0x0]  }
0x1c5: {  	_ =	swait.ge [sflag:s24], $0x1F40  }
0x1c6: {  	[sflag:s24] =	ssyncset.done $0x0  }
0x1c7: {  	s16 =	simm.s32 $0x9E80;
	[sflag:s24] =	ssyncadd.s32 $0xFFFFE0C0  }
0x1c8: {  	[spmem:s3] =	stream.indirect.scatter.add.f32 [tilespmem:s10], [sflag:$0x6], $0x40, s16, s7, $0xb8;
	v63 =	vld [tilespmem:$0x0]  }
0x1c9: {  	_ =	swait.ge [sflag:s18], $0x1F40  }
0x1ca: {  	[sflag:s18] =	ssyncset.done $0x0  }
0x1cb: {  	s23 =	simm.s32 $0x9F00;
	[sflag:s18] =	ssyncadd.s32 $0xFFFFE0C0  }
0x1cc: {  	[spmem:s3] =	stream.indirect.scatter.add.f32 [tilespmem:s15], [sflag:$0x7], $0x40, s23, s7, $0xb8;
	v63 =	vld [tilespmem:$0x0]  }
0x1cd: {  	_ =	swait.ge [sflag:s19], $0x1F40  }
0x1ce: {  	[sflag:s19] =	ssyncset.done $0x0  }
0x1cf: {  	s25 =	simm.s32 $0x9F80;
	[sflag:s19] =	ssyncadd.s32 $0xFFFFE0C0  }
0x1d0: {  	[spmem:s3] =	stream.indirect.scatter.add.f32 [tilespmem:s17], [sflag:$0x8], $0x40, s25, s7, $0xb8;
	v63 =	vld [tilespmem:$0x0]  }
0x1d1: {  	_ =	swait.ge [sflag:s26], $0x1F40  }
0x1d2: {  	[sflag:s26] =	ssyncset.done $0x0  }
0x1d3: {  	[sflag:s26] =	ssyncadd.s32 $0xFFFFE0C0  }
0x1d4: {  	_ =	swait.ge [sflag:s20], $0x1F40  }
0x1d5: {  	[sflag:s20] =	ssyncset.done $0x0  }
0x1d6: {  	[sflag:s20] =	ssyncadd.s32 $0xFFFFE0C0  }
0x1d7: {  	_ =	swait.ge [sflag:s21], $0x1F40  }
0x1d8: {  	[sflag:s21] =	ssyncset.done $0x0  }
0x1d9: {  	[sflag:s21] =	ssyncadd.s32 $0xFFFFE0C0  }
.Ltmp13:
0x1da: {  	_ =	swait.ge [sflag:s22], $0x1F40;
	(pc) =	sbr.rel .LBB2_20-.Ltmp13, $4  }
0x1db: {  	[sflag:s22] =	ssyncset.done $0x0  }
0x1dc: {  	[sflag:s22] =	ssyncadd.s32 $0xFFFFE0C0  }
0x1dd: {  	[bflag:$0x0] =	sbarrier.arrive $0xFFFF  }
0x1de: {  	s14 =	simm.s32 $0x0;
	s16 =	simm.s32 $0x0  }
.LBB2_24:
0x1df: {  	s16 =	sadd.s32 $0x1, s16  }
0x1e0: {  	p1 =	sne.s32 s16, $0xA  }
.Ltmp14:
0x1e1: {  	_ = 	snop;
	(pc) =	sbr.rel @!p1 .LBB2_25-.Ltmp14, $2  }
0x1e2: {  	_ =	sdelay $0x2  }
0x1e3: {  	s14 =	sadd.s32 $0x40, s14  }
.LBB2_20:
0x1e4: {  	s2 =	sshll.u32 s16, $0x6  }
0x1e5: {  	s2 =	sadd.s32 s5, s2  }
0x1e6: {  	p1 =	sgt.u32 s2, $0x2740  }
.Ltmp15:
0x1e7: {  	_ = 	snop;
	(pc) =	sbr.rel @p1 .LBB2_24-.Ltmp15, $1  }
0x1e8: {  	_ =	sdelay $0x3  }
0x1e9: {  	s6 =	sshll.u32 s2, $0x6  }
0x1ea: {  	s6 =	sand.u32 $0x3FFFFFC0, s6  }
0x1eb: {  	s9 =	simm.s32 $0x12D00;
	s23 =	sshll.u32 s2, $0x3;
	s12 =	sadd.s32 s6, s3  }
0x1ec: {  	[tilespmem:s9], [sflag:$0x1] =	stream.linear.gather [spmem:s12], $0x1000, $0x38;
	v63 =	vld [tilespmem:$0x0]  }
0x1ed: {  	s25 =	simm.s32 $0x0;
	s9 =	sadd.s32 s13, s23  }
0x1ee: {  	[tilespmem:s31], [sflag:$0x2] =	stream.linear.gather [hbm4b:s9+s25], $0x1000, $0x38;
	v63 =	vld [tilespmem:$0x0]  }
0x1ef: {  	_ =	swait.ge [sflag:s1], $0x1000  }
0x1f0: {  	[sflag:s1] =	ssyncset.done $0x0  }
0x1f1: {  	[sflag:s1] =	ssyncadd.s32 $0xFFFFF000  }
0x1f2: {  	_ =	swait.ge [sflag:s24], $0x1000  }
0x1f3: {  	[sflag:s24] =	ssyncset.done $0x0  }
0x1f4: {  	s23 =	simm.s32 $0x0;
	[sflag:s24] =	ssyncadd.s32 $0xFFFFF000  }
0x1f5: {  	v2 =	vld [tilespmem:s23+$0x12D00]  }
0x1f6: {  	v3 =	vld [tilespmem:s23+$0x13D00]  }
0x1f7: {  	v4 =	vld [tilespmem:s23+$0x12D10]  }
0x1f8: {  	v1 =	vmov s14;
	v5 =	vld [tilespmem:s23+$0x13D10]  }
0x1f9: {  	v6 =	vld [tilespmem:s23+$0x12D20]  }
0x1fa: {  	v7 =	vld [tilespmem:s23+$0x13D20]  }
0x1fb: {  	v8 =	vld [tilespmem:s23+$0x12D30]  }
0x1fc: {  	v9 =	vld [tilespmem:s23+$0x13D30]  }
0x1fd: {  	v10 =	vld.idx.msk [tilespmem:v1+s28+$0x0], $0xffff;
	_ =	sdelay $0x1  }
0x1fe: {  	s25 =	simm.s32 $0x40  }
0x1ff: {  	v1 =	vld [tilespmem:s25+$0x12D00];
	v11 =	vadd.f32 v3, v2;
	v4 =	vadd.f32 v5, v4  }
0x200: {  	v2 =	vld [tilespmem:s25+$0x13D00];
	v12 =	vadd.f32 v7, v6;
	v8 =	vadd.f32 v9, v8  }
0x201: {  	s2 =	sadd.s32 $0x1, s14;
	v3 =	vld [tilespmem:s25+$0x12D10];
	v7 =	vmul.f32 v11, v10;
	v6 =	vmul.f32 v4, v10  }
0x202: {  	s6 =	simm.s32 $0x200;
	v5 =	vmov s2;
	v4 =	vld [tilespmem:s25+$0x13D10];
	v9 =	vmul.f32 v12, v10;
	v8 =	vmul.f32 v8, v10  }
.LBB2_22:
0x203: {  	p1 =	sne.s32 s6, $0x3F00;
	v10 =	vld [tilespmem:s25+$0x12D20];
	[tilespmem:s23+$0x14D00] =	vst v7  }
0x204: {  	v7 =	vld [tilespmem:s25+$0x13D20];
	[tilespmem:s23+$0x14D10] =	vst v6  }
0x205: {  	v6 =	vld [tilespmem:s25+$0x12D30];
	[tilespmem:s23+$0x14D20] =	vst v9  }
0x206: {  	v9 =	vld [tilespmem:s25+$0x13D30];
	[tilespmem:s23+$0x14D30] =	vst v8;
	s23 =	smov.u32 s25  }
0x207: {  	v8 =	vld.idx.msk [tilespmem:v5+s28+$0x0], $0xffff;
	_ =	sdelay $0x2  }
.Ltmp16:
0x208: {  	s25 =	sshra.s32 s6, $0x2;
	(pc) =	sbr.rel @p1 .LBB2_22-.Ltmp16, $4  }
0x209: {  	v5 =	vadd.f32 v2, v1;
	v4 =	vadd.f32 v4, v3;
	v1 =	vld [tilespmem:s25+$0x12D00]  }
0x20a: {  	v10 =	vadd.f32 v7, v10;
	v11 =	vadd.f32 v9, v6;
	v2 =	vld [tilespmem:s25+$0x13D00]  }
0x20b: {  	s2 =	sadd.s32 $0x1, s2;
	v7 =	vmul.f32 v5, v8;
	v6 =	vmul.f32 v4, v8;
	v3 =	vld [tilespmem:s25+$0x12D10]  }
0x20c: {  	s6 =	sadd.s32 $0x100, s6;
	v5 =	vmov s2;
	v9 =	vmul.f32 v10, v8;
	v8 =	vmul.f32 v11, v8;
	v4 =	vld [tilespmem:s25+$0x13D10]  }
0x20d: {  	v10 =	vld [tilespmem:s25+$0x12D20];
	[tilespmem:s23+$0x14D00] =	vst v7  }
0x20e: {  	v7 =	vld [tilespmem:s25+$0x13D20];
	[tilespmem:s23+$0x14D10] =	vst v6  }
0x20f: {  	v6 =	vld [tilespmem:s25+$0x12D30];
	[tilespmem:s23+$0x14D20] =	vst v9  }
0x210: {  	v9 =	vld [tilespmem:s25+$0x13D30];
	[tilespmem:s23+$0x14D30] =	vst v8  }
0x211: {  	v5 =	vld.idx.msk [tilespmem:v5+s28+$0x0], $0xffff;
	_ =	sdelay $0x2  }
0x212: {  	v1 =	vadd.f32 v2, v1  }
0x213: {  	v2 =	vadd.f32 v4, v3  }
0x214: {  	v3 =	vadd.f32 v7, v10;
	v1 =	vmul.f32 v1, v5  }
0x215: {  	v62 =	vadd.f32 v9, v6;
	v2 =	vmul.f32 v2, v5  }
0x216: {  	v3 =	vmul.f32 v3, v5;
	[tilespmem:s25+$0x14D00] =	vst v1  }
0x217: {  	v1 =	vmul.f32 v62, v5;
	[tilespmem:s25+$0x14D10] =	vst v2  }
0x218: {  	[tilespmem:s25+$0x14D20] =	vst v3  }
0x219: {  	[tilespmem:s25+$0x14D30] =	vst v1  }
0x21a: {  	[hbm4b:s9+s4] =	stream.linear.scatter [tilespmem:s0], [sflag:$0x6], $0x1000, $0x38;
	v63 =	vld [tilespmem:$0x0]  }
0x21b: {  	s2 =	simm.s32 $0x11D00  }
0x21c: {  	[spmem:s12] =	stream.linear.scatter [tilespmem:s2], [sflag:$0x7], $0x1000, $0x38;
	v63 =	vld [tilespmem:$0x0]  }
0x21d: {  	_ =	swait.ge [sflag:s20], $0x1000  }
.Ltmp17:
0x21e: {  	[sflag:s20] =	ssyncset.done $0x0;
	(pc) =	sbr.rel .LBB2_24-.Ltmp17, $4  }
0x21f: {  	[sflag:s20] =	ssyncadd.s32 $0xFFFFF000  }
0x220: {  	_ =	swait.ge [sflag:s21], $0x1000  }
0x221: {  	[sflag:s21] =	ssyncset.done $0x0  }
0x222: {  	[sflag:s21] =	ssyncadd.s32 $0xFFFFF000  }
.LBB2_26:
0x223: {  	_ =	sfence.sel $0x180000  }
0x224: {  	[bflag:$0x0] =	sbarrier.arrive $0xFFFF  }
0x225: {  	_ =	strace $0x9000004D  }
0x226: {  	s0 =	stileid.u32;
	[bflag:$0x2] =	sbarrier.arrive $0xFFFF  }
0x227: {  	p0 =	sne.s32 s0, $0x0;
	s0 =	rddreg [dreg:$0x3]  }
0x228: {  	s0 =	sadd.s32 @!p0 $0x100000, s0  }
0x229: {  	[sflag:s0] =	ssyncadd.tile.s32 @!p0 $0x1;
	_ =	shalt  }
.Lfunc_end2:
_tile_overlayer_lowered:
.L_overlay_start_2:
0x22a: {  	(tag) =	ssettag $0x2  }
0x22b: {  	s0 =	rddreg [dreg:$0x0];
	s2 =	stileid.u32  }
0x22c: {  	s1 =	rddreg [dreg:$0x1];
	p0 =	sne.s32 s2, $0x0  }
0x22d: {  	s3 =	rddreg [dreg:$0x2];
	[bflag:$0x3] =	sbarrier.arrive $0xFFFF;
	s2 =	simm.s32 @!p0 $0x1C09  }
0x22e: {  	[timem:s3], [sflag:s2] =	dma.local @!p0 [hbm:s0], s1  }
0x22f: {  	s0 =	simm.s32 @!p0 $0x9  }
0x230: {  	_ =	swait.ge @!p0 [sflag:s0], s1  }
0x231: {  	s1 =	ssub.s32 @!p0 $0x0, s1;
	[sflag:s0] =	ssyncset.done @!p0 $0x0  }
0x232: {  	[sflag:s0] =	ssyncadd.s32 @!p0 s1  }
0x233: {  	[bflag:$0x3] =	sbarrier.arrive $0xFFFF  }
0x234: {  	_ =	shalt  }

// kernel: kernel.7.cloned.1.call-start
scs
__scs_entry_jumppad:
0x0: {  	(pc) =	sbr.rel $0x88, $3  }
0x1: {  	(tag) =	ssettag $0x0;
	lr =	simm.s32 $0x1  }
0x2: {  	[smem:$0x3F9B] =	sst lr;
	_ =	strace $0xD0000000  }
0x3: {  	_ = 	snop  }
0x4: {  	_ = 	snop  }
0x5: {  	_ = 	snop  }
0x6: {  	_ = 	snop  }
0x7: {  	_ = 	snop  }
__scs_overlays_trampoline_lowered:
0x8: {  	[smem:$0x3FAA] =	sst s0  }
0x9: {  	[smem:$0x3FAB] =	sst s1  }
0xa: {  	[smem:$0x3FAC] =	sst s2  }
0xb: {  	[smem:$0x3FAD] =	sst s3  }
0xc: {  	[smem:$0x3FAE] =	sst s4  }
0xd: {  	[smem:$0x3FAF] =	sst s5  }
0xe: {  	[smem:$0x3FB0] =	sst s6  }
0xf: {  	[smem:$0x3FB1] =	sst s7  }
0x10: {  	[smem:$0x3FB2] =	sst s8  }
0x11: {  	[smem:$0x3FB3] =	sst s9;
	s0 =	simm.s32 @!p0 $0x0  }
0x12: {  	s1 =	sld [smem:$0x3F99];
	s0 =	simm.s32 @p0 $0x1  }
0x13: {  	[smem:$0x3FB4] =	sst s0;
	s0 =	simm.s32 @!p1 $0x0  }
0x14: {  	s2 =	sld [smem:$0x3F98];
	s0 =	simm.s32 @p1 $0x1  }
0x15: {  	[smem:$0x3FB5] =	sst s0;
	s0 =	simm.s32 @!p2 $0x0  }
0x16: {  	s3 =	sld [smem:$0x3FDB];
	s0 =	simm.s32 @p2 $0x1  }
0x17: {  	s4 =	simm.s32 $0x1BF5;
	[smem:$0x3FB7] =	sst s0  }
0x18: {  	s0 =	sld [smem:$0x3F9A];
	_ =	swait.ge [sflag:s4], $0x0  }
0x19: {  	s7 =	sld [smem:$0x3F9B]  }
0x1a: {  	s8 =	sadd.s32 $0xFFFFE003, lr  }
0x1b: {  	s9 =	sadd.s32 $0xFFFFFEF7, lr;
	s5 =	simm.s32 $0xFFFFFFFF;
	p2 =	slt.u32 s8, $0xFFFFF086  }
0x1c: {  	p1 =	slt.u32 s9, $0xF7A;
	s5 =	simm.s32 @!p2 $0x0  }
0x1d: {  	s5 =	simm.s32 @p1 $0x1;
	p0 =	seq.s32 s7, s2  }
0x1e: {  	s7 =	smul.u32 @!p0 $0xF7A, s2;
	p2 =	seq.s32 @!p0 s5, $0x0  }
0x1f: {  	s9 =	smul.u32 $0xF7A, s1;
	s8 =	simm.s32 @!p0 $0x1BF5;
	p2 =	por !p2, p0  }
0x20: {  	[sflag:s8] =	ssyncset.s32 @!p0 $0xFFFFF086;
	s6 =	sadd.s32 @!p0 s3, s7;
	s7 =	simm.s32 @!p0 $0x108  }
0x21: {  	s3 =	sadd.s32 s3, s9;
	s6 =	sadd.s32 @!p0 $0x88, s6;
	s7 =	simm.s32 @p2 $0x1082  }
0x22: {  	[simem:s7], [sflag:s8] =	dma.local @!p0 [hbm:s6], $0xF7A  }
0x23: {  	s9 =	sor.u32 $0xD0000000, s2;
	s6 =	simm.s32 $0x108;
	_ =	swait.ge @!p0 [sflag:s8], $0x0  }
0x24: {  	s3 =	sadd.s32 $0x88, s3;
	s6 =	simm.s32 @!p1 $0x1082;
	[sflag:s4] =	ssyncset.s32 $0xFFFFF086  }
0x25: {  	[simem:s6], [sflag:s4] =	dma.local [hbm:s3], $0xF7A  }
0x26: {  	[smem:$0x3F9B] =	sst s1;
	(tag) =	ssettag s2;
	_ =	strace s9  }
0x27: {  	s1 =	sld [smem:$0x3FAB]  }
0x28: {  	s2 =	sld [smem:$0x3FAC]  }
0x29: {  	s4 =	sld [smem:$0x3FAE]  }
0x2a: {  	p0 =	seq.s32 s5, $0x0;
	s5 =	sld [smem:$0x3FAF]  }
0x2b: {  	s6 =	sld [smem:$0x3FB0]  }
0x2c: {  	s7 =	sld [smem:$0x3FB1]  }
0x2d: {  	s3 =	simm.s32 $0x108;
	s8 =	sld [smem:$0x3FB2]  }
0x2e: {  	s3 =	simm.s32 @!p0 $0x1082;
	s9 =	sld [smem:$0x3FB3]  }
0x2f: {  	lr =	sadd.s32 s0, s3;
	s0 =	sld [smem:$0x3FAA]  }
0x30: {  	s3 =	sld [smem:$0x3FAD]  }
0x31: {  	[smem:$0x3FB6] =	sst s10  }
0x32: {  	s10 =	sld [smem:$0x3FB4];
	_ =	sdelay $0x3  }
0x33: {  	p0 =	seq.s32 s10, $0x1;
	s10 =	sld [smem:$0x3FB6];
	_ =	sdelay $0x3  }
0x34: {  	[smem:$0x3FB6] =	sst s10  }
0x35: {  	s10 =	sld [smem:$0x3FB5];
	_ =	sdelay $0x3  }
0x36: {  	p1 =	seq.s32 s10, $0x1;
	s10 =	sld [smem:$0x3FB6];
	_ =	sdelay $0x3  }
0x37: {  	[smem:$0x3FB6] =	sst s10  }
0x38: {  	s10 =	sld [smem:$0x3FB7]  }
0x39: {  	_ = 	snop;
	(pc) =	sbr.ind lr, $3  }
0x3a: {  	_ = 	snop  }
0x3b: {  	_ = 	snop  }
0x3c: {  	p2 =	seq.s32 s10, $0x1;
	s10 =	sld [smem:$0x3FB6]  }
0x3d: {  	_ =	shalt  }
0x3e: {  	_ =	shalt  }
0x3f: {  	_ =	shalt  }
0x40: {  	_ =	shalt  }
0x41: {  	_ =	shalt  }
0x42: {  	_ =	shalt  }
0x43: {  	_ =	shalt  }
0x44: {  	_ =	shalt  }
0x45: {  	_ =	shalt  }
0x46: {  	_ =	shalt  }
0x47: {  	_ =	shalt  }
0x48: {  	_ =	shalt  }
0x49: {  	_ =	shalt  }
0x4a: {  	_ =	shalt  }
0x4b: {  	_ =	shalt  }
0x4c: {  	_ =	shalt  }
0x4d: {  	_ =	shalt  }
0x4e: {  	_ =	shalt  }
0x4f: {  	_ =	shalt  }
0x50: {  	_ =	shalt  }
0x51: {  	_ =	shalt  }
0x52: {  	_ =	shalt  }
0x53: {  	_ =	shalt  }
0x54: {  	_ =	shalt  }
0x55: {  	_ =	shalt  }
0x56: {  	_ =	shalt  }
0x57: {  	_ =	shalt  }
0x58: {  	_ =	shalt  }
0x59: {  	_ =	shalt  }
0x5a: {  	_ =	shalt  }
0x5b: {  	_ =	shalt  }
0x5c: {  	_ =	shalt  }
0x5d: {  	_ =	shalt  }
0x5e: {  	_ =	shalt  }
0x5f: {  	_ =	shalt  }
0x60: {  	_ =	shalt  }
0x61: {  	_ =	shalt  }
0x62: {  	_ =	shalt  }
0x63: {  	_ =	shalt  }
0x64: {  	_ =	shalt  }
0x65: {  	_ =	shalt  }
0x66: {  	_ =	shalt  }
0x67: {  	_ =	shalt  }
0x68: {  	_ =	shalt  }
0x69: {  	_ =	shalt  }
0x6a: {  	_ =	shalt  }
0x6b: {  	_ =	shalt  }
0x6c: {  	_ =	shalt  }
0x6d: {  	_ =	shalt  }
0x6e: {  	_ =	shalt  }
0x6f: {  	_ =	shalt  }
0x70: {  	_ =	shalt  }
0x71: {  	_ =	shalt  }
0x72: {  	_ =	shalt  }
0x73: {  	_ =	shalt  }
0x74: {  	_ =	shalt  }
0x75: {  	_ =	shalt  }
0x76: {  	_ =	shalt  }
0x77: {  	_ =	shalt  }
0x78: {  	_ =	shalt  }
0x79: {  	_ =	shalt  }
0x7a: {  	_ =	shalt  }
0x7b: {  	_ =	shalt  }
0x7c: {  	_ =	shalt  }
0x7d: {  	_ =	shalt  }
0x7e: {  	_ =	shalt  }
0x7f: {  	_ =	shalt  }
0x80: {  	_ =	shalt  }
0x81: {  	_ =	shalt  }
0x82: {  	_ =	shalt  }
0x83: {  	_ =	shalt  }
0x84: {  	_ =	shalt  }
0x85: {  	_ =	shalt  }
0x86: {  	_ =	shalt  }
0x87: {  	_ =	shalt  }
.Lfunc_end0:
.L_simem_size_0:
called_computation_lowered:
.L_overlay_start_0:
0x88: {  	s2 =	sld [smem:$0x3FD9]  }
0x89: {  	s3 =	sld [smem:$0x3FFE];
	_ =	sdelay $0x1  }
0x8a: {  	s1 =	srdreg.scid  }
0x8b: {  	s0 =	sand.u32 $0x1, s1  }
0x8c: {  	s16 =	sshll.u32 s0, $0xA;
	s2 =	sadd.s32 s3, s2  }
0x8d: {  	s2 =	sadd.s32 s2, s16  }
0x8e: {  	[smem:$0x3FC2] =	sst s2  }
0x8f: {  	_ = 	snop  }
0x90: {  	(tm) =	ssettm $0x1  }
0x91: {  	s17 =	sld [smem:$0x3FFB];
	_ =	sdelay $0x3  }
0x92: {  	_ =	strace s17  }
0x93: {  	s2 =	sld [smem:$0x3FFC];
	_ =	sdelay $0x3  }
0x94: {  	_ =	strace s2  }
0x95: {  	s2 =	sld [smem:$0x3FFD];
	_ =	sdelay $0x3  }
0x96: {  	_ =	strace s2  }
0x97: {  	_ =	strace $0x8FFFFFFF  }
0x98: {  	s18 =	sld [smem:$0x3FDB];
	_ =	sdelay $0x1  }
0x99: {  	s19 =	simm.s32 $_scs_section_size  }
0x9a: {  	s4 =	simm.s32 $_size__tile_overlayer_lowered;
	s5 =	simm.s32 $_tile_overlayer_lowered  }
0x9b: {  	s22 =	simm.s32 $0x1BFF;
	s21 =	sshll.u32 s5, $0x1;
	s2 =	sadd.s32 s19, s18  }
0x9c: {  	s6 =	simm.s32 $0x0;
	s20 =	sshll.u32 s4, $0x1;
	s4 =	sadd.s32 s21, s2  }
0x9d: {  	[timem:s6], [sflag:s22] =	dma.local [hbm:s4], s20  }
0x9e: {  	_ =	swait.ge [sflag:s22], s20  }
0x9f: {  	s3 =	ssub.s32 $0x0, s20;
	[sflag:s22] =	ssyncset.done $0x0  }
0xa0: {  	[sflag:s22] =	ssyncadd.s32 s3;
	_ =	sdelay $0x1  }
0xa1: {  	s23 =	simm.s32 $0x1B8B  }
0xa2: {  	_ =	swait.ge [sflag:s23], $0x1  }
0xa3: {  	[sflag:s23] =	ssyncset.done $0x0  }
0xa4: {  	s25 =	simm.s32 $0x1B8E;
	s24 =	sld [smem:$0x3FFE];
	[sflag:s23] =	ssyncadd.s32 $0xFFFFFFFF  }
0xa5: {  	s26 =	simm.s32 $execute0_lowered;
	[smem:$0x3FD2] =	sst s25  }
0xa6: {  	s4 =	sshll.u32 s26, $0x1;
	_ =	strace $0x80000046;
	[dreg:$0x1] =	wrdreg $0xFFFFFFFF  }
0xa7: {  	s28 =	simm.s32 $_size_execute0_lowered;
	s2 =	sadd.s32 s2, s4;
	[dreg:$0x0] =	wrdreg $0x0  }
0xa8: {  	s4 =	sshll.u32 s28, $0x1;
	[dreg:$0x2] =	wrdreg s2  }
0xa9: {  	[dreg:$0x3] =	wrdreg s4  }
0xaa: {  	[dreg:$0x4] =	wrdreg $0xC0  }
0xab: {  	_ =	task [dreg:s6], $0x5FFFF  }
0xac: {  	[dreg:$0x1] =	wrdreg $0xFFFFFFFF  }
0xad: {  	[dreg:$0x0] =	wrdreg $0x60  }
0xae: {  	[dreg:$0x2] =	wrdreg s24  }
0xaf: {  	[dreg:$0x3] =	wrdreg $0x2DA00  }
0xb0: {  	[dreg:$0x4] =	wrdreg $0x9  }
0xb1: {  	_ =	task.clear_ibuf [dreg:s6], $0x5FFFF;
	_ =	strace $0x90000046  }
0xb2: {  	s29 =	simm.s32 $0x9;
	_ =	strace $0x80000048  }
0xb3: {  	_ =	swait.ge [sflag:s29], $0x1  }
0xb4: {  	[sflag:s29] =	ssyncadd.s32 $0xFFFFFFFF  }
0xb5: {  	_ =	strace $0x90000048  }
0xb6: {  	_ =	sfence  }
0xb7: {  	s30 =	sld [smem:$0x0];
	_ =	sdelay $0x2  }
0xb8: {  	s31 =	sshll.u32 s1, $0xD;
	s1 =	sshrl.u32 s1, $0x2  }
0xb9: {  	s3 =	sand.u32 $0x4000, s31;
	s1 =	sadd.s32 s1, s30  }
0xba: {  	s0 =	sor.u32 s3, s0;
	s1 =	sshll.u32 s1, $0x11  }
0xbb: {  	s0 =	sor.u32 s1, s0  }
0xbc: {  	s0 =	sadd.s32 $0x8F2B, s0  }
0xbd: {  	[sflag:s0] =	ssyncadd.remote.s32 $0x1  }
0xbe: {  	_ =	sfence.sel $0xFFFF  }
0xbf: {  	[dreg:$0x0] =	wrdreg $0xFFFFFFFF;
	(pc) =	sbr.abs _section_cstart, $3  }
0xc0: {  	[dreg:$0x1] =	wrdreg $0xFFFFFFFF  }
0xc1: {  	_ =	task.clear_ibuf [dreg:s6], $0x2FFFF;
	_ =	strace $0x9FFFFFFF  }
0xc2: {  	(tm) =	ssettm $0x7FFFFFFF  }
0xc3: {  	_ =	shalt  }
tec
execute0_lowered:
.L_overlay_start_1:
0x0: {  	(tag) =	ssettag $0x1  }
0x1: {  	s4 =	rddreg [dreg:$0x0]  }
0x2: {  	s6 =	rddreg [dreg:$0x1];
	s1 =	srdreg.scid  }
0x3: {  	s0 =	rddreg [dreg:$0x2];
	s5 =	sand.u32 $0x1, s1  }
0x4: {  	s1 =	stileid.u32;
	s3 =	smul.u32 $0x2800, s5  }
0x5: {  	s2 =	simm.s32 $0x0;
	s14 =	simm.s32 $0x2;
	s8 =	smul.u32 $0x280, s1  }
0x6: {  	s15 =	simm.s32 $0x3;
	s16 =	simm.s32 $0x2B20;
	s9 =	smul.u32 $0xA000, s1  }
0x7: {  	s17 =	simm.s32 $0x28A0;
	s18 =	simm.s32 $0x0;
	s10 =	smul.u32 $0xA00, s1  }
0x8: {  	[smem:$0x7FF] =	sst s2;
	s7 =	sshll.u32 s5, $0x4;
	s11 =	smul.u32 $0x27100, s5  }
0x9: {  	s25 =	ssub.s32 $0x2, s5;
	s12 =	smul.u32 $0x2710, s1;
	s7 =	sor.u32 s1, s7  }
0xa: {  	_ =	strace $0x80000047;
	s26 =	sshrl.u32 s25, $0x1;
	s7 =	smul.u32 $0x2710, s7  }
0xb: {  	s8 =	sadd.s32 s8, s3;
	s3 =	sadd.s32 $0x1800, s4;
	s13 =	ssub.s32 s25, s26  }
0xc: {  	s28 =	sshrl.u32 s9, $0x2;
	s29 =	sshrl.u32 s10, $0x2;
	s30 =	sadd.s32 s12, s11  }
0xd: {  	s11 =	simm.s32 $0x2800;
	s12 =	simm.s32 $0x1;
	s8 =	sshrl.u32 s8, $0x3  }
0xe: {  	s5 =	sadd.s32 s28, s6;
	s6 =	sadd.s32 s29, s6;
	s31 =	sadd.s32 $0x50, s30  }
0xf: {  	s9 =	sadd.s32 $0xA0, s30;
	s8 =	sadd.s32 s8, s4;
	s7 =	sshrl.u32 s7, $0x3  }
0x10: {  	s10 =	sshrl.u32 s31, $0x3;
	s4 =	sadd.s32 s3, s7;
	s7 =	sadd.s32 $0xB600, s8  }
0x11: {  	v0 =	vimm.f32 $0.0e+00;
	v1 =	vimm.f32 $1.000000000e+00;
	s8 =	smax.u32 s13, $0x1;
	s10 =	sadd.s32 s10, s3;
	s13 =	simm.s32 $0x2850  }
.LBB2_1:
0x12: {  	s19 =	simm.s32 $0x40;
	s20 =	simm.s32 $0x0  }
.LBB2_2:
0x13: {  	p0 =	sne.s32 s19, $0x9FC0;
	[tilespmem:s20+$0x0] =	vst v0;
	s20 =	smov.u32 s19;
	s19 =	sadd.s32 $0x40, s19  }
.Ltmp0:
0x14: {  	(pc) =	sbr.rel @p0 .LBB2_2-.Ltmp0, $2  }
0x15: {  	_ =	sdelay $0x2  }
0x16: {  	s20 =	sshra.s32 s20, $0x2  }
0x17: {  	[tilespmem:s20+$0x0] =	vst v0;
	s19 =	simm.s32 $0x0;
	s20 =	smov.u32 s9  }
0x18: {  	[tilespmem:s11], [sflag:$0x1] =	stream.linear.gather [hbm4b:s4+s19], $0x50, $0x38;
	[tilespmem:$0x55A0] =	vst v63  }
.LBB2_4:
0x19: {  	_ =	swait.ge [sflag:s12], $0x50  }
0x1a: {  	[sflag:s12] =	ssyncset.done $0x0  }
0x1b: {  	s21 =	sadd.s32 s19, s10;
	[sflag:s12] =	ssyncadd.s32 $0xFFFFFFB0  }
0x1c: {  	[tilespmem:s13], [sflag:$0x2] =	stream.linear.gather [hbm4b:s21+s2], $0x50, $0x38;
	[tilespmem:$0x55A0] =	vst v63  }
0x1d: {  	v2 =	vld [tilespmem:$0x2800];
	_ =	sdelay $0x7  }
0x1e: {  	[tilespmem:v2+s2+$0x0] =	vst.idx.add.f32.msk $0xffff, v1  }
0x1f: {  	v2 =	vld [tilespmem:$0x2810];
	_ =	sdelay $0x7  }
0x20: {  	[tilespmem:v2+s2+$0x0] =	vst.idx.add.f32.msk $0xffff, v1  }
0x21: {  	v2 =	vld [tilespmem:$0x2820];
	_ =	sdelay $0x7  }
0x22: {  	[tilespmem:v2+s2+$0x0] =	vst.idx.add.f32.msk $0xffff, v1  }
0x23: {  	v2 =	vld [tilespmem:$0x2830];
	_ =	sdelay $0x7  }
0x24: {  	[tilespmem:v2+s2+$0x0] =	vst.idx.add.f32.msk $0xffff, v1  }
0x25: {  	v2 =	vld [tilespmem:$0x2840];
	_ =	sdelay $0x7  }
0x26: {  	[tilespmem:v2+s2+$0x0] =	vst.idx.add.f32.msk $0xffff, v1  }
0x27: {  	_ =	swait.ge [sflag:s14], $0x50  }
0x28: {  	s31 =	sshrl.u32 s20, $0x3;
	[sflag:s14] =	ssyncset.done $0x0  }
0x29: {  	s21 =	sadd.s32 s3, s31;
	[sflag:s14] =	ssyncadd.s32 $0xFFFFFFB0  }
0x2a: {  	[tilespmem:s11], [sflag:$0x1] =	stream.linear.gather [hbm4b:s21+s2], $0x50, $0x38;
	[tilespmem:$0x55A0] =	vst v63  }
0x2b: {  	v2 =	vld [tilespmem:$0x2850];
	_ =	sdelay $0x7  }
0x2c: {  	[tilespmem:v2+s2+$0x0] =	vst.idx.add.f32.msk $0xffff, v1  }
0x2d: {  	v2 =	vld [tilespmem:$0x2860];
	_ =	sdelay $0x7  }
0x2e: {  	[tilespmem:v2+s2+$0x0] =	vst.idx.add.f32.msk $0xffff, v1  }
0x2f: {  	v2 =	vld [tilespmem:$0x2870];
	_ =	sdelay $0x7  }
0x30: {  	[tilespmem:v2+s2+$0x0] =	vst.idx.add.f32.msk $0xffff, v1  }
0x31: {  	v2 =	vld [tilespmem:$0x2880];
	_ =	sdelay $0x7  }
0x32: {  	[tilespmem:v2+s2+$0x0] =	vst.idx.add.f32.msk $0xffff, v1  }
0x33: {  	v2 =	vld [tilespmem:$0x2890];
	_ =	sdelay $0x2  }
0x34: {  	p0 =	sne.s32 s19, $0x4C4  }
.Ltmp1:
0x35: {  	_ = 	snop;
	(pc) =	sbr.rel @p0 .LBB2_4-.Ltmp1, $2  }
0x36: {  	_ =	sdelay $0x2  }
0x37: {  	s20 =	sadd.s32 $0xA0, s20;
	s19 =	sadd.s32 $0x14, s19;
	[tilespmem:v2+s2+$0x0] =	vst.idx.add.f32.msk $0xffff, v1  }
0x38: {  	_ =	swait.ge [sflag:s12], $0x50  }
0x39: {  	[sflag:s12] =	ssyncset.done $0x0  }
0x3a: {  	[sflag:s12] =	ssyncadd.s32 $0xFFFFFFB0  }
0x3b: {  	v2 =	vld [tilespmem:$0x2800];
	_ =	sdelay $0x6  }
0x3c: {  	s19 =	simm.s32 $0x0  }
0x3d: {  	[tilespmem:v2+s19+$0x0] =	vst.idx.add.f32.msk $0xffff, v1  }
0x3e: {  	v2 =	vld [tilespmem:$0x2810];
	_ =	sdelay $0x7  }
0x3f: {  	[tilespmem:v2+s19+$0x0] =	vst.idx.add.f32.msk $0xffff, v1  }
0x40: {  	v2 =	vld [tilespmem:$0x2820];
	_ =	sdelay $0x7  }
0x41: {  	[tilespmem:v2+s19+$0x0] =	vst.idx.add.f32.msk $0xffff, v1  }
0x42: {  	v2 =	vld [tilespmem:$0x2830];
	_ =	sdelay $0x7  }
0x43: {  	[tilespmem:v2+s19+$0x0] =	vst.idx.add.f32.msk $0xffff, v1  }
0x44: {  	v2 =	vld [tilespmem:$0x2840];
	_ =	sdelay $0x7  }
0x45: {  	[tilespmem:v2+s19+$0x0] =	vst.idx.add.f32.msk $0xffff, v1  }
0x46: {  	[spmem:s5] =	stream.linear.scatter [tilespmem:s19], [sflag:$0x3], $0x2800, $0x38;
	[tilespmem:$0x55A0] =	vst v63  }
0x47: {  	_ =	swait.ge [sflag:s15], $0x2800  }
0x48: {  	[sflag:s15] =	ssyncset.done $0x0  }
0x49: {  	[sflag:s15] =	ssyncadd.s32 $0xFFFFD800  }
0x4a: {  	[bflag:$0x0] =	sbarrier.arrive $0xFFFF  }
0x4b: {  	[tilespmem:$0x28A0] =	vst v0  }
0x4c: {  	[tilespmem:$0x28B0] =	vst v0  }
0x4d: {  	[tilespmem:$0x28C0] =	vst v0  }
0x4e: {  	[tilespmem:$0x28D0] =	vst v0  }
0x4f: {  	[tilespmem:$0x28E0] =	vst v0  }
0x50: {  	[tilespmem:$0x28F0] =	vst v0  }
0x51: {  	[tilespmem:$0x2900] =	vst v0  }
0x52: {  	[tilespmem:$0x2910] =	vst v0  }
0x53: {  	[tilespmem:$0x2920] =	vst v0  }
0x54: {  	[tilespmem:$0x2930] =	vst v0  }
0x55: {  	[tilespmem:$0x2940] =	vst v0  }
0x56: {  	[tilespmem:$0x2950] =	vst v0  }
0x57: {  	[tilespmem:$0x2960] =	vst v0  }
0x58: {  	[tilespmem:$0x2970] =	vst v0  }
0x59: {  	[tilespmem:$0x2980] =	vst v0  }
0x5a: {  	[tilespmem:$0x2990] =	vst v0  }
0x5b: {  	[tilespmem:$0x29A0] =	vst v0  }
0x5c: {  	[tilespmem:$0x29B0] =	vst v0  }
0x5d: {  	[tilespmem:$0x29C0] =	vst v0  }
0x5e: {  	[tilespmem:$0x29D0] =	vst v0  }
0x5f: {  	[tilespmem:$0x29E0] =	vst v0  }
0x60: {  	[tilespmem:$0x29F0] =	vst v0  }
0x61: {  	[tilespmem:$0x2A00] =	vst v0  }
0x62: {  	[tilespmem:$0x2A10] =	vst v0  }
0x63: {  	[tilespmem:$0x2A20] =	vst v0  }
0x64: {  	[tilespmem:$0x2A30] =	vst v0  }
0x65: {  	[tilespmem:$0x2A40] =	vst v0  }
0x66: {  	[tilespmem:$0x2A50] =	vst v0  }
0x67: {  	[tilespmem:$0x2A60] =	vst v0  }
0x68: {  	[tilespmem:$0x2A70] =	vst v0  }
0x69: {  	[tilespmem:$0x2A80] =	vst v0  }
0x6a: {  	[tilespmem:$0x2A90] =	vst v0  }
0x6b: {  	[tilespmem:$0x2AA0] =	vst v0  }
0x6c: {  	[tilespmem:$0x2AB0] =	vst v0  }
0x6d: {  	[tilespmem:$0x2AC0] =	vst v0  }
0x6e: {  	[tilespmem:$0x2AD0] =	vst v0  }
0x6f: {  	[tilespmem:$0x2AE0] =	vst v0  }
0x70: {  	[tilespmem:$0x2AF0] =	vst v0  }
0x71: {  	[tilespmem:$0x2B00] =	vst v0  }
0x72: {  	[tilespmem:$0x2B10] =	vst v0  }
.LBB2_6:
0x73: {  	s20 =	smul.u32 $0xA000, s19;
	_ =	sdelay $0x1  }
0x74: {  	s20 =	sshra.s32 s20, $0x2  }
0x75: {  	s20 =	sadd.s32 s20, s6  }
0x76: {  	[tilespmem:s16], [sflag:$0x3] =	stream.linear.gather [spmem:s20], $0x280, $0x38;
	[tilespmem:$0x55A0] =	vst v63  }
0x77: {  	_ =	swait.ge [sflag:s15], $0x280  }
0x78: {  	[sflag:s15] =	ssyncset.done $0x0  }
0x79: {  	s20 =	simm.s32 $0x0;
	[sflag:s15] =	ssyncadd.s32 $0xFFFFFD80  }
0x7a: {  	s21 =	simm.s32 $0x40;
	v2 =	vld [tilespmem:s20+$0x2B20]  }
.LBB2_7:
0x7b: {  	p0 =	sne.s32 s21, $0x9C0;
	v3 =	vld [tilespmem:s20+$0x28A0];
	_ =	sdelay $0x2  }
.Ltmp2:
0x7c: {  	(pc) =	sbr.rel @p0 .LBB2_7-.Ltmp2, $4  }
0x7d: {  	_ = 	snop  }
0x7e: {  	v3 =	vadd.f32 v2, v3  }
0x7f: {  	s22 =	sshra.s32 s21, $0x2  }
0x80: {  	s21 =	sadd.s32 $0x40, s21;
	v2 =	vld [tilespmem:s22+$0x2B20];
	[tilespmem:s20+$0x28A0] =	vst v3;
	s20 =	smov.u32 s22  }
0x81: {  	v3 =	vld [tilespmem:s20+$0x28A0]  }
0x82: {  	s19 =	sadd.s32 $0x1, s19  }
0x83: {  	p0 =	sne.s32 s19, $0x10  }
.Ltmp3:
0x84: {  	_ = 	snop;
	(pc) =	sbr.rel @p0 .LBB2_6-.Ltmp3, $3  }
0x85: {  	_ = 	snop  }
0x86: {  	v2 =	vadd.f32 v2, v3;
	_ =	sdelay $0x1  }
0x87: {  	[tilespmem:s20+$0x28A0] =	vst v2  }
0x88: {  	[hbm4b:s7+s2] =	stream.linear.scatter [tilespmem:s17], [sflag:$0x3], $0x280, $0x38;
	[tilespmem:$0x55A0] =	vst v63  }
0x89: {  	s18 =	sadd.s32 $0x1, s18  }
0x8a: {  	p0 =	sne.s32 s18, s8  }
.Ltmp4:
0x8b: {  	_ =	swait.ge [sflag:s15], $0x280;
	(pc) =	sbr.rel @p0 .LBB2_1-.Ltmp4, $3  }
0x8c: {  	[sflag:s15] =	ssyncset.done $0x0  }
0x8d: {  	[sflag:s15] =	ssyncadd.s32 $0xFFFFFD80  }
0x8e: {  	[bflag:$0x0] =	sbarrier.arrive $0xFFFF;
	_ =	sdelay $0x1  }
0x8f: {  	_ =	sfence.sel $0x180000  }
0x90: {  	[bflag:$0x0] =	sbarrier.arrive $0xFFFF  }
0x91: {  	p0 =	sne.s32 s1, $0x0;
	_ =	strace $0x90000047  }
0x92: {  	s0 =	sadd.s32 @!p0 $0x100000, s0;
	[bflag:$0x2] =	sbarrier.arrive $0xFFFF  }
0x93: {  	[sflag:s0] =	ssyncadd.tile.s32 @!p0 $0x1;
	_ =	shalt  }
.Lfunc_end2:
_tile_overlayer_lowered:
.L_overlay_start_2:
0x94: {  	(tag) =	ssettag $0x2  }
0x95: {  	s0 =	rddreg [dreg:$0x0];
	s2 =	stileid.u32  }
0x96: {  	s1 =	rddreg [dreg:$0x1];
	p0 =	sne.s32 s2, $0x0  }
0x97: {  	s3 =	rddreg [dreg:$0x2];
	[bflag:$0x3] =	sbarrier.arrive $0xFFFF;
	s2 =	simm.s32 @!p0 $0x1C03  }
0x98: {  	[timem:s3], [sflag:s2] =	dma.local @!p0 [hbm:s0], s1  }
0x99: {  	s0 =	simm.s32 @!p0 $0x3  }
0x9a: {  	_ =	swait.ge @!p0 [sflag:s0], s1  }
0x9b: {  	s1 =	ssub.s32 @!p0 $0x0, s1;
	[sflag:s0] =	ssyncset.done @!p0 $0x0  }
0x9c: {  	[sflag:s0] =	ssyncadd.s32 @!p0 s1  }
0x9d: {  	[bflag:$0x3] =	sbarrier.arrive $0xFFFF  }
0x9e: {  	_ =	shalt  }

</sc_bundles>
